<compile_context>
chip_gen: v7x
topology: tpu7x:2x2x1
jax: 0.10.2.dev20260603
libtpu: 0.0.44.dev20260713+nightly
codegen_flags: <defaults>
</compile_context>

<pallas_src>
import functools

import jax
import jax.numpy as jnp
from jax import lax
from jax.experimental import pallas as pl
from jax.experimental.pallas import tpu as pltpu
from jax.experimental.pallas import tpu_sc as plsc

N_NODES = 10000
N_EDGES = 320000
D = 128

N_PAD = 10240
SLAB = 16
NSLAB = D // SLAB

NC = 2
NS = 16
NW = NC * NS
K = 250
NROWS = N_EDGES // K
ROWS_COL = NROWS // NS
ROWS_DEG = NROWS // NW
NQ = 8
ROWS_PER_TILE = N_PAD // NS

_sc_mesh = plsc.VectorSubcoreMesh(core_axis_name="c", subcore_axis_name="s")


@functools.partial(
    pl.kernel,
    out_type=(
        jax.ShapeDtypeStruct((NSLAB, N_PAD, SLAB), jnp.float32),
        jax.ShapeDtypeStruct((NC, N_PAD, SLAB), jnp.float32),
    ),
    mesh=_sc_mesh,
    compiler_params=pltpu.CompilerParams(use_tc_tiling_on_sc=False),
    scratch_types=(
        pltpu.VMEM((ROWS_COL, K), jnp.int32),
        pltpu.VMEM((ROWS_COL, K), jnp.int32),
        [pltpu.VMEM((K, SLAB), jnp.float32) for _ in range(NQ)],
        pltpu.VMEM((K, SLAB), jnp.float32),
        pltpu.VMEM((ROWS_PER_TILE, SLAB), jnp.float32),
        pltpu.VMEM_SHARED((N_PAD, SLAB), jnp.float32),
        [pltpu.SemaphoreType.DMA for _ in range(NQ)],
        [pltpu.SemaphoreType.DMA for _ in range(NQ)],
    ),
)
def _sc_aggregate(src_hbm, dst_hbm, xcols_hbm, agg_out, deg_out,
                  src_v, dst_v, slabs, ones_v, zbuf, acc_sh, gsems, ssems):
    c = lax.axis_index("c")
    s = lax.axis_index("s")

    zero16 = jnp.zeros((16,), jnp.float32)
    one16 = jnp.ones((16,), jnp.float32)

    def _fill_o(i, carry):
        ones_v[i] = one16
        return carry
    lax.fori_loop(0, K, _fill_o, 0)

    def _fill_z(i, carry):
        zbuf[i] = zero16
        return carry
    lax.fori_loop(0, ROWS_PER_TILE, _fill_z, 0)

    row0 = s * ROWS_PER_TILE

    def _acc_pass(nrows, chunk_row0, quad_body, out_view):
        pltpu.sync_copy(zbuf, acc_sh.at[pl.ds(row0, ROWS_PER_TILE)])
        if chunk_row0 is not None:
            pltpu.sync_copy(dst_hbm.at[pl.ds(chunk_row0, nrows)],
                            dst_v.at[pl.ds(0, nrows)])
        plsc.subcore_barrier()

        def _quad(q, carry):
            quad_body(q * NQ)
            return carry
        lax.fori_loop(0, nrows // NQ, _quad, 0)
        plsc.subcore_barrier()

        pltpu.sync_copy(acc_sh.at[pl.ds(row0, ROWS_PER_TILE)], out_view)

    pltpu.sync_copy(src_hbm.at[pl.ds(s * ROWS_COL, ROWS_COL)], src_v)
    pltpu.sync_copy(dst_hbm.at[pl.ds(s * ROWS_COL, ROWS_COL)], dst_v)

    for p in range(NSLAB // NC):
        pp = c * (NSLAB // NC) + p

        def _col_quad(r, _pp=pp):
            gs = [pltpu.async_copy(
                      xcols_hbm.at[_pp].at[src_v.at[r + j]],
                      slabs[j], gsems[j])
                  for j in range(NQ)]
            ss = []
            for j in range(NQ):
                gs[j].wait()
                ss.append(pltpu.async_copy(
                    slabs[j], acc_sh.at[dst_v.at[r + j]], ssems[j],
                    add=True))
            for j in range(NQ):
                ss[j].wait()

        _acc_pass(ROWS_COL, None, _col_quad,
                  agg_out.at[pp, pl.ds(row0, ROWS_PER_TILE)])

    def _deg_quad(r):
        ss = [pltpu.async_copy(
                  ones_v, acc_sh.at[dst_v.at[r + j]], ssems[j], add=True)
              for j in range(NQ)]
        for j in range(NQ):
            ss[j].wait()

    _acc_pass(ROWS_DEG, (c * NS + s) * ROWS_DEG, _deg_quad,
              deg_out.at[c, pl.ds(row0, ROWS_PER_TILE)])


R_TC = 1000
GRID = N_NODES // R_TC


def _dense_body(x_ref, agg_ref, deg_ref, ws_ref, wnr_ref, b_ref, o_ref):
    d = deg_ref[0, :, 0:1] + deg_ref[1, :, 0:1]
    recip = 1.0 / jnp.maximum(d, 1.0)
    acc = lax.dot_general(x_ref[...], ws_ref[...],
                          (((1,), (1,)), ((), ())),
                          preferred_element_type=jnp.float32)
    for p in range(NSLAB):
        h_p = agg_ref[p] * recip
        acc = acc + lax.dot_general(h_p, wnr_ref[p],
                                    (((1,), (0,)), ((), ())),
                                    preferred_element_type=jnp.float32)
    o_ref[...] = jnp.maximum(acc + b_ref[...], 0.0)


_dense = pl.pallas_call(
    _dense_body,
    grid=(GRID,),
    in_specs=[
        pl.BlockSpec((R_TC, D), lambda i: (i, 0)),
        pl.BlockSpec((NSLAB, R_TC, SLAB), lambda i: (0, i, 0)),
        pl.BlockSpec((NC, R_TC, SLAB), lambda i: (0, i, 0)),
        pl.BlockSpec((D, D), lambda i: (0, 0)),
        pl.BlockSpec((NSLAB, SLAB, D), lambda i: (0, 0, 0)),
        pl.BlockSpec((1, D), lambda i: (0, 0)),
    ],
    out_specs=pl.BlockSpec((R_TC, D), lambda i: (i, 0)),
    out_shape=jax.ShapeDtypeStruct((N_NODES, D), jnp.float32),
)


def kernel(x, edge_index, W_self, W_neigh, b):
    x_cols = x.reshape(N_NODES, NSLAB, SLAB).transpose(1, 0, 2)
    wn_r = W_neigh.reshape(D, NSLAB, SLAB).transpose(1, 2, 0)
    src2 = edge_index[0].reshape(NROWS, K)
    dst2 = edge_index[1].reshape(NROWS, K)
    agg, deg = _sc_aggregate(src2, dst2, x_cols)
    return _dense(x, agg, deg, W_self, wn_r, b.reshape(1, D))

# --- scband reference (transcript-rebuilt; emitter-appended) ---
"""Pipeline reference for scband-sageconv-61220463837398 (READ-ONLY COPY).

The authoritative reference and input builder live on the scoring server;
editing this copy changes nothing except your own understanding.
"""

import jax, jax.numpy as jnp
import numpy as np

N_NODES = 10000
N_EDGES = 320000
D_FEAT = 128
D_OUT = 128

def setup_inputs(seed: int = 0) -> dict:
    key = jax.random.key(seed)
    k1, k2, k3, k4 = jax.random.split(key, 4)
    x = jax.random.normal(k1, (N_NODES, D_FEAT), dtype=jnp.float32)
    edge_index = jax.random.randint(k2, (2, N_EDGES), 0, N_NODES, dtype=jnp.int32)
    # Learned parameters sized per init_kwargs (in_feat=128, out_feat=128, bias=True)
    W_self = jax.random.normal(k3, (D_OUT, D_FEAT), dtype=jnp.float32) * 0.05
    W_neigh = jax.random.normal(k4, (D_OUT, D_FEAT), dtype=jnp.float32) * 0.05
    b = jnp.zeros((D_OUT,), dtype=jnp.float32)
    return {"x": x, "edge_index": edge_index, "W_self": W_self, "W_neigh": W_neigh, "b": b}

def reference(x, edge_index, W_self, W_neigh, b):
    # DGL SAGEConv 'mean' aggregator: h_neigh = mean over in-neighbors of src feats
    src = edge_index[0]
    dst = edge_index[1]
    n = x.shape[0]
    msgs = jnp.take(x, src, axis=0)                                  # gather [E, D]
    agg = jax.ops.segment_sum(msgs, dst, num_segments=n)             # scatter-add [N, D]
    deg = jax.ops.segment_sum(jnp.ones((src.shape[0],), dtype=x.dtype), dst, num_segments=n)
    h_neigh = agg / jnp.clip(deg, 1.0)[:, None]
    # rst = fc_self(h_self) + fc_neigh(h_neigh) + bias
    rst = x @ W_self.T + h_neigh @ W_neigh.T + b
    # activation=F.relu in the wrapper
    return jax.nn.relu(rst)

if __name__ == "__main__":
    import jax
    _d = setup_inputs()
    print(jax.jit(kernel)(*tuple(_d.values())))

</pallas_src>

<mosaic_0001>
#map = affine_map<(d0, d1) -> (0, 0)>
#map1 = affine_map<(d0, d1) -> (0, 0, 0)>
module attributes {stable_mosaic.version = 14 : i64} {
  func.func @_sc_aggregate(%arg0: i32, %arg1: i32, %arg2: memref<1280x250xi32, #tpu.memory_space<hbm>>, %arg3: memref<1280x250xi32, #tpu.memory_space<hbm>>, %arg4: memref<8x10000x16xf32, #tpu.memory_space<hbm>>, %arg5: memref<8x10240x16xf32, #tpu.memory_space<hbm>>, %arg6: memref<2x10240x16xf32, #tpu.memory_space<hbm>>, %arg7: memref<80x250xi32, #tpu.memory_space<vmem>>, %arg8: memref<80x250xi32, #tpu.memory_space<vmem>>, %arg9: memref<250x16xf32, #tpu.memory_space<vmem>>, %arg10: memref<250x16xf32, #tpu.memory_space<vmem>>, %arg11: memref<250x16xf32, #tpu.memory_space<vmem>>, %arg12: memref<250x16xf32, #tpu.memory_space<vmem>>, %arg13: memref<250x16xf32, #tpu.memory_space<vmem>>, %arg14: memref<250x16xf32, #tpu.memory_space<vmem>>, %arg15: memref<250x16xf32, #tpu.memory_space<vmem>>, %arg16: memref<250x16xf32, #tpu.memory_space<vmem>>, %arg17: memref<250x16xf32, #tpu.memory_space<vmem>>, %arg18: memref<640x16xf32, #tpu.memory_space<vmem>>, %arg19: memref<10240x16xf32, #tpu.memory_space<vmem_shared>>, %arg20: memref<!tpu.dma_semaphore, #tpu.memory_space<semaphore_mem>>, %arg21: memref<!tpu.dma_semaphore, #tpu.memory_space<semaphore_mem>>, %arg22: memref<!tpu.dma_semaphore, #tpu.memory_space<semaphore_mem>>, %arg23: memref<!tpu.dma_semaphore, #tpu.memory_space<semaphore_mem>>, %arg24: memref<!tpu.dma_semaphore, #tpu.memory_space<semaphore_mem>>, %arg25: memref<!tpu.dma_semaphore, #tpu.memory_space<semaphore_mem>>, %arg26: memref<!tpu.dma_semaphore, #tpu.memory_space<semaphore_mem>>, %arg27: memref<!tpu.dma_semaphore, #tpu.memory_space<semaphore_mem>>, %arg28: memref<!tpu.dma_semaphore, #tpu.memory_space<semaphore_mem>>, %arg29: memref<!tpu.dma_semaphore, #tpu.memory_space<semaphore_mem>>, %arg30: memref<!tpu.dma_semaphore, #tpu.memory_space<semaphore_mem>>, %arg31: memref<!tpu.dma_semaphore, #tpu.memory_space<semaphore_mem>>, %arg32: memref<!tpu.dma_semaphore, #tpu.memory_space<semaphore_mem>>, %arg33: memref<!tpu.dma_semaphore, #tpu.memory_space<semaphore_mem>>, %arg34: memref<!tpu.dma_semaphore, #tpu.memory_space<semaphore_mem>>, %arg35: memref<!tpu.dma_semaphore, #tpu.memory_space<semaphore_mem>>) attributes {dimension_semantics = [#tpu.dimension_semantics<core_parallel>, #tpu.dimension_semantics<subcore_parallel>], iteration_bounds = array<i64: 2, 16>, scalar_prefetch = 0 : i64, scratch_operands = 29 : i64, tpu.core_type = #tpu.core_type<sc_vector_subcore>, window_params = [{transform_indices = #map}, {transform_indices = #map}, {transform_indices = #map1}, {transform_indices = #map1}, {transform_indices = #map1}]} {
    %broadcast_in_dim3A = arith.constant 0.000000e+00 : f32
    %broadcast_in_dim3A_0 = vector.broadcast %broadcast_in_dim3A : f32 to vector<16xf32>
    %broadcast_in_dim3A_1 = arith.constant 1.000000e+00 : f32
    %broadcast_in_dim3A_2 = vector.broadcast %broadcast_in_dim3A_1 : f32 to vector<16xf32>
    %scan3A = arith.constant 0 : i32
    %scan3A_3 = arith.constant 0 : i32
    %scan3A_4 = arith.constant 250 : i32
    %scan3A_5 = arith.addi %scan3A_3, %scan3A_4 : i32
    %scan3A_6 = arith.constant 1 : i32
    scf.for %scan3A_78 = %scan3A_3 to %scan3A_5 step %scan3A_6  : i32 {
      %swap3A = arith.index_cast %scan3A_78 : i32 to index
      %swap3A_79 = arith.constant 0 : index
      %swap3A_80 = tpu.vector_load %arg17[%swap3A, %swap3A_79] {strides = array<i32>} : memref<250x16xf32, #tpu.memory_space<vmem>>, vector<1x16xf32>,
      %swap3A_81 = vector.shape_cast %swap3A_80 : vector<1x16xf32> to vector<16xf32>
      %swap3A_82 = vector.shape_cast %broadcast_in_dim3A_2 : vector<16xf32> to vector<1x16xf32>
      tpu.vector_store %arg17[%swap3A, %swap3A_79], %swap3A_82 {strides = array<i32>} : memref<250x16xf32, #tpu.memory_space<vmem>>, vector<1x16xf32>,
    }
    %scan3A_7 = arith.constant 250 : i32
    %scan3A_8 = arith.constant 0 : i32
    %scan3A_9 = arith.constant 0 : i32
    %scan3A_10 = arith.constant 640 : i32
    %scan3A_11 = arith.addi %scan3A_9, %scan3A_10 : i32
    %scan3A_12 = arith.constant 1 : i32
    scf.for %scan3A_78 = %scan3A_9 to %scan3A_11 step %scan3A_12  : i32 {
      %swap3A = arith.index_cast %scan3A_78 : i32 to index
      %swap3A_79 = arith.constant 0 : index
      %swap3A_80 = tpu.vector_load %arg18[%swap3A, %swap3A_79] {strides = array<i32>} : memref<640x16xf32, #tpu.memory_space<vmem>>, vector<1x16xf32>,
      %swap3A_81 = vector.shape_cast %swap3A_80 : vector<1x16xf32> to vector<16xf32>
      %swap3A_82 = vector.shape_cast %broadcast_in_dim3A_0 : vector<16xf32> to vector<1x16xf32>
      tpu.vector_store %arg18[%swap3A, %swap3A_79], %swap3A_82 {strides = array<i32>} : memref<640x16xf32, #tpu.memory_space<vmem>>, vector<1x16xf32>,
    }
    %scan3A_13 = arith.constant 640 : i32
    %mul3A = arith.constant 640 : i32
    %mul3A_14 = arith.muli %arg1, %mul3A : i32
    %mul3A_15 = arith.constant 80 : i32
    %mul3A_16 = arith.muli %arg1, %mul3A_15 : i32
    "tpu.region"() ({
      %run_scoped3A = tpu.sem_alloc : memref<!tpu.dma_semaphore, #tpu.memory_space<semaphore_mem>>
      %dma_start3A = arith.constant 0 : i32
      %dma_start3A_78 = tpu.memref_slice %arg2[%mul3A_16, %dma_start3A] : memref<1280x250xi32, #tpu.memory_space<hbm>> -> memref<80x250xi32, #tpu.memory_space<hbm>>
      %dma_start3A_79 = arith.constant 0 : i32
      %dma_start3A_80 = tpu.memref_slice %arg2[%mul3A_16, %dma_start3A_79] : memref<1280x250xi32, #tpu.memory_space<hbm>> -> memref<80x250xi32, #tpu.memory_space<hbm>>
      tpu.enqueue_dma source(%dma_start3A_80 : memref<80x250xi32, #tpu.memory_space<hbm>>) target(%arg7 : memref<80x250xi32, #tpu.memory_space<vmem>>) target_semaphore(%run_scoped3A : memref<!tpu.dma_semaphore, #tpu.memory_space<semaphore_mem>>)
      %dma_wait3A = arith.constant 0 : i32
      %dma_wait3A_81 = tpu.memref_slice %arg2[%mul3A_16, %dma_wait3A] : memref<1280x250xi32, #tpu.memory_space<hbm>> -> memref<80x250xi32, #tpu.memory_space<hbm>>
      %dma_wait3A_82 = arith.constant 0 : i32
      %dma_wait3A_83 = tpu.memref_slice %arg2[%mul3A_16, %dma_wait3A_82] : memref<1280x250xi32, #tpu.memory_space<hbm>> -> memref<80x250xi32, #tpu.memory_space<hbm>>
      tpu.wait_dma2 semaphore(%run_scoped3A : memref<!tpu.dma_semaphore, #tpu.memory_space<semaphore_mem>>) src(%dma_wait3A_83 : memref<80x250xi32, #tpu.memory_space<hbm>>) dst(%arg7 : memref<80x250xi32, #tpu.memory_space<vmem>>)
      tpu.yield
    }) : () -> ()
    %mul3A_17 = arith.constant 80 : i32
    %mul3A_18 = arith.muli %arg1, %mul3A_17 : i32
    "tpu.region"() ({
      %run_scoped3A = tpu.sem_alloc : memref<!tpu.dma_semaphore, #tpu.memory_space<semaphore_mem>>
      %dma_start3A = arith.constant 0 : i32
      %dma_start3A_78 = tpu.memref_slice %arg3[%mul3A_18, %dma_start3A] : memref<1280x250xi32, #tpu.memory_space<hbm>> -> memref<80x250xi32, #tpu.memory_space<hbm>>
      %dma_start3A_79 = arith.constant 0 : i32
      %dma_start3A_80 = tpu.memref_slice %arg3[%mul3A_18, %dma_start3A_79] : memref<1280x250xi32, #tpu.memory_space<hbm>> -> memref<80x250xi32, #tpu.memory_space<hbm>>
      tpu.enqueue_dma source(%dma_start3A_80 : memref<80x250xi32, #tpu.memory_space<hbm>>) target(%arg8 : memref<80x250xi32, #tpu.memory_space<vmem>>) target_semaphore(%run_scoped3A : memref<!tpu.dma_semaphore, #tpu.memory_space<semaphore_mem>>)
      %dma_wait3A = arith.constant 0 : i32
      %dma_wait3A_81 = tpu.memref_slice %arg3[%mul3A_18, %dma_wait3A] : memref<1280x250xi32, #tpu.memory_space<hbm>> -> memref<80x250xi32, #tpu.memory_space<hbm>>
      %dma_wait3A_82 = arith.constant 0 : i32
      %dma_wait3A_83 = tpu.memref_slice %arg3[%mul3A_18, %dma_wait3A_82] : memref<1280x250xi32, #tpu.memory_space<hbm>> -> memref<80x250xi32, #tpu.memory_space<hbm>>
      tpu.wait_dma2 semaphore(%run_scoped3A : memref<!tpu.dma_semaphore, #tpu.memory_space<semaphore_mem>>) src(%dma_wait3A_83 : memref<80x250xi32, #tpu.memory_space<hbm>>) dst(%arg8 : memref<80x250xi32, #tpu.memory_space<vmem>>)
      tpu.yield
    }) : () -> ()
    %mul3A_19 = arith.constant 4 : i32
    %mul3A_20 = arith.muli %arg0, %mul3A_19 : i32
    %add3A = arith.constant 0 : i32
    %add3A_21 = arith.addi %mul3A_20, %add3A : i32
    "tpu.region"() ({
      %run_scoped3A = tpu.sem_alloc : memref<!tpu.dma_semaphore, #tpu.memory_space<semaphore_mem>>
      %dma_start3A = arith.constant 0 : i32
      %dma_start3A_78 = tpu.memref_slice %arg19[%mul3A_14, %dma_start3A] : memref<10240x16xf32, #tpu.memory_space<vmem_shared>> -> memref<640x16xf32, #tpu.memory_space<vmem_shared>>
      %dma_start3A_79 = arith.constant 0 : i32
      %dma_start3A_80 = tpu.memref_slice %arg19[%mul3A_14, %dma_start3A_79] : memref<10240x16xf32, #tpu.memory_space<vmem_shared>> -> memref<640x16xf32, #tpu.memory_space<vmem_shared>>
      tpu.enqueue_dma source(%arg18 : memref<640x16xf32, #tpu.memory_space<vmem>>) target(%dma_start3A_80 : memref<640x16xf32, #tpu.memory_space<vmem_shared>>) target_semaphore(%run_scoped3A : memref<!tpu.dma_semaphore, #tpu.memory_space<semaphore_mem>>)
      %dma_wait3A = arith.constant 0 : i32
      %dma_wait3A_81 = tpu.memref_slice %arg19[%mul3A_14, %dma_wait3A] : memref<10240x16xf32, #tpu.memory_space<vmem_shared>> -> memref<640x16xf32, #tpu.memory_space<vmem_shared>>
      %dma_wait3A_82 = arith.constant 0 : i32
      %dma_wait3A_83 = tpu.memref_slice %arg19[%mul3A_14, %dma_wait3A_82] : memref<10240x16xf32, #tpu.memory_space<vmem_shared>> -> memref<640x16xf32, #tpu.memory_space<vmem_shared>>
      tpu.wait_dma2 semaphore(%run_scoped3A : memref<!tpu.dma_semaphore, #tpu.memory_space<semaphore_mem>>) src(%arg18 : memref<640x16xf32, #tpu.memory_space<vmem>>) dst(%dma_wait3A_83 : memref<640x16xf32, #tpu.memory_space<vmem_shared>>)
      tpu.yield
    }) : () -> ()
    %barrier3A = arith.constant 0 : index
    tpu.barrier barrier_id(%barrier3A)
    %scan3A_22 = arith.constant 0 : i32
    %scan3A_23 = arith.constant 0 : i32
    %scan3A_24 = arith.constant 10 : i32
    %scan3A_25 = arith.addi %scan3A_23, %scan3A_24 : i32
    %scan3A_26 = arith.constant 1 : i32
    scf.for %scan3A_78 = %scan3A_23 to %scan3A_25 step %scan3A_26  : i32 {
      %mul3A_79 = arith.constant 8 : i32
      %mul3A_80 = arith.muli %scan3A_78, %mul3A_79 : i32
      %add3A_81 = arith.constant 0 : i32
      %add3A_82 = arith.addi %mul3A_80, %add3A_81 : i32
      %dma_start3A = arith.constant 0 : i32
      %dma_start3A_83 = tpu.memref_slice %arg7[%add3A_82, %dma_start3A] : memref<80x250xi32, #tpu.memory_space<vmem>> -> memref<1x250xi32, #tpu.memory_space<vmem>>
      %dma_start3A_84 = tpu.memref_squeeze %dma_start3A_83 : memref<1x250xi32, #tpu.memory_space<vmem>> -> memref<250xi32, #tpu.memory_space<vmem>>
      %dma_start3A_85 = arith.constant 0 : i32
      %dma_start3A_86 = arith.constant 0 : i32
      %dma_start3A_87 = tpu.memref_slice %arg4[%add3A_21, %dma_start3A_85, %dma_start3A_86] : memref<8x10000x16xf32, #tpu.memory_space<hbm>> -> memref<1x10000x16xf32, #tpu.memory_space<hbm>>
      %dma_start3A_88 = tpu.memref_squeeze %dma_start3A_87 : memref<1x10000x16xf32, #tpu.memory_space<hbm>> -> memref<10000x16xf32, #tpu.memory_space<hbm>>
      %dma_start3A_89 = arith.constant 0 : i32
      %dma_start3A_90 = arith.constant 0 : i32
      %dma_start3A_91 = tpu.memref_slice %dma_start3A_88[%dma_start3A_89, %dma_start3A_90] : memref<10000x16xf32, #tpu.memory_space<hbm>> -> memref<10000x16xf32, #tpu.memory_space<hbm>>
      tpu.enqueue_indirect_dma source(%dma_start3A_91 : memref<10000x16xf32, #tpu.memory_space<hbm>>) target(%arg9 : memref<250x16xf32, #tpu.memory_space<vmem>>) offsets(%dma_start3A_84 : memref<250xi32, #tpu.memory_space<vmem>>) semaphore(%arg20 : memref<!tpu.dma_semaphore, #tpu.memory_space<semaphore_mem>>)
      %add3A_92 = arith.constant 1 : i32
      %add3A_93 = arith.addi %mul3A_80, %add3A_92 : i32
      %dma_start3A_94 = arith.constant 0 : i32
      %dma_start3A_95 = tpu.memref_slice %arg7[%add3A_93, %dma_start3A_94] : memref<80x250xi32, #tpu.memory_space<vmem>> -> memref<1x250xi32, #tpu.memory_space<vmem>>
      %dma_start3A_96 = tpu.memref_squeeze %dma_start3A_95 : memref<1x250xi32, #tpu.memory_space<vmem>> -> memref<250xi32, #tpu.memory_space<vmem>>
      %dma_start3A_97 = arith.constant 0 : i32
      %dma_start3A_98 = arith.constant 0 : i32
      %dma_start3A_99 = tpu.memref_slice %arg4[%add3A_21, %dma_start3A_97, %dma_start3A_98] : memref<8x10000x16xf32, #tpu.memory_space<hbm>> -> memref<1x10000x16xf32, #tpu.memory_space<hbm>>
      %dma_start3A_100 = tpu.memref_squeeze %dma_start3A_99 : memref<1x10000x16xf32, #tpu.memory_space<hbm>> -> memref<10000x16xf32, #tpu.memory_space<hbm>>
      %dma_start3A_101 = arith.constant 0 : i32
      %dma_start3A_102 = arith.constant 0 : i32
      %dma_start3A_103 = tpu.memref_slice %dma_start3A_100[%dma_start3A_101, %dma_start3A_102] : memref<10000x16xf32, #tpu.memory_space<hbm>> -> memref<10000x16xf32, #tpu.memory_space<hbm>>
      tpu.enqueue_indirect_dma source(%dma_start3A_103 : memref<10000x16xf32, #tpu.memory_space<hbm>>) target(%arg10 : memref<250x16xf32, #tpu.memory_space<vmem>>) offsets(%dma_start3A_96 : memref<250xi32, #tpu.memory_space<vmem>>) semaphore(%arg21 : memref<!tpu.dma_semaphore, #tpu.memory_space<semaphore_mem>>)
      %add3A_104 = arith.constant 2 : i32
      %add3A_105 = arith.addi %mul3A_80, %add3A_104 : i32
      %dma_start3A_106 = arith.constant 0 : i32
      %dma_start3A_107 = tpu.memref_slice %arg7[%add3A_105, %dma_start3A_106] : memref<80x250xi32, #tpu.memory_space<vmem>> -> memref<1x250xi32, #tpu.memory_space<vmem>>
      %dma_start3A_108 = tpu.memref_squeeze %dma_start3A_107 : memref<1x250xi32, #tpu.memory_space<vmem>> -> memref<250xi32, #tpu.memory_space<vmem>>
      %dma_start3A_109 = arith.constant 0 : i32
      %dma_start3A_110 = arith.constant 0 : i32
      %dma_start3A_111 = tpu.memref_slice %arg4[%add3A_21, %dma_start3A_109, %dma_start3A_110] : memref<8x10000x16xf32, #tpu.memory_space<hbm>> -> memref<1x10000x16xf32, #tpu.memory_space<hbm>>
      %dma_start3A_112 = tpu.memref_squeeze %dma_start3A_111 : memref<1x10000x16xf32, #tpu.memory_space<hbm>> -> memref<10000x16xf32, #tpu.memory_space<hbm>>
      %dma_start3A_113 = arith.constant 0 : i32
      %dma_start3A_114 = arith.constant 0 : i32
      %dma_start3A_115 = tpu.memref_slice %dma_start3A_112[%dma_start3A_113, %dma_start3A_114] : memref<10000x16xf32, #tpu.memory_space<hbm>> -> memref<10000x16xf32, #tpu.memory_space<hbm>>
      tpu.enqueue_indirect_dma source(%dma_start3A_115 : memref<10000x16xf32, #tpu.memory_space<hbm>>) target(%arg11 : memref<250x16xf32, #tpu.memory_space<vmem>>) offsets(%dma_start3A_108 : memref<250xi32, #tpu.memory_space<vmem>>) semaphore(%arg22 : memref<!tpu.dma_semaphore, #tpu.memory_space<semaphore_mem>>)
      %add3A_116 = arith.constant 3 : i32
      %add3A_117 = arith.addi %mul3A_80, %add3A_116 : i32
      %dma_start3A_118 = arith.constant 0 : i32
      %dma_start3A_119 = tpu.memref_slice %arg7[%add3A_117, %dma_start3A_118] : memref<80x250xi32, #tpu.memory_space<vmem>> -> memref<1x250xi32, #tpu.memory_space<vmem>>
      %dma_start3A_120 = tpu.memref_squeeze %dma_start3A_119 : memref<1x250xi32, #tpu.memory_space<vmem>> -> memref<250xi32, #tpu.memory_space<vmem>>
      %dma_start3A_121 = arith.constant 0 : i32
      %dma_start3A_122 = arith.constant 0 : i32
      %dma_start3A_123 = tpu.memref_slice %arg4[%add3A_21, %dma_start3A_121, %dma_start3A_122] : memref<8x10000x16xf32, #tpu.memory_space<hbm>> -> memref<1x10000x16xf32, #tpu.memory_space<hbm>>
      %dma_start3A_124 = tpu.memref_squeeze %dma_start3A_123 : memref<1x10000x16xf32, #tpu.memory_space<hbm>> -> memref<10000x16xf32, #tpu.memory_space<hbm>>
      %dma_start3A_125 = arith.constant 0 : i32
      %dma_start3A_126 = arith.constant 0 : i32
      %dma_start3A_127 = tpu.memref_slice %dma_start3A_124[%dma_start3A_125, %dma_start3A_126] : memref<10000x16xf32, #tpu.memory_space<hbm>> -> memref<10000x16xf32, #tpu.memory_space<hbm>>
      tpu.enqueue_indirect_dma source(%dma_start3A_127 : memref<10000x16xf32, #tpu.memory_space<hbm>>) target(%arg12 : memref<250x16xf32, #tpu.memory_space<vmem>>) offsets(%dma_start3A_120 : memref<250xi32, #tpu.memory_space<vmem>>) semaphore(%arg23 : memref<!tpu.dma_semaphore, #tpu.memory_space<semaphore_mem>>)
      %add3A_128 = arith.constant 4 : i32
      %add3A_129 = arith.addi %mul3A_80, %add3A_128 : i32
      %dma_start3A_130 = arith.constant 0 : i32
      %dma_start3A_131 = tpu.memref_slice %arg7[%add3A_129, %dma_start3A_130] : memref<80x250xi32, #tpu.memory_space<vmem>> -> memref<1x250xi32, #tpu.memory_space<vmem>>
      %dma_start3A_132 = tpu.memref_squeeze %dma_start3A_131 : memref<1x250xi32, #tpu.memory_space<vmem>> -> memref<250xi32, #tpu.memory_space<vmem>>
      %dma_start3A_133 = arith.constant 0 : i32
      %dma_start3A_134 = arith.constant 0 : i32
      %dma_start3A_135 = tpu.memref_slice %arg4[%add3A_21, %dma_start3A_133, %dma_start3A_134] : memref<8x10000x16xf32, #tpu.memory_space<hbm>> -> memref<1x10000x16xf32, #tpu.memory_space<hbm>>
      %dma_start3A_136 = tpu.memref_squeeze %dma_start3A_135 : memref<1x10000x16xf32, #tpu.memory_space<hbm>> -> memref<10000x16xf32, #tpu.memory_space<hbm>>
      %dma_start3A_137 = arith.constant 0 : i32
      %dma_start3A_138 = arith.constant 0 : i32
      %dma_start3A_139 = tpu.memref_slice %dma_start3A_136[%dma_start3A_137, %dma_start3A_138] : memref<10000x16xf32, #tpu.memory_space<hbm>> -> memref<10000x16xf32, #tpu.memory_space<hbm>>
      tpu.enqueue_indirect_dma source(%dma_start3A_139 : memref<10000x16xf32, #tpu.memory_space<hbm>>) target(%arg13 : memref<250x16xf32, #tpu.memory_space<vmem>>) offsets(%dma_start3A_132 : memref<250xi32, #tpu.memory_space<vmem>>) semaphore(%arg24 : memref<!tpu.dma_semaphore, #tpu.memory_space<semaphore_mem>>)
      %add3A_140 = arith.constant 5 : i32
      %add3A_141 = arith.addi %mul3A_80, %add3A_140 : i32
      %dma_start3A_142 = arith.constant 0 : i32
      %dma_start3A_143 = tpu.memref_slice %arg7[%add3A_141, %dma_start3A_142] : memref<80x250xi32, #tpu.memory_space<vmem>> -> memref<1x250xi32, #tpu.memory_space<vmem>>
      %dma_start3A_144 = tpu.memref_squeeze %dma_start3A_143 : memref<1x250xi32, #tpu.memory_space<vmem>> -> memref<250xi32, #tpu.memory_space<vmem>>
      %dma_start3A_145 = arith.constant 0 : i32
      %dma_start3A_146 = arith.constant 0 : i32
      %dma_start3A_147 = tpu.memref_slice %arg4[%add3A_21, %dma_start3A_145, %dma_start3A_146] : memref<8x10000x16xf32, #tpu.memory_space<hbm>> -> memref<1x10000x16xf32, #tpu.memory_space<hbm>>
      %dma_start3A_148 = tpu.memref_squeeze %dma_start3A_147 : memref<1x10000x16xf32, #tpu.memory_space<hbm>> -> memref<10000x16xf32, #tpu.memory_space<hbm>>
      %dma_start3A_149 = arith.constant 0 : i32
      %dma_start3A_150 = arith.constant 0 : i32
      %dma_start3A_151 = tpu.memref_slice %dma_start3A_148[%dma_start3A_149, %dma_start3A_150] : memref<10000x16xf32, #tpu.memory_space<hbm>> -> memref<10000x16xf32, #tpu.memory_space<hbm>>
      tpu.enqueue_indirect_dma source(%dma_start3A_151 : memref<10000x16xf32, #tpu.memory_space<hbm>>) target(%arg14 : memref<250x16xf32, #tpu.memory_space<vmem>>) offsets(%dma_start3A_144 : memref<250xi32, #tpu.memory_space<vmem>>) semaphore(%arg25 : memref<!tpu.dma_semaphore, #tpu.memory_space<semaphore_mem>>)
      %add3A_152 = arith.constant 6 : i32
      %add3A_153 = arith.addi %mul3A_80, %add3A_152 : i32
      %dma_start3A_154 = arith.constant 0 : i32
      %dma_start3A_155 = tpu.memref_slice %arg7[%add3A_153, %dma_start3A_154] : memref<80x250xi32, #tpu.memory_space<vmem>> -> memref<1x250xi32, #tpu.memory_space<vmem>>
      %dma_start3A_156 = tpu.memref_squeeze %dma_start3A_155 : memref<1x250xi32, #tpu.memory_space<vmem>> -> memref<250xi32, #tpu.memory_space<vmem>>
      %dma_start3A_157 = arith.constant 0 : i32
      %dma_start3A_158 = arith.constant 0 : i32
      %dma_start3A_159 = tpu.memref_slice %arg4[%add3A_21, %dma_start3A_157, %dma_start3A_158] : memref<8x10000x16xf32, #tpu.memory_space<hbm>> -> memref<1x10000x16xf32, #tpu.memory_space<hbm>>
      %dma_start3A_160 = tpu.memref_squeeze %dma_start3A_159 : memref<1x10000x16xf32, #tpu.memory_space<hbm>> -> memref<10000x16xf32, #tpu.memory_space<hbm>>
      %dma_start3A_161 = arith.constant 0 : i32
      %dma_start3A_162 = arith.constant 0 : i32
      %dma_start3A_163 = tpu.memref_slice %dma_start3A_160[%dma_start3A_161, %dma_start3A_162] : memref<10000x16xf32, #tpu.memory_space<hbm>> -> memref<10000x16xf32, #tpu.memory_space<hbm>>
      tpu.enqueue_indirect_dma source(%dma_start3A_163 : memref<10000x16xf32, #tpu.memory_space<hbm>>) target(%arg15 : memref<250x16xf32, #tpu.memory_space<vmem>>) offsets(%dma_start3A_156 : memref<250xi32, #tpu.memory_space<vmem>>) semaphore(%arg26 : memref<!tpu.dma_semaphore, #tpu.memory_space<semaphore_mem>>)
      %add3A_164 = arith.constant 7 : i32
      %add3A_165 = arith.addi %mul3A_80, %add3A_164 : i32
      %dma_start3A_166 = arith.constant 0 : i32
      %dma_start3A_167 = tpu.memref_slice %arg7[%add3A_165, %dma_start3A_166] : memref<80x250xi32, #tpu.memory_space<vmem>> -> memref<1x250xi32, #tpu.memory_space<vmem>>
      %dma_start3A_168 = tpu.memref_squeeze %dma_start3A_167 : memref<1x250xi32, #tpu.memory_space<vmem>> -> memref<250xi32, #tpu.memory_space<vmem>>
      %dma_start3A_169 = arith.constant 0 : i32
      %dma_start3A_170 = arith.constant 0 : i32
      %dma_start3A_171 = tpu.memref_slice %arg4[%add3A_21, %dma_start3A_169, %dma_start3A_170] : memref<8x10000x16xf32, #tpu.memory_space<hbm>> -> memref<1x10000x16xf32, #tpu.memory_space<hbm>>
      %dma_start3A_172 = tpu.memref_squeeze %dma_start3A_171 : memref<1x10000x16xf32, #tpu.memory_space<hbm>> -> memref<10000x16xf32, #tpu.memory_space<hbm>>
      %dma_start3A_173 = arith.constant 0 : i32
      %dma_start3A_174 = arith.constant 0 : i32
      %dma_start3A_175 = tpu.memref_slice %dma_start3A_172[%dma_start3A_173, %dma_start3A_174] : memref<10000x16xf32, #tpu.memory_space<hbm>> -> memref<10000x16xf32, #tpu.memory_space<hbm>>
      tpu.enqueue_indirect_dma source(%dma_start3A_175 : memref<10000x16xf32, #tpu.memory_space<hbm>>) target(%arg16 : memref<250x16xf32, #tpu.memory_space<vmem>>) offsets(%dma_start3A_168 : memref<250xi32, #tpu.memory_space<vmem>>) semaphore(%arg27 : memref<!tpu.dma_semaphore, #tpu.memory_space<semaphore_mem>>)
      %dma_wait3A = arith.constant 0 : i32
      %dma_wait3A_176 = tpu.memref_slice %arg7[%add3A_82, %dma_wait3A] : memref<80x250xi32, #tpu.memory_space<vmem>> -> memref<1x250xi32, #tpu.memory_space<vmem>>
      %dma_wait3A_177 = tpu.memref_squeeze %dma_wait3A_176 : memref<1x250xi32, #tpu.memory_space<vmem>> -> memref<250xi32, #tpu.memory_space<vmem>>
      %dma_wait3A_178 = arith.constant 0 : i32
      %dma_wait3A_179 = arith.constant 0 : i32
      %dma_wait3A_180 = tpu.memref_slice %arg4[%add3A_21, %dma_wait3A_178, %dma_wait3A_179] : memref<8x10000x16xf32, #tpu.memory_space<hbm>> -> memref<1x10000x16xf32, #tpu.memory_space<hbm>>
      %dma_wait3A_181 = tpu.memref_squeeze %dma_wait3A_180 : memref<1x10000x16xf32, #tpu.memory_space<hbm>> -> memref<10000x16xf32, #tpu.memory_space<hbm>>
      %dma_wait3A_182 = arith.constant 0 : i32
      %dma_wait3A_183 = arith.constant 0 : i32
      %dma_wait3A_184 = tpu.memref_slice %dma_wait3A_181[%dma_wait3A_182, %dma_wait3A_183] : memref<10000x16xf32, #tpu.memory_space<hbm>> -> memref<10000x16xf32, #tpu.memory_space<hbm>>
      tpu.wait_indirect_dma semaphore(%arg20 : memref<!tpu.dma_semaphore, #tpu.memory_space<semaphore_mem>>) src(%dma_wait3A_184 : memref<10000x16xf32, #tpu.memory_space<hbm>>) dst(%arg9 : memref<250x16xf32, #tpu.memory_space<vmem>>)
      %add3A_185 = arith.constant 0 : i32
      %add3A_186 = arith.addi %mul3A_80, %add3A_185 : i32
      %dma_start3A_187 = arith.constant 0 : i32
      %dma_start3A_188 = tpu.memref_slice %arg8[%add3A_186, %dma_start3A_187] : memref<80x250xi32, #tpu.memory_space<vmem>> -> memref<1x250xi32, #tpu.memory_space<vmem>>
      %dma_start3A_189 = tpu.memref_squeeze %dma_start3A_188 : memref<1x250xi32, #tpu.memory_space<vmem>> -> memref<250xi32, #tpu.memory_space<vmem>>
      %dma_start3A_190 = arith.constant 0 : i32
      %dma_start3A_191 = arith.constant 0 : i32
      %dma_start3A_192 = tpu.memref_slice %arg19[%dma_start3A_190, %dma_start3A_191] : memref<10240x16xf32, #tpu.memory_space<vmem_shared>> -> memref<10240x16xf32, #tpu.memory_space<vmem_shared>>
      tpu.enqueue_indirect_dma source(%arg9 : memref<250x16xf32, #tpu.memory_space<vmem>>) target(%dma_start3A_192 : memref<10240x16xf32, #tpu.memory_space<vmem_shared>>) offsets(%dma_start3A_189 : memref<250xi32, #tpu.memory_space<vmem>>) semaphore(%arg28 : memref<!tpu.dma_semaphore, #tpu.memory_space<semaphore_mem>>) {add = true}
      %dma_wait3A_193 = arith.constant 0 : i32
      %dma_wait3A_194 = tpu.memref_slice %arg7[%add3A_93, %dma_wait3A_193] : memref<80x250xi32, #tpu.memory_space<vmem>> -> memref<1x250xi32, #tpu.memory_space<vmem>>
      %dma_wait3A_195 = tpu.memref_squeeze %dma_wait3A_194 : memref<1x250xi32, #tpu.memory_space<vmem>> -> memref<250xi32, #tpu.memory_space<vmem>>
      %dma_wait3A_196 = arith.constant 0 : i32
      %dma_wait3A_197 = arith.constant 0 : i32
      %dma_wait3A_198 = tpu.memref_slice %arg4[%add3A_21, %dma_wait3A_196, %dma_wait3A_197] : memref<8x10000x16xf32, #tpu.memory_space<hbm>> -> memref<1x10000x16xf32, #tpu.memory_space<hbm>>
      %dma_wait3A_199 = tpu.memref_squeeze %dma_wait3A_198 : memref<1x10000x16xf32, #tpu.memory_space<hbm>> -> memref<10000x16xf32, #tpu.memory_space<hbm>>
      %dma_wait3A_200 = arith.constant 0 : i32
      %dma_wait3A_201 = arith.constant 0 : i32
      %dma_wait3A_202 = tpu.memref_slice %dma_wait3A_199[%dma_wait3A_200, %dma_wait3A_201] : memref<10000x16xf32, #tpu.memory_space<hbm>> -> memref<10000x16xf32, #tpu.memory_space<hbm>>
      tpu.wait_indirect_dma semaphore(%arg21 : memref<!tpu.dma_semaphore, #tpu.memory_space<semaphore_mem>>) src(%dma_wait3A_202 : memref<10000x16xf32, #tpu.memory_space<hbm>>) dst(%arg10 : memref<250x16xf32, #tpu.memory_space<vmem>>)
      %add3A_203 = arith.constant 1 : i32
      %add3A_204 = arith.addi %mul3A_80, %add3A_203 : i32
      %dma_start3A_205 = arith.constant 0 : i32
      %dma_start3A_206 = tpu.memref_slice %arg8[%add3A_204, %dma_start3A_205] : memref<80x250xi32, #tpu.memory_space<vmem>> -> memref<1x250xi32, #tpu.memory_space<vmem>>
      %dma_start3A_207 = tpu.memref_squeeze %dma_start3A_206 : memref<1x250xi32, #tpu.memory_space<vmem>> -> memref<250xi32, #tpu.memory_space<vmem>>
      %dma_start3A_208 = arith.constant 0 : i32
      %dma_start3A_209 = arith.constant 0 : i32
      %dma_start3A_210 = tpu.memref_slice %arg19[%dma_start3A_208, %dma_start3A_209] : memref<10240x16xf32, #tpu.memory_space<vmem_shared>> -> memref<10240x16xf32, #tpu.memory_space<vmem_shared>>
      tpu.enqueue_indirect_dma source(%arg10 : memref<250x16xf32, #tpu.memory_space<vmem>>) target(%dma_start3A_210 : memref<10240x16xf32, #tpu.memory_space<vmem_shared>>) offsets(%dma_start3A_207 : memref<250xi32, #tpu.memory_space<vmem>>) semaphore(%arg29 : memref<!tpu.dma_semaphore, #tpu.memory_space<semaphore_mem>>) {add = true}
      %dma_wait3A_211 = arith.constant 0 : i32
      %dma_wait3A_212 = tpu.memref_slice %arg7[%add3A_105, %dma_wait3A_211] : memref<80x250xi32, #tpu.memory_space<vmem>> -> memref<1x250xi32, #tpu.memory_space<vmem>>
      %dma_wait3A_213 = tpu.memref_squeeze %dma_wait3A_212 : memref<1x250xi32, #tpu.memory_space<vmem>> -> memref<250xi32, #tpu.memory_space<vmem>>
      %dma_wait3A_214 = arith.constant 0 : i32
      %dma_wait3A_215 = arith.constant 0 : i32
      %dma_wait3A_216 = tpu.memref_slice %arg4[%add3A_21, %dma_wait3A_214, %dma_wait3A_215] : memref<8x10000x16xf32, #tpu.memory_space<hbm>> -> memref<1x10000x16xf32, #tpu.memory_space<hbm>>
      %dma_wait3A_217 = tpu.memref_squeeze %dma_wait3A_216 : memref<1x10000x16xf32, #tpu.memory_space<hbm>> -> memref<10000x16xf32, #tpu.memory_space<hbm>>
      %dma_wait3A_218 = arith.constant 0 : i32
      %dma_wait3A_219 = arith.constant 0 : i32
      %dma_wait3A_220 = tpu.memref_slice %dma_wait3A_217[%dma_wait3A_218, %dma_wait3A_219] : memref<10000x16xf32, #tpu.memory_space<hbm>> -> memref<10000x16xf32, #tpu.memory_space<hbm>>
      tpu.wait_indirect_dma semaphore(%arg22 : memref<!tpu.dma_semaphore, #tpu.memory_space<semaphore_mem>>) src(%dma_wait3A_220 : memref<10000x16xf32, #tpu.memory_space<hbm>>) dst(%arg11 : memref<250x16xf32, #tpu.memory_space<vmem>>)
      %add3A_221 = arith.constant 2 : i32
      %add3A_222 = arith.addi %mul3A_80, %add3A_221 : i32
      %dma_start3A_223 = arith.constant 0 : i32
      %dma_start3A_224 = tpu.memref_slice %arg8[%add3A_222, %dma_start3A_223] : memref<80x250xi32, #tpu.memory_space<vmem>> -> memref<1x250xi32, #tpu.memory_space<vmem>>
      %dma_start3A_225 = tpu.memref_squeeze %dma_start3A_224 : memref<1x250xi32, #tpu.memory_space<vmem>> -> memref<250xi32, #tpu.memory_space<vmem>>
      %dma_start3A_226 = arith.constant 0 : i32
      %dma_start3A_227 = arith.constant 0 : i32
      %dma_start3A_228 = tpu.memref_slice %arg19[%dma_start3A_226, %dma_start3A_227] : memref<10240x16xf32, #tpu.memory_space<vmem_shared>> -> memref<10240x16xf32, #tpu.memory_space<vmem_shared>>
      tpu.enqueue_indirect_dma source(%arg11 : memref<250x16xf32, #tpu.memory_space<vmem>>) target(%dma_start3A_228 : memref<10240x16xf32, #tpu.memory_space<vmem_shared>>) offsets(%dma_start3A_225 : memref<250xi32, #tpu.memory_space<vmem>>) semaphore(%arg30 : memref<!tpu.dma_semaphore, #tpu.memory_space<semaphore_mem>>) {add = true}
      %dma_wait3A_229 = arith.constant 0 : i32
      %dma_wait3A_230 = tpu.memref_slice %arg7[%add3A_117, %dma_wait3A_229] : memref<80x250xi32, #tpu.memory_space<vmem>> -> memref<1x250xi32, #tpu.memory_space<vmem>>
      %dma_wait3A_231 = tpu.memref_squeeze %dma_wait3A_230 : memref<1x250xi32, #tpu.memory_space<vmem>> -> memref<250xi32, #tpu.memory_space<vmem>>
      %dma_wait3A_232 = arith.constant 0 : i32
      %dma_wait3A_233 = arith.constant 0 : i32
      %dma_wait3A_234 = tpu.memref_slice %arg4[%add3A_21, %dma_wait3A_232, %dma_wait3A_233] : memref<8x10000x16xf32, #tpu.memory_space<hbm>> -> memref<1x10000x16xf32, #tpu.memory_space<hbm>>
      %dma_wait3A_235 = tpu.memref_squeeze %dma_wait3A_234 : memref<1x10000x16xf32, #tpu.memory_space<hbm>> -> memref<10000x16xf32, #tpu.memory_space<hbm>>
      %dma_wait3A_236 = arith.constant 0 : i32
      %dma_wait3A_237 = arith.constant 0 : i32
      %dma_wait3A_238 = tpu.memref_slice %dma_wait3A_235[%dma_wait3A_236, %dma_wait3A_237] : memref<10000x16xf32, #tpu.memory_space<hbm>> -> memref<10000x16xf32, #tpu.memory_space<hbm>>
      tpu.wait_indirect_dma semaphore(%arg23 : memref<!tpu.dma_semaphore, #tpu.memory_space<semaphore_mem>>) src(%dma_wait3A_238 : memref<10000x16xf32, #tpu.memory_space<hbm>>) dst(%arg12 : memref<250x16xf32, #tpu.memory_space<vmem>>)
      %add3A_239 = arith.constant 3 : i32
      %add3A_240 = arith.addi %mul3A_80, %add3A_239 : i32
      %dma_start3A_241 = arith.constant 0 : i32
      %dma_start3A_242 = tpu.memref_slice %arg8[%add3A_240, %dma_start3A_241] : memref<80x250xi32, #tpu.memory_space<vmem>> -> memref<1x250xi32, #tpu.memory_space<vmem>>
      %dma_start3A_243 = tpu.memref_squeeze %dma_start3A_242 : memref<1x250xi32, #tpu.memory_space<vmem>> -> memref<250xi32, #tpu.memory_space<vmem>>
      %dma_start3A_244 = arith.constant 0 : i32
      %dma_start3A_245 = arith.constant 0 : i32
      %dma_start3A_246 = tpu.memref_slice %arg19[%dma_start3A_244, %dma_start3A_245] : memref<10240x16xf32, #tpu.memory_space<vmem_shared>> -> memref<10240x16xf32, #tpu.memory_space<vmem_shared>>
      tpu.enqueue_indirect_dma source(%arg12 : memref<250x16xf32, #tpu.memory_space<vmem>>) target(%dma_start3A_246 : memref<10240x16xf32, #tpu.memory_space<vmem_shared>>) offsets(%dma_start3A_243 : memref<250xi32, #tpu.memory_space<vmem>>) semaphore(%arg31 : memref<!tpu.dma_semaphore, #tpu.memory_space<semaphore_mem>>) {add = true}
      %dma_wait3A_247 = arith.constant 0 : i32
      %dma_wait3A_248 = tpu.memref_slice %arg7[%add3A_129, %dma_wait3A_247] : memref<80x250xi32, #tpu.memory_space<vmem>> -> memref<1x250xi32, #tpu.memory_space<vmem>>
      %dma_wait3A_249 = tpu.memref_squeeze %dma_wait3A_248 : memref<1x250xi32, #tpu.memory_space<vmem>> -> memref<250xi32, #tpu.memory_space<vmem>>
      %dma_wait3A_250 = arith.constant 0 : i32
      %dma_wait3A_251 = arith.constant 0 : i32
      %dma_wait3A_252 = tpu.memref_slice %arg4[%add3A_21, %dma_wait3A_250, %dma_wait3A_251] : memref<8x10000x16xf32, #tpu.memory_space<hbm>> -> memref<1x10000x16xf32, #tpu.memory_space<hbm>>
      %dma_wait3A_253 = tpu.memref_squeeze %dma_wait3A_252 : memref<1x10000x16xf32, #tpu.memory_space<hbm>> -> memref<10000x16xf32, #tpu.memory_space<hbm>>
      %dma_wait3A_254 = arith.constant 0 : i32
      %dma_wait3A_255 = arith.constant 0 : i32
      %dma_wait3A_256 = tpu.memref_slice %dma_wait3A_253[%dma_wait3A_254, %dma_wait3A_255] : memref<10000x16xf32, #tpu.memory_space<hbm>> -> memref<10000x16xf32, #tpu.memory_space<hbm>>
      tpu.wait_indirect_dma semaphore(%arg24 : memref<!tpu.dma_semaphore, #tpu.memory_space<semaphore_mem>>) src(%dma_wait3A_256 : memref<10000x16xf32, #tpu.memory_space<hbm>>) dst(%arg13 : memref<250x16xf32, #tpu.memory_space<vmem>>)
      %add3A_257 = arith.constant 4 : i32
      %add3A_258 = arith.addi %mul3A_80, %add3A_257 : i32
      %dma_start3A_259 = arith.constant 0 : i32
      %dma_start3A_260 = tpu.memref_slice %arg8[%add3A_258, %dma_start3A_259] : memref<80x250xi32, #tpu.memory_space<vmem>> -> memref<1x250xi32, #tpu.memory_space<vmem>>
      %dma_start3A_261 = tpu.memref_squeeze %dma_start3A_260 : memref<1x250xi32, #tpu.memory_space<vmem>> -> memref<250xi32, #tpu.memory_space<vmem>>
      %dma_start3A_262 = arith.constant 0 : i32
      %dma_start3A_263 = arith.constant 0 : i32
      %dma_start3A_264 = tpu.memref_slice %arg19[%dma_start3A_262, %dma_start3A_263] : memref<10240x16xf32, #tpu.memory_space<vmem_shared>> -> memref<10240x16xf32, #tpu.memory_space<vmem_shared>>
      tpu.enqueue_indirect_dma source(%arg13 : memref<250x16xf32, #tpu.memory_space<vmem>>) target(%dma_start3A_264 : memref<10240x16xf32, #tpu.memory_space<vmem_shared>>) offsets(%dma_start3A_261 : memref<250xi32, #tpu.memory_space<vmem>>) semaphore(%arg32 : memref<!tpu.dma_semaphore, #tpu.memory_space<semaphore_mem>>) {add = true}
      %dma_wait3A_265 = arith.constant 0 : i32
      %dma_wait3A_266 = tpu.memref_slice %arg7[%add3A_141, %dma_wait3A_265] : memref<80x250xi32, #tpu.memory_space<vmem>> -> memref<1x250xi32, #tpu.memory_space<vmem>>
      %dma_wait3A_267 = tpu.memref_squeeze %dma_wait3A_266 : memref<1x250xi32, #tpu.memory_space<vmem>> -> memref<250xi32, #tpu.memory_space<vmem>>
      %dma_wait3A_268 = arith.constant 0 : i32
      %dma_wait3A_269 = arith.constant 0 : i32
      %dma_wait3A_270 = tpu.memref_slice %arg4[%add3A_21, %dma_wait3A_268, %dma_wait3A_269] : memref<8x10000x16xf32, #tpu.memory_space<hbm>> -> memref<1x10000x16xf32, #tpu.memory_space<hbm>>
      %dma_wait3A_271 = tpu.memref_squeeze %dma_wait3A_270 : memref<1x10000x16xf32, #tpu.memory_space<hbm>> -> memref<10000x16xf32, #tpu.memory_space<hbm>>
      %dma_wait3A_272 = arith.constant 0 : i32
      %dma_wait3A_273 = arith.constant 0 : i32
      %dma_wait3A_274 = tpu.memref_slice %dma_wait3A_271[%dma_wait3A_272, %dma_wait3A_273] : memref<10000x16xf32, #tpu.memory_space<hbm>> -> memref<10000x16xf32, #tpu.memory_space<hbm>>
      tpu.wait_indirect_dma semaphore(%arg25 : memref<!tpu.dma_semaphore, #tpu.memory_space<semaphore_mem>>) src(%dma_wait3A_274 : memref<10000x16xf32, #tpu.memory_space<hbm>>) dst(%arg14 : memref<250x16xf32, #tpu.memory_space<vmem>>)
      %add3A_275 = arith.constant 5 : i32
      %add3A_276 = arith.addi %mul3A_80, %add3A_275 : i32
      %dma_start3A_277 = arith.constant 0 : i32
      %dma_start3A_278 = tpu.memref_slice %arg8[%add3A_276, %dma_start3A_277] : memref<80x250xi32, #tpu.memory_space<vmem>> -> memref<1x250xi32, #tpu.memory_space<vmem>>
      %dma_start3A_279 = tpu.memref_squeeze %dma_start3A_278 : memref<1x250xi32, #tpu.memory_space<vmem>> -> memref<250xi32, #tpu.memory_space<vmem>>
      %dma_start3A_280 = arith.constant 0 : i32
      %dma_start3A_281 = arith.constant 0 : i32
      %dma_start3A_282 = tpu.memref_slice %arg19[%dma_start3A_280, %dma_start3A_281] : memref<10240x16xf32, #tpu.memory_space<vmem_shared>> -> memref<10240x16xf32, #tpu.memory_space<vmem_shared>>
      tpu.enqueue_indirect_dma source(%arg14 : memref<250x16xf32, #tpu.memory_space<vmem>>) target(%dma_start3A_282 : memref<10240x16xf32, #tpu.memory_space<vmem_shared>>) offsets(%dma_start3A_279 : memref<250xi32, #tpu.memory_space<vmem>>) semaphore(%arg33 : memref<!tpu.dma_semaphore, #tpu.memory_space<semaphore_mem>>) {add = true}
      %dma_wait3A_283 = arith.constant 0 : i32
      %dma_wait3A_284 = tpu.memref_slice %arg7[%add3A_153, %dma_wait3A_283] : memref<80x250xi32, #tpu.memory_space<vmem>> -> memref<1x250xi32, #tpu.memory_space<vmem>>
      %dma_wait3A_285 = tpu.memref_squeeze %dma_wait3A_284 : memref<1x250xi32, #tpu.memory_space<vmem>> -> memref<250xi32, #tpu.memory_space<vmem>>
      %dma_wait3A_286 = arith.constant 0 : i32
      %dma_wait3A_287 = arith.constant 0 : i32
      %dma_wait3A_288 = tpu.memref_slice %arg4[%add3A_21, %dma_wait3A_286, %dma_wait3A_287] : memref<8x10000x16xf32, #tpu.memory_space<hbm>> -> memref<1x10000x16xf32, #tpu.memory_space<hbm>>
      %dma_wait3A_289 = tpu.memref_squeeze %dma_wait3A_288 : memref<1x10000x16xf32, #tpu.memory_space<hbm>> -> memref<10000x16xf32, #tpu.memory_space<hbm>>
      %dma_wait3A_290 = arith.constant 0 : i32
      %dma_wait3A_291 = arith.constant 0 : i32
      %dma_wait3A_292 = tpu.memref_slice %dma_wait3A_289[%dma_wait3A_290, %dma_wait3A_291] : memref<10000x16xf32, #tpu.memory_space<hbm>> -> memref<10000x16xf32, #tpu.memory_space<hbm>>
      tpu.wait_indirect_dma semaphore(%arg26 : memref<!tpu.dma_semaphore, #tpu.memory_space<semaphore_mem>>) src(%dma_wait3A_292 : memref<10000x16xf32, #tpu.memory_space<hbm>>) dst(%arg15 : memref<250x16xf32, #tpu.memory_space<vmem>>)
      %add3A_293 = arith.constant 6 : i32
      %add3A_294 = arith.addi %mul3A_80, %add3A_293 : i32
      %dma_start3A_295 = arith.constant 0 : i32
      %dma_start3A_296 = tpu.memref_slice %arg8[%add3A_294, %dma_start3A_295] : memref<80x250xi32, #tpu.memory_space<vmem>> -> memref<1x250xi32, #tpu.memory_space<vmem>>
      %dma_start3A_297 = tpu.memref_squeeze %dma_start3A_296 : memref<1x250xi32, #tpu.memory_space<vmem>> -> memref<250xi32, #tpu.memory_space<vmem>>
      %dma_start3A_298 = arith.constant 0 : i32
      %dma_start3A_299 = arith.constant 0 : i32
      %dma_start3A_300 = tpu.memref_slice %arg19[%dma_start3A_298, %dma_start3A_299] : memref<10240x16xf32, #tpu.memory_space<vmem_shared>> -> memref<10240x16xf32, #tpu.memory_space<vmem_shared>>
      tpu.enqueue_indirect_dma source(%arg15 : memref<250x16xf32, #tpu.memory_space<vmem>>) target(%dma_start3A_300 : memref<10240x16xf32, #tpu.memory_space<vmem_shared>>) offsets(%dma_start3A_297 : memref<250xi32, #tpu.memory_space<vmem>>) semaphore(%arg34 : memref<!tpu.dma_semaphore, #tpu.memory_space<semaphore_mem>>) {add = true}
      %dma_wait3A_301 = arith.constant 0 : i32
      %dma_wait3A_302 = tpu.memref_slice %arg7[%add3A_165, %dma_wait3A_301] : memref<80x250xi32, #tpu.memory_space<vmem>> -> memref<1x250xi32, #tpu.memory_space<vmem>>
      %dma_wait3A_303 = tpu.memref_squeeze %dma_wait3A_302 : memref<1x250xi32, #tpu.memory_space<vmem>> -> memref<250xi32, #tpu.memory_space<vmem>>
      %dma_wait3A_304 = arith.constant 0 : i32
      %dma_wait3A_305 = arith.constant 0 : i32
      %dma_wait3A_306 = tpu.memref_slice %arg4[%add3A_21, %dma_wait3A_304, %dma_wait3A_305] : memref<8x10000x16xf32, #tpu.memory_space<hbm>> -> memref<1x10000x16xf32, #tpu.memory_space<hbm>>
      %dma_wait3A_307 = tpu.memref_squeeze %dma_wait3A_306 : memref<1x10000x16xf32, #tpu.memory_space<hbm>> -> memref<10000x16xf32, #tpu.memory_space<hbm>>
      %dma_wait3A_308 = arith.constant 0 : i32
      %dma_wait3A_309 = arith.constant 0 : i32
      %dma_wait3A_310 = tpu.memref_slice %dma_wait3A_307[%dma_wait3A_308, %dma_wait3A_309] : memref<10000x16xf32, #tpu.memory_space<hbm>> -> memref<10000x16xf32, #tpu.memory_space<hbm>>
      tpu.wait_indirect_dma semaphore(%arg27 : memref<!tpu.dma_semaphore, #tpu.memory_space<semaphore_mem>>) src(%dma_wait3A_310 : memref<10000x16xf32, #tpu.memory_space<hbm>>) dst(%arg16 : memref<250x16xf32, #tpu.memory_space<vmem>>)
      %add3A_311 = arith.constant 7 : i32
      %add3A_312 = arith.addi %mul3A_80, %add3A_311 : i32
      %dma_start3A_313 = arith.constant 0 : i32
      %dma_start3A_314 = tpu.memref_slice %arg8[%add3A_312, %dma_start3A_313] : memref<80x250xi32, #tpu.memory_space<vmem>> -> memref<1x250xi32, #tpu.memory_space<vmem>>
      %dma_start3A_315 = tpu.memref_squeeze %dma_start3A_314 : memref<1x250xi32, #tpu.memory_space<vmem>> -> memref<250xi32, #tpu.memory_space<vmem>>
      %dma_start3A_316 = arith.constant 0 : i32
      %dma_start3A_317 = arith.constant 0 : i32
      %dma_start3A_318 = tpu.memref_slice %arg19[%dma_start3A_316, %dma_start3A_317] : memref<10240x16xf32, #tpu.memory_space<vmem_shared>> -> memref<10240x16xf32, #tpu.memory_space<vmem_shared>>
      tpu.enqueue_indirect_dma source(%arg16 : memref<250x16xf32, #tpu.memory_space<vmem>>) target(%dma_start3A_318 : memref<10240x16xf32, #tpu.memory_space<vmem_shared>>) offsets(%dma_start3A_315 : memref<250xi32, #tpu.memory_space<vmem>>) semaphore(%arg35 : memref<!tpu.dma_semaphore, #tpu.memory_space<semaphore_mem>>) {add = true}
      %dma_wait3A_319 = arith.constant 0 : i32
      %dma_wait3A_320 = tpu.memref_slice %arg8[%add3A_186, %dma_wait3A_319] : memref<80x250xi32, #tpu.memory_space<vmem>> -> memref<1x250xi32, #tpu.memory_space<vmem>>
      %dma_wait3A_321 = tpu.memref_squeeze %dma_wait3A_320 : memref<1x250xi32, #tpu.memory_space<vmem>> -> memref<250xi32, #tpu.memory_space<vmem>>
      %dma_wait3A_322 = arith.constant 0 : i32
      %dma_wait3A_323 = arith.constant 0 : i32
      %dma_wait3A_324 = tpu.memref_slice %arg19[%dma_wait3A_322, %dma_wait3A_323] : memref<10240x16xf32, #tpu.memory_space<vmem_shared>> -> memref<10240x16xf32, #tpu.memory_space<vmem_shared>>
      tpu.wait_indirect_dma semaphore(%arg28 : memref<!tpu.dma_semaphore, #tpu.memory_space<semaphore_mem>>) src(%arg9 : memref<250x16xf32, #tpu.memory_space<vmem>>) dst(%dma_wait3A_324 : memref<10240x16xf32, #tpu.memory_space<vmem_shared>>)
      %dma_wait3A_325 = arith.constant 0 : i32
      %dma_wait3A_326 = tpu.memref_slice %arg8[%add3A_204, %dma_wait3A_325] : memref<80x250xi32, #tpu.memory_space<vmem>> -> memref<1x250xi32, #tpu.memory_space<vmem>>
      %dma_wait3A_327 = tpu.memref_squeeze %dma_wait3A_326 : memref<1x250xi32, #tpu.memory_space<vmem>> -> memref<250xi32, #tpu.memory_space<vmem>>
      %dma_wait3A_328 = arith.constant 0 : i32
      %dma_wait3A_329 = arith.constant 0 : i32
      %dma_wait3A_330 = tpu.memref_slice %arg19[%dma_wait3A_328, %dma_wait3A_329] : memref<10240x16xf32, #tpu.memory_space<vmem_shared>> -> memref<10240x16xf32, #tpu.memory_space<vmem_shared>>
      tpu.wait_indirect_dma semaphore(%arg29 : memref<!tpu.dma_semaphore, #tpu.memory_space<semaphore_mem>>) src(%arg10 : memref<250x16xf32, #tpu.memory_space<vmem>>) dst(%dma_wait3A_330 : memref<10240x16xf32, #tpu.memory_space<vmem_shared>>)
      %dma_wait3A_331 = arith.constant 0 : i32
      %dma_wait3A_332 = tpu.memref_slice %arg8[%add3A_222, %dma_wait3A_331] : memref<80x250xi32, #tpu.memory_space<vmem>> -> memref<1x250xi32, #tpu.memory_space<vmem>>
      %dma_wait3A_333 = tpu.memref_squeeze %dma_wait3A_332 : memref<1x250xi32, #tpu.memory_space<vmem>> -> memref<250xi32, #tpu.memory_space<vmem>>
      %dma_wait3A_334 = arith.constant 0 : i32
      %dma_wait3A_335 = arith.constant 0 : i32
      %dma_wait3A_336 = tpu.memref_slice %arg19[%dma_wait3A_334, %dma_wait3A_335] : memref<10240x16xf32, #tpu.memory_space<vmem_shared>> -> memref<10240x16xf32, #tpu.memory_space<vmem_shared>>
      tpu.wait_indirect_dma semaphore(%arg30 : memref<!tpu.dma_semaphore, #tpu.memory_space<semaphore_mem>>) src(%arg11 : memref<250x16xf32, #tpu.memory_space<vmem>>) dst(%dma_wait3A_336 : memref<10240x16xf32, #tpu.memory_space<vmem_shared>>)
      %dma_wait3A_337 = arith.constant 0 : i32
      %dma_wait3A_338 = tpu.memref_slice %arg8[%add3A_240, %dma_wait3A_337] : memref<80x250xi32, #tpu.memory_space<vmem>> -> memref<1x250xi32, #tpu.memory_space<vmem>>
      %dma_wait3A_339 = tpu.memref_squeeze %dma_wait3A_338 : memref<1x250xi32, #tpu.memory_space<vmem>> -> memref<250xi32, #tpu.memory_space<vmem>>
      %dma_wait3A_340 = arith.constant 0 : i32
      %dma_wait3A_341 = arith.constant 0 : i32
      %dma_wait3A_342 = tpu.memref_slice %arg19[%dma_wait3A_340, %dma_wait3A_341] : memref<10240x16xf32, #tpu.memory_space<vmem_shared>> -> memref<10240x16xf32, #tpu.memory_space<vmem_shared>>
      tpu.wait_indirect_dma semaphore(%arg31 : memref<!tpu.dma_semaphore, #tpu.memory_space<semaphore_mem>>) src(%arg12 : memref<250x16xf32, #tpu.memory_space<vmem>>) dst(%dma_wait3A_342 : memref<10240x16xf32, #tpu.memory_space<vmem_shared>>)
      %dma_wait3A_343 = arith.constant 0 : i32
      %dma_wait3A_344 = tpu.memref_slice %arg8[%add3A_258, %dma_wait3A_343] : memref<80x250xi32, #tpu.memory_space<vmem>> -> memref<1x250xi32, #tpu.memory_space<vmem>>
      %dma_wait3A_345 = tpu.memref_squeeze %dma_wait3A_344 : memref<1x250xi32, #tpu.memory_space<vmem>> -> memref<250xi32, #tpu.memory_space<vmem>>
      %dma_wait3A_346 = arith.constant 0 : i32
      %dma_wait3A_347 = arith.constant 0 : i32
      %dma_wait3A_348 = tpu.memref_slice %arg19[%dma_wait3A_346, %dma_wait3A_347] : memref<10240x16xf32, #tpu.memory_space<vmem_shared>> -> memref<10240x16xf32, #tpu.memory_space<vmem_shared>>
      tpu.wait_indirect_dma semaphore(%arg32 : memref<!tpu.dma_semaphore, #tpu.memory_space<semaphore_mem>>) src(%arg13 : memref<250x16xf32, #tpu.memory_space<vmem>>) dst(%dma_wait3A_348 : memref<10240x16xf32, #tpu.memory_space<vmem_shared>>)
      %dma_wait3A_349 = arith.constant 0 : i32
      %dma_wait3A_350 = tpu.memref_slice %arg8[%add3A_276, %dma_wait3A_349] : memref<80x250xi32, #tpu.memory_space<vmem>> -> memref<1x250xi32, #tpu.memory_space<vmem>>
      %dma_wait3A_351 = tpu.memref_squeeze %dma_wait3A_350 : memref<1x250xi32, #tpu.memory_space<vmem>> -> memref<250xi32, #tpu.memory_space<vmem>>
      %dma_wait3A_352 = arith.constant 0 : i32
      %dma_wait3A_353 = arith.constant 0 : i32
      %dma_wait3A_354 = tpu.memref_slice %arg19[%dma_wait3A_352, %dma_wait3A_353] : memref<10240x16xf32, #tpu.memory_space<vmem_shared>> -> memref<10240x16xf32, #tpu.memory_space<vmem_shared>>
      tpu.wait_indirect_dma semaphore(%arg33 : memref<!tpu.dma_semaphore, #tpu.memory_space<semaphore_mem>>) src(%arg14 : memref<250x16xf32, #tpu.memory_space<vmem>>) dst(%dma_wait3A_354 : memref<10240x16xf32, #tpu.memory_space<vmem_shared>>)
      %dma_wait3A_355 = arith.constant 0 : i32
      %dma_wait3A_356 = tpu.memref_slice %arg8[%add3A_294, %dma_wait3A_355] : memref<80x250xi32, #tpu.memory_space<vmem>> -> memref<1x250xi32, #tpu.memory_space<vmem>>
      %dma_wait3A_357 = tpu.memref_squeeze %dma_wait3A_356 : memref<1x250xi32, #tpu.memory_space<vmem>> -> memref<250xi32, #tpu.memory_space<vmem>>
      %dma_wait3A_358 = arith.constant 0 : i32
      %dma_wait3A_359 = arith.constant 0 : i32
      %dma_wait3A_360 = tpu.memref_slice %arg19[%dma_wait3A_358, %dma_wait3A_359] : memref<10240x16xf32, #tpu.memory_space<vmem_shared>> -> memref<10240x16xf32, #tpu.memory_space<vmem_shared>>
      tpu.wait_indirect_dma semaphore(%arg34 : memref<!tpu.dma_semaphore, #tpu.memory_space<semaphore_mem>>) src(%arg15 : memref<250x16xf32, #tpu.memory_space<vmem>>) dst(%dma_wait3A_360 : memref<10240x16xf32, #tpu.memory_space<vmem_shared>>)
      %dma_wait3A_361 = arith.constant 0 : i32
      %dma_wait3A_362 = tpu.memref_slice %arg8[%add3A_312, %dma_wait3A_361] : memref<80x250xi32, #tpu.memory_space<vmem>> -> memref<1x250xi32, #tpu.memory_space<vmem>>
      %dma_wait3A_363 = tpu.memref_squeeze %dma_wait3A_362 : memref<1x250xi32, #tpu.memory_space<vmem>> -> memref<250xi32, #tpu.memory_space<vmem>>
      %dma_wait3A_364 = arith.constant 0 : i32
      %dma_wait3A_365 = arith.constant 0 : i32
      %dma_wait3A_366 = tpu.memref_slice %arg19[%dma_wait3A_364, %dma_wait3A_365] : memref<10240x16xf32, #tpu.memory_space<vmem_shared>> -> memref<10240x16xf32, #tpu.memory_space<vmem_shared>>
      tpu.wait_indirect_dma semaphore(%arg35 : memref<!tpu.dma_semaphore, #tpu.memory_space<semaphore_mem>>) src(%arg16 : memref<250x16xf32, #tpu.memory_space<vmem>>) dst(%dma_wait3A_366 : memref<10240x16xf32, #tpu.memory_space<vmem_shared>>)
    }
    %scan3A_27 = arith.constant 10 : i32
    %barrier3A_28 = arith.constant 0 : index
    tpu.barrier barrier_id(%barrier3A_28)
    "tpu.region"() ({
      %run_scoped3A = tpu.sem_alloc : memref<!tpu.dma_semaphore, #tpu.memory_space<semaphore_mem>>
      %dma_start3A = arith.constant 0 : i32
      %dma_start3A_78 = tpu.memref_slice %arg5[%add3A_21, %mul3A_14, %dma_start3A] : memref<8x10240x16xf32, #tpu.memory_space<hbm>> -> memref<1x640x16xf32, #tpu.memory_space<hbm>>
      %dma_start3A_79 = tpu.memref_squeeze %dma_start3A_78 : memref<1x640x16xf32, #tpu.memory_space<hbm>> -> memref<640x16xf32, #tpu.memory_space<hbm>>
      %dma_start3A_80 = arith.constant 0 : i32
      %dma_start3A_81 = tpu.memref_slice %arg19[%mul3A_14, %dma_start3A_80] : memref<10240x16xf32, #tpu.memory_space<vmem_shared>> -> memref<640x16xf32, #tpu.memory_space<vmem_shared>>
      tpu.enqueue_dma source(%dma_start3A_81 : memref<640x16xf32, #tpu.memory_space<vmem_shared>>) target(%dma_start3A_79 : memref<640x16xf32, #tpu.memory_space<hbm>>) target_semaphore(%run_scoped3A : memref<!tpu.dma_semaphore, #tpu.memory_space<semaphore_mem>>)
      %dma_wait3A = arith.constant 0 : i32
      %dma_wait3A_82 = tpu.memref_slice %arg5[%add3A_21, %mul3A_14, %dma_wait3A] : memref<8x10240x16xf32, #tpu.memory_space<hbm>> -> memref<1x640x16xf32, #tpu.memory_space<hbm>>
      %dma_wait3A_83 = tpu.memref_squeeze %dma_wait3A_82 : memref<1x640x16xf32, #tpu.memory_space<hbm>> -> memref<640x16xf32, #tpu.memory_space<hbm>>
      %dma_wait3A_84 = arith.constant 0 : i32
      %dma_wait3A_85 = tpu.memref_slice %arg19[%mul3A_14, %dma_wait3A_84] : memref<10240x16xf32, #tpu.memory_space<vmem_shared>> -> memref<640x16xf32, #tpu.memory_space<vmem_shared>>
      tpu.wait_dma2 semaphore(%run_scoped3A : memref<!tpu.dma_semaphore, #tpu.memory_space<semaphore_mem>>) src(%dma_wait3A_85 : memref<640x16xf32, #tpu.memory_space<vmem_shared>>) dst(%dma_wait3A_83 : memref<640x16xf32, #tpu.memory_space<hbm>>)
      tpu.yield
    }) : () -> ()
    %mul3A_29 = arith.constant 4 : i32
    %mul3A_30 = arith.muli %arg0, %mul3A_29 : i32
    %add3A_31 = arith.constant 1 : i32
    %add3A_32 = arith.addi %mul3A_30, %add3A_31 : i32
    "tpu.region"() ({
      %run_scoped3A = tpu.sem_alloc : memref<!tpu.dma_semaphore, #tpu.memory_space<semaphore_mem>>
      %dma_start3A = arith.constant 0 : i32
      %dma_start3A_78 = tpu.memref_slice %arg19[%mul3A_14, %dma_start3A] : memref<10240x16xf32, #tpu.memory_space<vmem_shared>> -> memref<640x16xf32, #tpu.memory_space<vmem_shared>>
      %dma_start3A_79 = arith.constant 0 : i32
      %dma_start3A_80 = tpu.memref_slice %arg19[%mul3A_14, %dma_start3A_79] : memref<10240x16xf32, #tpu.memory_space<vmem_shared>> -> memref<640x16xf32, #tpu.memory_space<vmem_shared>>
      tpu.enqueue_dma source(%arg18 : memref<640x16xf32, #tpu.memory_space<vmem>>) target(%dma_start3A_80 : memref<640x16xf32, #tpu.memory_space<vmem_shared>>) target_semaphore(%run_scoped3A : memref<!tpu.dma_semaphore, #tpu.memory_space<semaphore_mem>>)
      %dma_wait3A = arith.constant 0 : i32
      %dma_wait3A_81 = tpu.memref_slice %arg19[%mul3A_14, %dma_wait3A] : memref<10240x16xf32, #tpu.memory_space<vmem_shared>> -> memref<640x16xf32, #tpu.memory_space<vmem_shared>>
      %dma_wait3A_82 = arith.constant 0 : i32
      %dma_wait3A_83 = tpu.memref_slice %arg19[%mul3A_14, %dma_wait3A_82] : memref<10240x16xf32, #tpu.memory_space<vmem_shared>> -> memref<640x16xf32, #tpu.memory_space<vmem_shared>>
      tpu.wait_dma2 semaphore(%run_scoped3A : memref<!tpu.dma_semaphore, #tpu.memory_space<semaphore_mem>>) src(%arg18 : memref<640x16xf32, #tpu.memory_space<vmem>>) dst(%dma_wait3A_83 : memref<640x16xf32, #tpu.memory_space<vmem_shared>>)
      tpu.yield
    }) : () -> ()
    %barrier3A_33 = arith.constant 0 : index
    tpu.barrier barrier_id(%barrier3A_33)
    %scan3A_34 = arith.constant 0 : i32
    %scan3A_35 = arith.constant 0 : i32
    %scan3A_36 = arith.constant 10 : i32
    %scan3A_37 = arith.addi %scan3A_35, %scan3A_36 : i32
    %scan3A_38 = arith.constant 1 : i32
    scf.for %scan3A_78 = %scan3A_35 to %scan3A_37 step %scan3A_38  : i32 {
      %mul3A_79 = arith.constant 8 : i32
      %mul3A_80 = arith.muli %scan3A_78, %mul3A_79 : i32
      %add3A_81 = arith.constant 0 : i32
      %add3A_82 = arith.addi %mul3A_80, %add3A_81 : i32
      %dma_start3A = arith.constant 0 : i32
      %dma_start3A_83 = tpu.memref_slice %arg7[%add3A_82, %dma_start3A] : memref<80x250xi32, #tpu.memory_space<vmem>> -> memref<1x250xi32, #tpu.memory_space<vmem>>
      %dma_start3A_84 = tpu.memref_squeeze %dma_start3A_83 : memref<1x250xi32, #tpu.memory_space<vmem>> -> memref<250xi32, #tpu.memory_space<vmem>>
      %dma_start3A_85 = arith.constant 0 : i32
      %dma_start3A_86 = arith.constant 0 : i32
      %dma_start3A_87 = tpu.memref_slice %arg4[%add3A_32, %dma_start3A_85, %dma_start3A_86] : memref<8x10000x16xf32, #tpu.memory_space<hbm>> -> memref<1x10000x16xf32, #tpu.memory_space<hbm>>
      %dma_start3A_88 = tpu.memref_squeeze %dma_start3A_87 : memref<1x10000x16xf32, #tpu.memory_space<hbm>> -> memref<10000x16xf32, #tpu.memory_space<hbm>>
      %dma_start3A_89 = arith.constant 0 : i32
      %dma_start3A_90 = arith.constant 0 : i32
      %dma_start3A_91 = tpu.memref_slice %dma_start3A_88[%dma_start3A_89, %dma_start3A_90] : memref<10000x16xf32, #tpu.memory_space<hbm>> -> memref<10000x16xf32, #tpu.memory_space<hbm>>
      tpu.enqueue_indirect_dma source(%dma_start3A_91 : memref<10000x16xf32, #tpu.memory_space<hbm>>) target(%arg9 : memref<250x16xf32, #tpu.memory_space<vmem>>) offsets(%dma_start3A_84 : memref<250xi32, #tpu.memory_space<vmem>>) semaphore(%arg20 : memref<!tpu.dma_semaphore, #tpu.memory_space<semaphore_mem>>)
      %add3A_92 = arith.constant 1 : i32
      %add3A_93 = arith.addi %mul3A_80, %add3A_92 : i32
      %dma_start3A_94 = arith.constant 0 : i32
      %dma_start3A_95 = tpu.memref_slice %arg7[%add3A_93, %dma_start3A_94] : memref<80x250xi32, #tpu.memory_space<vmem>> -> memref<1x250xi32, #tpu.memory_space<vmem>>
      %dma_start3A_96 = tpu.memref_squeeze %dma_start3A_95 : memref<1x250xi32, #tpu.memory_space<vmem>> -> memref<250xi32, #tpu.memory_space<vmem>>
      %dma_start3A_97 = arith.constant 0 : i32
      %dma_start3A_98 = arith.constant 0 : i32
      %dma_start3A_99 = tpu.memref_slice %arg4[%add3A_32, %dma_start3A_97, %dma_start3A_98] : memref<8x10000x16xf32, #tpu.memory_space<hbm>> -> memref<1x10000x16xf32, #tpu.memory_space<hbm>>
      %dma_start3A_100 = tpu.memref_squeeze %dma_start3A_99 : memref<1x10000x16xf32, #tpu.memory_space<hbm>> -> memref<10000x16xf32, #tpu.memory_space<hbm>>
      %dma_start3A_101 = arith.constant 0 : i32
      %dma_start3A_102 = arith.constant 0 : i32
      %dma_start3A_103 = tpu.memref_slice %dma_start3A_100[%dma_start3A_101, %dma_start3A_102] : memref<10000x16xf32, #tpu.memory_space<hbm>> -> memref<10000x16xf32, #tpu.memory_space<hbm>>
      tpu.enqueue_indirect_dma source(%dma_start3A_103 : memref<10000x16xf32, #tpu.memory_space<hbm>>) target(%arg10 : memref<250x16xf32, #tpu.memory_space<vmem>>) offsets(%dma_start3A_96 : memref<250xi32, #tpu.memory_space<vmem>>) semaphore(%arg21 : memref<!tpu.dma_semaphore, #tpu.memory_space<semaphore_mem>>)
      %add3A_104 = arith.constant 2 : i32
      %add3A_105 = arith.addi %mul3A_80, %add3A_104 : i32
      %dma_start3A_106 = arith.constant 0 : i32
      %dma_start3A_107 = tpu.memref_slice %arg7[%add3A_105, %dma_start3A_106] : memref<80x250xi32, #tpu.memory_space<vmem>> -> memref<1x250xi32, #tpu.memory_space<vmem>>
      %dma_start3A_108 = tpu.memref_squeeze %dma_start3A_107 : memref<1x250xi32, #tpu.memory_space<vmem>> -> memref<250xi32, #tpu.memory_space<vmem>>
      %dma_start3A_109 = arith.constant 0 : i32
      %dma_start3A_110 = arith.constant 0 : i32
      %dma_start3A_111 = tpu.memref_slice %arg4[%add3A_32, %dma_start3A_109, %dma_start3A_110] : memref<8x10000x16xf32, #tpu.memory_space<hbm>> -> memref<1x10000x16xf32, #tpu.memory_space<hbm>>
      %dma_start3A_112 = tpu.memref_squeeze %dma_start3A_111 : memref<1x10000x16xf32, #tpu.memory_space<hbm>> -> memref<10000x16xf32, #tpu.memory_space<hbm>>
      %dma_start3A_113 = arith.constant 0 : i32
      %dma_start3A_114 = arith.constant 0 : i32
      %dma_start3A_115 = tpu.memref_slice %dma_start3A_112[%dma_start3A_113, %dma_start3A_114] : memref<10000x16xf32, #tpu.memory_space<hbm>> -> memref<10000x16xf32, #tpu.memory_space<hbm>>
      tpu.enqueue_indirect_dma source(%dma_start3A_115 : memref<10000x16xf32, #tpu.memory_space<hbm>>) target(%arg11 : memref<250x16xf32, #tpu.memory_space<vmem>>) offsets(%dma_start3A_108 : memref<250xi32, #tpu.memory_space<vmem>>) semaphore(%arg22 : memref<!tpu.dma_semaphore, #tpu.memory_space<semaphore_mem>>)
      %add3A_116 = arith.constant 3 : i32
      %add3A_117 = arith.addi %mul3A_80, %add3A_116 : i32
      %dma_start3A_118 = arith.constant 0 : i32
      %dma_start3A_119 = tpu.memref_slice %arg7[%add3A_117, %dma_start3A_118] : memref<80x250xi32, #tpu.memory_space<vmem>> -> memref<1x250xi32, #tpu.memory_space<vmem>>
      %dma_start3A_120 = tpu.memref_squeeze %dma_start3A_119 : memref<1x250xi32, #tpu.memory_space<vmem>> -> memref<250xi32, #tpu.memory_space<vmem>>
      %dma_start3A_121 = arith.constant 0 : i32
      %dma_start3A_122 = arith.constant 0 : i32
      %dma_start3A_123 = tpu.memref_slice %arg4[%add3A_32, %dma_start3A_121, %dma_start3A_122] : memref<8x10000x16xf32, #tpu.memory_space<hbm>> -> memref<1x10000x16xf32, #tpu.memory_space<hbm>>
      %dma_start3A_124 = tpu.memref_squeeze %dma_start3A_123 : memref<1x10000x16xf32, #tpu.memory_space<hbm>> -> memref<10000x16xf32, #tpu.memory_space<hbm>>
      %dma_start3A_125 = arith.constant 0 : i32
      %dma_start3A_126 = arith.constant 0 : i32
      %dma_start3A_127 = tpu.memref_slice %dma_start3A_124[%dma_start3A_125, %dma_start3A_126] : memref<10000x16xf32, #tpu.memory_space<hbm>> -> memref<10000x16xf32, #tpu.memory_space<hbm>>
      tpu.enqueue_indirect_dma source(%dma_start3A_127 : memref<10000x16xf32, #tpu.memory_space<hbm>>) target(%arg12 : memref<250x16xf32, #tpu.memory_space<vmem>>) offsets(%dma_start3A_120 : memref<250xi32, #tpu.memory_space<vmem>>) semaphore(%arg23 : memref<!tpu.dma_semaphore, #tpu.memory_space<semaphore_mem>>)
      %add3A_128 = arith.constant 4 : i32
      %add3A_129 = arith.addi %mul3A_80, %add3A_128 : i32
      %dma_start3A_130 = arith.constant 0 : i32
      %dma_start3A_131 = tpu.memref_slice %arg7[%add3A_129, %dma_start3A_130] : memref<80x250xi32, #tpu.memory_space<vmem>> -> memref<1x250xi32, #tpu.memory_space<vmem>>
      %dma_start3A_132 = tpu.memref_squeeze %dma_start3A_131 : memref<1x250xi32, #tpu.memory_space<vmem>> -> memref<250xi32, #tpu.memory_space<vmem>>
      %dma_start3A_133 = arith.constant 0 : i32
      %dma_start3A_134 = arith.constant 0 : i32
      %dma_start3A_135 = tpu.memref_slice %arg4[%add3A_32, %dma_start3A_133, %dma_start3A_134] : memref<8x10000x16xf32, #tpu.memory_space<hbm>> -> memref<1x10000x16xf32, #tpu.memory_space<hbm>>
      %dma_start3A_136 = tpu.memref_squeeze %dma_start3A_135 : memref<1x10000x16xf32, #tpu.memory_space<hbm>> -> memref<10000x16xf32, #tpu.memory_space<hbm>>
      %dma_start3A_137 = arith.constant 0 : i32
      %dma_start3A_138 = arith.constant 0 : i32
      %dma_start3A_139 = tpu.memref_slice %dma_start3A_136[%dma_start3A_137, %dma_start3A_138] : memref<10000x16xf32, #tpu.memory_space<hbm>> -> memref<10000x16xf32, #tpu.memory_space<hbm>>
      tpu.enqueue_indirect_dma source(%dma_start3A_139 : memref<10000x16xf32, #tpu.memory_space<hbm>>) target(%arg13 : memref<250x16xf32, #tpu.memory_space<vmem>>) offsets(%dma_start3A_132 : memref<250xi32, #tpu.memory_space<vmem>>) semaphore(%arg24 : memref<!tpu.dma_semaphore, #tpu.memory_space<semaphore_mem>>)
      %add3A_140 = arith.constant 5 : i32
      %add3A_141 = arith.addi %mul3A_80, %add3A_140 : i32
      %dma_start3A_142 = arith.constant 0 : i32
      %dma_start3A_143 = tpu.memref_slice %arg7[%add3A_141, %dma_start3A_142] : memref<80x250xi32, #tpu.memory_space<vmem>> -> memref<1x250xi32, #tpu.memory_space<vmem>>
      %dma_start3A_144 = tpu.memref_squeeze %dma_start3A_143 : memref<1x250xi32, #tpu.memory_space<vmem>> -> memref<250xi32, #tpu.memory_space<vmem>>
      %dma_start3A_145 = arith.constant 0 : i32
      %dma_start3A_146 = arith.constant 0 : i32
      %dma_start3A_147 = tpu.memref_slice %arg4[%add3A_32, %dma_start3A_145, %dma_start3A_146] : memref<8x10000x16xf32, #tpu.memory_space<hbm>> -> memref<1x10000x16xf32, #tpu.memory_space<hbm>>
      %dma_start3A_148 = tpu.memref_squeeze %dma_start3A_147 : memref<1x10000x16xf32, #tpu.memory_space<hbm>> -> memref<10000x16xf32, #tpu.memory_space<hbm>>
      %dma_start3A_149 = arith.constant 0 : i32
      %dma_start3A_150 = arith.constant 0 : i32
      %dma_start3A_151 = tpu.memref_slice %dma_start3A_148[%dma_start3A_149, %dma_start3A_150] : memref<10000x16xf32, #tpu.memory_space<hbm>> -> memref<10000x16xf32, #tpu.memory_space<hbm>>
      tpu.enqueue_indirect_dma source(%dma_start3A_151 : memref<10000x16xf32, #tpu.memory_space<hbm>>) target(%arg14 : memref<250x16xf32, #tpu.memory_space<vmem>>) offsets(%dma_start3A_144 : memref<250xi32, #tpu.memory_space<vmem>>) semaphore(%arg25 : memref<!tpu.dma_semaphore, #tpu.memory_space<semaphore_mem>>)
      %add3A_152 = arith.constant 6 : i32
      %add3A_153 = arith.addi %mul3A_80, %add3A_152 : i32
      %dma_start3A_154 = arith.constant 0 : i32
      %dma_start3A_155 = tpu.memref_slice %arg7[%add3A_153, %dma_start3A_154] : memref<80x250xi32, #tpu.memory_space<vmem>> -> memref<1x250xi32, #tpu.memory_space<vmem>>
      %dma_start3A_156 = tpu.memref_squeeze %dma_start3A_155 : memref<1x250xi32, #tpu.memory_space<vmem>> -> memref<250xi32, #tpu.memory_space<vmem>>
      %dma_start3A_157 = arith.constant 0 : i32
      %dma_start3A_158 = arith.constant 0 : i32
      %dma_start3A_159 = tpu.memref_slice %arg4[%add3A_32, %dma_start3A_157, %dma_start3A_158] : memref<8x10000x16xf32, #tpu.memory_space<hbm>> -> memref<1x10000x16xf32, #tpu.memory_space<hbm>>
      %dma_start3A_160 = tpu.memref_squeeze %dma_start3A_159 : memref<1x10000x16xf32, #tpu.memory_space<hbm>> -> memref<10000x16xf32, #tpu.memory_space<hbm>>
      %dma_start3A_161 = arith.constant 0 : i32
      %dma_start3A_162 = arith.constant 0 : i32
      %dma_start3A_163 = tpu.memref_slice %dma_start3A_160[%dma_start3A_161, %dma_start3A_162] : memref<10000x16xf32, #tpu.memory_space<hbm>> -> memref<10000x16xf32, #tpu.memory_space<hbm>>
      tpu.enqueue_indirect_dma source(%dma_start3A_163 : memref<10000x16xf32, #tpu.memory_space<hbm>>) target(%arg15 : memref<250x16xf32, #tpu.memory_space<vmem>>) offsets(%dma_start3A_156 : memref<250xi32, #tpu.memory_space<vmem>>) semaphore(%arg26 : memref<!tpu.dma_semaphore, #tpu.memory_space<semaphore_mem>>)
      %add3A_164 = arith.constant 7 : i32
      %add3A_165 = arith.addi %mul3A_80, %add3A_164 : i32
      %dma_start3A_166 = arith.constant 0 : i32
      %dma_start3A_167 = tpu.memref_slice %arg7[%add3A_165, %dma_start3A_166] : memref<80x250xi32, #tpu.memory_space<vmem>> -> memref<1x250xi32, #tpu.memory_space<vmem>>
      %dma_start3A_168 = tpu.memref_squeeze %dma_start3A_167 : memref<1x250xi32, #tpu.memory_space<vmem>> -> memref<250xi32, #tpu.memory_space<vmem>>
      %dma_start3A_169 = arith.constant 0 : i32
      %dma_start3A_170 = arith.constant 0 : i32
      %dma_start3A_171 = tpu.memref_slice %arg4[%add3A_32, %dma_start3A_169, %dma_start3A_170] : memref<8x10000x16xf32, #tpu.memory_space<hbm>> -> memref<1x10000x16xf32, #tpu.memory_space<hbm>>
      %dma_start3A_172 = tpu.memref_squeeze %dma_start3A_171 : memref<1x10000x16xf32, #tpu.memory_space<hbm>> -> memref<10000x16xf32, #tpu.memory_space<hbm>>
      %dma_start3A_173 = arith.constant 0 : i32
      %dma_start3A_174 = arith.constant 0 : i32
      %dma_start3A_175 = tpu.memref_slice %dma_start3A_172[%dma_start3A_173, %dma_start3A_174] : memref<10000x16xf32, #tpu.memory_space<hbm>> -> memref<10000x16xf32, #tpu.memory_space<hbm>>
      tpu.enqueue_indirect_dma source(%dma_start3A_175 : memref<10000x16xf32, #tpu.memory_space<hbm>>) target(%arg16 : memref<250x16xf32, #tpu.memory_space<vmem>>) offsets(%dma_start3A_168 : memref<250xi32, #tpu.memory_space<vmem>>) semaphore(%arg27 : memref<!tpu.dma_semaphore, #tpu.memory_space<semaphore_mem>>)
      %dma_wait3A = arith.constant 0 : i32
      %dma_wait3A_176 = tpu.memref_slice %arg7[%add3A_82, %dma_wait3A] : memref<80x250xi32, #tpu.memory_space<vmem>> -> memref<1x250xi32, #tpu.memory_space<vmem>>
      %dma_wait3A_177 = tpu.memref_squeeze %dma_wait3A_176 : memref<1x250xi32, #tpu.memory_space<vmem>> -> memref<250xi32, #tpu.memory_space<vmem>>
      %dma_wait3A_178 = arith.constant 0 : i32
      %dma_wait3A_179 = arith.constant 0 : i32
      %dma_wait3A_180 = tpu.memref_slice %arg4[%add3A_32, %dma_wait3A_178, %dma_wait3A_179] : memref<8x10000x16xf32, #tpu.memory_space<hbm>> -> memref<1x10000x16xf32, #tpu.memory_space<hbm>>
      %dma_wait3A_181 = tpu.memref_squeeze %dma_wait3A_180 : memref<1x10000x16xf32, #tpu.memory_space<hbm>> -> memref<10000x16xf32, #tpu.memory_space<hbm>>
      %dma_wait3A_182 = arith.constant 0 : i32
      %dma_wait3A_183 = arith.constant 0 : i32
      %dma_wait3A_184 = tpu.memref_slice %dma_wait3A_181[%dma_wait3A_182, %dma_wait3A_183] : memref<10000x16xf32, #tpu.memory_space<hbm>> -> memref<10000x16xf32, #tpu.memory_space<hbm>>
      tpu.wait_indirect_dma semaphore(%arg20 : memref<!tpu.dma_semaphore, #tpu.memory_space<semaphore_mem>>) src(%dma_wait3A_184 : memref<10000x16xf32, #tpu.memory_space<hbm>>) dst(%arg9 : memref<250x16xf32, #tpu.memory_space<vmem>>)
      %add3A_185 = arith.constant 0 : i32
      %add3A_186 = arith.addi %mul3A_80, %add3A_185 : i32
      %dma_start3A_187 = arith.constant 0 : i32
      %dma_start3A_188 = tpu.memref_slice %arg8[%add3A_186, %dma_start3A_187] : memref<80x250xi32, #tpu.memory_space<vmem>> -> memref<1x250xi32, #tpu.memory_space<vmem>>
      %dma_start3A_189 = tpu.memref_squeeze %dma_start3A_188 : memref<1x250xi32, #tpu.memory_space<vmem>> -> memref<250xi32, #tpu.memory_space<vmem>>
      %dma_start3A_190 = arith.constant 0 : i32
      %dma_start3A_191 = arith.constant 0 : i32
      %dma_start3A_192 = tpu.memref_slice %arg19[%dma_start3A_190, %dma_start3A_191] : memref<10240x16xf32, #tpu.memory_space<vmem_shared>> -> memref<10240x16xf32, #tpu.memory_space<vmem_shared>>
      tpu.enqueue_indirect_dma source(%arg9 : memref<250x16xf32, #tpu.memory_space<vmem>>) target(%dma_start3A_192 : memref<10240x16xf32, #tpu.memory_space<vmem_shared>>) offsets(%dma_start3A_189 : memref<250xi32, #tpu.memory_space<vmem>>) semaphore(%arg28 : memref<!tpu.dma_semaphore, #tpu.memory_space<semaphore_mem>>) {add = true}
      %dma_wait3A_193 = arith.constant 0 : i32
      %dma_wait3A_194 = tpu.memref_slice %arg7[%add3A_93, %dma_wait3A_193] : memref<80x250xi32, #tpu.memory_space<vmem>> -> memref<1x250xi32, #tpu.memory_space<vmem>>
      %dma_wait3A_195 = tpu.memref_squeeze %dma_wait3A_194 : memref<1x250xi32, #tpu.memory_space<vmem>> -> memref<250xi32, #tpu.memory_space<vmem>>
      %dma_wait3A_196 = arith.constant 0 : i32
      %dma_wait3A_197 = arith.constant 0 : i32
      %dma_wait3A_198 = tpu.memref_slice %arg4[%add3A_32, %dma_wait3A_196, %dma_wait3A_197] : memref<8x10000x16xf32, #tpu.memory_space<hbm>> -> memref<1x10000x16xf32, #tpu.memory_space<hbm>>
      %dma_wait3A_199 = tpu.memref_squeeze %dma_wait3A_198 : memref<1x10000x16xf32, #tpu.memory_space<hbm>> -> memref<10000x16xf32, #tpu.memory_space<hbm>>
      %dma_wait3A_200 = arith.constant 0 : i32
      %dma_wait3A_201 = arith.constant 0 : i32
      %dma_wait3A_202 = tpu.memref_slice %dma_wait3A_199[%dma_wait3A_200, %dma_wait3A_201] : memref<10000x16xf32, #tpu.memory_space<hbm>> -> memref<10000x16xf32, #tpu.memory_space<hbm>>
      tpu.wait_indirect_dma semaphore(%arg21 : memref<!tpu.dma_semaphore, #tpu.memory_space<semaphore_mem>>) src(%dma_wait3A_202 : memref<10000x16xf32, #tpu.memory_space<hbm>>) dst(%arg10 : memref<250x16xf32, #tpu.memory_space<vmem>>)
      %add3A_203 = arith.constant 1 : i32
      %add3A_204 = arith.addi %mul3A_80, %add3A_203 : i32
      %dma_start3A_205 = arith.constant 0 : i32
      %dma_start3A_206 = tpu.memref_slice %arg8[%add3A_204, %dma_start3A_205] : memref<80x250xi32, #tpu.memory_space<vmem>> -> memref<1x250xi32, #tpu.memory_space<vmem>>
      %dma_start3A_207 = tpu.memref_squeeze %dma_start3A_206 : memref<1x250xi32, #tpu.memory_space<vmem>> -> memref<250xi32, #tpu.memory_space<vmem>>
      %dma_start3A_208 = arith.constant 0 : i32
      %dma_start3A_209 = arith.constant 0 : i32
      %dma_start3A_210 = tpu.memref_slice %arg19[%dma_start3A_208, %dma_start3A_209] : memref<10240x16xf32, #tpu.memory_space<vmem_shared>> -> memref<10240x16xf32, #tpu.memory_space<vmem_shared>>
      tpu.enqueue_indirect_dma source(%arg10 : memref<250x16xf32, #tpu.memory_space<vmem>>) target(%dma_start3A_210 : memref<10240x16xf32, #tpu.memory_space<vmem_shared>>) offsets(%dma_start3A_207 : memref<250xi32, #tpu.memory_space<vmem>>) semaphore(%arg29 : memref<!tpu.dma_semaphore, #tpu.memory_space<semaphore_mem>>) {add = true}
      %dma_wait3A_211 = arith.constant 0 : i32
      %dma_wait3A_212 = tpu.memref_slice %arg7[%add3A_105, %dma_wait3A_211] : memref<80x250xi32, #tpu.memory_space<vmem>> -> memref<1x250xi32, #tpu.memory_space<vmem>>
      %dma_wait3A_213 = tpu.memref_squeeze %dma_wait3A_212 : memref<1x250xi32, #tpu.memory_space<vmem>> -> memref<250xi32, #tpu.memory_space<vmem>>
      %dma_wait3A_214 = arith.constant 0 : i32
      %dma_wait3A_215 = arith.constant 0 : i32
      %dma_wait3A_216 = tpu.memref_slice %arg4[%add3A_32, %dma_wait3A_214, %dma_wait3A_215] : memref<8x10000x16xf32, #tpu.memory_space<hbm>> -> memref<1x10000x16xf32, #tpu.memory_space<hbm>>
      %dma_wait3A_217 = tpu.memref_squeeze %dma_wait3A_216 : memref<1x10000x16xf32, #tpu.memory_space<hbm>> -> memref<10000x16xf32, #tpu.memory_space<hbm>>
      %dma_wait3A_218 = arith.constant 0 : i32
      %dma_wait3A_219 = arith.constant 0 : i32
      %dma_wait3A_220 = tpu.memref_slice %dma_wait3A_217[%dma_wait3A_218, %dma_wait3A_219] : memref<10000x16xf32, #tpu.memory_space<hbm>> -> memref<10000x16xf32, #tpu.memory_space<hbm>>
      tpu.wait_indirect_dma semaphore(%arg22 : memref<!tpu.dma_semaphore, #tpu.memory_space<semaphore_mem>>) src(%dma_wait3A_220 : memref<10000x16xf32, #tpu.memory_space<hbm>>) dst(%arg11 : memref<250x16xf32, #tpu.memory_space<vmem>>)
      %add3A_221 = arith.constant 2 : i32
      %add3A_222 = arith.addi %mul3A_80, %add3A_221 : i32
      %dma_start3A_223 = arith.constant 0 : i32
      %dma_start3A_224 = tpu.memref_slice %arg8[%add3A_222, %dma_start3A_223] : memref<80x250xi32, #tpu.memory_space<vmem>> -> memref<1x250xi32, #tpu.memory_space<vmem>>
      %dma_start3A_225 = tpu.memref_squeeze %dma_start3A_224 : memref<1x250xi32, #tpu.memory_space<vmem>> -> memref<250xi32, #tpu.memory_space<vmem>>
      %dma_start3A_226 = arith.constant 0 : i32
      %dma_start3A_227 = arith.constant 0 : i32
      %dma_start3A_228 = tpu.memref_slice %arg19[%dma_start3A_226, %dma_start3A_227] : memref<10240x16xf32, #tpu.memory_space<vmem_shared>> -> memref<10240x16xf32, #tpu.memory_space<vmem_shared>>
      tpu.enqueue_indirect_dma source(%arg11 : memref<250x16xf32, #tpu.memory_space<vmem>>) target(%dma_start3A_228 : memref<10240x16xf32, #tpu.memory_space<vmem_shared>>) offsets(%dma_start3A_225 : memref<250xi32, #tpu.memory_space<vmem>>) semaphore(%arg30 : memref<!tpu.dma_semaphore, #tpu.memory_space<semaphore_mem>>) {add = true}
      %dma_wait3A_229 = arith.constant 0 : i32
      %dma_wait3A_230 = tpu.memref_slice %arg7[%add3A_117, %dma_wait3A_229] : memref<80x250xi32, #tpu.memory_space<vmem>> -> memref<1x250xi32, #tpu.memory_space<vmem>>
      %dma_wait3A_231 = tpu.memref_squeeze %dma_wait3A_230 : memref<1x250xi32, #tpu.memory_space<vmem>> -> memref<250xi32, #tpu.memory_space<vmem>>
      %dma_wait3A_232 = arith.constant 0 : i32
      %dma_wait3A_233 = arith.constant 0 : i32
      %dma_wait3A_234 = tpu.memref_slice %arg4[%add3A_32, %dma_wait3A_232, %dma_wait3A_233] : memref<8x10000x16xf32, #tpu.memory_space<hbm>> -> memref<1x10000x16xf32, #tpu.memory_space<hbm>>
      %dma_wait3A_235 = tpu.memref_squeeze %dma_wait3A_234 : memref<1x10000x16xf32, #tpu.memory_space<hbm>> -> memref<10000x16xf32, #tpu.memory_space<hbm>>
      %dma_wait3A_236 = arith.constant 0 : i32
      %dma_wait3A_237 = arith.constant 0 : i32
      %dma_wait3A_238 = tpu.memref_slice %dma_wait3A_235[%dma_wait3A_236, %dma_wait3A_237] : memref<10000x16xf32, #tpu.memory_space<hbm>> -> memref<10000x16xf32, #tpu.memory_space<hbm>>
      tpu.wait_indirect_dma semaphore(%arg23 : memref<!tpu.dma_semaphore, #tpu.memory_space<semaphore_mem>>) src(%dma_wait3A_238 : memref<10000x16xf32, #tpu.memory_space<hbm>>) dst(%arg12 : memref<250x16xf32, #tpu.memory_space<vmem>>)
      %add3A_239 = arith.constant 3 : i32
      %add3A_240 = arith.addi %mul3A_80, %add3A_239 : i32
      %dma_start3A_241 = arith.constant 0 : i32
      %dma_start3A_242 = tpu.memref_slice %arg8[%add3A_240, %dma_start3A_241] : memref<80x250xi32, #tpu.memory_space<vmem>> -> memref<1x250xi32, #tpu.memory_space<vmem>>
      %dma_start3A_243 = tpu.memref_squeeze %dma_start3A_242 : memref<1x250xi32, #tpu.memory_space<vmem>> -> memref<250xi32, #tpu.memory_space<vmem>>
      %dma_start3A_244 = arith.constant 0 : i32
      %dma_start3A_245 = arith.constant 0 : i32
      %dma_start3A_246 = tpu.memref_slice %arg19[%dma_start3A_244, %dma_start3A_245] : memref<10240x16xf32, #tpu.memory_space<vmem_shared>> -> memref<10240x16xf32, #tpu.memory_space<vmem_shared>>
      tpu.enqueue_indirect_dma source(%arg12 : memref<250x16xf32, #tpu.memory_space<vmem>>) target(%dma_start3A_246 : memref<10240x16xf32, #tpu.memory_space<vmem_shared>>) offsets(%dma_start3A_243 : memref<250xi32, #tpu.memory_space<vmem>>) semaphore(%arg31 : memref<!tpu.dma_semaphore, #tpu.memory_space<semaphore_mem>>) {add = true}
      %dma_wait3A_247 = arith.constant 0 : i32
      %dma_wait3A_248 = tpu.memref_slice %arg7[%add3A_129, %dma_wait3A_247] : memref<80x250xi32, #tpu.memory_space<vmem>> -> memref<1x250xi32, #tpu.memory_space<vmem>>
      %dma_wait3A_249 = tpu.memref_squeeze %dma_wait3A_248 : memref<1x250xi32, #tpu.memory_space<vmem>> -> memref<250xi32, #tpu.memory_space<vmem>>
      %dma_wait3A_250 = arith.constant 0 : i32
      %dma_wait3A_251 = arith.constant 0 : i32
      %dma_wait3A_252 = tpu.memref_slice %arg4[%add3A_32, %dma_wait3A_250, %dma_wait3A_251] : memref<8x10000x16xf32, #tpu.memory_space<hbm>> -> memref<1x10000x16xf32, #tpu.memory_space<hbm>>
      %dma_wait3A_253 = tpu.memref_squeeze %dma_wait3A_252 : memref<1x10000x16xf32, #tpu.memory_space<hbm>> -> memref<10000x16xf32, #tpu.memory_space<hbm>>
      %dma_wait3A_254 = arith.constant 0 : i32
      %dma_wait3A_255 = arith.constant 0 : i32
      %dma_wait3A_256 = tpu.memref_slice %dma_wait3A_253[%dma_wait3A_254, %dma_wait3A_255] : memref<10000x16xf32, #tpu.memory_space<hbm>> -> memref<10000x16xf32, #tpu.memory_space<hbm>>
      tpu.wait_indirect_dma semaphore(%arg24 : memref<!tpu.dma_semaphore, #tpu.memory_space<semaphore_mem>>) src(%dma_wait3A_256 : memref<10000x16xf32, #tpu.memory_space<hbm>>) dst(%arg13 : memref<250x16xf32, #tpu.memory_space<vmem>>)
      %add3A_257 = arith.constant 4 : i32
      %add3A_258 = arith.addi %mul3A_80, %add3A_257 : i32
      %dma_start3A_259 = arith.constant 0 : i32
      %dma_start3A_260 = tpu.memref_slice %arg8[%add3A_258, %dma_start3A_259] : memref<80x250xi32, #tpu.memory_space<vmem>> -> memref<1x250xi32, #tpu.memory_space<vmem>>
      %dma_start3A_261 = tpu.memref_squeeze %dma_start3A_260 : memref<1x250xi32, #tpu.memory_space<vmem>> -> memref<250xi32, #tpu.memory_space<vmem>>
      %dma_start3A_262 = arith.constant 0 : i32
      %dma_start3A_263 = arith.constant 0 : i32
      %dma_start3A_264 = tpu.memref_slice %arg19[%dma_start3A_262, %dma_start3A_263] : memref<10240x16xf32, #tpu.memory_space<vmem_shared>> -> memref<10240x16xf32, #tpu.memory_space<vmem_shared>>
      tpu.enqueue_indirect_dma source(%arg13 : memref<250x16xf32, #tpu.memory_space<vmem>>) target(%dma_start3A_264 : memref<10240x16xf32, #tpu.memory_space<vmem_shared>>) offsets(%dma_start3A_261 : memref<250xi32, #tpu.memory_space<vmem>>) semaphore(%arg32 : memref<!tpu.dma_semaphore, #tpu.memory_space<semaphore_mem>>) {add = true}
      %dma_wait3A_265 = arith.constant 0 : i32
      %dma_wait3A_266 = tpu.memref_slice %arg7[%add3A_141, %dma_wait3A_265] : memref<80x250xi32, #tpu.memory_space<vmem>> -> memref<1x250xi32, #tpu.memory_space<vmem>>
      %dma_wait3A_267 = tpu.memref_squeeze %dma_wait3A_266 : memref<1x250xi32, #tpu.memory_space<vmem>> -> memref<250xi32, #tpu.memory_space<vmem>>
      %dma_wait3A_268 = arith.constant 0 : i32
      %dma_wait3A_269 = arith.constant 0 : i32
      %dma_wait3A_270 = tpu.memref_slice %arg4[%add3A_32, %dma_wait3A_268, %dma_wait3A_269] : memref<8x10000x16xf32, #tpu.memory_space<hbm>> -> memref<1x10000x16xf32, #tpu.memory_space<hbm>>
      %dma_wait3A_271 = tpu.memref_squeeze %dma_wait3A_270 : memref<1x10000x16xf32, #tpu.memory_space<hbm>> -> memref<10000x16xf32, #tpu.memory_space<hbm>>
      %dma_wait3A_272 = arith.constant 0 : i32
      %dma_wait3A_273 = arith.constant 0 : i32
      %dma_wait3A_274 = tpu.memref_slice %dma_wait3A_271[%dma_wait3A_272, %dma_wait3A_273] : memref<10000x16xf32, #tpu.memory_space<hbm>> -> memref<10000x16xf32, #tpu.memory_space<hbm>>
      tpu.wait_indirect_dma semaphore(%arg25 : memref<!tpu.dma_semaphore, #tpu.memory_space<semaphore_mem>>) src(%dma_wait3A_274 : memref<10000x16xf32, #tpu.memory_space<hbm>>) dst(%arg14 : memref<250x16xf32, #tpu.memory_space<vmem>>)
      %add3A_275 = arith.constant 5 : i32
      %add3A_276 = arith.addi %mul3A_80, %add3A_275 : i32
      %dma_start3A_277 = arith.constant 0 : i32
      %dma_start3A_278 = tpu.memref_slice %arg8[%add3A_276, %dma_start3A_277] : memref<80x250xi32, #tpu.memory_space<vmem>> -> memref<1x250xi32, #tpu.memory_space<vmem>>
      %dma_start3A_279 = tpu.memref_squeeze %dma_start3A_278 : memref<1x250xi32, #tpu.memory_space<vmem>> -> memref<250xi32, #tpu.memory_space<vmem>>
      %dma_start3A_280 = arith.constant 0 : i32
      %dma_start3A_281 = arith.constant 0 : i32
      %dma_start3A_282 = tpu.memref_slice %arg19[%dma_start3A_280, %dma_start3A_281] : memref<10240x16xf32, #tpu.memory_space<vmem_shared>> -> memref<10240x16xf32, #tpu.memory_space<vmem_shared>>
      tpu.enqueue_indirect_dma source(%arg14 : memref<250x16xf32, #tpu.memory_space<vmem>>) target(%dma_start3A_282 : memref<10240x16xf32, #tpu.memory_space<vmem_shared>>) offsets(%dma_start3A_279 : memref<250xi32, #tpu.memory_space<vmem>>) semaphore(%arg33 : memref<!tpu.dma_semaphore, #tpu.memory_space<semaphore_mem>>) {add = true}
      %dma_wait3A_283 = arith.constant 0 : i32
      %dma_wait3A_284 = tpu.memref_slice %arg7[%add3A_153, %dma_wait3A_283] : memref<80x250xi32, #tpu.memory_space<vmem>> -> memref<1x250xi32, #tpu.memory_space<vmem>>
      %dma_wait3A_285 = tpu.memref_squeeze %dma_wait3A_284 : memref<1x250xi32, #tpu.memory_space<vmem>> -> memref<250xi32, #tpu.memory_space<vmem>>
      %dma_wait3A_286 = arith.constant 0 : i32
      %dma_wait3A_287 = arith.constant 0 : i32
      %dma_wait3A_288 = tpu.memref_slice %arg4[%add3A_32, %dma_wait3A_286, %dma_wait3A_287] : memref<8x10000x16xf32, #tpu.memory_space<hbm>> -> memref<1x10000x16xf32, #tpu.memory_space<hbm>>
      %dma_wait3A_289 = tpu.memref_squeeze %dma_wait3A_288 : memref<1x10000x16xf32, #tpu.memory_space<hbm>> -> memref<10000x16xf32, #tpu.memory_space<hbm>>
      %dma_wait3A_290 = arith.constant 0 : i32
      %dma_wait3A_291 = arith.constant 0 : i32
      %dma_wait3A_292 = tpu.memref_slice %dma_wait3A_289[%dma_wait3A_290, %dma_wait3A_291] : memref<10000x16xf32, #tpu.memory_space<hbm>> -> memref<10000x16xf32, #tpu.memory_space<hbm>>
      tpu.wait_indirect_dma semaphore(%arg26 : memref<!tpu.dma_semaphore, #tpu.memory_space<semaphore_mem>>) src(%dma_wait3A_292 : memref<10000x16xf32, #tpu.memory_space<hbm>>) dst(%arg15 : memref<250x16xf32, #tpu.memory_space<vmem>>)
      %add3A_293 = arith.constant 6 : i32
      %add3A_294 = arith.addi %mul3A_80, %add3A_293 : i32
      %dma_start3A_295 = arith.constant 0 : i32
      %dma_start3A_296 = tpu.memref_slice %arg8[%add3A_294, %dma_start3A_295] : memref<80x250xi32, #tpu.memory_space<vmem>> -> memref<1x250xi32, #tpu.memory_space<vmem>>
      %dma_start3A_297 = tpu.memref_squeeze %dma_start3A_296 : memref<1x250xi32, #tpu.memory_space<vmem>> -> memref<250xi32, #tpu.memory_space<vmem>>
      %dma_start3A_298 = arith.constant 0 : i32
      %dma_start3A_299 = arith.constant 0 : i32
      %dma_start3A_300 = tpu.memref_slice %arg19[%dma_start3A_298, %dma_start3A_299] : memref<10240x16xf32, #tpu.memory_space<vmem_shared>> -> memref<10240x16xf32, #tpu.memory_space<vmem_shared>>
      tpu.enqueue_indirect_dma source(%arg15 : memref<250x16xf32, #tpu.memory_space<vmem>>) target(%dma_start3A_300 : memref<10240x16xf32, #tpu.memory_space<vmem_shared>>) offsets(%dma_start3A_297 : memref<250xi32, #tpu.memory_space<vmem>>) semaphore(%arg34 : memref<!tpu.dma_semaphore, #tpu.memory_space<semaphore_mem>>) {add = true}
      %dma_wait3A_301 = arith.constant 0 : i32
      %dma_wait3A_302 = tpu.memref_slice %arg7[%add3A_165, %dma_wait3A_301] : memref<80x250xi32, #tpu.memory_space<vmem>> -> memref<1x250xi32, #tpu.memory_space<vmem>>
      %dma_wait3A_303 = tpu.memref_squeeze %dma_wait3A_302 : memref<1x250xi32, #tpu.memory_space<vmem>> -> memref<250xi32, #tpu.memory_space<vmem>>
      %dma_wait3A_304 = arith.constant 0 : i32
      %dma_wait3A_305 = arith.constant 0 : i32
      %dma_wait3A_306 = tpu.memref_slice %arg4[%add3A_32, %dma_wait3A_304, %dma_wait3A_305] : memref<8x10000x16xf32, #tpu.memory_space<hbm>> -> memref<1x10000x16xf32, #tpu.memory_space<hbm>>
      %dma_wait3A_307 = tpu.memref_squeeze %dma_wait3A_306 : memref<1x10000x16xf32, #tpu.memory_space<hbm>> -> memref<10000x16xf32, #tpu.memory_space<hbm>>
      %dma_wait3A_308 = arith.constant 0 : i32
      %dma_wait3A_309 = arith.constant 0 : i32
      %dma_wait3A_310 = tpu.memref_slice %dma_wait3A_307[%dma_wait3A_308, %dma_wait3A_309] : memref<10000x16xf32, #tpu.memory_space<hbm>> -> memref<10000x16xf32, #tpu.memory_space<hbm>>
      tpu.wait_indirect_dma semaphore(%arg27 : memref<!tpu.dma_semaphore, #tpu.memory_space<semaphore_mem>>) src(%dma_wait3A_310 : memref<10000x16xf32, #tpu.memory_space<hbm>>) dst(%arg16 : memref<250x16xf32, #tpu.memory_space<vmem>>)
      %add3A_311 = arith.constant 7 : i32
      %add3A_312 = arith.addi %mul3A_80, %add3A_311 : i32
      %dma_start3A_313 = arith.constant 0 : i32
      %dma_start3A_314 = tpu.memref_slice %arg8[%add3A_312, %dma_start3A_313] : memref<80x250xi32, #tpu.memory_space<vmem>> -> memref<1x250xi32, #tpu.memory_space<vmem>>
      %dma_start3A_315 = tpu.memref_squeeze %dma_start3A_314 : memref<1x250xi32, #tpu.memory_space<vmem>> -> memref<250xi32, #tpu.memory_space<vmem>>
      %dma_start3A_316 = arith.constant 0 : i32
      %dma_start3A_317 = arith.constant 0 : i32
      %dma_start3A_318 = tpu.memref_slice %arg19[%dma_start3A_316, %dma_start3A_317] : memref<10240x16xf32, #tpu.memory_space<vmem_shared>> -> memref<10240x16xf32, #tpu.memory_space<vmem_shared>>
      tpu.enqueue_indirect_dma source(%arg16 : memref<250x16xf32, #tpu.memory_space<vmem>>) target(%dma_start3A_318 : memref<10240x16xf32, #tpu.memory_space<vmem_shared>>) offsets(%dma_start3A_315 : memref<250xi32, #tpu.memory_space<vmem>>) semaphore(%arg35 : memref<!tpu.dma_semaphore, #tpu.memory_space<semaphore_mem>>) {add = true}
      %dma_wait3A_319 = arith.constant 0 : i32
      %dma_wait3A_320 = tpu.memref_slice %arg8[%add3A_186, %dma_wait3A_319] : memref<80x250xi32, #tpu.memory_space<vmem>> -> memref<1x250xi32, #tpu.memory_space<vmem>>
      %dma_wait3A_321 = tpu.memref_squeeze %dma_wait3A_320 : memref<1x250xi32, #tpu.memory_space<vmem>> -> memref<250xi32, #tpu.memory_space<vmem>>
      %dma_wait3A_322 = arith.constant 0 : i32
      %dma_wait3A_323 = arith.constant 0 : i32
      %dma_wait3A_324 = tpu.memref_slice %arg19[%dma_wait3A_322, %dma_wait3A_323] : memref<10240x16xf32, #tpu.memory_space<vmem_shared>> -> memref<10240x16xf32, #tpu.memory_space<vmem_shared>>
      tpu.wait_indirect_dma semaphore(%arg28 : memref<!tpu.dma_semaphore, #tpu.memory_space<semaphore_mem>>) src(%arg9 : memref<250x16xf32, #tpu.memory_space<vmem>>) dst(%dma_wait3A_324 : memref<10240x16xf32, #tpu.memory_space<vmem_shared>>)
      %dma_wait3A_325 = arith.constant 0 : i32
      %dma_wait3A_326 = tpu.memref_slice %arg8[%add3A_204, %dma_wait3A_325] : memref<80x250xi32, #tpu.memory_space<vmem>> -> memref<1x250xi32, #tpu.memory_space<vmem>>
      %dma_wait3A_327 = tpu.memref_squeeze %dma_wait3A_326 : memref<1x250xi32, #tpu.memory_space<vmem>> -> memref<250xi32, #tpu.memory_space<vmem>>
      %dma_wait3A_328 = arith.constant 0 : i32
      %dma_wait3A_329 = arith.constant 0 : i32
      %dma_wait3A_330 = tpu.memref_slice %arg19[%dma_wait3A_328, %dma_wait3A_329] : memref<10240x16xf32, #tpu.memory_space<vmem_shared>> -> memref<10240x16xf32, #tpu.memory_space<vmem_shared>>
      tpu.wait_indirect_dma semaphore(%arg29 : memref<!tpu.dma_semaphore, #tpu.memory_space<semaphore_mem>>) src(%arg10 : memref<250x16xf32, #tpu.memory_space<vmem>>) dst(%dma_wait3A_330 : memref<10240x16xf32, #tpu.memory_space<vmem_shared>>)
      %dma_wait3A_331 = arith.constant 0 : i32
      %dma_wait3A_332 = tpu.memref_slice %arg8[%add3A_222, %dma_wait3A_331] : memref<80x250xi32, #tpu.memory_space<vmem>> -> memref<1x250xi32, #tpu.memory_space<vmem>>
      %dma_wait3A_333 = tpu.memref_squeeze %dma_wait3A_332 : memref<1x250xi32, #tpu.memory_space<vmem>> -> memref<250xi32, #tpu.memory_space<vmem>>
      %dma_wait3A_334 = arith.constant 0 : i32
      %dma_wait3A_335 = arith.constant 0 : i32
      %dma_wait3A_336 = tpu.memref_slice %arg19[%dma_wait3A_334, %dma_wait3A_335] : memref<10240x16xf32, #tpu.memory_space<vmem_shared>> -> memref<10240x16xf32, #tpu.memory_space<vmem_shared>>
      tpu.wait_indirect_dma semaphore(%arg30 : memref<!tpu.dma_semaphore, #tpu.memory_space<semaphore_mem>>) src(%arg11 : memref<250x16xf32, #tpu.memory_space<vmem>>) dst(%dma_wait3A_336 : memref<10240x16xf32, #tpu.memory_space<vmem_shared>>)
      %dma_wait3A_337 = arith.constant 0 : i32
      %dma_wait3A_338 = tpu.memref_slice %arg8[%add3A_240, %dma_wait3A_337] : memref<80x250xi32, #tpu.memory_space<vmem>> -> memref<1x250xi32, #tpu.memory_space<vmem>>
      %dma_wait3A_339 = tpu.memref_squeeze %dma_wait3A_338 : memref<1x250xi32, #tpu.memory_space<vmem>> -> memref<250xi32, #tpu.memory_space<vmem>>
      %dma_wait3A_340 = arith.constant 0 : i32
      %dma_wait3A_341 = arith.constant 0 : i32
      %dma_wait3A_342 = tpu.memref_slice %arg19[%dma_wait3A_340, %dma_wait3A_341] : memref<10240x16xf32, #tpu.memory_space<vmem_shared>> -> memref<10240x16xf32, #tpu.memory_space<vmem_shared>>
      tpu.wait_indirect_dma semaphore(%arg31 : memref<!tpu.dma_semaphore, #tpu.memory_space<semaphore_mem>>) src(%arg12 : memref<250x16xf32, #tpu.memory_space<vmem>>) dst(%dma_wait3A_342 : memref<10240x16xf32, #tpu.memory_space<vmem_shared>>)
      %dma_wait3A_343 = arith.constant 0 : i32
      %dma_wait3A_344 = tpu.memref_slice %arg8[%add3A_258, %dma_wait3A_343] : memref<80x250xi32, #tpu.memory_space<vmem>> -> memref<1x250xi32, #tpu.memory_space<vmem>>
      %dma_wait3A_345 = tpu.memref_squeeze %dma_wait3A_344 : memref<1x250xi32, #tpu.memory_space<vmem>> -> memref<250xi32, #tpu.memory_space<vmem>>
      %dma_wait3A_346 = arith.constant 0 : i32
      %dma_wait3A_347 = arith.constant 0 : i32
      %dma_wait3A_348 = tpu.memref_slice %arg19[%dma_wait3A_346, %dma_wait3A_347] : memref<10240x16xf32, #tpu.memory_space<vmem_shared>> -> memref<10240x16xf32, #tpu.memory_space<vmem_shared>>
      tpu.wait_indirect_dma semaphore(%arg32 : memref<!tpu.dma_semaphore, #tpu.memory_space<semaphore_mem>>) src(%arg13 : memref<250x16xf32, #tpu.memory_space<vmem>>) dst(%dma_wait3A_348 : memref<10240x16xf32, #tpu.memory_space<vmem_shared>>)
      %dma_wait3A_349 = arith.constant 0 : i32
      %dma_wait3A_350 = tpu.memref_slice %arg8[%add3A_276, %dma_wait3A_349] : memref<80x250xi32, #tpu.memory_space<vmem>> -> memref<1x250xi32, #tpu.memory_space<vmem>>
      %dma_wait3A_351 = tpu.memref_squeeze %dma_wait3A_350 : memref<1x250xi32, #tpu.memory_space<vmem>> -> memref<250xi32, #tpu.memory_space<vmem>>
      %dma_wait3A_352 = arith.constant 0 : i32
      %dma_wait3A_353 = arith.constant 0 : i32
      %dma_wait3A_354 = tpu.memref_slice %arg19[%dma_wait3A_352, %dma_wait3A_353] : memref<10240x16xf32, #tpu.memory_space<vmem_shared>> -> memref<10240x16xf32, #tpu.memory_space<vmem_shared>>
      tpu.wait_indirect_dma semaphore(%arg33 : memref<!tpu.dma_semaphore, #tpu.memory_space<semaphore_mem>>) src(%arg14 : memref<250x16xf32, #tpu.memory_space<vmem>>) dst(%dma_wait3A_354 : memref<10240x16xf32, #tpu.memory_space<vmem_shared>>)
      %dma_wait3A_355 = arith.constant 0 : i32
      %dma_wait3A_356 = tpu.memref_slice %arg8[%add3A_294, %dma_wait3A_355] : memref<80x250xi32, #tpu.memory_space<vmem>> -> memref<1x250xi32, #tpu.memory_space<vmem>>
      %dma_wait3A_357 = tpu.memref_squeeze %dma_wait3A_356 : memref<1x250xi32, #tpu.memory_space<vmem>> -> memref<250xi32, #tpu.memory_space<vmem>>
      %dma_wait3A_358 = arith.constant 0 : i32
      %dma_wait3A_359 = arith.constant 0 : i32
      %dma_wait3A_360 = tpu.memref_slice %arg19[%dma_wait3A_358, %dma_wait3A_359] : memref<10240x16xf32, #tpu.memory_space<vmem_shared>> -> memref<10240x16xf32, #tpu.memory_space<vmem_shared>>
      tpu.wait_indirect_dma semaphore(%arg34 : memref<!tpu.dma_semaphore, #tpu.memory_space<semaphore_mem>>) src(%arg15 : memref<250x16xf32, #tpu.memory_space<vmem>>) dst(%dma_wait3A_360 : memref<10240x16xf32, #tpu.memory_space<vmem_shared>>)
      %dma_wait3A_361 = arith.constant 0 : i32
      %dma_wait3A_362 = tpu.memref_slice %arg8[%add3A_312, %dma_wait3A_361] : memref<80x250xi32, #tpu.memory_space<vmem>> -> memref<1x250xi32, #tpu.memory_space<vmem>>
      %dma_wait3A_363 = tpu.memref_squeeze %dma_wait3A_362 : memref<1x250xi32, #tpu.memory_space<vmem>> -> memref<250xi32, #tpu.memory_space<vmem>>
      %dma_wait3A_364 = arith.constant 0 : i32
      %dma_wait3A_365 = arith.constant 0 : i32
      %dma_wait3A_366 = tpu.memref_slice %arg19[%dma_wait3A_364, %dma_wait3A_365] : memref<10240x16xf32, #tpu.memory_space<vmem_shared>> -> memref<10240x16xf32, #tpu.memory_space<vmem_shared>>
      tpu.wait_indirect_dma semaphore(%arg35 : memref<!tpu.dma_semaphore, #tpu.memory_space<semaphore_mem>>) src(%arg16 : memref<250x16xf32, #tpu.memory_space<vmem>>) dst(%dma_wait3A_366 : memref<10240x16xf32, #tpu.memory_space<vmem_shared>>)
    }
    %scan3A_39 = arith.constant 10 : i32
    %barrier3A_40 = arith.constant 0 : index
    tpu.barrier barrier_id(%barrier3A_40)
    "tpu.region"() ({
      %run_scoped3A = tpu.sem_alloc : memref<!tpu.dma_semaphore, #tpu.memory_space<semaphore_mem>>
      %dma_start3A = arith.constant 0 : i32
      %dma_start3A_78 = tpu.memref_slice %arg5[%add3A_32, %mul3A_14, %dma_start3A] : memref<8x10240x16xf32, #tpu.memory_space<hbm>> -> memref<1x640x16xf32, #tpu.memory_space<hbm>>
      %dma_start3A_79 = tpu.memref_squeeze %dma_start3A_78 : memref<1x640x16xf32, #tpu.memory_space<hbm>> -> memref<640x16xf32, #tpu.memory_space<hbm>>
      %dma_start3A_80 = arith.constant 0 : i32
      %dma_start3A_81 = tpu.memref_slice %arg19[%mul3A_14, %dma_start3A_80] : memref<10240x16xf32, #tpu.memory_space<vmem_shared>> -> memref<640x16xf32, #tpu.memory_space<vmem_shared>>
      tpu.enqueue_dma source(%dma_start3A_81 : memref<640x16xf32, #tpu.memory_space<vmem_shared>>) target(%dma_start3A_79 : memref<640x16xf32, #tpu.memory_space<hbm>>) target_semaphore(%run_scoped3A : memref<!tpu.dma_semaphore, #tpu.memory_space<semaphore_mem>>)
      %dma_wait3A = arith.constant 0 : i32
      %dma_wait3A_82 = tpu.memref_slice %arg5[%add3A_32, %mul3A_14, %dma_wait3A] : memref<8x10240x16xf32, #tpu.memory_space<hbm>> -> memref<1x640x16xf32, #tpu.memory_space<hbm>>
      %dma_wait3A_83 = tpu.memref_squeeze %dma_wait3A_82 : memref<1x640x16xf32, #tpu.memory_space<hbm>> -> memref<640x16xf32, #tpu.memory_space<hbm>>
      %dma_wait3A_84 = arith.constant 0 : i32
      %dma_wait3A_85 = tpu.memref_slice %arg19[%mul3A_14, %dma_wait3A_84] : memref<10240x16xf32, #tpu.memory_space<vmem_shared>> -> memref<640x16xf32, #tpu.memory_space<vmem_shared>>
      tpu.wait_dma2 semaphore(%run_scoped3A : memref<!tpu.dma_semaphore, #tpu.memory_space<semaphore_mem>>) src(%dma_wait3A_85 : memref<640x16xf32, #tpu.memory_space<vmem_shared>>) dst(%dma_wait3A_83 : memref<640x16xf32, #tpu.memory_space<hbm>>)
      tpu.yield
    }) : () -> ()
    %mul3A_41 = arith.constant 4 : i32
    %mul3A_42 = arith.muli %arg0, %mul3A_41 : i32
    %add3A_43 = arith.constant 2 : i32
    %add3A_44 = arith.addi %mul3A_42, %add3A_43 : i32
    "tpu.region"() ({
      %run_scoped3A = tpu.sem_alloc : memref<!tpu.dma_semaphore, #tpu.memory_space<semaphore_mem>>
      %dma_start3A = arith.constant 0 : i32
      %dma_start3A_78 = tpu.memref_slice %arg19[%mul3A_14, %dma_start3A] : memref<10240x16xf32, #tpu.memory_space<vmem_shared>> -> memref<640x16xf32, #tpu.memory_space<vmem_shared>>
      %dma_start3A_79 = arith.constant 0 : i32
      %dma_start3A_80 = tpu.memref_slice %arg19[%mul3A_14, %dma_start3A_79] : memref<10240x16xf32, #tpu.memory_space<vmem_shared>> -> memref<640x16xf32, #tpu.memory_space<vmem_shared>>
      tpu.enqueue_dma source(%arg18 : memref<640x16xf32, #tpu.memory_space<vmem>>) target(%dma_start3A_80 : memref<640x16xf32, #tpu.memory_space<vmem_shared>>) target_semaphore(%run_scoped3A : memref<!tpu.dma_semaphore, #tpu.memory_space<semaphore_mem>>)
      %dma_wait3A = arith.constant 0 : i32
      %dma_wait3A_81 = tpu.memref_slice %arg19[%mul3A_14, %dma_wait3A] : memref<10240x16xf32, #tpu.memory_space<vmem_shared>> -> memref<640x16xf32, #tpu.memory_space<vmem_shared>>
      %dma_wait3A_82 = arith.constant 0 : i32
      %dma_wait3A_83 = tpu.memref_slice %arg19[%mul3A_14, %dma_wait3A_82] : memref<10240x16xf32, #tpu.memory_space<vmem_shared>> -> memref<640x16xf32, #tpu.memory_space<vmem_shared>>
      tpu.wait_dma2 semaphore(%run_scoped3A : memref<!tpu.dma_semaphore, #tpu.memory_space<semaphore_mem>>) src(%arg18 : memref<640x16xf32, #tpu.memory_space<vmem>>) dst(%dma_wait3A_83 : memref<640x16xf32, #tpu.memory_space<vmem_shared>>)
      tpu.yield
    }) : () -> ()
    %barrier3A_45 = arith.constant 0 : index
    tpu.barrier barrier_id(%barrier3A_45)
    %scan3A_46 = arith.constant 0 : i32
    %scan3A_47 = arith.constant 0 : i32
    %scan3A_48 = arith.constant 10 : i32
    %scan3A_49 = arith.addi %scan3A_47, %scan3A_48 : i32
    %scan3A_50 = arith.constant 1 : i32
    scf.for %scan3A_78 = %scan3A_47 to %scan3A_49 step %scan3A_50  : i32 {
      %mul3A_79 = arith.constant 8 : i32
      %mul3A_80 = arith.muli %scan3A_78, %mul3A_79 : i32
      %add3A_81 = arith.constant 0 : i32
      %add3A_82 = arith.addi %mul3A_80, %add3A_81 : i32
      %dma_start3A = arith.constant 0 : i32
      %dma_start3A_83 = tpu.memref_slice %arg7[%add3A_82, %dma_start3A] : memref<80x250xi32, #tpu.memory_space<vmem>> -> memref<1x250xi32, #tpu.memory_space<vmem>>
      %dma_start3A_84 = tpu.memref_squeeze %dma_start3A_83 : memref<1x250xi32, #tpu.memory_space<vmem>> -> memref<250xi32, #tpu.memory_space<vmem>>
      %dma_start3A_85 = arith.constant 0 : i32
      %dma_start3A_86 = arith.constant 0 : i32
      %dma_start3A_87 = tpu.memref_slice %arg4[%add3A_44, %dma_start3A_85, %dma_start3A_86] : memref<8x10000x16xf32, #tpu.memory_space<hbm>> -> memref<1x10000x16xf32, #tpu.memory_space<hbm>>
      %dma_start3A_88 = tpu.memref_squeeze %dma_start3A_87 : memref<1x10000x16xf32, #tpu.memory_space<hbm>> -> memref<10000x16xf32, #tpu.memory_space<hbm>>
      %dma_start3A_89 = arith.constant 0 : i32
      %dma_start3A_90 = arith.constant 0 : i32
      %dma_start3A_91 = tpu.memref_slice %dma_start3A_88[%dma_start3A_89, %dma_start3A_90] : memref<10000x16xf32, #tpu.memory_space<hbm>> -> memref<10000x16xf32, #tpu.memory_space<hbm>>
      tpu.enqueue_indirect_dma source(%dma_start3A_91 : memref<10000x16xf32, #tpu.memory_space<hbm>>) target(%arg9 : memref<250x16xf32, #tpu.memory_space<vmem>>) offsets(%dma_start3A_84 : memref<250xi32, #tpu.memory_space<vmem>>) semaphore(%arg20 : memref<!tpu.dma_semaphore, #tpu.memory_space<semaphore_mem>>)
      %add3A_92 = arith.constant 1 : i32
      %add3A_93 = arith.addi %mul3A_80, %add3A_92 : i32
      %dma_start3A_94 = arith.constant 0 : i32
      %dma_start3A_95 = tpu.memref_slice %arg7[%add3A_93, %dma_start3A_94] : memref<80x250xi32, #tpu.memory_space<vmem>> -> memref<1x250xi32, #tpu.memory_space<vmem>>
      %dma_start3A_96 = tpu.memref_squeeze %dma_start3A_95 : memref<1x250xi32, #tpu.memory_space<vmem>> -> memref<250xi32, #tpu.memory_space<vmem>>
      %dma_start3A_97 = arith.constant 0 : i32
      %dma_start3A_98 = arith.constant 0 : i32
      %dma_start3A_99 = tpu.memref_slice %arg4[%add3A_44, %dma_start3A_97, %dma_start3A_98] : memref<8x10000x16xf32, #tpu.memory_space<hbm>> -> memref<1x10000x16xf32, #tpu.memory_space<hbm>>
      %dma_start3A_100 = tpu.memref_squeeze %dma_start3A_99 : memref<1x10000x16xf32, #tpu.memory_space<hbm>> -> memref<10000x16xf32, #tpu.memory_space<hbm>>
      %dma_start3A_101 = arith.constant 0 : i32
      %dma_start3A_102 = arith.constant 0 : i32
      %dma_start3A_103 = tpu.memref_slice %dma_start3A_100[%dma_start3A_101, %dma_start3A_102] : memref<10000x16xf32, #tpu.memory_space<hbm>> -> memref<10000x16xf32, #tpu.memory_space<hbm>>
      tpu.enqueue_indirect_dma source(%dma_start3A_103 : memref<10000x16xf32, #tpu.memory_space<hbm>>) target(%arg10 : memref<250x16xf32, #tpu.memory_space<vmem>>) offsets(%dma_start3A_96 : memref<250xi32, #tpu.memory_space<vmem>>) semaphore(%arg21 : memref<!tpu.dma_semaphore, #tpu.memory_space<semaphore_mem>>)
      %add3A_104 = arith.constant 2 : i32
      %add3A_105 = arith.addi %mul3A_80, %add3A_104 : i32
      %dma_start3A_106 = arith.constant 0 : i32
      %dma_start3A_107 = tpu.memref_slice %arg7[%add3A_105, %dma_start3A_106] : memref<80x250xi32, #tpu.memory_space<vmem>> -> memref<1x250xi32, #tpu.memory_space<vmem>>
      %dma_start3A_108 = tpu.memref_squeeze %dma_start3A_107 : memref<1x250xi32, #tpu.memory_space<vmem>> -> memref<250xi32, #tpu.memory_space<vmem>>
      %dma_start3A_109 = arith.constant 0 : i32
      %dma_start3A_110 = arith.constant 0 : i32
      %dma_start3A_111 = tpu.memref_slice %arg4[%add3A_44, %dma_start3A_109, %dma_start3A_110] : memref<8x10000x16xf32, #tpu.memory_space<hbm>> -> memref<1x10000x16xf32, #tpu.memory_space<hbm>>
      %dma_start3A_112 = tpu.memref_squeeze %dma_start3A_111 : memref<1x10000x16xf32, #tpu.memory_space<hbm>> -> memref<10000x16xf32, #tpu.memory_space<hbm>>
      %dma_start3A_113 = arith.constant 0 : i32
      %dma_start3A_114 = arith.constant 0 : i32
      %dma_start3A_115 = tpu.memref_slice %dma_start3A_112[%dma_start3A_113, %dma_start3A_114] : memref<10000x16xf32, #tpu.memory_space<hbm>> -> memref<10000x16xf32, #tpu.memory_space<hbm>>
      tpu.enqueue_indirect_dma source(%dma_start3A_115 : memref<10000x16xf32, #tpu.memory_space<hbm>>) target(%arg11 : memref<250x16xf32, #tpu.memory_space<vmem>>) offsets(%dma_start3A_108 : memref<250xi32, #tpu.memory_space<vmem>>) semaphore(%arg22 : memref<!tpu.dma_semaphore, #tpu.memory_space<semaphore_mem>>)
      %add3A_116 = arith.constant 3 : i32
      %add3A_117 = arith.addi %mul3A_80, %add3A_116 : i32
      %dma_start3A_118 = arith.constant 0 : i32
      %dma_start3A_119 = tpu.memref_slice %arg7[%add3A_117, %dma_start3A_118] : memref<80x250xi32, #tpu.memory_space<vmem>> -> memref<1x250xi32, #tpu.memory_space<vmem>>
      %dma_start3A_120 = tpu.memref_squeeze %dma_start3A_119 : memref<1x250xi32, #tpu.memory_space<vmem>> -> memref<250xi32, #tpu.memory_space<vmem>>
      %dma_start3A_121 = arith.constant 0 : i32
      %dma_start3A_122 = arith.constant 0 : i32
      %dma_start3A_123 = tpu.memref_slice %arg4[%add3A_44, %dma_start3A_121, %dma_start3A_122] : memref<8x10000x16xf32, #tpu.memory_space<hbm>> -> memref<1x10000x16xf32, #tpu.memory_space<hbm>>
      %dma_start3A_124 = tpu.memref_squeeze %dma_start3A_123 : memref<1x10000x16xf32, #tpu.memory_space<hbm>> -> memref<10000x16xf32, #tpu.memory_space<hbm>>
      %dma_start3A_125 = arith.constant 0 : i32
      %dma_start3A_126 = arith.constant 0 : i32
      %dma_start3A_127 = tpu.memref_slice %dma_start3A_124[%dma_start3A_125, %dma_start3A_126] : memref<10000x16xf32, #tpu.memory_space<hbm>> -> memref<10000x16xf32, #tpu.memory_space<hbm>>
      tpu.enqueue_indirect_dma source(%dma_start3A_127 : memref<10000x16xf32, #tpu.memory_space<hbm>>) target(%arg12 : memref<250x16xf32, #tpu.memory_space<vmem>>) offsets(%dma_start3A_120 : memref<250xi32, #tpu.memory_space<vmem>>) semaphore(%arg23 : memref<!tpu.dma_semaphore, #tpu.memory_space<semaphore_mem>>)
      %add3A_128 = arith.constant 4 : i32
      %add3A_129 = arith.addi %mul3A_80, %add3A_128 : i32
      %dma_start3A_130 = arith.constant 0 : i32
      %dma_start3A_131 = tpu.memref_slice %arg7[%add3A_129, %dma_start3A_130] : memref<80x250xi32, #tpu.memory_space<vmem>> -> memref<1x250xi32, #tpu.memory_space<vmem>>
      %dma_start3A_132 = tpu.memref_squeeze %dma_start3A_131 : memref<1x250xi32, #tpu.memory_space<vmem>> -> memref<250xi32, #tpu.memory_space<vmem>>
      %dma_start3A_133 = arith.constant 0 : i32
      %dma_start3A_134 = arith.constant 0 : i32
      %dma_start3A_135 = tpu.memref_slice %arg4[%add3A_44, %dma_start3A_133, %dma_start3A_134] : memref<8x10000x16xf32, #tpu.memory_space<hbm>> -> memref<1x10000x16xf32, #tpu.memory_space<hbm>>
      %dma_start3A_136 = tpu.memref_squeeze %dma_start3A_135 : memref<1x10000x16xf32, #tpu.memory_space<hbm>> -> memref<10000x16xf32, #tpu.memory_space<hbm>>
      %dma_start3A_137 = arith.constant 0 : i32
      %dma_start3A_138 = arith.constant 0 : i32
      %dma_start3A_139 = tpu.memref_slice %dma_start3A_136[%dma_start3A_137, %dma_start3A_138] : memref<10000x16xf32, #tpu.memory_space<hbm>> -> memref<10000x16xf32, #tpu.memory_space<hbm>>
      tpu.enqueue_indirect_dma source(%dma_start3A_139 : memref<10000x16xf32, #tpu.memory_space<hbm>>) target(%arg13 : memref<250x16xf32, #tpu.memory_space<vmem>>) offsets(%dma_start3A_132 : memref<250xi32, #tpu.memory_space<vmem>>) semaphore(%arg24 : memref<!tpu.dma_semaphore, #tpu.memory_space<semaphore_mem>>)
      %add3A_140 = arith.constant 5 : i32
      %add3A_141 = arith.addi %mul3A_80, %add3A_140 : i32
      %dma_start3A_142 = arith.constant 0 : i32
      %dma_start3A_143 = tpu.memref_slice %arg7[%add3A_141, %dma_start3A_142] : memref<80x250xi32, #tpu.memory_space<vmem>> -> memref<1x250xi32, #tpu.memory_space<vmem>>
      %dma_start3A_144 = tpu.memref_squeeze %dma_start3A_143 : memref<1x250xi32, #tpu.memory_space<vmem>> -> memref<250xi32, #tpu.memory_space<vmem>>
      %dma_start3A_145 = arith.constant 0 : i32
      %dma_start3A_146 = arith.constant 0 : i32
      %dma_start3A_147 = tpu.memref_slice %arg4[%add3A_44, %dma_start3A_145, %dma_start3A_146] : memref<8x10000x16xf32, #tpu.memory_space<hbm>> -> memref<1x10000x16xf32, #tpu.memory_space<hbm>>
      %dma_start3A_148 = tpu.memref_squeeze %dma_start3A_147 : memref<1x10000x16xf32, #tpu.memory_space<hbm>> -> memref<10000x16xf32, #tpu.memory_space<hbm>>
      %dma_start3A_149 = arith.constant 0 : i32
      %dma_start3A_150 = arith.constant 0 : i32
      %dma_start3A_151 = tpu.memref_slice %dma_start3A_148[%dma_start3A_149, %dma_start3A_150] : memref<10000x16xf32, #tpu.memory_space<hbm>> -> memref<10000x16xf32, #tpu.memory_space<hbm>>
      tpu.enqueue_indirect_dma source(%dma_start3A_151 : memref<10000x16xf32, #tpu.memory_space<hbm>>) target(%arg14 : memref<250x16xf32, #tpu.memory_space<vmem>>) offsets(%dma_start3A_144 : memref<250xi32, #tpu.memory_space<vmem>>) semaphore(%arg25 : memref<!tpu.dma_semaphore, #tpu.memory_space<semaphore_mem>>)
      %add3A_152 = arith.constant 6 : i32
      %add3A_153 = arith.addi %mul3A_80, %add3A_152 : i32
      %dma_start3A_154 = arith.constant 0 : i32
      %dma_start3A_155 = tpu.memref_slice %arg7[%add3A_153, %dma_start3A_154] : memref<80x250xi32, #tpu.memory_space<vmem>> -> memref<1x250xi32, #tpu.memory_space<vmem>>
      %dma_start3A_156 = tpu.memref_squeeze %dma_start3A_155 : memref<1x250xi32, #tpu.memory_space<vmem>> -> memref<250xi32, #tpu.memory_space<vmem>>
      %dma_start3A_157 = arith.constant 0 : i32
      %dma_start3A_158 = arith.constant 0 : i32
      %dma_start3A_159 = tpu.memref_slice %arg4[%add3A_44, %dma_start3A_157, %dma_start3A_158] : memref<8x10000x16xf32, #tpu.memory_space<hbm>> -> memref<1x10000x16xf32, #tpu.memory_space<hbm>>
      %dma_start3A_160 = tpu.memref_squeeze %dma_start3A_159 : memref<1x10000x16xf32, #tpu.memory_space<hbm>> -> memref<10000x16xf32, #tpu.memory_space<hbm>>
      %dma_start3A_161 = arith.constant 0 : i32
      %dma_start3A_162 = arith.constant 0 : i32
      %dma_start3A_163 = tpu.memref_slice %dma_start3A_160[%dma_start3A_161, %dma_start3A_162] : memref<10000x16xf32, #tpu.memory_space<hbm>> -> memref<10000x16xf32, #tpu.memory_space<hbm>>
      tpu.enqueue_indirect_dma source(%dma_start3A_163 : memref<10000x16xf32, #tpu.memory_space<hbm>>) target(%arg15 : memref<250x16xf32, #tpu.memory_space<vmem>>) offsets(%dma_start3A_156 : memref<250xi32, #tpu.memory_space<vmem>>) semaphore(%arg26 : memref<!tpu.dma_semaphore, #tpu.memory_space<semaphore_mem>>)
      %add3A_164 = arith.constant 7 : i32
      %add3A_165 = arith.addi %mul3A_80, %add3A_164 : i32
      %dma_start3A_166 = arith.constant 0 : i32
      %dma_start3A_167 = tpu.memref_slice %arg7[%add3A_165, %dma_start3A_166] : memref<80x250xi32, #tpu.memory_space<vmem>> -> memref<1x250xi32, #tpu.memory_space<vmem>>
      %dma_start3A_168 = tpu.memref_squeeze %dma_start3A_167 : memref<1x250xi32, #tpu.memory_space<vmem>> -> memref<250xi32, #tpu.memory_space<vmem>>
      %dma_start3A_169 = arith.constant 0 : i32
      %dma_start3A_170 = arith.constant 0 : i32
      %dma_start3A_171 = tpu.memref_slice %arg4[%add3A_44, %dma_start3A_169, %dma_start3A_170] : memref<8x10000x16xf32, #tpu.memory_space<hbm>> -> memref<1x10000x16xf32, #tpu.memory_space<hbm>>
      %dma_start3A_172 = tpu.memref_squeeze %dma_start3A_171 : memref<1x10000x16xf32, #tpu.memory_space<hbm>> -> memref<10000x16xf32, #tpu.memory_space<hbm>>
      %dma_start3A_173 = arith.constant 0 : i32
      %dma_start3A_174 = arith.constant 0 : i32
      %dma_start3A_175 = tpu.memref_slice %dma_start3A_172[%dma_start3A_173, %dma_start3A_174] : memref<10000x16xf32, #tpu.memory_space<hbm>> -> memref<10000x16xf32, #tpu.memory_space<hbm>>
      tpu.enqueue_indirect_dma source(%dma_start3A_175 : memref<10000x16xf32, #tpu.memory_space<hbm>>) target(%arg16 : memref<250x16xf32, #tpu.memory_space<vmem>>) offsets(%dma_start3A_168 : memref<250xi32, #tpu.memory_space<vmem>>) semaphore(%arg27 : memref<!tpu.dma_semaphore, #tpu.memory_space<semaphore_mem>>)
      %dma_wait3A = arith.constant 0 : i32
      %dma_wait3A_176 = tpu.memref_slice %arg7[%add3A_82, %dma_wait3A] : memref<80x250xi32, #tpu.memory_space<vmem>> -> memref<1x250xi32, #tpu.memory_space<vmem>>
      %dma_wait3A_177 = tpu.memref_squeeze %dma_wait3A_176 : memref<1x250xi32, #tpu.memory_space<vmem>> -> memref<250xi32, #tpu.memory_space<vmem>>
      %dma_wait3A_178 = arith.constant 0 : i32
      %dma_wait3A_179 = arith.constant 0 : i32
      %dma_wait3A_180 = tpu.memref_slice %arg4[%add3A_44, %dma_wait3A_178, %dma_wait3A_179] : memref<8x10000x16xf32, #tpu.memory_space<hbm>> -> memref<1x10000x16xf32, #tpu.memory_space<hbm>>
      %dma_wait3A_181 = tpu.memref_squeeze %dma_wait3A_180 : memref<1x10000x16xf32, #tpu.memory_space<hbm>> -> memref<10000x16xf32, #tpu.memory_space<hbm>>
      %dma_wait3A_182 = arith.constant 0 : i32
      %dma_wait3A_183 = arith.constant 0 : i32
      %dma_wait3A_184 = tpu.memref_slice %dma_wait3A_181[%dma_wait3A_182, %dma_wait3A_183] : memref<10000x16xf32, #tpu.memory_space<hbm>> -> memref<10000x16xf32, #tpu.memory_space<hbm>>
      tpu.wait_indirect_dma semaphore(%arg20 : memref<!tpu.dma_semaphore, #tpu.memory_space<semaphore_mem>>) src(%dma_wait3A_184 : memref<10000x16xf32, #tpu.memory_space<hbm>>) dst(%arg9 : memref<250x16xf32, #tpu.memory_space<vmem>>)
      %add3A_185 = arith.constant 0 : i32
      %add3A_186 = arith.addi %mul3A_80, %add3A_185 : i32
      %dma_start3A_187 = arith.constant 0 : i32
      %dma_start3A_188 = tpu.memref_slice %arg8[%add3A_186, %dma_start3A_187] : memref<80x250xi32, #tpu.memory_space<vmem>> -> memref<1x250xi32, #tpu.memory_space<vmem>>
      %dma_start3A_189 = tpu.memref_squeeze %dma_start3A_188 : memref<1x250xi32, #tpu.memory_space<vmem>> -> memref<250xi32, #tpu.memory_space<vmem>>
      %dma_start3A_190 = arith.constant 0 : i32
      %dma_start3A_191 = arith.constant 0 : i32
      %dma_start3A_192 = tpu.memref_slice %arg19[%dma_start3A_190, %dma_start3A_191] : memref<10240x16xf32, #tpu.memory_space<vmem_shared>> -> memref<10240x16xf32, #tpu.memory_space<vmem_shared>>
      tpu.enqueue_indirect_dma source(%arg9 : memref<250x16xf32, #tpu.memory_space<vmem>>) target(%dma_start3A_192 : memref<10240x16xf32, #tpu.memory_space<vmem_shared>>) offsets(%dma_start3A_189 : memref<250xi32, #tpu.memory_space<vmem>>) semaphore(%arg28 : memref<!tpu.dma_semaphore, #tpu.memory_space<semaphore_mem>>) {add = true}
      %dma_wait3A_193 = arith.constant 0 : i32
      %dma_wait3A_194 = tpu.memref_slice %arg7[%add3A_93, %dma_wait3A_193] : memref<80x250xi32, #tpu.memory_space<vmem>> -> memref<1x250xi32, #tpu.memory_space<vmem>>
      %dma_wait3A_195 = tpu.memref_squeeze %dma_wait3A_194 : memref<1x250xi32, #tpu.memory_space<vmem>> -> memref<250xi32, #tpu.memory_space<vmem>>
      %dma_wait3A_196 = arith.constant 0 : i32
      %dma_wait3A_197 = arith.constant 0 : i32
      %dma_wait3A_198 = tpu.memref_slice %arg4[%add3A_44, %dma_wait3A_196, %dma_wait3A_197] : memref<8x10000x16xf32, #tpu.memory_space<hbm>> -> memref<1x10000x16xf32, #tpu.memory_space<hbm>>
      %dma_wait3A_199 = tpu.memref_squeeze %dma_wait3A_198 : memref<1x10000x16xf32, #tpu.memory_space<hbm>> -> memref<10000x16xf32, #tpu.memory_space<hbm>>
      %dma_wait3A_200 = arith.constant 0 : i32
      %dma_wait3A_201 = arith.constant 0 : i32
      %dma_wait3A_202 = tpu.memref_slice %dma_wait3A_199[%dma_wait3A_200, %dma_wait3A_201] : memref<10000x16xf32, #tpu.memory_space<hbm>> -> memref<10000x16xf32, #tpu.memory_space<hbm>>
      tpu.wait_indirect_dma semaphore(%arg21 : memref<!tpu.dma_semaphore, #tpu.memory_space<semaphore_mem>>) src(%dma_wait3A_202 : memref<10000x16xf32, #tpu.memory_space<hbm>>) dst(%arg10 : memref<250x16xf32, #tpu.memory_space<vmem>>)
      %add3A_203 = arith.constant 1 : i32
      %add3A_204 = arith.addi %mul3A_80, %add3A_203 : i32
      %dma_start3A_205 = arith.constant 0 : i32
      %dma_start3A_206 = tpu.memref_slice %arg8[%add3A_204, %dma_start3A_205] : memref<80x250xi32, #tpu.memory_space<vmem>> -> memref<1x250xi32, #tpu.memory_space<vmem>>
      %dma_start3A_207 = tpu.memref_squeeze %dma_start3A_206 : memref<1x250xi32, #tpu.memory_space<vmem>> -> memref<250xi32, #tpu.memory_space<vmem>>
      %dma_start3A_208 = arith.constant 0 : i32
      %dma_start3A_209 = arith.constant 0 : i32
      %dma_start3A_210 = tpu.memref_slice %arg19[%dma_start3A_208, %dma_start3A_209] : memref<10240x16xf32, #tpu.memory_space<vmem_shared>> -> memref<10240x16xf32, #tpu.memory_space<vmem_shared>>
      tpu.enqueue_indirect_dma source(%arg10 : memref<250x16xf32, #tpu.memory_space<vmem>>) target(%dma_start3A_210 : memref<10240x16xf32, #tpu.memory_space<vmem_shared>>) offsets(%dma_start3A_207 : memref<250xi32, #tpu.memory_space<vmem>>) semaphore(%arg29 : memref<!tpu.dma_semaphore, #tpu.memory_space<semaphore_mem>>) {add = true}
      %dma_wait3A_211 = arith.constant 0 : i32
      %dma_wait3A_212 = tpu.memref_slice %arg7[%add3A_105, %dma_wait3A_211] : memref<80x250xi32, #tpu.memory_space<vmem>> -> memref<1x250xi32, #tpu.memory_space<vmem>>
      %dma_wait3A_213 = tpu.memref_squeeze %dma_wait3A_212 : memref<1x250xi32, #tpu.memory_space<vmem>> -> memref<250xi32, #tpu.memory_space<vmem>>
      %dma_wait3A_214 = arith.constant 0 : i32
      %dma_wait3A_215 = arith.constant 0 : i32
      %dma_wait3A_216 = tpu.memref_slice %arg4[%add3A_44, %dma_wait3A_214, %dma_wait3A_215] : memref<8x10000x16xf32, #tpu.memory_space<hbm>> -> memref<1x10000x16xf32, #tpu.memory_space<hbm>>
      %dma_wait3A_217 = tpu.memref_squeeze %dma_wait3A_216 : memref<1x10000x16xf32, #tpu.memory_space<hbm>> -> memref<10000x16xf32, #tpu.memory_space<hbm>>
      %dma_wait3A_218 = arith.constant 0 : i32
      %dma_wait3A_219 = arith.constant 0 : i32
      %dma_wait3A_220 = tpu.memref_slice %dma_wait3A_217[%dma_wait3A_218, %dma_wait3A_219] : memref<10000x16xf32, #tpu.memory_space<hbm>> -> memref<10000x16xf32, #tpu.memory_space<hbm>>
      tpu.wait_indirect_dma semaphore(%arg22 : memref<!tpu.dma_semaphore, #tpu.memory_space<semaphore_mem>>) src(%dma_wait3A_220 : memref<10000x16xf32, #tpu.memory_space<hbm>>) dst(%arg11 : memref<250x16xf32, #tpu.memory_space<vmem>>)
      %add3A_221 = arith.constant 2 : i32
      %add3A_222 = arith.addi %mul3A_80, %add3A_221 : i32
      %dma_start3A_223 = arith.constant 0 : i32
      %dma_start3A_224 = tpu.memref_slice %arg8[%add3A_222, %dma_start3A_223] : memref<80x250xi32, #tpu.memory_space<vmem>> -> memref<1x250xi32, #tpu.memory_space<vmem>>
      %dma_start3A_225 = tpu.memref_squeeze %dma_start3A_224 : memref<1x250xi32, #tpu.memory_space<vmem>> -> memref<250xi32, #tpu.memory_space<vmem>>
      %dma_start3A_226 = arith.constant 0 : i32
      %dma_start3A_227 = arith.constant 0 : i32
      %dma_start3A_228 = tpu.memref_slice %arg19[%dma_start3A_226, %dma_start3A_227] : memref<10240x16xf32, #tpu.memory_space<vmem_shared>> -> memref<10240x16xf32, #tpu.memory_space<vmem_shared>>
      tpu.enqueue_indirect_dma source(%arg11 : memref<250x16xf32, #tpu.memory_space<vmem>>) target(%dma_start3A_228 : memref<10240x16xf32, #tpu.memory_space<vmem_shared>>) offsets(%dma_start3A_225 : memref<250xi32, #tpu.memory_space<vmem>>) semaphore(%arg30 : memref<!tpu.dma_semaphore, #tpu.memory_space<semaphore_mem>>) {add = true}
      %dma_wait3A_229 = arith.constant 0 : i32
      %dma_wait3A_230 = tpu.memref_slice %arg7[%add3A_117, %dma_wait3A_229] : memref<80x250xi32, #tpu.memory_space<vmem>> -> memref<1x250xi32, #tpu.memory_space<vmem>>
      %dma_wait3A_231 = tpu.memref_squeeze %dma_wait3A_230 : memref<1x250xi32, #tpu.memory_space<vmem>> -> memref<250xi32, #tpu.memory_space<vmem>>
      %dma_wait3A_232 = arith.constant 0 : i32
      %dma_wait3A_233 = arith.constant 0 : i32
      %dma_wait3A_234 = tpu.memref_slice %arg4[%add3A_44, %dma_wait3A_232, %dma_wait3A_233] : memref<8x10000x16xf32, #tpu.memory_space<hbm>> -> memref<1x10000x16xf32, #tpu.memory_space<hbm>>
      %dma_wait3A_235 = tpu.memref_squeeze %dma_wait3A_234 : memref<1x10000x16xf32, #tpu.memory_space<hbm>> -> memref<10000x16xf32, #tpu.memory_space<hbm>>
      %dma_wait3A_236 = arith.constant 0 : i32
      %dma_wait3A_237 = arith.constant 0 : i32
      %dma_wait3A_238 = tpu.memref_slice %dma_wait3A_235[%dma_wait3A_236, %dma_wait3A_237] : memref<10000x16xf32, #tpu.memory_space<hbm>> -> memref<10000x16xf32, #tpu.memory_space<hbm>>
      tpu.wait_indirect_dma semaphore(%arg23 : memref<!tpu.dma_semaphore, #tpu.memory_space<semaphore_mem>>) src(%dma_wait3A_238 : memref<10000x16xf32, #tpu.memory_space<hbm>>) dst(%arg12 : memref<250x16xf32, #tpu.memory_space<vmem>>)
      %add3A_239 = arith.constant 3 : i32
      %add3A_240 = arith.addi %mul3A_80, %add3A_239 : i32
      %dma_start3A_241 = arith.constant 0 : i32
      %dma_start3A_242 = tpu.memref_slice %arg8[%add3A_240, %dma_start3A_241] : memref<80x250xi32, #tpu.memory_space<vmem>> -> memref<1x250xi32, #tpu.memory_space<vmem>>
      %dma_start3A_243 = tpu.memref_squeeze %dma_start3A_242 : memref<1x250xi32, #tpu.memory_space<vmem>> -> memref<250xi32, #tpu.memory_space<vmem>>
      %dma_start3A_244 = arith.constant 0 : i32
      %dma_start3A_245 = arith.constant 0 : i32
      %dma_start3A_246 = tpu.memref_slice %arg19[%dma_start3A_244, %dma_start3A_245] : memref<10240x16xf32, #tpu.memory_space<vmem_shared>> -> memref<10240x16xf32, #tpu.memory_space<vmem_shared>>
      tpu.enqueue_indirect_dma source(%arg12 : memref<250x16xf32, #tpu.memory_space<vmem>>) target(%dma_start3A_246 : memref<10240x16xf32, #tpu.memory_space<vmem_shared>>) offsets(%dma_start3A_243 : memref<250xi32, #tpu.memory_space<vmem>>) semaphore(%arg31 : memref<!tpu.dma_semaphore, #tpu.memory_space<semaphore_mem>>) {add = true}
      %dma_wait3A_247 = arith.constant 0 : i32
      %dma_wait3A_248 = tpu.memref_slice %arg7[%add3A_129, %dma_wait3A_247] : memref<80x250xi32, #tpu.memory_space<vmem>> -> memref<1x250xi32, #tpu.memory_space<vmem>>
      %dma_wait3A_249 = tpu.memref_squeeze %dma_wait3A_248 : memref<1x250xi32, #tpu.memory_space<vmem>> -> memref<250xi32, #tpu.memory_space<vmem>>
      %dma_wait3A_250 = arith.constant 0 : i32
      %dma_wait3A_251 = arith.constant 0 : i32
      %dma_wait3A_252 = tpu.memref_slice %arg4[%add3A_44, %dma_wait3A_250, %dma_wait3A_251] : memref<8x10000x16xf32, #tpu.memory_space<hbm>> -> memref<1x10000x16xf32, #tpu.memory_space<hbm>>
      %dma_wait3A_253 = tpu.memref_squeeze %dma_wait3A_252 : memref<1x10000x16xf32, #tpu.memory_space<hbm>> -> memref<10000x16xf32, #tpu.memory_space<hbm>>
      %dma_wait3A_254 = arith.constant 0 : i32
      %dma_wait3A_255 = arith.constant 0 : i32
      %dma_wait3A_256 = tpu.memref_slice %dma_wait3A_253[%dma_wait3A_254, %dma_wait3A_255] : memref<10000x16xf32, #tpu.memory_space<hbm>> -> memref<10000x16xf32, #tpu.memory_space<hbm>>
      tpu.wait_indirect_dma semaphore(%arg24 : memref<!tpu.dma_semaphore, #tpu.memory_space<semaphore_mem>>) src(%dma_wait3A_256 : memref<10000x16xf32, #tpu.memory_space<hbm>>) dst(%arg13 : memref<250x16xf32, #tpu.memory_space<vmem>>)
      %add3A_257 = arith.constant 4 : i32
      %add3A_258 = arith.addi %mul3A_80, %add3A_257 : i32
      %dma_start3A_259 = arith.constant 0 : i32
      %dma_start3A_260 = tpu.memref_slice %arg8[%add3A_258, %dma_start3A_259] : memref<80x250xi32, #tpu.memory_space<vmem>> -> memref<1x250xi32, #tpu.memory_space<vmem>>
      %dma_start3A_261 = tpu.memref_squeeze %dma_start3A_260 : memref<1x250xi32, #tpu.memory_space<vmem>> -> memref<250xi32, #tpu.memory_space<vmem>>
      %dma_start3A_262 = arith.constant 0 : i32
      %dma_start3A_263 = arith.constant 0 : i32
      %dma_start3A_264 = tpu.memref_slice %arg19[%dma_start3A_262, %dma_start3A_263] : memref<10240x16xf32, #tpu.memory_space<vmem_shared>> -> memref<10240x16xf32, #tpu.memory_space<vmem_shared>>
      tpu.enqueue_indirect_dma source(%arg13 : memref<250x16xf32, #tpu.memory_space<vmem>>) target(%dma_start3A_264 : memref<10240x16xf32, #tpu.memory_space<vmem_shared>>) offsets(%dma_start3A_261 : memref<250xi32, #tpu.memory_space<vmem>>) semaphore(%arg32 : memref<!tpu.dma_semaphore, #tpu.memory_space<semaphore_mem>>) {add = true}
      %dma_wait3A_265 = arith.constant 0 : i32
      %dma_wait3A_266 = tpu.memref_slice %arg7[%add3A_141, %dma_wait3A_265] : memref<80x250xi32, #tpu.memory_space<vmem>> -> memref<1x250xi32, #tpu.memory_space<vmem>>
      %dma_wait3A_267 = tpu.memref_squeeze %dma_wait3A_266 : memref<1x250xi32, #tpu.memory_space<vmem>> -> memref<250xi32, #tpu.memory_space<vmem>>
      %dma_wait3A_268 = arith.constant 0 : i32
      %dma_wait3A_269 = arith.constant 0 : i32
      %dma_wait3A_270 = tpu.memref_slice %arg4[%add3A_44, %dma_wait3A_268, %dma_wait3A_269] : memref<8x10000x16xf32, #tpu.memory_space<hbm>> -> memref<1x10000x16xf32, #tpu.memory_space<hbm>>
      %dma_wait3A_271 = tpu.memref_squeeze %dma_wait3A_270 : memref<1x10000x16xf32, #tpu.memory_space<hbm>> -> memref<10000x16xf32, #tpu.memory_space<hbm>>
      %dma_wait3A_272 = arith.constant 0 : i32
      %dma_wait3A_273 = arith.constant 0 : i32
      %dma_wait3A_274 = tpu.memref_slice %dma_wait3A_271[%dma_wait3A_272, %dma_wait3A_273] : memref<10000x16xf32, #tpu.memory_space<hbm>> -> memref<10000x16xf32, #tpu.memory_space<hbm>>
      tpu.wait_indirect_dma semaphore(%arg25 : memref<!tpu.dma_semaphore, #tpu.memory_space<semaphore_mem>>) src(%dma_wait3A_274 : memref<10000x16xf32, #tpu.memory_space<hbm>>) dst(%arg14 : memref<250x16xf32, #tpu.memory_space<vmem>>)
      %add3A_275 = arith.constant 5 : i32
      %add3A_276 = arith.addi %mul3A_80, %add3A_275 : i32
      %dma_start3A_277 = arith.constant 0 : i32
      %dma_start3A_278 = tpu.memref_slice %arg8[%add3A_276, %dma_start3A_277] : memref<80x250xi32, #tpu.memory_space<vmem>> -> memref<1x250xi32, #tpu.memory_space<vmem>>
      %dma_start3A_279 = tpu.memref_squeeze %dma_start3A_278 : memref<1x250xi32, #tpu.memory_space<vmem>> -> memref<250xi32, #tpu.memory_space<vmem>>
      %dma_start3A_280 = arith.constant 0 : i32
      %dma_start3A_281 = arith.constant 0 : i32
      %dma_start3A_282 = tpu.memref_slice %arg19[%dma_start3A_280, %dma_start3A_281] : memref<10240x16xf32, #tpu.memory_space<vmem_shared>> -> memref<10240x16xf32, #tpu.memory_space<vmem_shared>>
      tpu.enqueue_indirect_dma source(%arg14 : memref<250x16xf32, #tpu.memory_space<vmem>>) target(%dma_start3A_282 : memref<10240x16xf32, #tpu.memory_space<vmem_shared>>) offsets(%dma_start3A_279 : memref<250xi32, #tpu.memory_space<vmem>>) semaphore(%arg33 : memref<!tpu.dma_semaphore, #tpu.memory_space<semaphore_mem>>) {add = true}
      %dma_wait3A_283 = arith.constant 0 : i32
      %dma_wait3A_284 = tpu.memref_slice %arg7[%add3A_153, %dma_wait3A_283] : memref<80x250xi32, #tpu.memory_space<vmem>> -> memref<1x250xi32, #tpu.memory_space<vmem>>
      %dma_wait3A_285 = tpu.memref_squeeze %dma_wait3A_284 : memref<1x250xi32, #tpu.memory_space<vmem>> -> memref<250xi32, #tpu.memory_space<vmem>>
      %dma_wait3A_286 = arith.constant 0 : i32
      %dma_wait3A_287 = arith.constant 0 : i32
      %dma_wait3A_288 = tpu.memref_slice %arg4[%add3A_44, %dma_wait3A_286, %dma_wait3A_287] : memref<8x10000x16xf32, #tpu.memory_space<hbm>> -> memref<1x10000x16xf32, #tpu.memory_space<hbm>>
      %dma_wait3A_289 = tpu.memref_squeeze %dma_wait3A_288 : memref<1x10000x16xf32, #tpu.memory_space<hbm>> -> memref<10000x16xf32, #tpu.memory_space<hbm>>
      %dma_wait3A_290 = arith.constant 0 : i32
      %dma_wait3A_291 = arith.constant 0 : i32
      %dma_wait3A_292 = tpu.memref_slice %dma_wait3A_289[%dma_wait3A_290, %dma_wait3A_291] : memref<10000x16xf32, #tpu.memory_space<hbm>> -> memref<10000x16xf32, #tpu.memory_space<hbm>>
      tpu.wait_indirect_dma semaphore(%arg26 : memref<!tpu.dma_semaphore, #tpu.memory_space<semaphore_mem>>) src(%dma_wait3A_292 : memref<10000x16xf32, #tpu.memory_space<hbm>>) dst(%arg15 : memref<250x16xf32, #tpu.memory_space<vmem>>)
      %add3A_293 = arith.constant 6 : i32
      %add3A_294 = arith.addi %mul3A_80, %add3A_293 : i32
      %dma_start3A_295 = arith.constant 0 : i32
      %dma_start3A_296 = tpu.memref_slice %arg8[%add3A_294, %dma_start3A_295] : memref<80x250xi32, #tpu.memory_space<vmem>> -> memref<1x250xi32, #tpu.memory_space<vmem>>
      %dma_start3A_297 = tpu.memref_squeeze %dma_start3A_296 : memref<1x250xi32, #tpu.memory_space<vmem>> -> memref<250xi32, #tpu.memory_space<vmem>>
      %dma_start3A_298 = arith.constant 0 : i32
      %dma_start3A_299 = arith.constant 0 : i32
      %dma_start3A_300 = tpu.memref_slice %arg19[%dma_start3A_298, %dma_start3A_299] : memref<10240x16xf32, #tpu.memory_space<vmem_shared>> -> memref<10240x16xf32, #tpu.memory_space<vmem_shared>>
      tpu.enqueue_indirect_dma source(%arg15 : memref<250x16xf32, #tpu.memory_space<vmem>>) target(%dma_start3A_300 : memref<10240x16xf32, #tpu.memory_space<vmem_shared>>) offsets(%dma_start3A_297 : memref<250xi32, #tpu.memory_space<vmem>>) semaphore(%arg34 : memref<!tpu.dma_semaphore, #tpu.memory_space<semaphore_mem>>) {add = true}
      %dma_wait3A_301 = arith.constant 0 : i32
      %dma_wait3A_302 = tpu.memref_slice %arg7[%add3A_165, %dma_wait3A_301] : memref<80x250xi32, #tpu.memory_space<vmem>> -> memref<1x250xi32, #tpu.memory_space<vmem>>
      %dma_wait3A_303 = tpu.memref_squeeze %dma_wait3A_302 : memref<1x250xi32, #tpu.memory_space<vmem>> -> memref<250xi32, #tpu.memory_space<vmem>>
      %dma_wait3A_304 = arith.constant 0 : i32
      %dma_wait3A_305 = arith.constant 0 : i32
      %dma_wait3A_306 = tpu.memref_slice %arg4[%add3A_44, %dma_wait3A_304, %dma_wait3A_305] : memref<8x10000x16xf32, #tpu.memory_space<hbm>> -> memref<1x10000x16xf32, #tpu.memory_space<hbm>>
      %dma_wait3A_307 = tpu.memref_squeeze %dma_wait3A_306 : memref<1x10000x16xf32, #tpu.memory_space<hbm>> -> memref<10000x16xf32, #tpu.memory_space<hbm>>
      %dma_wait3A_308 = arith.constant 0 : i32
      %dma_wait3A_309 = arith.constant 0 : i32
      %dma_wait3A_310 = tpu.memref_slice %dma_wait3A_307[%dma_wait3A_308, %dma_wait3A_309] : memref<10000x16xf32, #tpu.memory_space<hbm>> -> memref<10000x16xf32, #tpu.memory_space<hbm>>
      tpu.wait_indirect_dma semaphore(%arg27 : memref<!tpu.dma_semaphore, #tpu.memory_space<semaphore_mem>>) src(%dma_wait3A_310 : memref<10000x16xf32, #tpu.memory_space<hbm>>) dst(%arg16 : memref<250x16xf32, #tpu.memory_space<vmem>>)
      %add3A_311 = arith.constant 7 : i32
      %add3A_312 = arith.addi %mul3A_80, %add3A_311 : i32
      %dma_start3A_313 = arith.constant 0 : i32
      %dma_start3A_314 = tpu.memref_slice %arg8[%add3A_312, %dma_start3A_313] : memref<80x250xi32, #tpu.memory_space<vmem>> -> memref<1x250xi32, #tpu.memory_space<vmem>>
      %dma_start3A_315 = tpu.memref_squeeze %dma_start3A_314 : memref<1x250xi32, #tpu.memory_space<vmem>> -> memref<250xi32, #tpu.memory_space<vmem>>
      %dma_start3A_316 = arith.constant 0 : i32
      %dma_start3A_317 = arith.constant 0 : i32
      %dma_start3A_318 = tpu.memref_slice %arg19[%dma_start3A_316, %dma_start3A_317] : memref<10240x16xf32, #tpu.memory_space<vmem_shared>> -> memref<10240x16xf32, #tpu.memory_space<vmem_shared>>
      tpu.enqueue_indirect_dma source(%arg16 : memref<250x16xf32, #tpu.memory_space<vmem>>) target(%dma_start3A_318 : memref<10240x16xf32, #tpu.memory_space<vmem_shared>>) offsets(%dma_start3A_315 : memref<250xi32, #tpu.memory_space<vmem>>) semaphore(%arg35 : memref<!tpu.dma_semaphore, #tpu.memory_space<semaphore_mem>>) {add = true}
      %dma_wait3A_319 = arith.constant 0 : i32
      %dma_wait3A_320 = tpu.memref_slice %arg8[%add3A_186, %dma_wait3A_319] : memref<80x250xi32, #tpu.memory_space<vmem>> -> memref<1x250xi32, #tpu.memory_space<vmem>>
      %dma_wait3A_321 = tpu.memref_squeeze %dma_wait3A_320 : memref<1x250xi32, #tpu.memory_space<vmem>> -> memref<250xi32, #tpu.memory_space<vmem>>
      %dma_wait3A_322 = arith.constant 0 : i32
      %dma_wait3A_323 = arith.constant 0 : i32
      %dma_wait3A_324 = tpu.memref_slice %arg19[%dma_wait3A_322, %dma_wait3A_323] : memref<10240x16xf32, #tpu.memory_space<vmem_shared>> -> memref<10240x16xf32, #tpu.memory_space<vmem_shared>>
      tpu.wait_indirect_dma semaphore(%arg28 : memref<!tpu.dma_semaphore, #tpu.memory_space<semaphore_mem>>) src(%arg9 : memref<250x16xf32, #tpu.memory_space<vmem>>) dst(%dma_wait3A_324 : memref<10240x16xf32, #tpu.memory_space<vmem_shared>>)
      %dma_wait3A_325 = arith.constant 0 : i32
      %dma_wait3A_326 = tpu.memref_slice %arg8[%add3A_204, %dma_wait3A_325] : memref<80x250xi32, #tpu.memory_space<vmem>> -> memref<1x250xi32, #tpu.memory_space<vmem>>
      %dma_wait3A_327 = tpu.memref_squeeze %dma_wait3A_326 : memref<1x250xi32, #tpu.memory_space<vmem>> -> memref<250xi32, #tpu.memory_space<vmem>>
      %dma_wait3A_328 = arith.constant 0 : i32
      %dma_wait3A_329 = arith.constant 0 : i32
      %dma_wait3A_330 = tpu.memref_slice %arg19[%dma_wait3A_328, %dma_wait3A_329] : memref<10240x16xf32, #tpu.memory_space<vmem_shared>> -> memref<10240x16xf32, #tpu.memory_space<vmem_shared>>
      tpu.wait_indirect_dma semaphore(%arg29 : memref<!tpu.dma_semaphore, #tpu.memory_space<semaphore_mem>>) src(%arg10 : memref<250x16xf32, #tpu.memory_space<vmem>>) dst(%dma_wait3A_330 : memref<10240x16xf32, #tpu.memory_space<vmem_shared>>)
      %dma_wait3A_331 = arith.constant 0 : i32
      %dma_wait3A_332 = tpu.memref_slice %arg8[%add3A_222, %dma_wait3A_331] : memref<80x250xi32, #tpu.memory_space<vmem>> -> memref<1x250xi32, #tpu.memory_space<vmem>>
      %dma_wait3A_333 = tpu.memref_squeeze %dma_wait3A_332 : memref<1x250xi32, #tpu.memory_space<vmem>> -> memref<250xi32, #tpu.memory_space<vmem>>
      %dma_wait3A_334 = arith.constant 0 : i32
      %dma_wait3A_335 = arith.constant 0 : i32
      %dma_wait3A_336 = tpu.memref_slice %arg19[%dma_wait3A_334, %dma_wait3A_335] : memref<10240x16xf32, #tpu.memory_space<vmem_shared>> -> memref<10240x16xf32, #tpu.memory_space<vmem_shared>>
      tpu.wait_indirect_dma semaphore(%arg30 : memref<!tpu.dma_semaphore, #tpu.memory_space<semaphore_mem>>) src(%arg11 : memref<250x16xf32, #tpu.memory_space<vmem>>) dst(%dma_wait3A_336 : memref<10240x16xf32, #tpu.memory_space<vmem_shared>>)
      %dma_wait3A_337 = arith.constant 0 : i32
      %dma_wait3A_338 = tpu.memref_slice %arg8[%add3A_240, %dma_wait3A_337] : memref<80x250xi32, #tpu.memory_space<vmem>> -> memref<1x250xi32, #tpu.memory_space<vmem>>
      %dma_wait3A_339 = tpu.memref_squeeze %dma_wait3A_338 : memref<1x250xi32, #tpu.memory_space<vmem>> -> memref<250xi32, #tpu.memory_space<vmem>>
      %dma_wait3A_340 = arith.constant 0 : i32
      %dma_wait3A_341 = arith.constant 0 : i32
      %dma_wait3A_342 = tpu.memref_slice %arg19[%dma_wait3A_340, %dma_wait3A_341] : memref<10240x16xf32, #tpu.memory_space<vmem_shared>> -> memref<10240x16xf32, #tpu.memory_space<vmem_shared>>
      tpu.wait_indirect_dma semaphore(%arg31 : memref<!tpu.dma_semaphore, #tpu.memory_space<semaphore_mem>>) src(%arg12 : memref<250x16xf32, #tpu.memory_space<vmem>>) dst(%dma_wait3A_342 : memref<10240x16xf32, #tpu.memory_space<vmem_shared>>)
      %dma_wait3A_343 = arith.constant 0 : i32
      %dma_wait3A_344 = tpu.memref_slice %arg8[%add3A_258, %dma_wait3A_343] : memref<80x250xi32, #tpu.memory_space<vmem>> -> memref<1x250xi32, #tpu.memory_space<vmem>>
      %dma_wait3A_345 = tpu.memref_squeeze %dma_wait3A_344 : memref<1x250xi32, #tpu.memory_space<vmem>> -> memref<250xi32, #tpu.memory_space<vmem>>
      %dma_wait3A_346 = arith.constant 0 : i32
      %dma_wait3A_347 = arith.constant 0 : i32
      %dma_wait3A_348 = tpu.memref_slice %arg19[%dma_wait3A_346, %dma_wait3A_347] : memref<10240x16xf32, #tpu.memory_space<vmem_shared>> -> memref<10240x16xf32, #tpu.memory_space<vmem_shared>>
      tpu.wait_indirect_dma semaphore(%arg32 : memref<!tpu.dma_semaphore, #tpu.memory_space<semaphore_mem>>) src(%arg13 : memref<250x16xf32, #tpu.memory_space<vmem>>) dst(%dma_wait3A_348 : memref<10240x16xf32, #tpu.memory_space<vmem_shared>>)
      %dma_wait3A_349 = arith.constant 0 : i32
      %dma_wait3A_350 = tpu.memref_slice %arg8[%add3A_276, %dma_wait3A_349] : memref<80x250xi32, #tpu.memory_space<vmem>> -> memref<1x250xi32, #tpu.memory_space<vmem>>
      %dma_wait3A_351 = tpu.memref_squeeze %dma_wait3A_350 : memref<1x250xi32, #tpu.memory_space<vmem>> -> memref<250xi32, #tpu.memory_space<vmem>>
      %dma_wait3A_352 = arith.constant 0 : i32
      %dma_wait3A_353 = arith.constant 0 : i32
      %dma_wait3A_354 = tpu.memref_slice %arg19[%dma_wait3A_352, %dma_wait3A_353] : memref<10240x16xf32, #tpu.memory_space<vmem_shared>> -> memref<10240x16xf32, #tpu.memory_space<vmem_shared>>
      tpu.wait_indirect_dma semaphore(%arg33 : memref<!tpu.dma_semaphore, #tpu.memory_space<semaphore_mem>>) src(%arg14 : memref<250x16xf32, #tpu.memory_space<vmem>>) dst(%dma_wait3A_354 : memref<10240x16xf32, #tpu.memory_space<vmem_shared>>)
      %dma_wait3A_355 = arith.constant 0 : i32
      %dma_wait3A_356 = tpu.memref_slice %arg8[%add3A_294, %dma_wait3A_355] : memref<80x250xi32, #tpu.memory_space<vmem>> -> memref<1x250xi32, #tpu.memory_space<vmem>>
      %dma_wait3A_357 = tpu.memref_squeeze %dma_wait3A_356 : memref<1x250xi32, #tpu.memory_space<vmem>> -> memref<250xi32, #tpu.memory_space<vmem>>
      %dma_wait3A_358 = arith.constant 0 : i32
      %dma_wait3A_359 = arith.constant 0 : i32
      %dma_wait3A_360 = tpu.memref_slice %arg19[%dma_wait3A_358, %dma_wait3A_359] : memref<10240x16xf32, #tpu.memory_space<vmem_shared>> -> memref<10240x16xf32, #tpu.memory_space<vmem_shared>>
      tpu.wait_indirect_dma semaphore(%arg34 : memref<!tpu.dma_semaphore, #tpu.memory_space<semaphore_mem>>) src(%arg15 : memref<250x16xf32, #tpu.memory_space<vmem>>) dst(%dma_wait3A_360 : memref<10240x16xf32, #tpu.memory_space<vmem_shared>>)
      %dma_wait3A_361 = arith.constant 0 : i32
      %dma_wait3A_362 = tpu.memref_slice %arg8[%add3A_312, %dma_wait3A_361] : memref<80x250xi32, #tpu.memory_space<vmem>> -> memref<1x250xi32, #tpu.memory_space<vmem>>
      %dma_wait3A_363 = tpu.memref_squeeze %dma_wait3A_362 : memref<1x250xi32, #tpu.memory_space<vmem>> -> memref<250xi32, #tpu.memory_space<vmem>>
      %dma_wait3A_364 = arith.constant 0 : i32
      %dma_wait3A_365 = arith.constant 0 : i32
      %dma_wait3A_366 = tpu.memref_slice %arg19[%dma_wait3A_364, %dma_wait3A_365] : memref<10240x16xf32, #tpu.memory_space<vmem_shared>> -> memref<10240x16xf32, #tpu.memory_space<vmem_shared>>
      tpu.wait_indirect_dma semaphore(%arg35 : memref<!tpu.dma_semaphore, #tpu.memory_space<semaphore_mem>>) src(%arg16 : memref<250x16xf32, #tpu.memory_space<vmem>>) dst(%dma_wait3A_366 : memref<10240x16xf32, #tpu.memory_space<vmem_shared>>)
    }
    %scan3A_51 = arith.constant 10 : i32
    %barrier3A_52 = arith.constant 0 : index
    tpu.barrier barrier_id(%barrier3A_52)
    "tpu.region"() ({
      %run_scoped3A = tpu.sem_alloc : memref<!tpu.dma_semaphore, #tpu.memory_space<semaphore_mem>>
      %dma_start3A = arith.constant 0 : i32
      %dma_start3A_78 = tpu.memref_slice %arg5[%add3A_44, %mul3A_14, %dma_start3A] : memref<8x10240x16xf32, #tpu.memory_space<hbm>> -> memref<1x640x16xf32, #tpu.memory_space<hbm>>
      %dma_start3A_79 = tpu.memref_squeeze %dma_start3A_78 : memref<1x640x16xf32, #tpu.memory_space<hbm>> -> memref<640x16xf32, #tpu.memory_space<hbm>>
      %dma_start3A_80 = arith.constant 0 : i32
      %dma_start3A_81 = tpu.memref_slice %arg19[%mul3A_14, %dma_start3A_80] : memref<10240x16xf32, #tpu.memory_space<vmem_shared>> -> memref<640x16xf32, #tpu.memory_space<vmem_shared>>
      tpu.enqueue_dma source(%dma_start3A_81 : memref<640x16xf32, #tpu.memory_space<vmem_shared>>) target(%dma_start3A_79 : memref<640x16xf32, #tpu.memory_space<hbm>>) target_semaphore(%run_scoped3A : memref<!tpu.dma_semaphore, #tpu.memory_space<semaphore_mem>>)
      %dma_wait3A = arith.constant 0 : i32
      %dma_wait3A_82 = tpu.memref_slice %arg5[%add3A_44, %mul3A_14, %dma_wait3A] : memref<8x10240x16xf32, #tpu.memory_space<hbm>> -> memref<1x640x16xf32, #tpu.memory_space<hbm>>
      %dma_wait3A_83 = tpu.memref_squeeze %dma_wait3A_82 : memref<1x640x16xf32, #tpu.memory_space<hbm>> -> memref<640x16xf32, #tpu.memory_space<hbm>>
      %dma_wait3A_84 = arith.constant 0 : i32
      %dma_wait3A_85 = tpu.memref_slice %arg19[%mul3A_14, %dma_wait3A_84] : memref<10240x16xf32, #tpu.memory_space<vmem_shared>> -> memref<640x16xf32, #tpu.memory_space<vmem_shared>>
      tpu.wait_dma2 semaphore(%run_scoped3A : memref<!tpu.dma_semaphore, #tpu.memory_space<semaphore_mem>>) src(%dma_wait3A_85 : memref<640x16xf32, #tpu.memory_space<vmem_shared>>) dst(%dma_wait3A_83 : memref<640x16xf32, #tpu.memory_space<hbm>>)
      tpu.yield
    }) : () -> ()
    %mul3A_53 = arith.constant 4 : i32
    %mul3A_54 = arith.muli %arg0, %mul3A_53 : i32
    %add3A_55 = arith.constant 3 : i32
    %add3A_56 = arith.addi %mul3A_54, %add3A_55 : i32
    "tpu.region"() ({
      %run_scoped3A = tpu.sem_alloc : memref<!tpu.dma_semaphore, #tpu.memory_space<semaphore_mem>>
      %dma_start3A = arith.constant 0 : i32
      %dma_start3A_78 = tpu.memref_slice %arg19[%mul3A_14, %dma_start3A] : memref<10240x16xf32, #tpu.memory_space<vmem_shared>> -> memref<640x16xf32, #tpu.memory_space<vmem_shared>>
      %dma_start3A_79 = arith.constant 0 : i32
      %dma_start3A_80 = tpu.memref_slice %arg19[%mul3A_14, %dma_start3A_79] : memref<10240x16xf32, #tpu.memory_space<vmem_shared>> -> memref<640x16xf32, #tpu.memory_space<vmem_shared>>
      tpu.enqueue_dma source(%arg18 : memref<640x16xf32, #tpu.memory_space<vmem>>) target(%dma_start3A_80 : memref<640x16xf32, #tpu.memory_space<vmem_shared>>) target_semaphore(%run_scoped3A : memref<!tpu.dma_semaphore, #tpu.memory_space<semaphore_mem>>)
      %dma_wait3A = arith.constant 0 : i32
      %dma_wait3A_81 = tpu.memref_slice %arg19[%mul3A_14, %dma_wait3A] : memref<10240x16xf32, #tpu.memory_space<vmem_shared>> -> memref<640x16xf32, #tpu.memory_space<vmem_shared>>
      %dma_wait3A_82 = arith.constant 0 : i32
      %dma_wait3A_83 = tpu.memref_slice %arg19[%mul3A_14, %dma_wait3A_82] : memref<10240x16xf32, #tpu.memory_space<vmem_shared>> -> memref<640x16xf32, #tpu.memory_space<vmem_shared>>
      tpu.wait_dma2 semaphore(%run_scoped3A : memref<!tpu.dma_semaphore, #tpu.memory_space<semaphore_mem>>) src(%arg18 : memref<640x16xf32, #tpu.memory_space<vmem>>) dst(%dma_wait3A_83 : memref<640x16xf32, #tpu.memory_space<vmem_shared>>)
      tpu.yield
    }) : () -> ()
    %barrier3A_57 = arith.constant 0 : index
    tpu.barrier barrier_id(%barrier3A_57)
    %scan3A_58 = arith.constant 0 : i32
    %scan3A_59 = arith.constant 0 : i32
    %scan3A_60 = arith.constant 10 : i32
    %scan3A_61 = arith.addi %scan3A_59, %scan3A_60 : i32
    %scan3A_62 = arith.constant 1 : i32
    scf.for %scan3A_78 = %scan3A_59 to %scan3A_61 step %scan3A_62  : i32 {
      %mul3A_79 = arith.constant 8 : i32
      %mul3A_80 = arith.muli %scan3A_78, %mul3A_79 : i32
      %add3A_81 = arith.constant 0 : i32
      %add3A_82 = arith.addi %mul3A_80, %add3A_81 : i32
      %dma_start3A = arith.constant 0 : i32
      %dma_start3A_83 = tpu.memref_slice %arg7[%add3A_82, %dma_start3A] : memref<80x250xi32, #tpu.memory_space<vmem>> -> memref<1x250xi32, #tpu.memory_space<vmem>>
      %dma_start3A_84 = tpu.memref_squeeze %dma_start3A_83 : memref<1x250xi32, #tpu.memory_space<vmem>> -> memref<250xi32, #tpu.memory_space<vmem>>
      %dma_start3A_85 = arith.constant 0 : i32
      %dma_start3A_86 = arith.constant 0 : i32
      %dma_start3A_87 = tpu.memref_slice %arg4[%add3A_56, %dma_start3A_85, %dma_start3A_86] : memref<8x10000x16xf32, #tpu.memory_space<hbm>> -> memref<1x10000x16xf32, #tpu.memory_space<hbm>>
      %dma_start3A_88 = tpu.memref_squeeze %dma_start3A_87 : memref<1x10000x16xf32, #tpu.memory_space<hbm>> -> memref<10000x16xf32, #tpu.memory_space<hbm>>
      %dma_start3A_89 = arith.constant 0 : i32
      %dma_start3A_90 = arith.constant 0 : i32
      %dma_start3A_91 = tpu.memref_slice %dma_start3A_88[%dma_start3A_89, %dma_start3A_90] : memref<10000x16xf32, #tpu.memory_space<hbm>> -> memref<10000x16xf32, #tpu.memory_space<hbm>>
      tpu.enqueue_indirect_dma source(%dma_start3A_91 : memref<10000x16xf32, #tpu.memory_space<hbm>>) target(%arg9 : memref<250x16xf32, #tpu.memory_space<vmem>>) offsets(%dma_start3A_84 : memref<250xi32, #tpu.memory_space<vmem>>) semaphore(%arg20 : memref<!tpu.dma_semaphore, #tpu.memory_space<semaphore_mem>>)
      %add3A_92 = arith.constant 1 : i32
      %add3A_93 = arith.addi %mul3A_80, %add3A_92 : i32
      %dma_start3A_94 = arith.constant 0 : i32
      %dma_start3A_95 = tpu.memref_slice %arg7[%add3A_93, %dma_start3A_94] : memref<80x250xi32, #tpu.memory_space<vmem>> -> memref<1x250xi32, #tpu.memory_space<vmem>>
      %dma_start3A_96 = tpu.memref_squeeze %dma_start3A_95 : memref<1x250xi32, #tpu.memory_space<vmem>> -> memref<250xi32, #tpu.memory_space<vmem>>
      %dma_start3A_97 = arith.constant 0 : i32
      %dma_start3A_98 = arith.constant 0 : i32
      %dma_start3A_99 = tpu.memref_slice %arg4[%add3A_56, %dma_start3A_97, %dma_start3A_98] : memref<8x10000x16xf32, #tpu.memory_space<hbm>> -> memref<1x10000x16xf32, #tpu.memory_space<hbm>>
      %dma_start3A_100 = tpu.memref_squeeze %dma_start3A_99 : memref<1x10000x16xf32, #tpu.memory_space<hbm>> -> memref<10000x16xf32, #tpu.memory_space<hbm>>
      %dma_start3A_101 = arith.constant 0 : i32
      %dma_start3A_102 = arith.constant 0 : i32
      %dma_start3A_103 = tpu.memref_slice %dma_start3A_100[%dma_start3A_101, %dma_start3A_102] : memref<10000x16xf32, #tpu.memory_space<hbm>> -> memref<10000x16xf32, #tpu.memory_space<hbm>>
      tpu.enqueue_indirect_dma source(%dma_start3A_103 : memref<10000x16xf32, #tpu.memory_space<hbm>>) target(%arg10 : memref<250x16xf32, #tpu.memory_space<vmem>>) offsets(%dma_start3A_96 : memref<250xi32, #tpu.memory_space<vmem>>) semaphore(%arg21 : memref<!tpu.dma_semaphore, #tpu.memory_space<semaphore_mem>>)
      %add3A_104 = arith.constant 2 : i32
      %add3A_105 = arith.addi %mul3A_80, %add3A_104 : i32
      %dma_start3A_106 = arith.constant 0 : i32
      %dma_start3A_107 = tpu.memref_slice %arg7[%add3A_105, %dma_start3A_106] : memref<80x250xi32, #tpu.memory_space<vmem>> -> memref<1x250xi32, #tpu.memory_space<vmem>>
      %dma_start3A_108 = tpu.memref_squeeze %dma_start3A_107 : memref<1x250xi32, #tpu.memory_space<vmem>> -> memref<250xi32, #tpu.memory_space<vmem>>
      %dma_start3A_109 = arith.constant 0 : i32
      %dma_start3A_110 = arith.constant 0 : i32
      %dma_start3A_111 = tpu.memref_slice %arg4[%add3A_56, %dma_start3A_109, %dma_start3A_110] : memref<8x10000x16xf32, #tpu.memory_space<hbm>> -> memref<1x10000x16xf32, #tpu.memory_space<hbm>>
      %dma_start3A_112 = tpu.memref_squeeze %dma_start3A_111 : memref<1x10000x16xf32, #tpu.memory_space<hbm>> -> memref<10000x16xf32, #tpu.memory_space<hbm>>
      %dma_start3A_113 = arith.constant 0 : i32
      %dma_start3A_114 = arith.constant 0 : i32
      %dma_start3A_115 = tpu.memref_slice %dma_start3A_112[%dma_start3A_113, %dma_start3A_114] : memref<10000x16xf32, #tpu.memory_space<hbm>> -> memref<10000x16xf32, #tpu.memory_space<hbm>>
      tpu.enqueue_indirect_dma source(%dma_start3A_115 : memref<10000x16xf32, #tpu.memory_space<hbm>>) target(%arg11 : memref<250x16xf32, #tpu.memory_space<vmem>>) offsets(%dma_start3A_108 : memref<250xi32, #tpu.memory_space<vmem>>) semaphore(%arg22 : memref<!tpu.dma_semaphore, #tpu.memory_space<semaphore_mem>>)
      %add3A_116 = arith.constant 3 : i32
      %add3A_117 = arith.addi %mul3A_80, %add3A_116 : i32
      %dma_start3A_118 = arith.constant 0 : i32
      %dma_start3A_119 = tpu.memref_slice %arg7[%add3A_117, %dma_start3A_118] : memref<80x250xi32, #tpu.memory_space<vmem>> -> memref<1x250xi32, #tpu.memory_space<vmem>>
      %dma_start3A_120 = tpu.memref_squeeze %dma_start3A_119 : memref<1x250xi32, #tpu.memory_space<vmem>> -> memref<250xi32, #tpu.memory_space<vmem>>
      %dma_start3A_121 = arith.constant 0 : i32
      %dma_start3A_122 = arith.constant 0 : i32
      %dma_start3A_123 = tpu.memref_slice %arg4[%add3A_56, %dma_start3A_121, %dma_start3A_122] : memref<8x10000x16xf32, #tpu.memory_space<hbm>> -> memref<1x10000x16xf32, #tpu.memory_space<hbm>>
      %dma_start3A_124 = tpu.memref_squeeze %dma_start3A_123 : memref<1x10000x16xf32, #tpu.memory_space<hbm>> -> memref<10000x16xf32, #tpu.memory_space<hbm>>
      %dma_start3A_125 = arith.constant 0 : i32
      %dma_start3A_126 = arith.constant 0 : i32
      %dma_start3A_127 = tpu.memref_slice %dma_start3A_124[%dma_start3A_125, %dma_start3A_126] : memref<10000x16xf32, #tpu.memory_space<hbm>> -> memref<10000x16xf32, #tpu.memory_space<hbm>>
      tpu.enqueue_indirect_dma source(%dma_start3A_127 : memref<10000x16xf32, #tpu.memory_space<hbm>>) target(%arg12 : memref<250x16xf32, #tpu.memory_space<vmem>>) offsets(%dma_start3A_120 : memref<250xi32, #tpu.memory_space<vmem>>) semaphore(%arg23 : memref<!tpu.dma_semaphore, #tpu.memory_space<semaphore_mem>>)
      %add3A_128 = arith.constant 4 : i32
      %add3A_129 = arith.addi %mul3A_80, %add3A_128 : i32
      %dma_start3A_130 = arith.constant 0 : i32
      %dma_start3A_131 = tpu.memref_slice %arg7[%add3A_129, %dma_start3A_130] : memref<80x250xi32, #tpu.memory_space<vmem>> -> memref<1x250xi32, #tpu.memory_space<vmem>>
      %dma_start3A_132 = tpu.memref_squeeze %dma_start3A_131 : memref<1x250xi32, #tpu.memory_space<vmem>> -> memref<250xi32, #tpu.memory_space<vmem>>
      %dma_start3A_133 = arith.constant 0 : i32
      %dma_start3A_134 = arith.constant 0 : i32
      %dma_start3A_135 = tpu.memref_slice %arg4[%add3A_56, %dma_start3A_133, %dma_start3A_134] : memref<8x10000x16xf32, #tpu.memory_space<hbm>> -> memref<1x10000x16xf32, #tpu.memory_space<hbm>>
      %dma_start3A_136 = tpu.memref_squeeze %dma_start3A_135 : memref<1x10000x16xf32, #tpu.memory_space<hbm>> -> memref<10000x16xf32, #tpu.memory_space<hbm>>
      %dma_start3A_137 = arith.constant 0 : i32
      %dma_start3A_138 = arith.constant 0 : i32
      %dma_start3A_139 = tpu.memref_slice %dma_start3A_136[%dma_start3A_137, %dma_start3A_138] : memref<10000x16xf32, #tpu.memory_space<hbm>> -> memref<10000x16xf32, #tpu.memory_space<hbm>>
      tpu.enqueue_indirect_dma source(%dma_start3A_139 : memref<10000x16xf32, #tpu.memory_space<hbm>>) target(%arg13 : memref<250x16xf32, #tpu.memory_space<vmem>>) offsets(%dma_start3A_132 : memref<250xi32, #tpu.memory_space<vmem>>) semaphore(%arg24 : memref<!tpu.dma_semaphore, #tpu.memory_space<semaphore_mem>>)
      %add3A_140 = arith.constant 5 : i32
      %add3A_141 = arith.addi %mul3A_80, %add3A_140 : i32
      %dma_start3A_142 = arith.constant 0 : i32
      %dma_start3A_143 = tpu.memref_slice %arg7[%add3A_141, %dma_start3A_142] : memref<80x250xi32, #tpu.memory_space<vmem>> -> memref<1x250xi32, #tpu.memory_space<vmem>>
      %dma_start3A_144 = tpu.memref_squeeze %dma_start3A_143 : memref<1x250xi32, #tpu.memory_space<vmem>> -> memref<250xi32, #tpu.memory_space<vmem>>
      %dma_start3A_145 = arith.constant 0 : i32
      %dma_start3A_146 = arith.constant 0 : i32
      %dma_start3A_147 = tpu.memref_slice %arg4[%add3A_56, %dma_start3A_145, %dma_start3A_146] : memref<8x10000x16xf32, #tpu.memory_space<hbm>> -> memref<1x10000x16xf32, #tpu.memory_space<hbm>>
      %dma_start3A_148 = tpu.memref_squeeze %dma_start3A_147 : memref<1x10000x16xf32, #tpu.memory_space<hbm>> -> memref<10000x16xf32, #tpu.memory_space<hbm>>
      %dma_start3A_149 = arith.constant 0 : i32
      %dma_start3A_150 = arith.constant 0 : i32
      %dma_start3A_151 = tpu.memref_slice %dma_start3A_148[%dma_start3A_149, %dma_start3A_150] : memref<10000x16xf32, #tpu.memory_space<hbm>> -> memref<10000x16xf32, #tpu.memory_space<hbm>>
      tpu.enqueue_indirect_dma source(%dma_start3A_151 : memref<10000x16xf32, #tpu.memory_space<hbm>>) target(%arg14 : memref<250x16xf32, #tpu.memory_space<vmem>>) offsets(%dma_start3A_144 : memref<250xi32, #tpu.memory_space<vmem>>) semaphore(%arg25 : memref<!tpu.dma_semaphore, #tpu.memory_space<semaphore_mem>>)
      %add3A_152 = arith.constant 6 : i32
      %add3A_153 = arith.addi %mul3A_80, %add3A_152 : i32
      %dma_start3A_154 = arith.constant 0 : i32
      %dma_start3A_155 = tpu.memref_slice %arg7[%add3A_153, %dma_start3A_154] : memref<80x250xi32, #tpu.memory_space<vmem>> -> memref<1x250xi32, #tpu.memory_space<vmem>>
      %dma_start3A_156 = tpu.memref_squeeze %dma_start3A_155 : memref<1x250xi32, #tpu.memory_space<vmem>> -> memref<250xi32, #tpu.memory_space<vmem>>
      %dma_start3A_157 = arith.constant 0 : i32
      %dma_start3A_158 = arith.constant 0 : i32
      %dma_start3A_159 = tpu.memref_slice %arg4[%add3A_56, %dma_start3A_157, %dma_start3A_158] : memref<8x10000x16xf32, #tpu.memory_space<hbm>> -> memref<1x10000x16xf32, #tpu.memory_space<hbm>>
      %dma_start3A_160 = tpu.memref_squeeze %dma_start3A_159 : memref<1x10000x16xf32, #tpu.memory_space<hbm>> -> memref<10000x16xf32, #tpu.memory_space<hbm>>
      %dma_start3A_161 = arith.constant 0 : i32
      %dma_start3A_162 = arith.constant 0 : i32
      %dma_start3A_163 = tpu.memref_slice %dma_start3A_160[%dma_start3A_161, %dma_start3A_162] : memref<10000x16xf32, #tpu.memory_space<hbm>> -> memref<10000x16xf32, #tpu.memory_space<hbm>>
      tpu.enqueue_indirect_dma source(%dma_start3A_163 : memref<10000x16xf32, #tpu.memory_space<hbm>>) target(%arg15 : memref<250x16xf32, #tpu.memory_space<vmem>>) offsets(%dma_start3A_156 : memref<250xi32, #tpu.memory_space<vmem>>) semaphore(%arg26 : memref<!tpu.dma_semaphore, #tpu.memory_space<semaphore_mem>>)
      %add3A_164 = arith.constant 7 : i32
      %add3A_165 = arith.addi %mul3A_80, %add3A_164 : i32
      %dma_start3A_166 = arith.constant 0 : i32
      %dma_start3A_167 = tpu.memref_slice %arg7[%add3A_165, %dma_start3A_166] : memref<80x250xi32, #tpu.memory_space<vmem>> -> memref<1x250xi32, #tpu.memory_space<vmem>>
      %dma_start3A_168 = tpu.memref_squeeze %dma_start3A_167 : memref<1x250xi32, #tpu.memory_space<vmem>> -> memref<250xi32, #tpu.memory_space<vmem>>
      %dma_start3A_169 = arith.constant 0 : i32
      %dma_start3A_170 = arith.constant 0 : i32
      %dma_start3A_171 = tpu.memref_slice %arg4[%add3A_56, %dma_start3A_169, %dma_start3A_170] : memref<8x10000x16xf32, #tpu.memory_space<hbm>> -> memref<1x10000x16xf32, #tpu.memory_space<hbm>>
      %dma_start3A_172 = tpu.memref_squeeze %dma_start3A_171 : memref<1x10000x16xf32, #tpu.memory_space<hbm>> -> memref<10000x16xf32, #tpu.memory_space<hbm>>
      %dma_start3A_173 = arith.constant 0 : i32
      %dma_start3A_174 = arith.constant 0 : i32
      %dma_start3A_175 = tpu.memref_slice %dma_start3A_172[%dma_start3A_173, %dma_start3A_174] : memref<10000x16xf32, #tpu.memory_space<hbm>> -> memref<10000x16xf32, #tpu.memory_space<hbm>>
      tpu.enqueue_indirect_dma source(%dma_start3A_175 : memref<10000x16xf32, #tpu.memory_space<hbm>>) target(%arg16 : memref<250x16xf32, #tpu.memory_space<vmem>>) offsets(%dma_start3A_168 : memref<250xi32, #tpu.memory_space<vmem>>) semaphore(%arg27 : memref<!tpu.dma_semaphore, #tpu.memory_space<semaphore_mem>>)
      %dma_wait3A = arith.constant 0 : i32
      %dma_wait3A_176 = tpu.memref_slice %arg7[%add3A_82, %dma_wait3A] : memref<80x250xi32, #tpu.memory_space<vmem>> -> memref<1x250xi32, #tpu.memory_space<vmem>>
      %dma_wait3A_177 = tpu.memref_squeeze %dma_wait3A_176 : memref<1x250xi32, #tpu.memory_space<vmem>> -> memref<250xi32, #tpu.memory_space<vmem>>
      %dma_wait3A_178 = arith.constant 0 : i32
      %dma_wait3A_179 = arith.constant 0 : i32
      %dma_wait3A_180 = tpu.memref_slice %arg4[%add3A_56, %dma_wait3A_178, %dma_wait3A_179] : memref<8x10000x16xf32, #tpu.memory_space<hbm>> -> memref<1x10000x16xf32, #tpu.memory_space<hbm>>
      %dma_wait3A_181 = tpu.memref_squeeze %dma_wait3A_180 : memref<1x10000x16xf32, #tpu.memory_space<hbm>> -> memref<10000x16xf32, #tpu.memory_space<hbm>>
      %dma_wait3A_182 = arith.constant 0 : i32
      %dma_wait3A_183 = arith.constant 0 : i32
      %dma_wait3A_184 = tpu.memref_slice %dma_wait3A_181[%dma_wait3A_182, %dma_wait3A_183] : memref<10000x16xf32, #tpu.memory_space<hbm>> -> memref<10000x16xf32, #tpu.memory_space<hbm>>
      tpu.wait_indirect_dma semaphore(%arg20 : memref<!tpu.dma_semaphore, #tpu.memory_space<semaphore_mem>>) src(%dma_wait3A_184 : memref<10000x16xf32, #tpu.memory_space<hbm>>) dst(%arg9 : memref<250x16xf32, #tpu.memory_space<vmem>>)
      %add3A_185 = arith.constant 0 : i32
      %add3A_186 = arith.addi %mul3A_80, %add3A_185 : i32
      %dma_start3A_187 = arith.constant 0 : i32
      %dma_start3A_188 = tpu.memref_slice %arg8[%add3A_186, %dma_start3A_187] : memref<80x250xi32, #tpu.memory_space<vmem>> -> memref<1x250xi32, #tpu.memory_space<vmem>>
      %dma_start3A_189 = tpu.memref_squeeze %dma_start3A_188 : memref<1x250xi32, #tpu.memory_space<vmem>> -> memref<250xi32, #tpu.memory_space<vmem>>
      %dma_start3A_190 = arith.constant 0 : i32
      %dma_start3A_191 = arith.constant 0 : i32
      %dma_start3A_192 = tpu.memref_slice %arg19[%dma_start3A_190, %dma_start3A_191] : memref<10240x16xf32, #tpu.memory_space<vmem_shared>> -> memref<10240x16xf32, #tpu.memory_space<vmem_shared>>
      tpu.enqueue_indirect_dma source(%arg9 : memref<250x16xf32, #tpu.memory_space<vmem>>) target(%dma_start3A_192 : memref<10240x16xf32, #tpu.memory_space<vmem_shared>>) offsets(%dma_start3A_189 : memref<250xi32, #tpu.memory_space<vmem>>) semaphore(%arg28 : memref<!tpu.dma_semaphore, #tpu.memory_space<semaphore_mem>>) {add = true}
      %dma_wait3A_193 = arith.constant 0 : i32
      %dma_wait3A_194 = tpu.memref_slice %arg7[%add3A_93, %dma_wait3A_193] : memref<80x250xi32, #tpu.memory_space<vmem>> -> memref<1x250xi32, #tpu.memory_space<vmem>>
      %dma_wait3A_195 = tpu.memref_squeeze %dma_wait3A_194 : memref<1x250xi32, #tpu.memory_space<vmem>> -> memref<250xi32, #tpu.memory_space<vmem>>
      %dma_wait3A_196 = arith.constant 0 : i32
      %dma_wait3A_197 = arith.constant 0 : i32
      %dma_wait3A_198 = tpu.memref_slice %arg4[%add3A_56, %dma_wait3A_196, %dma_wait3A_197] : memref<8x10000x16xf32, #tpu.memory_space<hbm>> -> memref<1x10000x16xf32, #tpu.memory_space<hbm>>
      %dma_wait3A_199 = tpu.memref_squeeze %dma_wait3A_198 : memref<1x10000x16xf32, #tpu.memory_space<hbm>> -> memref<10000x16xf32, #tpu.memory_space<hbm>>
      %dma_wait3A_200 = arith.constant 0 : i32
      %dma_wait3A_201 = arith.constant 0 : i32
      %dma_wait3A_202 = tpu.memref_slice %dma_wait3A_199[%dma_wait3A_200, %dma_wait3A_201] : memref<10000x16xf32, #tpu.memory_space<hbm>> -> memref<10000x16xf32, #tpu.memory_space<hbm>>
      tpu.wait_indirect_dma semaphore(%arg21 : memref<!tpu.dma_semaphore, #tpu.memory_space<semaphore_mem>>) src(%dma_wait3A_202 : memref<10000x16xf32, #tpu.memory_space<hbm>>) dst(%arg10 : memref<250x16xf32, #tpu.memory_space<vmem>>)
      %add3A_203 = arith.constant 1 : i32
      %add3A_204 = arith.addi %mul3A_80, %add3A_203 : i32
      %dma_start3A_205 = arith.constant 0 : i32
      %dma_start3A_206 = tpu.memref_slice %arg8[%add3A_204, %dma_start3A_205] : memref<80x250xi32, #tpu.memory_space<vmem>> -> memref<1x250xi32, #tpu.memory_space<vmem>>
      %dma_start3A_207 = tpu.memref_squeeze %dma_start3A_206 : memref<1x250xi32, #tpu.memory_space<vmem>> -> memref<250xi32, #tpu.memory_space<vmem>>
      %dma_start3A_208 = arith.constant 0 : i32
      %dma_start3A_209 = arith.constant 0 : i32
      %dma_start3A_210 = tpu.memref_slice %arg19[%dma_start3A_208, %dma_start3A_209] : memref<10240x16xf32, #tpu.memory_space<vmem_shared>> -> memref<10240x16xf32, #tpu.memory_space<vmem_shared>>
      tpu.enqueue_indirect_dma source(%arg10 : memref<250x16xf32, #tpu.memory_space<vmem>>) target(%dma_start3A_210 : memref<10240x16xf32, #tpu.memory_space<vmem_shared>>) offsets(%dma_start3A_207 : memref<250xi32, #tpu.memory_space<vmem>>) semaphore(%arg29 : memref<!tpu.dma_semaphore, #tpu.memory_space<semaphore_mem>>) {add = true}
      %dma_wait3A_211 = arith.constant 0 : i32
      %dma_wait3A_212 = tpu.memref_slice %arg7[%add3A_105, %dma_wait3A_211] : memref<80x250xi32, #tpu.memory_space<vmem>> -> memref<1x250xi32, #tpu.memory_space<vmem>>
      %dma_wait3A_213 = tpu.memref_squeeze %dma_wait3A_212 : memref<1x250xi32, #tpu.memory_space<vmem>> -> memref<250xi32, #tpu.memory_space<vmem>>
      %dma_wait3A_214 = arith.constant 0 : i32
      %dma_wait3A_215 = arith.constant 0 : i32
      %dma_wait3A_216 = tpu.memref_slice %arg4[%add3A_56, %dma_wait3A_214, %dma_wait3A_215] : memref<8x10000x16xf32, #tpu.memory_space<hbm>> -> memref<1x10000x16xf32, #tpu.memory_space<hbm>>
      %dma_wait3A_217 = tpu.memref_squeeze %dma_wait3A_216 : memref<1x10000x16xf32, #tpu.memory_space<hbm>> -> memref<10000x16xf32, #tpu.memory_space<hbm>>
      %dma_wait3A_218 = arith.constant 0 : i32
      %dma_wait3A_219 = arith.constant 0 : i32
      %dma_wait3A_220 = tpu.memref_slice %dma_wait3A_217[%dma_wait3A_218, %dma_wait3A_219] : memref<10000x16xf32, #tpu.memory_space<hbm>> -> memref<10000x16xf32, #tpu.memory_space<hbm>>
      tpu.wait_indirect_dma semaphore(%arg22 : memref<!tpu.dma_semaphore, #tpu.memory_space<semaphore_mem>>) src(%dma_wait3A_220 : memref<10000x16xf32, #tpu.memory_space<hbm>>) dst(%arg11 : memref<250x16xf32, #tpu.memory_space<vmem>>)
      %add3A_221 = arith.constant 2 : i32
      %add3A_222 = arith.addi %mul3A_80, %add3A_221 : i32
      %dma_start3A_223 = arith.constant 0 : i32
      %dma_start3A_224 = tpu.memref_slice %arg8[%add3A_222, %dma_start3A_223] : memref<80x250xi32, #tpu.memory_space<vmem>> -> memref<1x250xi32, #tpu.memory_space<vmem>>
      %dma_start3A_225 = tpu.memref_squeeze %dma_start3A_224 : memref<1x250xi32, #tpu.memory_space<vmem>> -> memref<250xi32, #tpu.memory_space<vmem>>
      %dma_start3A_226 = arith.constant 0 : i32
      %dma_start3A_227 = arith.constant 0 : i32
      %dma_start3A_228 = tpu.memref_slice %arg19[%dma_start3A_226, %dma_start3A_227] : memref<10240x16xf32, #tpu.memory_space<vmem_shared>> -> memref<10240x16xf32, #tpu.memory_space<vmem_shared>>
      tpu.enqueue_indirect_dma source(%arg11 : memref<250x16xf32, #tpu.memory_space<vmem>>) target(%dma_start3A_228 : memref<10240x16xf32, #tpu.memory_space<vmem_shared>>) offsets(%dma_start3A_225 : memref<250xi32, #tpu.memory_space<vmem>>) semaphore(%arg30 : memref<!tpu.dma_semaphore, #tpu.memory_space<semaphore_mem>>) {add = true}
      %dma_wait3A_229 = arith.constant 0 : i32
      %dma_wait3A_230 = tpu.memref_slice %arg7[%add3A_117, %dma_wait3A_229] : memref<80x250xi32, #tpu.memory_space<vmem>> -> memref<1x250xi32, #tpu.memory_space<vmem>>
      %dma_wait3A_231 = tpu.memref_squeeze %dma_wait3A_230 : memref<1x250xi32, #tpu.memory_space<vmem>> -> memref<250xi32, #tpu.memory_space<vmem>>
      %dma_wait3A_232 = arith.constant 0 : i32
      %dma_wait3A_233 = arith.constant 0 : i32
      %dma_wait3A_234 = tpu.memref_slice %arg4[%add3A_56, %dma_wait3A_232, %dma_wait3A_233] : memref<8x10000x16xf32, #tpu.memory_space<hbm>> -> memref<1x10000x16xf32, #tpu.memory_space<hbm>>
      %dma_wait3A_235 = tpu.memref_squeeze %dma_wait3A_234 : memref<1x10000x16xf32, #tpu.memory_space<hbm>> -> memref<10000x16xf32, #tpu.memory_space<hbm>>
      %dma_wait3A_236 = arith.constant 0 : i32
      %dma_wait3A_237 = arith.constant 0 : i32
      %dma_wait3A_238 = tpu.memref_slice %dma_wait3A_235[%dma_wait3A_236, %dma_wait3A_237] : memref<10000x16xf32, #tpu.memory_space<hbm>> -> memref<10000x16xf32, #tpu.memory_space<hbm>>
      tpu.wait_indirect_dma semaphore(%arg23 : memref<!tpu.dma_semaphore, #tpu.memory_space<semaphore_mem>>) src(%dma_wait3A_238 : memref<10000x16xf32, #tpu.memory_space<hbm>>) dst(%arg12 : memref<250x16xf32, #tpu.memory_space<vmem>>)
      %add3A_239 = arith.constant 3 : i32
      %add3A_240 = arith.addi %mul3A_80, %add3A_239 : i32
      %dma_start3A_241 = arith.constant 0 : i32
      %dma_start3A_242 = tpu.memref_slice %arg8[%add3A_240, %dma_start3A_241] : memref<80x250xi32, #tpu.memory_space<vmem>> -> memref<1x250xi32, #tpu.memory_space<vmem>>
      %dma_start3A_243 = tpu.memref_squeeze %dma_start3A_242 : memref<1x250xi32, #tpu.memory_space<vmem>> -> memref<250xi32, #tpu.memory_space<vmem>>
      %dma_start3A_244 = arith.constant 0 : i32
      %dma_start3A_245 = arith.constant 0 : i32
      %dma_start3A_246 = tpu.memref_slice %arg19[%dma_start3A_244, %dma_start3A_245] : memref<10240x16xf32, #tpu.memory_space<vmem_shared>> -> memref<10240x16xf32, #tpu.memory_space<vmem_shared>>
      tpu.enqueue_indirect_dma source(%arg12 : memref<250x16xf32, #tpu.memory_space<vmem>>) target(%dma_start3A_246 : memref<10240x16xf32, #tpu.memory_space<vmem_shared>>) offsets(%dma_start3A_243 : memref<250xi32, #tpu.memory_space<vmem>>) semaphore(%arg31 : memref<!tpu.dma_semaphore, #tpu.memory_space<semaphore_mem>>) {add = true}
      %dma_wait3A_247 = arith.constant 0 : i32
      %dma_wait3A_248 = tpu.memref_slice %arg7[%add3A_129, %dma_wait3A_247] : memref<80x250xi32, #tpu.memory_space<vmem>> -> memref<1x250xi32, #tpu.memory_space<vmem>>
      %dma_wait3A_249 = tpu.memref_squeeze %dma_wait3A_248 : memref<1x250xi32, #tpu.memory_space<vmem>> -> memref<250xi32, #tpu.memory_space<vmem>>
      %dma_wait3A_250 = arith.constant 0 : i32
      %dma_wait3A_251 = arith.constant 0 : i32
      %dma_wait3A_252 = tpu.memref_slice %arg4[%add3A_56, %dma_wait3A_250, %dma_wait3A_251] : memref<8x10000x16xf32, #tpu.memory_space<hbm>> -> memref<1x10000x16xf32, #tpu.memory_space<hbm>>
      %dma_wait3A_253 = tpu.memref_squeeze %dma_wait3A_252 : memref<1x10000x16xf32, #tpu.memory_space<hbm>> -> memref<10000x16xf32, #tpu.memory_space<hbm>>
      %dma_wait3A_254 = arith.constant 0 : i32
      %dma_wait3A_255 = arith.constant 0 : i32
      %dma_wait3A_256 = tpu.memref_slice %dma_wait3A_253[%dma_wait3A_254, %dma_wait3A_255] : memref<10000x16xf32, #tpu.memory_space<hbm>> -> memref<10000x16xf32, #tpu.memory_space<hbm>>
      tpu.wait_indirect_dma semaphore(%arg24 : memref<!tpu.dma_semaphore, #tpu.memory_space<semaphore_mem>>) src(%dma_wait3A_256 : memref<10000x16xf32, #tpu.memory_space<hbm>>) dst(%arg13 : memref<250x16xf32, #tpu.memory_space<vmem>>)
      %add3A_257 = arith.constant 4 : i32
      %add3A_258 = arith.addi %mul3A_80, %add3A_257 : i32
      %dma_start3A_259 = arith.constant 0 : i32
      %dma_start3A_260 = tpu.memref_slice %arg8[%add3A_258, %dma_start3A_259] : memref<80x250xi32, #tpu.memory_space<vmem>> -> memref<1x250xi32, #tpu.memory_space<vmem>>
      %dma_start3A_261 = tpu.memref_squeeze %dma_start3A_260 : memref<1x250xi32, #tpu.memory_space<vmem>> -> memref<250xi32, #tpu.memory_space<vmem>>
      %dma_start3A_262 = arith.constant 0 : i32
      %dma_start3A_263 = arith.constant 0 : i32
      %dma_start3A_264 = tpu.memref_slice %arg19[%dma_start3A_262, %dma_start3A_263] : memref<10240x16xf32, #tpu.memory_space<vmem_shared>> -> memref<10240x16xf32, #tpu.memory_space<vmem_shared>>
      tpu.enqueue_indirect_dma source(%arg13 : memref<250x16xf32, #tpu.memory_space<vmem>>) target(%dma_start3A_264 : memref<10240x16xf32, #tpu.memory_space<vmem_shared>>) offsets(%dma_start3A_261 : memref<250xi32, #tpu.memory_space<vmem>>) semaphore(%arg32 : memref<!tpu.dma_semaphore, #tpu.memory_space<semaphore_mem>>) {add = true}
      %dma_wait3A_265 = arith.constant 0 : i32
      %dma_wait3A_266 = tpu.memref_slice %arg7[%add3A_141, %dma_wait3A_265] : memref<80x250xi32, #tpu.memory_space<vmem>> -> memref<1x250xi32, #tpu.memory_space<vmem>>
      %dma_wait3A_267 = tpu.memref_squeeze %dma_wait3A_266 : memref<1x250xi32, #tpu.memory_space<vmem>> -> memref<250xi32, #tpu.memory_space<vmem>>
      %dma_wait3A_268 = arith.constant 0 : i32
      %dma_wait3A_269 = arith.constant 0 : i32
      %dma_wait3A_270 = tpu.memref_slice %arg4[%add3A_56, %dma_wait3A_268, %dma_wait3A_269] : memref<8x10000x16xf32, #tpu.memory_space<hbm>> -> memref<1x10000x16xf32, #tpu.memory_space<hbm>>
      %dma_wait3A_271 = tpu.memref_squeeze %dma_wait3A_270 : memref<1x10000x16xf32, #tpu.memory_space<hbm>> -> memref<10000x16xf32, #tpu.memory_space<hbm>>
      %dma_wait3A_272 = arith.constant 0 : i32
      %dma_wait3A_273 = arith.constant 0 : i32
      %dma_wait3A_274 = tpu.memref_slice %dma_wait3A_271[%dma_wait3A_272, %dma_wait3A_273] : memref<10000x16xf32, #tpu.memory_space<hbm>> -> memref<10000x16xf32, #tpu.memory_space<hbm>>
      tpu.wait_indirect_dma semaphore(%arg25 : memref<!tpu.dma_semaphore, #tpu.memory_space<semaphore_mem>>) src(%dma_wait3A_274 : memref<10000x16xf32, #tpu.memory_space<hbm>>) dst(%arg14 : memref<250x16xf32, #tpu.memory_space<vmem>>)
      %add3A_275 = arith.constant 5 : i32
      %add3A_276 = arith.addi %mul3A_80, %add3A_275 : i32
      %dma_start3A_277 = arith.constant 0 : i32
      %dma_start3A_278 = tpu.memref_slice %arg8[%add3A_276, %dma_start3A_277] : memref<80x250xi32, #tpu.memory_space<vmem>> -> memref<1x250xi32, #tpu.memory_space<vmem>>
      %dma_start3A_279 = tpu.memref_squeeze %dma_start3A_278 : memref<1x250xi32, #tpu.memory_space<vmem>> -> memref<250xi32, #tpu.memory_space<vmem>>
      %dma_start3A_280 = arith.constant 0 : i32
      %dma_start3A_281 = arith.constant 0 : i32
      %dma_start3A_282 = tpu.memref_slice %arg19[%dma_start3A_280, %dma_start3A_281] : memref<10240x16xf32, #tpu.memory_space<vmem_shared>> -> memref<10240x16xf32, #tpu.memory_space<vmem_shared>>
      tpu.enqueue_indirect_dma source(%arg14 : memref<250x16xf32, #tpu.memory_space<vmem>>) target(%dma_start3A_282 : memref<10240x16xf32, #tpu.memory_space<vmem_shared>>) offsets(%dma_start3A_279 : memref<250xi32, #tpu.memory_space<vmem>>) semaphore(%arg33 : memref<!tpu.dma_semaphore, #tpu.memory_space<semaphore_mem>>) {add = true}
      %dma_wait3A_283 = arith.constant 0 : i32
      %dma_wait3A_284 = tpu.memref_slice %arg7[%add3A_153, %dma_wait3A_283] : memref<80x250xi32, #tpu.memory_space<vmem>> -> memref<1x250xi32, #tpu.memory_space<vmem>>
      %dma_wait3A_285 = tpu.memref_squeeze %dma_wait3A_284 : memref<1x250xi32, #tpu.memory_space<vmem>> -> memref<250xi32, #tpu.memory_space<vmem>>
      %dma_wait3A_286 = arith.constant 0 : i32
      %dma_wait3A_287 = arith.constant 0 : i32
      %dma_wait3A_288 = tpu.memref_slice %arg4[%add3A_56, %dma_wait3A_286, %dma_wait3A_287] : memref<8x10000x16xf32, #tpu.memory_space<hbm>> -> memref<1x10000x16xf32, #tpu.memory_space<hbm>>
      %dma_wait3A_289 = tpu.memref_squeeze %dma_wait3A_288 : memref<1x10000x16xf32, #tpu.memory_space<hbm>> -> memref<10000x16xf32, #tpu.memory_space<hbm>>
      %dma_wait3A_290 = arith.constant 0 : i32
      %dma_wait3A_291 = arith.constant 0 : i32
      %dma_wait3A_292 = tpu.memref_slice %dma_wait3A_289[%dma_wait3A_290, %dma_wait3A_291] : memref<10000x16xf32, #tpu.memory_space<hbm>> -> memref<10000x16xf32, #tpu.memory_space<hbm>>
      tpu.wait_indirect_dma semaphore(%arg26 : memref<!tpu.dma_semaphore, #tpu.memory_space<semaphore_mem>>) src(%dma_wait3A_292 : memref<10000x16xf32, #tpu.memory_space<hbm>>) dst(%arg15 : memref<250x16xf32, #tpu.memory_space<vmem>>)
      %add3A_293 = arith.constant 6 : i32
      %add3A_294 = arith.addi %mul3A_80, %add3A_293 : i32
      %dma_start3A_295 = arith.constant 0 : i32
      %dma_start3A_296 = tpu.memref_slice %arg8[%add3A_294, %dma_start3A_295] : memref<80x250xi32, #tpu.memory_space<vmem>> -> memref<1x250xi32, #tpu.memory_space<vmem>>
      %dma_start3A_297 = tpu.memref_squeeze %dma_start3A_296 : memref<1x250xi32, #tpu.memory_space<vmem>> -> memref<250xi32, #tpu.memory_space<vmem>>
      %dma_start3A_298 = arith.constant 0 : i32
      %dma_start3A_299 = arith.constant 0 : i32
      %dma_start3A_300 = tpu.memref_slice %arg19[%dma_start3A_298, %dma_start3A_299] : memref<10240x16xf32, #tpu.memory_space<vmem_shared>> -> memref<10240x16xf32, #tpu.memory_space<vmem_shared>>
      tpu.enqueue_indirect_dma source(%arg15 : memref<250x16xf32, #tpu.memory_space<vmem>>) target(%dma_start3A_300 : memref<10240x16xf32, #tpu.memory_space<vmem_shared>>) offsets(%dma_start3A_297 : memref<250xi32, #tpu.memory_space<vmem>>) semaphore(%arg34 : memref<!tpu.dma_semaphore, #tpu.memory_space<semaphore_mem>>) {add = true}
      %dma_wait3A_301 = arith.constant 0 : i32
      %dma_wait3A_302 = tpu.memref_slice %arg7[%add3A_165, %dma_wait3A_301] : memref<80x250xi32, #tpu.memory_space<vmem>> -> memref<1x250xi32, #tpu.memory_space<vmem>>
      %dma_wait3A_303 = tpu.memref_squeeze %dma_wait3A_302 : memref<1x250xi32, #tpu.memory_space<vmem>> -> memref<250xi32, #tpu.memory_space<vmem>>
      %dma_wait3A_304 = arith.constant 0 : i32
      %dma_wait3A_305 = arith.constant 0 : i32
      %dma_wait3A_306 = tpu.memref_slice %arg4[%add3A_56, %dma_wait3A_304, %dma_wait3A_305] : memref<8x10000x16xf32, #tpu.memory_space<hbm>> -> memref<1x10000x16xf32, #tpu.memory_space<hbm>>
      %dma_wait3A_307 = tpu.memref_squeeze %dma_wait3A_306 : memref<1x10000x16xf32, #tpu.memory_space<hbm>> -> memref<10000x16xf32, #tpu.memory_space<hbm>>
      %dma_wait3A_308 = arith.constant 0 : i32
      %dma_wait3A_309 = arith.constant 0 : i32
      %dma_wait3A_310 = tpu.memref_slice %dma_wait3A_307[%dma_wait3A_308, %dma_wait3A_309] : memref<10000x16xf32, #tpu.memory_space<hbm>> -> memref<10000x16xf32, #tpu.memory_space<hbm>>
      tpu.wait_indirect_dma semaphore(%arg27 : memref<!tpu.dma_semaphore, #tpu.memory_space<semaphore_mem>>) src(%dma_wait3A_310 : memref<10000x16xf32, #tpu.memory_space<hbm>>) dst(%arg16 : memref<250x16xf32, #tpu.memory_space<vmem>>)
      %add3A_311 = arith.constant 7 : i32
      %add3A_312 = arith.addi %mul3A_80, %add3A_311 : i32
      %dma_start3A_313 = arith.constant 0 : i32
      %dma_start3A_314 = tpu.memref_slice %arg8[%add3A_312, %dma_start3A_313] : memref<80x250xi32, #tpu.memory_space<vmem>> -> memref<1x250xi32, #tpu.memory_space<vmem>>
      %dma_start3A_315 = tpu.memref_squeeze %dma_start3A_314 : memref<1x250xi32, #tpu.memory_space<vmem>> -> memref<250xi32, #tpu.memory_space<vmem>>
      %dma_start3A_316 = arith.constant 0 : i32
      %dma_start3A_317 = arith.constant 0 : i32
      %dma_start3A_318 = tpu.memref_slice %arg19[%dma_start3A_316, %dma_start3A_317] : memref<10240x16xf32, #tpu.memory_space<vmem_shared>> -> memref<10240x16xf32, #tpu.memory_space<vmem_shared>>
      tpu.enqueue_indirect_dma source(%arg16 : memref<250x16xf32, #tpu.memory_space<vmem>>) target(%dma_start3A_318 : memref<10240x16xf32, #tpu.memory_space<vmem_shared>>) offsets(%dma_start3A_315 : memref<250xi32, #tpu.memory_space<vmem>>) semaphore(%arg35 : memref<!tpu.dma_semaphore, #tpu.memory_space<semaphore_mem>>) {add = true}
      %dma_wait3A_319 = arith.constant 0 : i32
      %dma_wait3A_320 = tpu.memref_slice %arg8[%add3A_186, %dma_wait3A_319] : memref<80x250xi32, #tpu.memory_space<vmem>> -> memref<1x250xi32, #tpu.memory_space<vmem>>
      %dma_wait3A_321 = tpu.memref_squeeze %dma_wait3A_320 : memref<1x250xi32, #tpu.memory_space<vmem>> -> memref<250xi32, #tpu.memory_space<vmem>>
      %dma_wait3A_322 = arith.constant 0 : i32
      %dma_wait3A_323 = arith.constant 0 : i32
      %dma_wait3A_324 = tpu.memref_slice %arg19[%dma_wait3A_322, %dma_wait3A_323] : memref<10240x16xf32, #tpu.memory_space<vmem_shared>> -> memref<10240x16xf32, #tpu.memory_space<vmem_shared>>
      tpu.wait_indirect_dma semaphore(%arg28 : memref<!tpu.dma_semaphore, #tpu.memory_space<semaphore_mem>>) src(%arg9 : memref<250x16xf32, #tpu.memory_space<vmem>>) dst(%dma_wait3A_324 : memref<10240x16xf32, #tpu.memory_space<vmem_shared>>)
      %dma_wait3A_325 = arith.constant 0 : i32
      %dma_wait3A_326 = tpu.memref_slice %arg8[%add3A_204, %dma_wait3A_325] : memref<80x250xi32, #tpu.memory_space<vmem>> -> memref<1x250xi32, #tpu.memory_space<vmem>>
      %dma_wait3A_327 = tpu.memref_squeeze %dma_wait3A_326 : memref<1x250xi32, #tpu.memory_space<vmem>> -> memref<250xi32, #tpu.memory_space<vmem>>
      %dma_wait3A_328 = arith.constant 0 : i32
      %dma_wait3A_329 = arith.constant 0 : i32
      %dma_wait3A_330 = tpu.memref_slice %arg19[%dma_wait3A_328, %dma_wait3A_329] : memref<10240x16xf32, #tpu.memory_space<vmem_shared>> -> memref<10240x16xf32, #tpu.memory_space<vmem_shared>>
      tpu.wait_indirect_dma semaphore(%arg29 : memref<!tpu.dma_semaphore, #tpu.memory_space<semaphore_mem>>) src(%arg10 : memref<250x16xf32, #tpu.memory_space<vmem>>) dst(%dma_wait3A_330 : memref<10240x16xf32, #tpu.memory_space<vmem_shared>>)
      %dma_wait3A_331 = arith.constant 0 : i32
      %dma_wait3A_332 = tpu.memref_slice %arg8[%add3A_222, %dma_wait3A_331] : memref<80x250xi32, #tpu.memory_space<vmem>> -> memref<1x250xi32, #tpu.memory_space<vmem>>
      %dma_wait3A_333 = tpu.memref_squeeze %dma_wait3A_332 : memref<1x250xi32, #tpu.memory_space<vmem>> -> memref<250xi32, #tpu.memory_space<vmem>>
      %dma_wait3A_334 = arith.constant 0 : i32
      %dma_wait3A_335 = arith.constant 0 : i32
      %dma_wait3A_336 = tpu.memref_slice %arg19[%dma_wait3A_334, %dma_wait3A_335] : memref<10240x16xf32, #tpu.memory_space<vmem_shared>> -> memref<10240x16xf32, #tpu.memory_space<vmem_shared>>
      tpu.wait_indirect_dma semaphore(%arg30 : memref<!tpu.dma_semaphore, #tpu.memory_space<semaphore_mem>>) src(%arg11 : memref<250x16xf32, #tpu.memory_space<vmem>>) dst(%dma_wait3A_336 : memref<10240x16xf32, #tpu.memory_space<vmem_shared>>)
      %dma_wait3A_337 = arith.constant 0 : i32
      %dma_wait3A_338 = tpu.memref_slice %arg8[%add3A_240, %dma_wait3A_337] : memref<80x250xi32, #tpu.memory_space<vmem>> -> memref<1x250xi32, #tpu.memory_space<vmem>>
      %dma_wait3A_339 = tpu.memref_squeeze %dma_wait3A_338 : memref<1x250xi32, #tpu.memory_space<vmem>> -> memref<250xi32, #tpu.memory_space<vmem>>
      %dma_wait3A_340 = arith.constant 0 : i32
      %dma_wait3A_341 = arith.constant 0 : i32
      %dma_wait3A_342 = tpu.memref_slice %arg19[%dma_wait3A_340, %dma_wait3A_341] : memref<10240x16xf32, #tpu.memory_space<vmem_shared>> -> memref<10240x16xf32, #tpu.memory_space<vmem_shared>>
      tpu.wait_indirect_dma semaphore(%arg31 : memref<!tpu.dma_semaphore, #tpu.memory_space<semaphore_mem>>) src(%arg12 : memref<250x16xf32, #tpu.memory_space<vmem>>) dst(%dma_wait3A_342 : memref<10240x16xf32, #tpu.memory_space<vmem_shared>>)
      %dma_wait3A_343 = arith.constant 0 : i32
      %dma_wait3A_344 = tpu.memref_slice %arg8[%add3A_258, %dma_wait3A_343] : memref<80x250xi32, #tpu.memory_space<vmem>> -> memref<1x250xi32, #tpu.memory_space<vmem>>
      %dma_wait3A_345 = tpu.memref_squeeze %dma_wait3A_344 : memref<1x250xi32, #tpu.memory_space<vmem>> -> memref<250xi32, #tpu.memory_space<vmem>>
      %dma_wait3A_346 = arith.constant 0 : i32
      %dma_wait3A_347 = arith.constant 0 : i32
      %dma_wait3A_348 = tpu.memref_slice %arg19[%dma_wait3A_346, %dma_wait3A_347] : memref<10240x16xf32, #tpu.memory_space<vmem_shared>> -> memref<10240x16xf32, #tpu.memory_space<vmem_shared>>
      tpu.wait_indirect_dma semaphore(%arg32 : memref<!tpu.dma_semaphore, #tpu.memory_space<semaphore_mem>>) src(%arg13 : memref<250x16xf32, #tpu.memory_space<vmem>>) dst(%dma_wait3A_348 : memref<10240x16xf32, #tpu.memory_space<vmem_shared>>)
      %dma_wait3A_349 = arith.constant 0 : i32
      %dma_wait3A_350 = tpu.memref_slice %arg8[%add3A_276, %dma_wait3A_349] : memref<80x250xi32, #tpu.memory_space<vmem>> -> memref<1x250xi32, #tpu.memory_space<vmem>>
      %dma_wait3A_351 = tpu.memref_squeeze %dma_wait3A_350 : memref<1x250xi32, #tpu.memory_space<vmem>> -> memref<250xi32, #tpu.memory_space<vmem>>
      %dma_wait3A_352 = arith.constant 0 : i32
      %dma_wait3A_353 = arith.constant 0 : i32
      %dma_wait3A_354 = tpu.memref_slice %arg19[%dma_wait3A_352, %dma_wait3A_353] : memref<10240x16xf32, #tpu.memory_space<vmem_shared>> -> memref<10240x16xf32, #tpu.memory_space<vmem_shared>>
      tpu.wait_indirect_dma semaphore(%arg33 : memref<!tpu.dma_semaphore, #tpu.memory_space<semaphore_mem>>) src(%arg14 : memref<250x16xf32, #tpu.memory_space<vmem>>) dst(%dma_wait3A_354 : memref<10240x16xf32, #tpu.memory_space<vmem_shared>>)
      %dma_wait3A_355 = arith.constant 0 : i32
      %dma_wait3A_356 = tpu.memref_slice %arg8[%add3A_294, %dma_wait3A_355] : memref<80x250xi32, #tpu.memory_space<vmem>> -> memref<1x250xi32, #tpu.memory_space<vmem>>
      %dma_wait3A_357 = tpu.memref_squeeze %dma_wait3A_356 : memref<1x250xi32, #tpu.memory_space<vmem>> -> memref<250xi32, #tpu.memory_space<vmem>>
      %dma_wait3A_358 = arith.constant 0 : i32
      %dma_wait3A_359 = arith.constant 0 : i32
      %dma_wait3A_360 = tpu.memref_slice %arg19[%dma_wait3A_358, %dma_wait3A_359] : memref<10240x16xf32, #tpu.memory_space<vmem_shared>> -> memref<10240x16xf32, #tpu.memory_space<vmem_shared>>
      tpu.wait_indirect_dma semaphore(%arg34 : memref<!tpu.dma_semaphore, #tpu.memory_space<semaphore_mem>>) src(%arg15 : memref<250x16xf32, #tpu.memory_space<vmem>>) dst(%dma_wait3A_360 : memref<10240x16xf32, #tpu.memory_space<vmem_shared>>)
      %dma_wait3A_361 = arith.constant 0 : i32
      %dma_wait3A_362 = tpu.memref_slice %arg8[%add3A_312, %dma_wait3A_361] : memref<80x250xi32, #tpu.memory_space<vmem>> -> memref<1x250xi32, #tpu.memory_space<vmem>>
      %dma_wait3A_363 = tpu.memref_squeeze %dma_wait3A_362 : memref<1x250xi32, #tpu.memory_space<vmem>> -> memref<250xi32, #tpu.memory_space<vmem>>
      %dma_wait3A_364 = arith.constant 0 : i32
      %dma_wait3A_365 = arith.constant 0 : i32
      %dma_wait3A_366 = tpu.memref_slice %arg19[%dma_wait3A_364, %dma_wait3A_365] : memref<10240x16xf32, #tpu.memory_space<vmem_shared>> -> memref<10240x16xf32, #tpu.memory_space<vmem_shared>>
      tpu.wait_indirect_dma semaphore(%arg35 : memref<!tpu.dma_semaphore, #tpu.memory_space<semaphore_mem>>) src(%arg16 : memref<250x16xf32, #tpu.memory_space<vmem>>) dst(%dma_wait3A_366 : memref<10240x16xf32, #tpu.memory_space<vmem_shared>>)
    }
    %scan3A_63 = arith.constant 10 : i32
    %barrier3A_64 = arith.constant 0 : index
    tpu.barrier barrier_id(%barrier3A_64)
    "tpu.region"() ({
      %run_scoped3A = tpu.sem_alloc : memref<!tpu.dma_semaphore, #tpu.memory_space<semaphore_mem>>
      %dma_start3A = arith.constant 0 : i32
      %dma_start3A_78 = tpu.memref_slice %arg5[%add3A_56, %mul3A_14, %dma_start3A] : memref<8x10240x16xf32, #tpu.memory_space<hbm>> -> memref<1x640x16xf32, #tpu.memory_space<hbm>>
      %dma_start3A_79 = tpu.memref_squeeze %dma_start3A_78 : memref<1x640x16xf32, #tpu.memory_space<hbm>> -> memref<640x16xf32, #tpu.memory_space<hbm>>
      %dma_start3A_80 = arith.constant 0 : i32
      %dma_start3A_81 = tpu.memref_slice %arg19[%mul3A_14, %dma_start3A_80] : memref<10240x16xf32, #tpu.memory_space<vmem_shared>> -> memref<640x16xf32, #tpu.memory_space<vmem_shared>>
      tpu.enqueue_dma source(%dma_start3A_81 : memref<640x16xf32, #tpu.memory_space<vmem_shared>>) target(%dma_start3A_79 : memref<640x16xf32, #tpu.memory_space<hbm>>) target_semaphore(%run_scoped3A : memref<!tpu.dma_semaphore, #tpu.memory_space<semaphore_mem>>)
      %dma_wait3A = arith.constant 0 : i32
      %dma_wait3A_82 = tpu.memref_slice %arg5[%add3A_56, %mul3A_14, %dma_wait3A] : memref<8x10240x16xf32, #tpu.memory_space<hbm>> -> memref<1x640x16xf32, #tpu.memory_space<hbm>>
      %dma_wait3A_83 = tpu.memref_squeeze %dma_wait3A_82 : memref<1x640x16xf32, #tpu.memory_space<hbm>> -> memref<640x16xf32, #tpu.memory_space<hbm>>
      %dma_wait3A_84 = arith.constant 0 : i32
      %dma_wait3A_85 = tpu.memref_slice %arg19[%mul3A_14, %dma_wait3A_84] : memref<10240x16xf32, #tpu.memory_space<vmem_shared>> -> memref<640x16xf32, #tpu.memory_space<vmem_shared>>
      tpu.wait_dma2 semaphore(%run_scoped3A : memref<!tpu.dma_semaphore, #tpu.memory_space<semaphore_mem>>) src(%dma_wait3A_85 : memref<640x16xf32, #tpu.memory_space<vmem_shared>>) dst(%dma_wait3A_83 : memref<640x16xf32, #tpu.memory_space<hbm>>)
      tpu.yield
    }) : () -> ()
    %mul3A_65 = arith.constant 16 : i32
    %mul3A_66 = arith.muli %arg0, %mul3A_65 : i32
    %add3A_67 = arith.addi %mul3A_66, %arg1 : i32
    %mul3A_68 = arith.constant 40 : i32
    %mul3A_69 = arith.muli %add3A_67, %mul3A_68 : i32
    "tpu.region"() ({
      %run_scoped3A = tpu.sem_alloc : memref<!tpu.dma_semaphore, #tpu.memory_space<semaphore_mem>>
      %dma_start3A = arith.constant 0 : i32
      %dma_start3A_78 = tpu.memref_slice %arg19[%mul3A_14, %dma_start3A] : memref<10240x16xf32, #tpu.memory_space<vmem_shared>> -> memref<640x16xf32, #tpu.memory_space<vmem_shared>>
      %dma_start3A_79 = arith.constant 0 : i32
      %dma_start3A_80 = tpu.memref_slice %arg19[%mul3A_14, %dma_start3A_79] : memref<10240x16xf32, #tpu.memory_space<vmem_shared>> -> memref<640x16xf32, #tpu.memory_space<vmem_shared>>
      tpu.enqueue_dma source(%arg18 : memref<640x16xf32, #tpu.memory_space<vmem>>) target(%dma_start3A_80 : memref<640x16xf32, #tpu.memory_space<vmem_shared>>) target_semaphore(%run_scoped3A : memref<!tpu.dma_semaphore, #tpu.memory_space<semaphore_mem>>)
      %dma_wait3A = arith.constant 0 : i32
      %dma_wait3A_81 = tpu.memref_slice %arg19[%mul3A_14, %dma_wait3A] : memref<10240x16xf32, #tpu.memory_space<vmem_shared>> -> memref<640x16xf32, #tpu.memory_space<vmem_shared>>
      %dma_wait3A_82 = arith.constant 0 : i32
      %dma_wait3A_83 = tpu.memref_slice %arg19[%mul3A_14, %dma_wait3A_82] : memref<10240x16xf32, #tpu.memory_space<vmem_shared>> -> memref<640x16xf32, #tpu.memory_space<vmem_shared>>
      tpu.wait_dma2 semaphore(%run_scoped3A : memref<!tpu.dma_semaphore, #tpu.memory_space<semaphore_mem>>) src(%arg18 : memref<640x16xf32, #tpu.memory_space<vmem>>) dst(%dma_wait3A_83 : memref<640x16xf32, #tpu.memory_space<vmem_shared>>)
      tpu.yield
    }) : () -> ()
    "tpu.region"() ({
      %run_scoped3A = tpu.sem_alloc : memref<!tpu.dma_semaphore, #tpu.memory_space<semaphore_mem>>
      %dma_start3A = arith.constant 0 : i32
      %dma_start3A_78 = arith.constant 0 : i32
      %dma_start3A_79 = tpu.memref_slice %arg8[%dma_start3A, %dma_start3A_78] : memref<80x250xi32, #tpu.memory_space<vmem>> -> memref<40x250xi32, #tpu.memory_space<vmem>>
      %dma_start3A_80 = arith.constant 0 : i32
      %dma_start3A_81 = tpu.memref_slice %arg3[%mul3A_69, %dma_start3A_80] : memref<1280x250xi32, #tpu.memory_space<hbm>> -> memref<40x250xi32, #tpu.memory_space<hbm>>
      %dma_start3A_82 = arith.constant 0 : i32
      %dma_start3A_83 = arith.constant 0 : i32
      %dma_start3A_84 = tpu.memref_slice %arg8[%dma_start3A_82, %dma_start3A_83] : memref<80x250xi32, #tpu.memory_space<vmem>> -> memref<40x250xi32, #tpu.memory_space<vmem>>
      %dma_start3A_85 = arith.constant 0 : i32
      %dma_start3A_86 = tpu.memref_slice %arg3[%mul3A_69, %dma_start3A_85] : memref<1280x250xi32, #tpu.memory_space<hbm>> -> memref<40x250xi32, #tpu.memory_space<hbm>>
      tpu.enqueue_dma source(%dma_start3A_86 : memref<40x250xi32, #tpu.memory_space<hbm>>) target(%dma_start3A_84 : memref<40x250xi32, #tpu.memory_space<vmem>>) target_semaphore(%run_scoped3A : memref<!tpu.dma_semaphore, #tpu.memory_space<semaphore_mem>>)
      %dma_wait3A = arith.constant 0 : i32
      %dma_wait3A_87 = arith.constant 0 : i32
      %dma_wait3A_88 = tpu.memref_slice %arg8[%dma_wait3A, %dma_wait3A_87] : memref<80x250xi32, #tpu.memory_space<vmem>> -> memref<40x250xi32, #tpu.memory_space<vmem>>
      %dma_wait3A_89 = arith.constant 0 : i32
      %dma_wait3A_90 = tpu.memref_slice %arg3[%mul3A_69, %dma_wait3A_89] : memref<1280x250xi32, #tpu.memory_space<hbm>> -> memref<40x250xi32, #tpu.memory_space<hbm>>
      %dma_wait3A_91 = arith.constant 0 : i32
      %dma_wait3A_92 = arith.constant 0 : i32
      %dma_wait3A_93 = tpu.memref_slice %arg8[%dma_wait3A_91, %dma_wait3A_92] : memref<80x250xi32, #tpu.memory_space<vmem>> -> memref<40x250xi32, #tpu.memory_space<vmem>>
      %dma_wait3A_94 = arith.constant 0 : i32
      %dma_wait3A_95 = tpu.memref_slice %arg3[%mul3A_69, %dma_wait3A_94] : memref<1280x250xi32, #tpu.memory_space<hbm>> -> memref<40x250xi32, #tpu.memory_space<hbm>>
      tpu.wait_dma2 semaphore(%run_scoped3A : memref<!tpu.dma_semaphore, #tpu.memory_space<semaphore_mem>>) src(%dma_wait3A_95 : memref<40x250xi32, #tpu.memory_space<hbm>>) dst(%dma_wait3A_93 : memref<40x250xi32, #tpu.memory_space<vmem>>)
      tpu.yield
    }) : () -> ()
    %barrier3A_70 = arith.constant 0 : index
    tpu.barrier barrier_id(%barrier3A_70)
    %scan3A_71 = arith.constant 0 : i32
    %scan3A_72 = arith.constant 0 : i32
    %scan3A_73 = arith.constant 5 : i32
    %scan3A_74 = arith.addi %scan3A_72, %scan3A_73 : i32
    %scan3A_75 = arith.constant 1 : i32
    scf.for %scan3A_78 = %scan3A_72 to %scan3A_74 step %scan3A_75  : i32 {
      %mul3A_79 = arith.constant 8 : i32
      %mul3A_80 = arith.muli %scan3A_78, %mul3A_79 : i32
      %add3A_81 = arith.constant 0 : i32
      %add3A_82 = arith.addi %mul3A_80, %add3A_81 : i32
      %dma_start3A = arith.constant 0 : i32
      %dma_start3A_83 = tpu.memref_slice %arg8[%add3A_82, %dma_start3A] : memref<80x250xi32, #tpu.memory_space<vmem>> -> memref<1x250xi32, #tpu.memory_space<vmem>>
      %dma_start3A_84 = tpu.memref_squeeze %dma_start3A_83 : memref<1x250xi32, #tpu.memory_space<vmem>> -> memref<250xi32, #tpu.memory_space<vmem>>
      %dma_start3A_85 = arith.constant 0 : i32
      %dma_start3A_86 = arith.constant 0 : i32
      %dma_start3A_87 = tpu.memref_slice %arg19[%dma_start3A_85, %dma_start3A_86] : memref<10240x16xf32, #tpu.memory_space<vmem_shared>> -> memref<10240x16xf32, #tpu.memory_space<vmem_shared>>
      tpu.enqueue_indirect_dma source(%arg17 : memref<250x16xf32, #tpu.memory_space<vmem>>) target(%dma_start3A_87 : memref<10240x16xf32, #tpu.memory_space<vmem_shared>>) offsets(%dma_start3A_84 : memref<250xi32, #tpu.memory_space<vmem>>) semaphore(%arg28 : memref<!tpu.dma_semaphore, #tpu.memory_space<semaphore_mem>>) {add = true}
      %add3A_88 = arith.constant 1 : i32
      %add3A_89 = arith.addi %mul3A_80, %add3A_88 : i32
      %dma_start3A_90 = arith.constant 0 : i32
      %dma_start3A_91 = tpu.memref_slice %arg8[%add3A_89, %dma_start3A_90] : memref<80x250xi32, #tpu.memory_space<vmem>> -> memref<1x250xi32, #tpu.memory_space<vmem>>
      %dma_start3A_92 = tpu.memref_squeeze %dma_start3A_91 : memref<1x250xi32, #tpu.memory_space<vmem>> -> memref<250xi32, #tpu.memory_space<vmem>>
      %dma_start3A_93 = arith.constant 0 : i32
      %dma_start3A_94 = arith.constant 0 : i32
      %dma_start3A_95 = tpu.memref_slice %arg19[%dma_start3A_93, %dma_start3A_94] : memref<10240x16xf32, #tpu.memory_space<vmem_shared>> -> memref<10240x16xf32, #tpu.memory_space<vmem_shared>>
      tpu.enqueue_indirect_dma source(%arg17 : memref<250x16xf32, #tpu.memory_space<vmem>>) target(%dma_start3A_95 : memref<10240x16xf32, #tpu.memory_space<vmem_shared>>) offsets(%dma_start3A_92 : memref<250xi32, #tpu.memory_space<vmem>>) semaphore(%arg29 : memref<!tpu.dma_semaphore, #tpu.memory_space<semaphore_mem>>) {add = true}
      %add3A_96 = arith.constant 2 : i32
      %add3A_97 = arith.addi %mul3A_80, %add3A_96 : i32
      %dma_start3A_98 = arith.constant 0 : i32
      %dma_start3A_99 = tpu.memref_slice %arg8[%add3A_97, %dma_start3A_98] : memref<80x250xi32, #tpu.memory_space<vmem>> -> memref<1x250xi32, #tpu.memory_space<vmem>>
      %dma_start3A_100 = tpu.memref_squeeze %dma_start3A_99 : memref<1x250xi32, #tpu.memory_space<vmem>> -> memref<250xi32, #tpu.memory_space<vmem>>
      %dma_start3A_101 = arith.constant 0 : i32
      %dma_start3A_102 = arith.constant 0 : i32
      %dma_start3A_103 = tpu.memref_slice %arg19[%dma_start3A_101, %dma_start3A_102] : memref<10240x16xf32, #tpu.memory_space<vmem_shared>> -> memref<10240x16xf32, #tpu.memory_space<vmem_shared>>
      tpu.enqueue_indirect_dma source(%arg17 : memref<250x16xf32, #tpu.memory_space<vmem>>) target(%dma_start3A_103 : memref<10240x16xf32, #tpu.memory_space<vmem_shared>>) offsets(%dma_start3A_100 : memref<250xi32, #tpu.memory_space<vmem>>) semaphore(%arg30 : memref<!tpu.dma_semaphore, #tpu.memory_space<semaphore_mem>>) {add = true}
      %add3A_104 = arith.constant 3 : i32
      %add3A_105 = arith.addi %mul3A_80, %add3A_104 : i32
      %dma_start3A_106 = arith.constant 0 : i32
      %dma_start3A_107 = tpu.memref_slice %arg8[%add3A_105, %dma_start3A_106] : memref<80x250xi32, #tpu.memory_space<vmem>> -> memref<1x250xi32, #tpu.memory_space<vmem>>
      %dma_start3A_108 = tpu.memref_squeeze %dma_start3A_107 : memref<1x250xi32, #tpu.memory_space<vmem>> -> memref<250xi32, #tpu.memory_space<vmem>>
      %dma_start3A_109 = arith.constant 0 : i32
      %dma_start3A_110 = arith.constant 0 : i32
      %dma_start3A_111 = tpu.memref_slice %arg19[%dma_start3A_109, %dma_start3A_110] : memref<10240x16xf32, #tpu.memory_space<vmem_shared>> -> memref<10240x16xf32, #tpu.memory_space<vmem_shared>>
      tpu.enqueue_indirect_dma source(%arg17 : memref<250x16xf32, #tpu.memory_space<vmem>>) target(%dma_start3A_111 : memref<10240x16xf32, #tpu.memory_space<vmem_shared>>) offsets(%dma_start3A_108 : memref<250xi32, #tpu.memory_space<vmem>>) semaphore(%arg31 : memref<!tpu.dma_semaphore, #tpu.memory_space<semaphore_mem>>) {add = true}
      %add3A_112 = arith.constant 4 : i32
      %add3A_113 = arith.addi %mul3A_80, %add3A_112 : i32
      %dma_start3A_114 = arith.constant 0 : i32
      %dma_start3A_115 = tpu.memref_slice %arg8[%add3A_113, %dma_start3A_114] : memref<80x250xi32, #tpu.memory_space<vmem>> -> memref<1x250xi32, #tpu.memory_space<vmem>>
      %dma_start3A_116 = tpu.memref_squeeze %dma_start3A_115 : memref<1x250xi32, #tpu.memory_space<vmem>> -> memref<250xi32, #tpu.memory_space<vmem>>
      %dma_start3A_117 = arith.constant 0 : i32
      %dma_start3A_118 = arith.constant 0 : i32
      %dma_start3A_119 = tpu.memref_slice %arg19[%dma_start3A_117, %dma_start3A_118] : memref<10240x16xf32, #tpu.memory_space<vmem_shared>> -> memref<10240x16xf32, #tpu.memory_space<vmem_shared>>
      tpu.enqueue_indirect_dma source(%arg17 : memref<250x16xf32, #tpu.memory_space<vmem>>) target(%dma_start3A_119 : memref<10240x16xf32, #tpu.memory_space<vmem_shared>>) offsets(%dma_start3A_116 : memref<250xi32, #tpu.memory_space<vmem>>) semaphore(%arg32 : memref<!tpu.dma_semaphore, #tpu.memory_space<semaphore_mem>>) {add = true}
      %add3A_120 = arith.constant 5 : i32
      %add3A_121 = arith.addi %mul3A_80, %add3A_120 : i32
      %dma_start3A_122 = arith.constant 0 : i32
      %dma_start3A_123 = tpu.memref_slice %arg8[%add3A_121, %dma_start3A_122] : memref<80x250xi32, #tpu.memory_space<vmem>> -> memref<1x250xi32, #tpu.memory_space<vmem>>
      %dma_start3A_124 = tpu.memref_squeeze %dma_start3A_123 : memref<1x250xi32, #tpu.memory_space<vmem>> -> memref<250xi32, #tpu.memory_space<vmem>>
      %dma_start3A_125 = arith.constant 0 : i32
      %dma_start3A_126 = arith.constant 0 : i32
      %dma_start3A_127 = tpu.memref_slice %arg19[%dma_start3A_125, %dma_start3A_126] : memref<10240x16xf32, #tpu.memory_space<vmem_shared>> -> memref<10240x16xf32, #tpu.memory_space<vmem_shared>>
      tpu.enqueue_indirect_dma source(%arg17 : memref<250x16xf32, #tpu.memory_space<vmem>>) target(%dma_start3A_127 : memref<10240x16xf32, #tpu.memory_space<vmem_shared>>) offsets(%dma_start3A_124 : memref<250xi32, #tpu.memory_space<vmem>>) semaphore(%arg33 : memref<!tpu.dma_semaphore, #tpu.memory_space<semaphore_mem>>) {add = true}
      %add3A_128 = arith.constant 6 : i32
      %add3A_129 = arith.addi %mul3A_80, %add3A_128 : i32
      %dma_start3A_130 = arith.constant 0 : i32
      %dma_start3A_131 = tpu.memref_slice %arg8[%add3A_129, %dma_start3A_130] : memref<80x250xi32, #tpu.memory_space<vmem>> -> memref<1x250xi32, #tpu.memory_space<vmem>>
      %dma_start3A_132 = tpu.memref_squeeze %dma_start3A_131 : memref<1x250xi32, #tpu.memory_space<vmem>> -> memref<250xi32, #tpu.memory_space<vmem>>
      %dma_start3A_133 = arith.constant 0 : i32
      %dma_start3A_134 = arith.constant 0 : i32
      %dma_start3A_135 = tpu.memref_slice %arg19[%dma_start3A_133, %dma_start3A_134] : memref<10240x16xf32, #tpu.memory_space<vmem_shared>> -> memref<10240x16xf32, #tpu.memory_space<vmem_shared>>
      tpu.enqueue_indirect_dma source(%arg17 : memref<250x16xf32, #tpu.memory_space<vmem>>) target(%dma_start3A_135 : memref<10240x16xf32, #tpu.memory_space<vmem_shared>>) offsets(%dma_start3A_132 : memref<250xi32, #tpu.memory_space<vmem>>) semaphore(%arg34 : memref<!tpu.dma_semaphore, #tpu.memory_space<semaphore_mem>>) {add = true}
      %add3A_136 = arith.constant 7 : i32
      %add3A_137 = arith.addi %mul3A_80, %add3A_136 : i32
      %dma_start3A_138 = arith.constant 0 : i32
      %dma_start3A_139 = tpu.memref_slice %arg8[%add3A_137, %dma_start3A_138] : memref<80x250xi32, #tpu.memory_space<vmem>> -> memref<1x250xi32, #tpu.memory_space<vmem>>
      %dma_start3A_140 = tpu.memref_squeeze %dma_start3A_139 : memref<1x250xi32, #tpu.memory_space<vmem>> -> memref<250xi32, #tpu.memory_space<vmem>>
      %dma_start3A_141 = arith.constant 0 : i32
      %dma_start3A_142 = arith.constant 0 : i32
      %dma_start3A_143 = tpu.memref_slice %arg19[%dma_start3A_141, %dma_start3A_142] : memref<10240x16xf32, #tpu.memory_space<vmem_shared>> -> memref<10240x16xf32, #tpu.memory_space<vmem_shared>>
      tpu.enqueue_indirect_dma source(%arg17 : memref<250x16xf32, #tpu.memory_space<vmem>>) target(%dma_start3A_143 : memref<10240x16xf32, #tpu.memory_space<vmem_shared>>) offsets(%dma_start3A_140 : memref<250xi32, #tpu.memory_space<vmem>>) semaphore(%arg35 : memref<!tpu.dma_semaphore, #tpu.memory_space<semaphore_mem>>) {add = true}
      %dma_wait3A = arith.constant 0 : i32
      %dma_wait3A_144 = tpu.memref_slice %arg8[%add3A_82, %dma_wait3A] : memref<80x250xi32, #tpu.memory_space<vmem>> -> memref<1x250xi32, #tpu.memory_space<vmem>>
      %dma_wait3A_145 = tpu.memref_squeeze %dma_wait3A_144 : memref<1x250xi32, #tpu.memory_space<vmem>> -> memref<250xi32, #tpu.memory_space<vmem>>
      %dma_wait3A_146 = arith.constant 0 : i32
      %dma_wait3A_147 = arith.constant 0 : i32
      %dma_wait3A_148 = tpu.memref_slice %arg19[%dma_wait3A_146, %dma_wait3A_147] : memref<10240x16xf32, #tpu.memory_space<vmem_shared>> -> memref<10240x16xf32, #tpu.memory_space<vmem_shared>>
      tpu.wait_indirect_dma semaphore(%arg28 : memref<!tpu.dma_semaphore, #tpu.memory_space<semaphore_mem>>) src(%arg17 : memref<250x16xf32, #tpu.memory_space<vmem>>) dst(%dma_wait3A_148 : memref<10240x16xf32, #tpu.memory_space<vmem_shared>>)
      %dma_wait3A_149 = arith.constant 0 : i32
      %dma_wait3A_150 = tpu.memref_slice %arg8[%add3A_89, %dma_wait3A_149] : memref<80x250xi32, #tpu.memory_space<vmem>> -> memref<1x250xi32, #tpu.memory_space<vmem>>
      %dma_wait3A_151 = tpu.memref_squeeze %dma_wait3A_150 : memref<1x250xi32, #tpu.memory_space<vmem>> -> memref<250xi32, #tpu.memory_space<vmem>>
      %dma_wait3A_152 = arith.constant 0 : i32
      %dma_wait3A_153 = arith.constant 0 : i32
      %dma_wait3A_154 = tpu.memref_slice %arg19[%dma_wait3A_152, %dma_wait3A_153] : memref<10240x16xf32, #tpu.memory_space<vmem_shared>> -> memref<10240x16xf32, #tpu.memory_space<vmem_shared>>
      tpu.wait_indirect_dma semaphore(%arg29 : memref<!tpu.dma_semaphore, #tpu.memory_space<semaphore_mem>>) src(%arg17 : memref<250x16xf32, #tpu.memory_space<vmem>>) dst(%dma_wait3A_154 : memref<10240x16xf32, #tpu.memory_space<vmem_shared>>)
      %dma_wait3A_155 = arith.constant 0 : i32
      %dma_wait3A_156 = tpu.memref_slice %arg8[%add3A_97, %dma_wait3A_155] : memref<80x250xi32, #tpu.memory_space<vmem>> -> memref<1x250xi32, #tpu.memory_space<vmem>>
      %dma_wait3A_157 = tpu.memref_squeeze %dma_wait3A_156 : memref<1x250xi32, #tpu.memory_space<vmem>> -> memref<250xi32, #tpu.memory_space<vmem>>
      %dma_wait3A_158 = arith.constant 0 : i32
      %dma_wait3A_159 = arith.constant 0 : i32
      %dma_wait3A_160 = tpu.memref_slice %arg19[%dma_wait3A_158, %dma_wait3A_159] : memref<10240x16xf32, #tpu.memory_space<vmem_shared>> -> memref<10240x16xf32, #tpu.memory_space<vmem_shared>>
      tpu.wait_indirect_dma semaphore(%arg30 : memref<!tpu.dma_semaphore, #tpu.memory_space<semaphore_mem>>) src(%arg17 : memref<250x16xf32, #tpu.memory_space<vmem>>) dst(%dma_wait3A_160 : memref<10240x16xf32, #tpu.memory_space<vmem_shared>>)
      %dma_wait3A_161 = arith.constant 0 : i32
      %dma_wait3A_162 = tpu.memref_slice %arg8[%add3A_105, %dma_wait3A_161] : memref<80x250xi32, #tpu.memory_space<vmem>> -> memref<1x250xi32, #tpu.memory_space<vmem>>
      %dma_wait3A_163 = tpu.memref_squeeze %dma_wait3A_162 : memref<1x250xi32, #tpu.memory_space<vmem>> -> memref<250xi32, #tpu.memory_space<vmem>>
      %dma_wait3A_164 = arith.constant 0 : i32
      %dma_wait3A_165 = arith.constant 0 : i32
      %dma_wait3A_166 = tpu.memref_slice %arg19[%dma_wait3A_164, %dma_wait3A_165] : memref<10240x16xf32, #tpu.memory_space<vmem_shared>> -> memref<10240x16xf32, #tpu.memory_space<vmem_shared>>
      tpu.wait_indirect_dma semaphore(%arg31 : memref<!tpu.dma_semaphore, #tpu.memory_space<semaphore_mem>>) src(%arg17 : memref<250x16xf32, #tpu.memory_space<vmem>>) dst(%dma_wait3A_166 : memref<10240x16xf32, #tpu.memory_space<vmem_shared>>)
      %dma_wait3A_167 = arith.constant 0 : i32
      %dma_wait3A_168 = tpu.memref_slice %arg8[%add3A_113, %dma_wait3A_167] : memref<80x250xi32, #tpu.memory_space<vmem>> -> memref<1x250xi32, #tpu.memory_space<vmem>>
      %dma_wait3A_169 = tpu.memref_squeeze %dma_wait3A_168 : memref<1x250xi32, #tpu.memory_space<vmem>> -> memref<250xi32, #tpu.memory_space<vmem>>
      %dma_wait3A_170 = arith.constant 0 : i32
      %dma_wait3A_171 = arith.constant 0 : i32
      %dma_wait3A_172 = tpu.memref_slice %arg19[%dma_wait3A_170, %dma_wait3A_171] : memref<10240x16xf32, #tpu.memory_space<vmem_shared>> -> memref<10240x16xf32, #tpu.memory_space<vmem_shared>>
      tpu.wait_indirect_dma semaphore(%arg32 : memref<!tpu.dma_semaphore, #tpu.memory_space<semaphore_mem>>) src(%arg17 : memref<250x16xf32, #tpu.memory_space<vmem>>) dst(%dma_wait3A_172 : memref<10240x16xf32, #tpu.memory_space<vmem_shared>>)
      %dma_wait3A_173 = arith.constant 0 : i32
      %dma_wait3A_174 = tpu.memref_slice %arg8[%add3A_121, %dma_wait3A_173] : memref<80x250xi32, #tpu.memory_space<vmem>> -> memref<1x250xi32, #tpu.memory_space<vmem>>
      %dma_wait3A_175 = tpu.memref_squeeze %dma_wait3A_174 : memref<1x250xi32, #tpu.memory_space<vmem>> -> memref<250xi32, #tpu.memory_space<vmem>>
      %dma_wait3A_176 = arith.constant 0 : i32
      %dma_wait3A_177 = arith.constant 0 : i32
      %dma_wait3A_178 = tpu.memref_slice %arg19[%dma_wait3A_176, %dma_wait3A_177] : memref<10240x16xf32, #tpu.memory_space<vmem_shared>> -> memref<10240x16xf32, #tpu.memory_space<vmem_shared>>
      tpu.wait_indirect_dma semaphore(%arg33 : memref<!tpu.dma_semaphore, #tpu.memory_space<semaphore_mem>>) src(%arg17 : memref<250x16xf32, #tpu.memory_space<vmem>>) dst(%dma_wait3A_178 : memref<10240x16xf32, #tpu.memory_space<vmem_shared>>)
      %dma_wait3A_179 = arith.constant 0 : i32
      %dma_wait3A_180 = tpu.memref_slice %arg8[%add3A_129, %dma_wait3A_179] : memref<80x250xi32, #tpu.memory_space<vmem>> -> memref<1x250xi32, #tpu.memory_space<vmem>>
      %dma_wait3A_181 = tpu.memref_squeeze %dma_wait3A_180 : memref<1x250xi32, #tpu.memory_space<vmem>> -> memref<250xi32, #tpu.memory_space<vmem>>
      %dma_wait3A_182 = arith.constant 0 : i32
      %dma_wait3A_183 = arith.constant 0 : i32
      %dma_wait3A_184 = tpu.memref_slice %arg19[%dma_wait3A_182, %dma_wait3A_183] : memref<10240x16xf32, #tpu.memory_space<vmem_shared>> -> memref<10240x16xf32, #tpu.memory_space<vmem_shared>>
      tpu.wait_indirect_dma semaphore(%arg34 : memref<!tpu.dma_semaphore, #tpu.memory_space<semaphore_mem>>) src(%arg17 : memref<250x16xf32, #tpu.memory_space<vmem>>) dst(%dma_wait3A_184 : memref<10240x16xf32, #tpu.memory_space<vmem_shared>>)
      %dma_wait3A_185 = arith.constant 0 : i32
      %dma_wait3A_186 = tpu.memref_slice %arg8[%add3A_137, %dma_wait3A_185] : memref<80x250xi32, #tpu.memory_space<vmem>> -> memref<1x250xi32, #tpu.memory_space<vmem>>
      %dma_wait3A_187 = tpu.memref_squeeze %dma_wait3A_186 : memref<1x250xi32, #tpu.memory_space<vmem>> -> memref<250xi32, #tpu.memory_space<vmem>>
      %dma_wait3A_188 = arith.constant 0 : i32
      %dma_wait3A_189 = arith.constant 0 : i32
      %dma_wait3A_190 = tpu.memref_slice %arg19[%dma_wait3A_188, %dma_wait3A_189] : memref<10240x16xf32, #tpu.memory_space<vmem_shared>> -> memref<10240x16xf32, #tpu.memory_space<vmem_shared>>
      tpu.wait_indirect_dma semaphore(%arg35 : memref<!tpu.dma_semaphore, #tpu.memory_space<semaphore_mem>>) src(%arg17 : memref<250x16xf32, #tpu.memory_space<vmem>>) dst(%dma_wait3A_190 : memref<10240x16xf32, #tpu.memory_space<vmem_shared>>)
    }
    %scan3A_76 = arith.constant 5 : i32
    %barrier3A_77 = arith.constant 0 : index
    tpu.barrier barrier_id(%barrier3A_77)
    "tpu.region"() ({
      %run_scoped3A = tpu.sem_alloc : memref<!tpu.dma_semaphore, #tpu.memory_space<semaphore_mem>>
      %dma_start3A = arith.constant 0 : i32
      %dma_start3A_78 = tpu.memref_slice %arg6[%arg0, %mul3A_14, %dma_start3A] : memref<2x10240x16xf32, #tpu.memory_space<hbm>> -> memref<1x640x16xf32, #tpu.memory_space<hbm>>
      %dma_start3A_79 = tpu.memref_squeeze %dma_start3A_78 : memref<1x640x16xf32, #tpu.memory_space<hbm>> -> memref<640x16xf32, #tpu.memory_space<hbm>>
      %dma_start3A_80 = arith.constant 0 : i32
      %dma_start3A_81 = tpu.memref_slice %arg19[%mul3A_14, %dma_start3A_80] : memref<10240x16xf32, #tpu.memory_space<vmem_shared>> -> memref<640x16xf32, #tpu.memory_space<vmem_shared>>
      tpu.enqueue_dma source(%dma_start3A_81 : memref<640x16xf32, #tpu.memory_space<vmem_shared>>) target(%dma_start3A_79 : memref<640x16xf32, #tpu.memory_space<hbm>>) target_semaphore(%run_scoped3A : memref<!tpu.dma_semaphore, #tpu.memory_space<semaphore_mem>>)
      %dma_wait3A = arith.constant 0 : i32
      %dma_wait3A_82 = tpu.memref_slice %arg6[%arg0, %mul3A_14, %dma_wait3A] : memref<2x10240x16xf32, #tpu.memory_space<hbm>> -> memref<1x640x16xf32, #tpu.memory_space<hbm>>
      %dma_wait3A_83 = tpu.memref_squeeze %dma_wait3A_82 : memref<1x640x16xf32, #tpu.memory_space<hbm>> -> memref<640x16xf32, #tpu.memory_space<hbm>>
      %dma_wait3A_84 = arith.constant 0 : i32
      %dma_wait3A_85 = tpu.memref_slice %arg19[%mul3A_14, %dma_wait3A_84] : memref<10240x16xf32, #tpu.memory_space<vmem_shared>> -> memref<640x16xf32, #tpu.memory_space<vmem_shared>>
      tpu.wait_dma2 semaphore(%run_scoped3A : memref<!tpu.dma_semaphore, #tpu.memory_space<semaphore_mem>>) src(%dma_wait3A_85 : memref<640x16xf32, #tpu.memory_space<vmem_shared>>) dst(%dma_wait3A_83 : memref<640x16xf32, #tpu.memory_space<hbm>>)
      tpu.yield
    }) : () -> ()
    return
  }
}

module attributes {stable_mosaic.version = 14 : i64} {
  func.func @_dense_body(%arg0: i32, %arg1: memref<1000x128xf32, #tpu.memory_space<vmem>>, %arg2: memref<8x1000x16xf32, #tpu.memory_space<vmem>>, %arg3: memref<2x1000x16xf32, #tpu.memory_space<vmem>>, %arg4: memref<128x128xf32, #tpu.memory_space<vmem>>, %arg5: memref<8x16x128xf32, #tpu.memory_space<vmem>>, %arg6: memref<1x128xf32, #tpu.memory_space<vmem>>, %arg7: memref<1000x128xf32, #tpu.memory_space<vmem>>) attributes {dimension_semantics = [#tpu.dimension_semantics<arbitrary>], iteration_bounds = array<i64: 10>, scalar_prefetch = 0 : i64, scratch_operands = 0 : i64, tpu.core_type = #tpu.core_type<tc>, window_params = [{transform_indices = @transform_0, window_bounds = array<i64: 1000, 128>}, {transform_indices = @transform_1, window_bounds = array<i64: 8, 1000, 16>}, {transform_indices = @transform_2, window_bounds = array<i64: 2, 1000, 16>}, {pipeline_mode = #tpu.pipeline_mode<synchronous>, transform_indices = @transform_3, window_bounds = array<i64: 128, 128>}, {pipeline_mode = #tpu.pipeline_mode<synchronous>, transform_indices = @transform_4, window_bounds = array<i64: 8, 16, 128>}, {pipeline_mode = #tpu.pipeline_mode<synchronous>, transform_indices = @transform_5, window_bounds = array<i64: 1, 128>}, {transform_indices = @transform_6, window_bounds = array<i64: 1000, 128>}]} {
    %get3A = arith.constant 0 : index
    %get3A_0 = arith.constant 0 : index
    %get3A_1 = arith.constant 0 : index
    %get3A_2 = vector.load %arg3[%get3A, %get3A_0, %get3A_1] : memref<2x1000x16xf32, #tpu.memory_space<vmem>>, vector<1x1000x1xf32>
    %get3A_3 = vector.shape_cast %get3A_2 : vector<1x1000x1xf32> to vector<1000x1xf32>
    %get3A_4 = arith.constant 1 : index
    %get3A_5 = arith.constant 0 : index
    %get3A_6 = arith.constant 0 : index
    %get3A_7 = vector.load %arg3[%get3A_4, %get3A_5, %get3A_6] : memref<2x1000x16xf32, #tpu.memory_space<vmem>>, vector<1x1000x1xf32>
    %get3A_8 = vector.shape_cast %get3A_7 : vector<1x1000x1xf32> to vector<1000x1xf32>
    %add3A = arith.addf %get3A_3, %get3A_8 : vector<1000x1xf32>
    %max3A = arith.constant 1.000000e+00 : f32
    %max3A_9 = vector.broadcast %max3A : f32 to vector<1000x1xf32>
    %max3A_10 = arith.maximumf %add3A, %max3A_9 : vector<1000x1xf32>
    %div3A = arith.constant 1.000000e+00 : f32
    %div3A_11 = vector.broadcast %div3A : f32 to vector<1000x1xf32>
    %div3A_12 = arith.divf %div3A_11, %max3A_10 : vector<1000x1xf32>
    %get3A_13 = arith.constant 0 : index
    %get3A_14 = arith.constant 0 : index
    %get3A_15 = vector.load %arg1[%get3A_13, %get3A_14] : memref<1000x128xf32, #tpu.memory_space<vmem>>, vector<1000x128xf32>
    %get3A_16 = arith.constant 0 : index
    %get3A_17 = arith.constant 0 : index
    %get3A_18 = vector.load %arg4[%get3A_16, %get3A_17] : memref<128x128xf32, #tpu.memory_space<vmem>>, vector<128x128xf32>
    %dot_general3A = arith.constant dense<0.000000e+00> : vector<1000x128xf32>
    %dot_general3A_19 = tpu.matmul %get3A_15, %get3A_18, %dot_general3A {dimension_numbers = #tpu.dot_dimension_numbers<[1], [1], [0], [0], [0, 0, 1, 0], [], []>, transpose_lhs_hint = false} : vector<1000x128xf32>, vector<128x128xf32>, vector<1000x128xf32> -> vector<1000x128xf32>
    %get3A_20 = arith.constant 0 : index
    %get3A_21 = arith.constant 0 : index
    %get3A_22 = arith.constant 0 : index
    %get3A_23 = vector.load %arg2[%get3A_20, %get3A_21, %get3A_22] : memref<8x1000x16xf32, #tpu.memory_space<vmem>>, vector<1x1000x16xf32>
    %get3A_24 = vector.shape_cast %get3A_23 : vector<1x1000x16xf32> to vector<1000x16xf32>
    %mul3A = vector.broadcast %div3A_12 : vector<1000x1xf32> to vector<1000x16xf32>
    %mul3A_25 = arith.mulf %get3A_24, %mul3A : vector<1000x16xf32>
    %get3A_26 = arith.constant 0 : index
    %get3A_27 = arith.constant 0 : index
    %get3A_28 = arith.constant 0 : index
    %get3A_29 = vector.load %arg5[%get3A_26, %get3A_27, %get3A_28] : memref<8x16x128xf32, #tpu.memory_space<vmem>>, vector<1x16x128xf32>
    %get3A_30 = vector.shape_cast %get3A_29 : vector<1x16x128xf32> to vector<16x128xf32>
    %dot_general3A_31 = arith.constant dense<0.000000e+00> : vector<1000x128xf32>
    %dot_general3A_32 = tpu.matmul %mul3A_25, %get3A_30, %dot_general3A_31 {dimension_numbers = #tpu.dot_dimension_numbers<[1], [0], [0], [1], [0, 0, 1, 1], [], []>, transpose_lhs_hint = false} : vector<1000x16xf32>, vector<16x128xf32>, vector<1000x128xf32> -> vector<1000x128xf32>
    %add3A_33 = arith.addf %dot_general3A_19, %dot_general3A_32 : vector<1000x128xf32>
    %get3A_34 = arith.constant 1 : index
    %get3A_35 = arith.constant 0 : index
    %get3A_36 = arith.constant 0 : index
    %get3A_37 = vector.load %arg2[%get3A_34, %get3A_35, %get3A_36] : memref<8x1000x16xf32, #tpu.memory_space<vmem>>, vector<1x1000x16xf32>
    %get3A_38 = vector.shape_cast %get3A_37 : vector<1x1000x16xf32> to vector<1000x16xf32>
    %mul3A_39 = vector.broadcast %div3A_12 : vector<1000x1xf32> to vector<1000x16xf32>
    %mul3A_40 = arith.mulf %get3A_38, %mul3A_39 : vector<1000x16xf32>
    %get3A_41 = arith.constant 1 : index
    %get3A_42 = arith.constant 0 : index
    %get3A_43 = arith.constant 0 : index
    %get3A_44 = vector.load %arg5[%get3A_41, %get3A_42, %get3A_43] : memref<8x16x128xf32, #tpu.memory_space<vmem>>, vector<1x16x128xf32>
    %get3A_45 = vector.shape_cast %get3A_44 : vector<1x16x128xf32> to vector<16x128xf32>
    %dot_general3A_46 = arith.constant dense<0.000000e+00> : vector<1000x128xf32>
    %dot_general3A_47 = tpu.matmul %mul3A_40, %get3A_45, %dot_general3A_46 {dimension_numbers = #tpu.dot_dimension_numbers<[1], [0], [0], [1], [0, 0, 1, 1], [], []>, transpose_lhs_hint = false} : vector<1000x16xf32>, vector<16x128xf32>, vector<1000x128xf32> -> vector<1000x128xf32>
    %add3A_48 = arith.addf %add3A_33, %dot_general3A_47 : vector<1000x128xf32>
    %get3A_49 = arith.constant 2 : index
    %get3A_50 = arith.constant 0 : index
    %get3A_51 = arith.constant 0 : index
    %get3A_52 = vector.load %arg2[%get3A_49, %get3A_50, %get3A_51] : memref<8x1000x16xf32, #tpu.memory_space<vmem>>, vector<1x1000x16xf32>
    %get3A_53 = vector.shape_cast %get3A_52 : vector<1x1000x16xf32> to vector<1000x16xf32>
    %mul3A_54 = vector.broadcast %div3A_12 : vector<1000x1xf32> to vector<1000x16xf32>
    %mul3A_55 = arith.mulf %get3A_53, %mul3A_54 : vector<1000x16xf32>
    %get3A_56 = arith.constant 2 : index
    %get3A_57 = arith.constant 0 : index
    %get3A_58 = arith.constant 0 : index
    %get3A_59 = vector.load %arg5[%get3A_56, %get3A_57, %get3A_58] : memref<8x16x128xf32, #tpu.memory_space<vmem>>, vector<1x16x128xf32>
    %get3A_60 = vector.shape_cast %get3A_59 : vector<1x16x128xf32> to vector<16x128xf32>
    %dot_general3A_61 = arith.constant dense<0.000000e+00> : vector<1000x128xf32>
    %dot_general3A_62 = tpu.matmul %mul3A_55, %get3A_60, %dot_general3A_61 {dimension_numbers = #tpu.dot_dimension_numbers<[1], [0], [0], [1], [0, 0, 1, 1], [], []>, transpose_lhs_hint = false} : vector<1000x16xf32>, vector<16x128xf32>, vector<1000x128xf32> -> vector<1000x128xf32>
    %add3A_63 = arith.addf %add3A_48, %dot_general3A_62 : vector<1000x128xf32>
    %get3A_64 = arith.constant 3 : index
    %get3A_65 = arith.constant 0 : index
    %get3A_66 = arith.constant 0 : index
    %get3A_67 = vector.load %arg2[%get3A_64, %get3A_65, %get3A_66] : memref<8x1000x16xf32, #tpu.memory_space<vmem>>, vector<1x1000x16xf32>
    %get3A_68 = vector.shape_cast %get3A_67 : vector<1x1000x16xf32> to vector<1000x16xf32>
    %mul3A_69 = vector.broadcast %div3A_12 : vector<1000x1xf32> to vector<1000x16xf32>
    %mul3A_70 = arith.mulf %get3A_68, %mul3A_69 : vector<1000x16xf32>
    %get3A_71 = arith.constant 3 : index
    %get3A_72 = arith.constant 0 : index
    %get3A_73 = arith.constant 0 : index
    %get3A_74 = vector.load %arg5[%get3A_71, %get3A_72, %get3A_73] : memref<8x16x128xf32, #tpu.memory_space<vmem>>, vector<1x16x128xf32>
    %get3A_75 = vector.shape_cast %get3A_74 : vector<1x16x128xf32> to vector<16x128xf32>
    %dot_general3A_76 = arith.constant dense<0.000000e+00> : vector<1000x128xf32>
    %dot_general3A_77 = tpu.matmul %mul3A_70, %get3A_75, %dot_general3A_76 {dimension_numbers = #tpu.dot_dimension_numbers<[1], [0], [0], [1], [0, 0, 1, 1], [], []>, transpose_lhs_hint = false} : vector<1000x16xf32>, vector<16x128xf32>, vector<1000x128xf32> -> vector<1000x128xf32>
    %add3A_78 = arith.addf %add3A_63, %dot_general3A_77 : vector<1000x128xf32>
    %get3A_79 = arith.constant 4 : index
    %get3A_80 = arith.constant 0 : index
    %get3A_81 = arith.constant 0 : index
    %get3A_82 = vector.load %arg2[%get3A_79, %get3A_80, %get3A_81] : memref<8x1000x16xf32, #tpu.memory_space<vmem>>, vector<1x1000x16xf32>
    %get3A_83 = vector.shape_cast %get3A_82 : vector<1x1000x16xf32> to vector<1000x16xf32>
    %mul3A_84 = vector.broadcast %div3A_12 : vector<1000x1xf32> to vector<1000x16xf32>
    %mul3A_85 = arith.mulf %get3A_83, %mul3A_84 : vector<1000x16xf32>
    %get3A_86 = arith.constant 4 : index
    %get3A_87 = arith.constant 0 : index
    %get3A_88 = arith.constant 0 : index
    %get3A_89 = vector.load %arg5[%get3A_86, %get3A_87, %get3A_88] : memref<8x16x128xf32, #tpu.memory_space<vmem>>, vector<1x16x128xf32>
    %get3A_90 = vector.shape_cast %get3A_89 : vector<1x16x128xf32> to vector<16x128xf32>
    %dot_general3A_91 = arith.constant dense<0.000000e+00> : vector<1000x128xf32>
    %dot_general3A_92 = tpu.matmul %mul3A_85, %get3A_90, %dot_general3A_91 {dimension_numbers = #tpu.dot_dimension_numbers<[1], [0], [0], [1], [0, 0, 1, 1], [], []>, transpose_lhs_hint = false} : vector<1000x16xf32>, vector<16x128xf32>, vector<1000x128xf32> -> vector<1000x128xf32>
    %add3A_93 = arith.addf %add3A_78, %dot_general3A_92 : vector<1000x128xf32>
    %get3A_94 = arith.constant 5 : index
    %get3A_95 = arith.constant 0 : index
    %get3A_96 = arith.constant 0 : index
    %get3A_97 = vector.load %arg2[%get3A_94, %get3A_95, %get3A_96] : memref<8x1000x16xf32, #tpu.memory_space<vmem>>, vector<1x1000x16xf32>
    %get3A_98 = vector.shape_cast %get3A_97 : vector<1x1000x16xf32> to vector<1000x16xf32>
    %mul3A_99 = vector.broadcast %div3A_12 : vector<1000x1xf32> to vector<1000x16xf32>
    %mul3A_100 = arith.mulf %get3A_98, %mul3A_99 : vector<1000x16xf32>
    %get3A_101 = arith.constant 5 : index
    %get3A_102 = arith.constant 0 : index
    %get3A_103 = arith.constant 0 : index
    %get3A_104 = vector.load %arg5[%get3A_101, %get3A_102, %get3A_103] : memref<8x16x128xf32, #tpu.memory_space<vmem>>, vector<1x16x128xf32>
    %get3A_105 = vector.shape_cast %get3A_104 : vector<1x16x128xf32> to vector<16x128xf32>
    %dot_general3A_106 = arith.constant dense<0.000000e+00> : vector<1000x128xf32>
    %dot_general3A_107 = tpu.matmul %mul3A_100, %get3A_105, %dot_general3A_106 {dimension_numbers = #tpu.dot_dimension_numbers<[1], [0], [0], [1], [0, 0, 1, 1], [], []>, transpose_lhs_hint = false} : vector<1000x16xf32>, vector<16x128xf32>, vector<1000x128xf32> -> vector<1000x128xf32>
    %add3A_108 = arith.addf %add3A_93, %dot_general3A_107 : vector<1000x128xf32>
    %get3A_109 = arith.constant 6 : index
    %get3A_110 = arith.constant 0 : index
    %get3A_111 = arith.constant 0 : index
    %get3A_112 = vector.load %arg2[%get3A_109, %get3A_110, %get3A_111] : memref<8x1000x16xf32, #tpu.memory_space<vmem>>, vector<1x1000x16xf32>
    %get3A_113 = vector.shape_cast %get3A_112 : vector<1x1000x16xf32> to vector<1000x16xf32>
    %mul3A_114 = vector.broadcast %div3A_12 : vector<1000x1xf32> to vector<1000x16xf32>
    %mul3A_115 = arith.mulf %get3A_113, %mul3A_114 : vector<1000x16xf32>
    %get3A_116 = arith.constant 6 : index
    %get3A_117 = arith.constant 0 : index
    %get3A_118 = arith.constant 0 : index
    %get3A_119 = vector.load %arg5[%get3A_116, %get3A_117, %get3A_118] : memref<8x16x128xf32, #tpu.memory_space<vmem>>, vector<1x16x128xf32>
    %get3A_120 = vector.shape_cast %get3A_119 : vector<1x16x128xf32> to vector<16x128xf32>
    %dot_general3A_121 = arith.constant dense<0.000000e+00> : vector<1000x128xf32>
    %dot_general3A_122 = tpu.matmul %mul3A_115, %get3A_120, %dot_general3A_121 {dimension_numbers = #tpu.dot_dimension_numbers<[1], [0], [0], [1], [0, 0, 1, 1], [], []>, transpose_lhs_hint = false} : vector<1000x16xf32>, vector<16x128xf32>, vector<1000x128xf32> -> vector<1000x128xf32>
    %add3A_123 = arith.addf %add3A_108, %dot_general3A_122 : vector<1000x128xf32>
    %get3A_124 = arith.constant 7 : index
    %get3A_125 = arith.constant 0 : index
    %get3A_126 = arith.constant 0 : index
    %get3A_127 = vector.load %arg2[%get3A_124, %get3A_125, %get3A_126] : memref<8x1000x16xf32, #tpu.memory_space<vmem>>, vector<1x1000x16xf32>
    %get3A_128 = vector.shape_cast %get3A_127 : vector<1x1000x16xf32> to vector<1000x16xf32>
    %mul3A_129 = vector.broadcast %div3A_12 : vector<1000x1xf32> to vector<1000x16xf32>
    %mul3A_130 = arith.mulf %get3A_128, %mul3A_129 : vector<1000x16xf32>
    %get3A_131 = arith.constant 7 : index
    %get3A_132 = arith.constant 0 : index
    %get3A_133 = arith.constant 0 : index
    %get3A_134 = vector.load %arg5[%get3A_131, %get3A_132, %get3A_133] : memref<8x16x128xf32, #tpu.memory_space<vmem>>, vector<1x16x128xf32>
    %get3A_135 = vector.shape_cast %get3A_134 : vector<1x16x128xf32> to vector<16x128xf32>
    %dot_general3A_136 = arith.constant dense<0.000000e+00> : vector<1000x128xf32>
    %dot_general3A_137 = tpu.matmul %mul3A_130, %get3A_135, %dot_general3A_136 {dimension_numbers = #tpu.dot_dimension_numbers<[1], [0], [0], [1], [0, 0, 1, 1], [], []>, transpose_lhs_hint = false} : vector<1000x16xf32>, vector<16x128xf32>, vector<1000x128xf32> -> vector<1000x128xf32>
    %add3A_138 = arith.addf %add3A_123, %dot_general3A_137 : vector<1000x128xf32>
    %get3A_139 = arith.constant 0 : index
    %get3A_140 = arith.constant 0 : index
    %get3A_141 = vector.load %arg6[%get3A_139, %get3A_140] : memref<1x128xf32, #tpu.memory_space<vmem>>, vector<1x128xf32>
    %add3A_142 = vector.broadcast %get3A_141 : vector<1x128xf32> to vector<1000x128xf32>
    %add3A_143 = arith.addf %add3A_138, %add3A_142 : vector<1000x128xf32>
    %max3A_144 = arith.constant 0.000000e+00 : f32
    %max3A_145 = vector.broadcast %max3A_144 : f32 to vector<1000x128xf32>
    %max3A_146 = arith.maximumf %add3A_143, %max3A_145 : vector<1000x128xf32>
    %swap3A = arith.constant 0 : index
    %swap3A_147 = arith.constant 0 : index
    %swap3A_148 = vector.load %arg7[%swap3A, %swap3A_147] : memref<1000x128xf32, #tpu.memory_space<vmem>>, vector<1000x128xf32>
    tpu.vector_store %arg7[%swap3A, %swap3A_147], %max3A_146 {strides = array<i32>} : memref<1000x128xf32, #tpu.memory_space<vmem>>, vector<1000x128xf32>,
    return
  }
  func.func @transform_0(%arg0: i32) -> (i32, i32) {
    %c0_i32 = arith.constant 0 : i32
    %c0_i32_0 = arith.constant 0 : i32
    return %arg0, %c0_i32 : i32, i32
  }
  func.func @transform_1(%arg0: i32) -> (i32, i32, i32) {
    %c0_i32 = arith.constant 0 : i32
    %c0_i32_0 = arith.constant 0 : i32
    %c0_i32_1 = arith.constant 0 : i32
    return %c0_i32, %arg0, %c0_i32_0 : i32, i32, i32
  }
  func.func @transform_2(%arg0: i32) -> (i32, i32, i32) {
    %c0_i32 = arith.constant 0 : i32
    %c0_i32_0 = arith.constant 0 : i32
    %c0_i32_1 = arith.constant 0 : i32
    return %c0_i32, %arg0, %c0_i32_0 : i32, i32, i32
  }
  func.func @transform_3(%arg0: i32) -> (i32, i32) {
    %c0_i32 = arith.constant 0 : i32
    %c0_i32_0 = arith.constant 0 : i32
    %c0_i32_1 = arith.constant 0 : i32
    return %c0_i32, %c0_i32_0 : i32, i32
  }
  func.func @transform_4(%arg0: i32) -> (i32, i32, i32) {
    %c0_i32 = arith.constant 0 : i32
    %c0_i32_0 = arith.constant 0 : i32
    %c0_i32_1 = arith.constant 0 : i32
    %c0_i32_2 = arith.constant 0 : i32
    return %c0_i32, %c0_i32_0, %c0_i32_1 : i32, i32, i32
  }
  func.func @transform_5(%arg0: i32) -> (i32, i32) {
    %c0_i32 = arith.constant 0 : i32
    %c0_i32_0 = arith.constant 0 : i32
    %c0_i32_1 = arith.constant 0 : i32
    return %c0_i32, %c0_i32_0 : i32, i32
  }
  func.func @transform_6(%arg0: i32) -> (i32, i32) {
    %c0_i32 = arith.constant 0 : i32
    %c0_i32_0 = arith.constant 0 : i32
    return %arg0, %c0_i32 : i32, i32
  }
}

</mosaic_0001>

<sc_bundles>
// kernel: kernel.4.cloned.1.call-start
scs
__scs_entry_jumppad:
0x0: {  	(pc) =	sbr.rel $0x88, $3  }
0x1: {  	(tag) =	ssettag $0x0;
	lr =	simm.s32 $0x1  }
0x2: {  	[smem:$0x3F9C] =	sst lr;
	_ =	strace $0xD0000000  }
0x3: {  	_ = 	snop  }
0x4: {  	_ = 	snop  }
0x5: {  	_ = 	snop  }
0x6: {  	_ = 	snop  }
0x7: {  	_ = 	snop  }
__scs_overlays_trampoline_lowered:
0x8: {  	[smem:$0x3FAB] =	sst s0  }
0x9: {  	[smem:$0x3FAC] =	sst s1  }
0xa: {  	[smem:$0x3FAD] =	sst s2  }
0xb: {  	[smem:$0x3FAE] =	sst s3  }
0xc: {  	[smem:$0x3FAF] =	sst s4  }
0xd: {  	[smem:$0x3FB0] =	sst s5  }
0xe: {  	[smem:$0x3FB1] =	sst s6  }
0xf: {  	[smem:$0x3FB2] =	sst s7  }
0x10: {  	[smem:$0x3FB3] =	sst s8  }
0x11: {  	[smem:$0x3FB4] =	sst s9;
	s0 =	simm.s32 @!p0 $0x0  }
0x12: {  	s1 =	sld [smem:$0x3F9A];
	s0 =	simm.s32 @p0 $0x1  }
0x13: {  	[smem:$0x3FB5] =	sst s0;
	s0 =	simm.s32 @!p1 $0x0  }
0x14: {  	s2 =	sld [smem:$0x3F99];
	s0 =	simm.s32 @p1 $0x1  }
0x15: {  	[smem:$0x3FB6] =	sst s0;
	s0 =	simm.s32 @!p2 $0x0  }
0x16: {  	s3 =	sld [smem:$0x3FDB];
	s0 =	simm.s32 @p2 $0x1  }
0x17: {  	s4 =	simm.s32 $0x1BF5;
	[smem:$0x3FB8] =	sst s0  }
0x18: {  	s0 =	sld [smem:$0x3F9B];
	_ =	swait.ge [sflag:s4], $0x0  }
0x19: {  	s7 =	sld [smem:$0x3F9C]  }
0x1a: {  	s8 =	sadd.s32 $0xFFFFE003, lr  }
0x1b: {  	s9 =	sadd.s32 $0xFFFFFEF7, lr;
	s5 =	simm.s32 $0xFFFFFFFF;
	p2 =	slt.u32 s8, $0xFFFFF086  }
0x1c: {  	p1 =	slt.u32 s9, $0xF7A;
	s5 =	simm.s32 @!p2 $0x0  }
0x1d: {  	s5 =	simm.s32 @p1 $0x1;
	p0 =	seq.s32 s7, s2  }
0x1e: {  	s7 =	smul.u32 @!p0 $0xF7A, s2;
	p2 =	seq.s32 @!p0 s5, $0x0  }
0x1f: {  	s9 =	smul.u32 $0xF7A, s1;
	s8 =	simm.s32 @!p0 $0x1BF5;
	p2 =	por !p2, p0  }
0x20: {  	[sflag:s8] =	ssyncset.s32 @!p0 $0xFFFFF086;
	s6 =	sadd.s32 @!p0 s3, s7;
	s7 =	simm.s32 @!p0 $0x108  }
0x21: {  	s3 =	sadd.s32 s3, s9;
	s6 =	sadd.s32 @!p0 $0x88, s6;
	s7 =	simm.s32 @p2 $0x1082  }
0x22: {  	[simem:s7], [sflag:s8] =	dma.local @!p0 [hbm:s6], $0xF7A  }
0x23: {  	s9 =	sor.u32 $0xD0000000, s2;
	s6 =	simm.s32 $0x108;
	_ =	swait.ge @!p0 [sflag:s8], $0x0  }
0x24: {  	s3 =	sadd.s32 $0x88, s3;
	s6 =	simm.s32 @!p1 $0x1082;
	[sflag:s4] =	ssyncset.s32 $0xFFFFF086  }
0x25: {  	[simem:s6], [sflag:s4] =	dma.local [hbm:s3], $0xF7A  }
0x26: {  	[smem:$0x3F9C] =	sst s1;
	(tag) =	ssettag s2;
	_ =	strace s9  }
0x27: {  	s1 =	sld [smem:$0x3FAC]  }
0x28: {  	s2 =	sld [smem:$0x3FAD]  }
0x29: {  	s4 =	sld [smem:$0x3FAF]  }
0x2a: {  	p0 =	seq.s32 s5, $0x0;
	s5 =	sld [smem:$0x3FB0]  }
0x2b: {  	s6 =	sld [smem:$0x3FB1]  }
0x2c: {  	s7 =	sld [smem:$0x3FB2]  }
0x2d: {  	s3 =	simm.s32 $0x108;
	s8 =	sld [smem:$0x3FB3]  }
0x2e: {  	s3 =	simm.s32 @!p0 $0x1082;
	s9 =	sld [smem:$0x3FB4]  }
0x2f: {  	lr =	sadd.s32 s0, s3;
	s0 =	sld [smem:$0x3FAB]  }
0x30: {  	s3 =	sld [smem:$0x3FAE]  }
0x31: {  	[smem:$0x3FB7] =	sst s10  }
0x32: {  	s10 =	sld [smem:$0x3FB5];
	_ =	sdelay $0x3  }
0x33: {  	p0 =	seq.s32 s10, $0x1;
	s10 =	sld [smem:$0x3FB7];
	_ =	sdelay $0x3  }
0x34: {  	[smem:$0x3FB7] =	sst s10  }
0x35: {  	s10 =	sld [smem:$0x3FB6];
	_ =	sdelay $0x3  }
0x36: {  	p1 =	seq.s32 s10, $0x1;
	s10 =	sld [smem:$0x3FB7];
	_ =	sdelay $0x3  }
0x37: {  	[smem:$0x3FB7] =	sst s10  }
0x38: {  	s10 =	sld [smem:$0x3FB8]  }
0x39: {  	_ = 	snop;
	(pc) =	sbr.ind lr, $3  }
0x3a: {  	_ = 	snop  }
0x3b: {  	_ = 	snop  }
0x3c: {  	p2 =	seq.s32 s10, $0x1;
	s10 =	sld [smem:$0x3FB7]  }
0x3d: {  	_ =	shalt  }
0x3e: {  	_ =	shalt  }
0x3f: {  	_ =	shalt  }
0x40: {  	_ =	shalt  }
0x41: {  	_ =	shalt  }
0x42: {  	_ =	shalt  }
0x43: {  	_ =	shalt  }
0x44: {  	_ =	shalt  }
0x45: {  	_ =	shalt  }
0x46: {  	_ =	shalt  }
0x47: {  	_ =	shalt  }
0x48: {  	_ =	shalt  }
0x49: {  	_ =	shalt  }
0x4a: {  	_ =	shalt  }
0x4b: {  	_ =	shalt  }
0x4c: {  	_ =	shalt  }
0x4d: {  	_ =	shalt  }
0x4e: {  	_ =	shalt  }
0x4f: {  	_ =	shalt  }
0x50: {  	_ =	shalt  }
0x51: {  	_ =	shalt  }
0x52: {  	_ =	shalt  }
0x53: {  	_ =	shalt  }
0x54: {  	_ =	shalt  }
0x55: {  	_ =	shalt  }
0x56: {  	_ =	shalt  }
0x57: {  	_ =	shalt  }
0x58: {  	_ =	shalt  }
0x59: {  	_ =	shalt  }
0x5a: {  	_ =	shalt  }
0x5b: {  	_ =	shalt  }
0x5c: {  	_ =	shalt  }
0x5d: {  	_ =	shalt  }
0x5e: {  	_ =	shalt  }
0x5f: {  	_ =	shalt  }
0x60: {  	_ =	shalt  }
0x61: {  	_ =	shalt  }
0x62: {  	_ =	shalt  }
0x63: {  	_ =	shalt  }
0x64: {  	_ =	shalt  }
0x65: {  	_ =	shalt  }
0x66: {  	_ =	shalt  }
0x67: {  	_ =	shalt  }
0x68: {  	_ =	shalt  }
0x69: {  	_ =	shalt  }
0x6a: {  	_ =	shalt  }
0x6b: {  	_ =	shalt  }
0x6c: {  	_ =	shalt  }
0x6d: {  	_ =	shalt  }
0x6e: {  	_ =	shalt  }
0x6f: {  	_ =	shalt  }
0x70: {  	_ =	shalt  }
0x71: {  	_ =	shalt  }
0x72: {  	_ =	shalt  }
0x73: {  	_ =	shalt  }
0x74: {  	_ =	shalt  }
0x75: {  	_ =	shalt  }
0x76: {  	_ =	shalt  }
0x77: {  	_ =	shalt  }
0x78: {  	_ =	shalt  }
0x79: {  	_ =	shalt  }
0x7a: {  	_ =	shalt  }
0x7b: {  	_ =	shalt  }
0x7c: {  	_ =	shalt  }
0x7d: {  	_ =	shalt  }
0x7e: {  	_ =	shalt  }
0x7f: {  	_ =	shalt  }
0x80: {  	_ =	shalt  }
0x81: {  	_ =	shalt  }
0x82: {  	_ =	shalt  }
0x83: {  	_ =	shalt  }
0x84: {  	_ =	shalt  }
0x85: {  	_ =	shalt  }
0x86: {  	_ =	shalt  }
0x87: {  	_ =	shalt  }
.Lfunc_end0:
.L_simem_size_0:
called_computation_lowered:
.L_overlay_start_0:
0x88: {  	s2 =	sld [smem:$0x3FD9]  }
0x89: {  	s3 =	sld [smem:$0x3FFE];
	_ =	sdelay $0x1  }
0x8a: {  	s1 =	srdreg.scid  }
0x8b: {  	s0 =	sand.u32 $0x1, s1  }
0x8c: {  	s17 =	sshll.u32 s0, $0xA;
	s2 =	sadd.s32 s3, s2  }
0x8d: {  	s2 =	sadd.s32 s2, s17  }
0x8e: {  	[smem:$0x3FC3] =	sst s2  }
0x8f: {  	_ = 	snop  }
0x90: {  	s2 =	sld [smem:$0x3FD0];
	(tm) =	ssettm $0x1  }
0x91: {  	s18 =	sld [smem:$0x3FFB];
	_ =	sdelay $0x3  }
0x92: {  	_ =	strace s18  }
0x93: {  	s3 =	sld [smem:$0x3FFC];
	_ =	sdelay $0x3  }
0x94: {  	_ =	strace s3  }
0x95: {  	s3 =	sld [smem:$0x3FFD];
	_ =	sdelay $0x3  }
0x96: {  	_ =	strace s3  }
0x97: {  	_ =	strace $0x8FFFFFFF  }
0x98: {  	s19 =	sld [smem:$0x3FDB];
	_ =	sdelay $0x1  }
0x99: {  	s4 =	simm.s32 $_scs_section_size  }
0x9a: {  	s5 =	simm.s32 $_size__tile_overlayer_lowered;
	s6 =	simm.s32 $_tile_overlayer_lowered  }
0x9b: {  	s22 =	simm.s32 $0x1BFF;
	s21 =	sshll.u32 s6, $0x1;
	s3 =	sadd.s32 s4, s19  }
0x9c: {  	s7 =	simm.s32 $0x0;
	s20 =	sshll.u32 s5, $0x1;
	s5 =	sadd.s32 s21, s3  }
0x9d: {  	[timem:s7], [sflag:s22] =	dma.local [hbm:s5], s20  }
0x9e: {  	_ =	swait.ge [sflag:s22], s20  }
0x9f: {  	s4 =	ssub.s32 $0x0, s20;
	[sflag:s22] =	ssyncset.done $0x0  }
0xa0: {  	[sflag:s22] =	ssyncadd.s32 s4;
	_ =	sdelay $0x1  }
0xa1: {  	s23 =	simm.s32 $0x1B8B  }
0xa2: {  	_ =	swait.ge [sflag:s23], $0x1  }
0xa3: {  	[sflag:s23] =	ssyncset.done $0x0  }
0xa4: {  	s25 =	simm.s32 $0x1B8E;
	s24 =	sld [smem:$0x3FFE];
	[sflag:s23] =	ssyncadd.s32 $0xFFFFFFFF  }
0xa5: {  	s26 =	simm.s32 $execute0_lowered;
	[smem:$0x3FD2] =	sst s25  }
0xa6: {  	s5 =	sshll.u32 s26, $0x1;
	_ =	strace $0x80000046;
	[dreg:$0x1] =	wrdreg $0xFFFFFFFF  }
0xa7: {  	s28 =	simm.s32 $_size_execute0_lowered;
	s3 =	sadd.s32 s3, s5;
	[dreg:$0x0] =	wrdreg $0x0  }
0xa8: {  	s5 =	sshll.u32 s28, $0x1;
	[dreg:$0x2] =	wrdreg s3  }
0xa9: {  	[dreg:$0x3] =	wrdreg s5  }
0xaa: {  	[dreg:$0x4] =	wrdreg $0xC0  }
0xab: {  	_ =	task [dreg:s7], $0x5FFFF  }
0xac: {  	[dreg:$0x1] =	wrdreg $0xFFFFFFFF  }
0xad: {  	[dreg:$0x0] =	wrdreg $0x60  }
0xae: {  	[dreg:$0x2] =	wrdreg s24  }
0xaf: {  	[dreg:$0x3] =	wrdreg s2  }
0xb0: {  	[dreg:$0x4] =	wrdreg $0x154A00  }
0xb1: {  	[dreg:$0x5] =	wrdreg $0x9  }
0xb2: {  	_ =	task.clear_ibuf [dreg:s7], $0x6FFFF;
	_ =	strace $0x90000046  }
0xb3: {  	s29 =	simm.s32 $0x9;
	_ =	strace $0x80000048  }
0xb4: {  	_ =	swait.ge [sflag:s29], $0x1  }
0xb5: {  	[sflag:s29] =	ssyncadd.s32 $0xFFFFFFFF  }
0xb6: {  	_ =	strace $0x90000048  }
0xb7: {  	_ =	sfence  }
0xb8: {  	s30 =	sld [smem:$0x0];
	_ =	sdelay $0x2  }
0xb9: {  	s31 =	sshll.u32 s1, $0xD;
	s1 =	sshrl.u32 s1, $0x2  }
0xba: {  	s3 =	sand.u32 $0x4000, s31;
	s1 =	sadd.s32 s1, s30  }
0xbb: {  	s0 =	sor.u32 s3, s0;
	s1 =	sshll.u32 s1, $0x11  }
0xbc: {  	s0 =	sor.u32 s1, s0  }
0xbd: {  	s0 =	sadd.s32 $0x8F2B, s0  }
0xbe: {  	[sflag:s0] =	ssyncadd.remote.s32 $0x1  }
0xbf: {  	_ =	sfence.sel $0xFFFF  }
0xc0: {  	[dreg:$0x0] =	wrdreg $0xFFFFFFFF;
	(pc) =	sbr.abs _section_cstart, $3  }
0xc1: {  	[dreg:$0x1] =	wrdreg $0xFFFFFFFF  }
0xc2: {  	_ =	task.clear_ibuf [dreg:s7], $0x2FFFF;
	_ =	strace $0x9FFFFFFF  }
0xc3: {  	(tm) =	ssettm $0x7FFFFFFF  }
tec
execute0_lowered:
.L_overlay_start_1:
0x0: {  	(tag) =	ssettag $0x1  }
0x1: {  	s0 =	rddreg [dreg:$0x0]  }
0x2: {  	s1 =	rddreg [dreg:$0x1]  }
0x3: {  	s2 =	rddreg [dreg:$0x2]  }
0x4: {  	s16 =	stileid.u32;
	s4 =	srdreg.scid;
	s6 =	simm.s32 $0x0  }
0x5: {  	s31 =	simm.s32 $0x4;
	s3 =	smul.u32 $0xA00, s16;
	s4 =	sand.u32 $0x1, s4  }
0x6: {  	s5 =	smul.u32 $0x2800, s16;
	[smem:$0x7FF] =	sst s6;
	s8 =	sadd.s32 $0x1000, s0  }
0x7: {  	s10 =	sadd.s32 $0x15000, s0;
	s29 =	smul.u32 $0x28000, s4;
	_ =	strace $0x80000047  }
0x8: {  	s9 =	ssub.s32 $0x2, s4;
	s13 =	smul.u32 $0x13880, s4;
	s14 =	sshll.u32 s4, $0x2  }
0x9: {  	s12 =	smul.u32 $0xA0000, s4;
	s7 =	sadd.s32 s3, s0;
	s11 =	sshrl.u32 s9, $0x1  }
0xa: {  	s3 =	sadd.s32 s8, s3;
	s15 =	sadd.s32 s5, s2;
	s17 =	sor.u32 $0x1, s14  }
0xb: {  	s6 =	sadd.s32 s5, s29;
	s30 =	ssub.s32 s9, s11;
	[dreg:$0x5] =	wrdreg s3  }
0xc: {  	s7 =	sadd.s32 $0xB000, s7;
	[dreg:$0x6] =	wrdreg s15;
	s19 =	smul.u32 $0x28000, s17  }
0xd: {  	s18 =	sadd.s32 s5, s12;
	s3 =	smul.u32 $0x4E20, s17;
	s11 =	sor.u32 $0x2, s14  }
0xe: {  	s15 =	sshllo.u32 s4, $0x2;
	s4 =	sshll.u32 s4, $0x4;
	s21 =	smul.u32 $0x4E20, s11  }
0xf: {  	s12 =	simm.s32 $0x9;
	s17 =	simm.s32 $0xD;
	s14 =	smul.u32 $0x28000, s11  }
0x10: {  	s6 =	sshrl.u32 s6, $0x3;
	[dreg:$0x4] =	wrdreg s7;
	s23 =	smul.u32 $0x28000, s15  }
0x11: {  	s7 =	sadd.s32 s1, s13;
	s9 =	sshrl.u32 s18, $0x3;
	s25 =	smul.u32 $0x4E20, s15  }
0x12: {  	s4 =	sor.u32 s16, s4;
	s30 =	smax.u32 s30, $0x1;
	s15 =	simm.s32 $0xB  }
0x13: {  	s16 =	simm.s32 $0xC;
	s0 =	sadd.s32 s6, s0;
	s9 =	sadd.s32 s10, s9  }
0x14: {  	s20 =	sadd.s32 s5, s19;
	s4 =	smul.u32 $0x500, s4;
	[dreg:$0xd] =	wrdreg s30  }
0x15: {  	s19 =	simm.s32 $0xE;
	s6 =	simm.s32 $0x10;
	[dreg:$0x7] =	wrdreg s9  }
0x16: {  	s13 =	sshrl.u32 s20, $0x3;
	s9 =	sadd.s32 s1, s3;
	s11 =	sadd.s32 s1, s21  }
0x17: {  	s24 =	sadd.s32 s5, s14;
	s3 =	sadd.s32 s5, s23;
	s0 =	sadd.s32 $0x3D000, s0  }
0x18: {  	s21 =	simm.s32 $0xFA;
	s14 =	simm.s32 $0xA;
	s20 =	simm.s32 $0xF  }
0x19: {  	s22 =	sadd.s32 s10, s13;
	s26 =	sshrl.u32 s24, $0x3;
	s3 =	sshrl.u32 s3, $0x3  }
0x1a: {  	s13 =	sadd.s32 s1, s25;
	s29 =	sadd.s32 s8, s4;
	[dreg:$0xc] =	wrdreg s0  }
0x1b: {  	s24 =	simm.s32 $0x5000;
	s0 =	simm.s32 $0x1;
	s1 =	simm.s32 $0x3  }
0x1c: {  	s4 =	simm.s32 $0x5;
	s8 =	simm.s32 $0x7;
	[dreg:$0x8] =	wrdreg s22  }
0x1d: {  	s5 =	sadd.s32 s10, s26;
	s28 =	sadd.s32 s10, s3;
	[dreg:$0xb] =	wrdreg s29  }
0x1e: {  	s3 =	simm.s32 $0x2;
	s10 =	simm.s32 $0x8;
	[dreg:$0x9] =	wrdreg s5  }
0x1f: {  	v0 =	vimm.f32 $1.000000000e+00;
	v1 =	vimm.f32 $0.0e+00;
	s22 =	simm.s32 $0x0;
	[dreg:$0xa] =	wrdreg s28;
	s5 =	simm.s32 $0x6  }
.LBB2_1:
0x20: {  	[dreg:$0xe] =	wrdreg s22;
	s18 =	simm.s32 $0x0  }
.LBB2_2:
0x21: {  	p0 =	sne.s32 s18, $0x3E40  }
.Ltmp0:
0x22: {  	_ = 	snop;
	(pc) =	sbr.rel @p0 .LBB2_2-.Ltmp0, $3  }
0x23: {  	_ =	sdelay $0x1  }
0x24: {  	s22 =	sshra.s32 s18, $0x2  }
0x25: {  	s18 =	sadd.s32 $0x40, s18;
	[tilespmem:s22+$0x11D00] =	vst v0  }
0x26: {  	s18 =	simm.s32 $0x40;
	s22 =	simm.s32 $0x0  }
.LBB2_4:
0x27: {  	p0 =	sne.s32 s18, $0x9FC0;
	[tilespmem:s22+$0x12CA0] =	vst v1;
	s22 =	smov.u32 s18;
	s18 =	sadd.s32 $0x40, s18  }
.Ltmp1:
0x28: {  	(pc) =	sbr.rel @p0 .LBB2_4-.Ltmp1, $2  }
0x29: {  	_ =	sdelay $0x2  }
0x2a: {  	s22 =	sshra.s32 s22, $0x2  }
0x2b: {  	[tilespmem:s22+$0x12CA0] =	vst v1;
	s18 =	simm.s32 $0x0;
	s26 =	rddreg [dreg:$0x4];
	s23 =	simm.s32 $0x11  }
0x2c: {  	[tilespmem:s18], [sflag:$0x11] =	stream.linear.gather [hbm4b:s26+s18], $0x5000, $0x38;
	[tilespmem:$0x17CA0] =	vst v63  }
0x2d: {  	_ =	swait.ge [sflag:s23], $0x5000  }
0x2e: {  	[sflag:s23] =	ssyncset.done $0x0  }
0x2f: {  	s28 =	rddreg [dreg:$0x5];
	[sflag:s23] =	ssyncadd.s32 $0xFFFFB000  }
0x30: {  	[tilespmem:s24], [sflag:$0x11] =	stream.linear.gather [hbm4b:s28+s18], $0x5000, $0x38;
	[tilespmem:$0x17CA0] =	vst v63  }
0x31: {  	_ =	swait.ge [sflag:s23], $0x5000  }
0x32: {  	[sflag:s23] =	ssyncset.done $0x0  }
0x33: {  	s30 =	simm.s32 $0x12CA0;
	s29 =	rddreg [dreg:$0x6];
	[sflag:s23] =	ssyncadd.s32 $0xFFFFB000  }
0x34: {  	[spmem:s29] =	stream.linear.scatter [tilespmem:s30], [sflag:$0x11], $0x2800, $0x38;
	[tilespmem:$0x17CA0] =	vst v63  }
0x35: {  	_ =	swait.ge [sflag:s23], $0x2800  }
0x36: {  	[sflag:s23] =	ssyncset.done $0x0  }
0x37: {  	[sflag:s23] =	ssyncadd.s32 $0xFFFFD800  }
0x38: {  	s24 =	simm.s32 $0x0;
	s30 =	simm.s32 $0xA000;
	[bflag:$0x0] =	sbarrier.arrive $0xFFFF  }
0x39: {  	[tilespmem:s30], [sflag:$0x1] =	stream.indirect.gather [hbm4b:s7+s21], $0x10, s24, s21, $0xb8;
	[tilespmem:$0x17CA0] =	vst v63  }
0x3a: {  	s25 =	simm.s32 $0x100;
	s29 =	simm.s32 $0xAFA0  }
0x3b: {  	[tilespmem:s29], [sflag:$0x2] =	stream.indirect.gather [hbm4b:s7+s21], $0x10, s25, s21, $0xb8;
	[tilespmem:$0x17CA0] =	vst v63  }
0x3c: {  	s26 =	simm.s32 $0x200;
	s25 =	simm.s32 $0xBF40  }
0x3d: {  	[tilespmem:s25], [sflag:$0x3] =	stream.indirect.gather [hbm4b:s7+s21], $0x10, s26, s21, $0xb8;
	[tilespmem:$0x17CA0] =	vst v63  }
0x3e: {  	s28 =	simm.s32 $0x300;
	s26 =	simm.s32 $0xCEE0  }
0x3f: {  	[tilespmem:s26], [sflag:$0x4] =	stream.indirect.gather [hbm4b:s7+s21], $0x10, s28, s21, $0xb8;
	[tilespmem:$0x17CA0] =	vst v63  }
0x40: {  	s22 =	simm.s32 $0x400;
	s28 =	simm.s32 $0xDE80  }
0x41: {  	[tilespmem:s28], [sflag:$0x5] =	stream.indirect.gather [hbm4b:s7+s21], $0x10, s22, s21, $0xb8;
	[tilespmem:$0x17CA0] =	vst v63  }
0x42: {  	s23 =	simm.s32 $0x500;
	s24 =	simm.s32 $0xEE20  }
0x43: {  	[tilespmem:s24], [sflag:$0x6] =	stream.indirect.gather [hbm4b:s7+s21], $0x10, s23, s21, $0xb8;
	[tilespmem:$0x17CA0] =	vst v63  }
0x44: {  	s22 =	simm.s32 $0x600;
	s23 =	simm.s32 $0xFDC0  }
0x45: {  	[tilespmem:s23], [sflag:$0x7] =	stream.indirect.gather [hbm4b:s7+s21], $0x10, s22, s21, $0xb8;
	[tilespmem:$0x17CA0] =	vst v63  }
0x46: {  	s18 =	simm.s32 $0x700;
	s22 =	simm.s32 $0x10D60  }
0x47: {  	[tilespmem:s22], [sflag:$0x8] =	stream.indirect.gather [hbm4b:s7+s21], $0x10, s18, s21, $0xb8;
	[tilespmem:$0x17CA0] =	vst v63  }
0x48: {  	_ =	swait.ge [sflag:s0], $0xFA0  }
0x49: {  	[sflag:s0] =	ssyncset.done $0x0  }
0x4a: {  	[sflag:s0] =	ssyncadd.s32 $0xFFFFF060;
	s0 =	simm.s32 $0x5000  }
0x4b: {  	[spmem:s2] =	stream.indirect.scatter.add.f32 [tilespmem:s30], [sflag:$0x9], $0x10, s0, s21, $0xb8;
	[tilespmem:$0x17CA0] =	vst v63  }
0x4c: {  	_ =	swait.ge [sflag:s3], $0xFA0  }
0x4d: {  	[sflag:s3] =	ssyncset.done $0x0  }
0x4e: {  	s0 =	simm.s32 $0x5100;
	[sflag:s3] =	ssyncadd.s32 $0xFFFFF060  }
0x4f: {  	[spmem:s2] =	stream.indirect.scatter.add.f32 [tilespmem:s29], [sflag:$0xA], $0x10, s0, s21, $0xb8;
	[tilespmem:$0x17CA0] =	vst v63  }
0x50: {  	_ =	swait.ge [sflag:s1], $0xFA0  }
0x51: {  	[sflag:s1] =	ssyncset.done $0x0  }
0x52: {  	s3 =	simm.s32 $0x5200;
	[sflag:s1] =	ssyncadd.s32 $0xFFFFF060  }
0x53: {  	[spmem:s2] =	stream.indirect.scatter.add.f32 [tilespmem:s25], [sflag:$0xB], $0x10, s3, s21, $0xb8;
	[tilespmem:$0x17CA0] =	vst v63  }
0x54: {  	_ =	swait.ge [sflag:s31], $0xFA0  }
0x55: {  	[sflag:s31] =	ssyncset.done $0x0  }
0x56: {  	s25 =	simm.s32 $0x5300;
	[sflag:s31] =	ssyncadd.s32 $0xFFFFF060  }
0x57: {  	[spmem:s2] =	stream.indirect.scatter.add.f32 [tilespmem:s26], [sflag:$0xC], $0x10, s25, s21, $0xb8;
	[tilespmem:$0x17CA0] =	vst v63  }
0x58: {  	_ =	swait.ge [sflag:s4], $0xFA0  }
0x59: {  	[sflag:s4] =	ssyncset.done $0x0  }
0x5a: {  	s26 =	simm.s32 $0x5400;
	[sflag:s4] =	ssyncadd.s32 $0xFFFFF060  }
0x5b: {  	[spmem:s2] =	stream.indirect.scatter.add.f32 [tilespmem:s28], [sflag:$0xD], $0x10, s26, s21, $0xb8;
	[tilespmem:$0x17CA0] =	vst v63  }
0x5c: {  	_ =	swait.ge [sflag:s5], $0xFA0  }
0x5d: {  	[sflag:s5] =	ssyncset.done $0x0  }
0x5e: {  	s29 =	simm.s32 $0x5500;
	[sflag:s5] =	ssyncadd.s32 $0xFFFFF060  }
0x5f: {  	[spmem:s2] =	stream.indirect.scatter.add.f32 [tilespmem:s24], [sflag:$0xE], $0x10, s29, s21, $0xb8;
	[tilespmem:$0x17CA0] =	vst v63  }
0x60: {  	_ =	swait.ge [sflag:s8], $0xFA0  }
0x61: {  	[sflag:s8] =	ssyncset.done $0x0  }
0x62: {  	s30 =	simm.s32 $0x5600;
	[sflag:s8] =	ssyncadd.s32 $0xFFFFF060  }
0x63: {  	[spmem:s2] =	stream.indirect.scatter.add.f32 [tilespmem:s23], [sflag:$0xF], $0x10, s30, s21, $0xb8;
	[tilespmem:$0x17CA0] =	vst v63  }
0x64: {  	_ =	swait.ge [sflag:s10], $0xFA0  }
0x65: {  	[sflag:s10] =	ssyncset.done $0x0  }
0x66: {  	s31 =	simm.s32 $0x5700;
	[sflag:s10] =	ssyncadd.s32 $0xFFFFF060  }
0x67: {  	[spmem:s2] =	stream.indirect.scatter.add.f32 [tilespmem:s22], [sflag:$0x10], $0x10, s31, s21, $0xb8;
	[tilespmem:$0x17CA0] =	vst v63  }
0x68: {  	_ =	swait.ge [sflag:s12], $0xFA0  }
0x69: {  	[sflag:s12] =	ssyncset.done $0x0  }
0x6a: {  	[sflag:s12] =	ssyncadd.s32 $0xFFFFF060  }
0x6b: {  	_ =	swait.ge [sflag:s14], $0xFA0  }
0x6c: {  	[sflag:s14] =	ssyncset.done $0x0  }
0x6d: {  	[sflag:s14] =	ssyncadd.s32 $0xFFFFF060  }
0x6e: {  	_ =	swait.ge [sflag:s15], $0xFA0  }
0x6f: {  	[sflag:s15] =	ssyncset.done $0x0  }
0x70: {  	[sflag:s15] =	ssyncadd.s32 $0xFFFFF060  }
0x71: {  	_ =	swait.ge [sflag:s16], $0xFA0  }
0x72: {  	[sflag:s16] =	ssyncset.done $0x0  }
0x73: {  	[sflag:s16] =	ssyncadd.s32 $0xFFFFF060  }
0x74: {  	_ =	swait.ge [sflag:s17], $0xFA0  }
0x75: {  	[sflag:s17] =	ssyncset.done $0x0  }
0x76: {  	[sflag:s17] =	ssyncadd.s32 $0xFFFFF060  }
0x77: {  	_ =	swait.ge [sflag:s19], $0xFA0  }
0x78: {  	[sflag:s19] =	ssyncset.done $0x0  }
0x79: {  	[sflag:s19] =	ssyncadd.s32 $0xFFFFF060  }
0x7a: {  	_ =	swait.ge [sflag:s20], $0xFA0  }
0x7b: {  	[sflag:s20] =	ssyncset.done $0x0  }
0x7c: {  	s18 =	simm.s32 $0x2000;
	[sflag:s20] =	ssyncadd.s32 $0xFFFFF060  }
0x7d: {  	s0 =	simm.s32 $0x1;
	s1 =	simm.s32 $0x3;
	_ =	swait.ge [sflag:s6], $0xFA0  }
0x7e: {  	s3 =	simm.s32 $0x2;
	s22 =	simm.s32 $0x4000;
	[sflag:s6] =	ssyncset.done $0x0  }
.LBB2_6:
0x7f: {  	s23 =	sshra.s32 s18, $0x2;
	[sflag:s6] =	ssyncadd.s32 $0xFFFFF060  }
0x80: {  	s18 =	smov.u32 s22;
	s24 =	sadd.s32 $0x2000, s22;
	s14 =	simm.s32 $0xA000  }
0x81: {  	[tilespmem:s14], [sflag:$0x1] =	stream.indirect.gather [hbm4b:s7+s21], $0x10, s23, s21, $0xb8;
	[tilespmem:$0x17CA0] =	vst v63  }
0x82: {  	p0 =	sne.s32 s22, $0x12000;
	s4 =	simm.s32 $0xAFA0;
	s22 =	sadd.s32 $0x100, s23  }
0x83: {  	[tilespmem:s4], [sflag:$0x2] =	stream.indirect.gather [hbm4b:s7+s21], $0x10, s22, s21, $0xb8;
	[tilespmem:$0x17CA0] =	vst v63  }
0x84: {  	s31 =	simm.s32 $0xBF40;
	s22 =	sadd.s32 $0x200, s23  }
0x85: {  	[tilespmem:s31], [sflag:$0x3] =	stream.indirect.gather [hbm4b:s7+s21], $0x10, s22, s21, $0xb8;
	[tilespmem:$0x17CA0] =	vst v63  }
0x86: {  	s25 =	simm.s32 $0xCEE0;
	s22 =	sadd.s32 $0x300, s23  }
0x87: {  	[tilespmem:s25], [sflag:$0x4] =	stream.indirect.gather [hbm4b:s7+s21], $0x10, s22, s21, $0xb8;
	[tilespmem:$0x17CA0] =	vst v63  }
0x88: {  	s26 =	simm.s32 $0xDE80;
	s22 =	sadd.s32 $0x400, s23  }
0x89: {  	[tilespmem:s26], [sflag:$0x5] =	stream.indirect.gather [hbm4b:s7+s21], $0x10, s22, s21, $0xb8;
	[tilespmem:$0x17CA0] =	vst v63  }
0x8a: {  	s28 =	simm.s32 $0xEE20;
	s22 =	sadd.s32 $0x500, s23  }
0x8b: {  	[tilespmem:s28], [sflag:$0x6] =	stream.indirect.gather [hbm4b:s7+s21], $0x10, s22, s21, $0xb8;
	[tilespmem:$0x17CA0] =	vst v63  }
0x8c: {  	s29 =	simm.s32 $0xFDC0;
	s22 =	sadd.s32 $0x600, s23  }
0x8d: {  	[tilespmem:s29], [sflag:$0x7] =	stream.indirect.gather [hbm4b:s7+s21], $0x10, s22, s21, $0xb8;
	[tilespmem:$0x17CA0] =	vst v63  }
0x8e: {  	s30 =	simm.s32 $0x10D60;
	s22 =	sadd.s32 $0x700, s23  }
0x8f: {  	[tilespmem:s30], [sflag:$0x8] =	stream.indirect.gather [hbm4b:s7+s21], $0x10, s22, s21, $0xb8;
	[tilespmem:$0x17CA0] =	vst v63  }
0x90: {  	_ =	swait.ge [sflag:s0], $0xFA0  }
0x91: {  	[sflag:s0] =	ssyncset.done $0x0  }
0x92: {  	s22 =	sadd.s32 $0x5000, s23;
	[sflag:s0] =	ssyncadd.s32 $0xFFFFF060  }
0x93: {  	[spmem:s2] =	stream.indirect.scatter.add.f32 [tilespmem:s14], [sflag:$0x9], $0x10, s22, s21, $0xb8;
	[tilespmem:$0x17CA0] =	vst v63  }
0x94: {  	s14 =	simm.s32 $0xA  }
0x95: {  	_ =	swait.ge [sflag:s3], $0xFA0  }
0x96: {  	[sflag:s3] =	ssyncset.done $0x0  }
0x97: {  	s22 =	sadd.s32 $0x5100, s23;
	[sflag:s3] =	ssyncadd.s32 $0xFFFFF060  }
0x98: {  	[spmem:s2] =	stream.indirect.scatter.add.f32 [tilespmem:s4], [sflag:$0xA], $0x10, s22, s21, $0xb8;
	[tilespmem:$0x17CA0] =	vst v63  }
0x99: {  	s4 =	simm.s32 $0x5  }
0x9a: {  	_ =	swait.ge [sflag:s1], $0xFA0  }
0x9b: {  	[sflag:s1] =	ssyncset.done $0x0  }
0x9c: {  	s22 =	sadd.s32 $0x5200, s23;
	[sflag:s1] =	ssyncadd.s32 $0xFFFFF060  }
0x9d: {  	[spmem:s2] =	stream.indirect.scatter.add.f32 [tilespmem:s31], [sflag:$0xB], $0x10, s22, s21, $0xb8;
	[tilespmem:$0x17CA0] =	vst v63  }
0x9e: {  	s31 =	simm.s32 $0x4  }
0x9f: {  	_ =	swait.ge [sflag:s31], $0xFA0  }
0xa0: {  	[sflag:s31] =	ssyncset.done $0x0  }
0xa1: {  	s22 =	sadd.s32 $0x5300, s23;
	[sflag:s31] =	ssyncadd.s32 $0xFFFFF060  }
0xa2: {  	[spmem:s2] =	stream.indirect.scatter.add.f32 [tilespmem:s25], [sflag:$0xC], $0x10, s22, s21, $0xb8;
	[tilespmem:$0x17CA0] =	vst v63  }
0xa3: {  	_ =	swait.ge [sflag:s4], $0xFA0  }
0xa4: {  	[sflag:s4] =	ssyncset.done $0x0  }
0xa5: {  	s22 =	sadd.s32 $0x5400, s23;
	[sflag:s4] =	ssyncadd.s32 $0xFFFFF060  }
0xa6: {  	[spmem:s2] =	stream.indirect.scatter.add.f32 [tilespmem:s26], [sflag:$0xD], $0x10, s22, s21, $0xb8;
	[tilespmem:$0x17CA0] =	vst v63  }
0xa7: {  	_ =	swait.ge [sflag:s5], $0xFA0  }
0xa8: {  	[sflag:s5] =	ssyncset.done $0x0  }
0xa9: {  	s22 =	sadd.s32 $0x5500, s23;
	[sflag:s5] =	ssyncadd.s32 $0xFFFFF060  }
0xaa: {  	[spmem:s2] =	stream.indirect.scatter.add.f32 [tilespmem:s28], [sflag:$0xE], $0x10, s22, s21, $0xb8;
	[tilespmem:$0x17CA0] =	vst v63  }
0xab: {  	_ =	swait.ge [sflag:s8], $0xFA0  }
0xac: {  	[sflag:s8] =	ssyncset.done $0x0  }
0xad: {  	s22 =	sadd.s32 $0x5600, s23;
	[sflag:s8] =	ssyncadd.s32 $0xFFFFF060  }
0xae: {  	[spmem:s2] =	stream.indirect.scatter.add.f32 [tilespmem:s29], [sflag:$0xF], $0x10, s22, s21, $0xb8;
	[tilespmem:$0x17CA0] =	vst v63  }
0xaf: {  	_ =	swait.ge [sflag:s10], $0xFA0  }
0xb0: {  	[sflag:s10] =	ssyncset.done $0x0  }
0xb1: {  	s22 =	sadd.s32 $0x5700, s23;
	[sflag:s10] =	ssyncadd.s32 $0xFFFFF060  }
0xb2: {  	[spmem:s2] =	stream.indirect.scatter.add.f32 [tilespmem:s30], [sflag:$0x10], $0x10, s22, s21, $0xb8;
	[tilespmem:$0x17CA0] =	vst v63  }
0xb3: {  	_ =	swait.ge [sflag:s12], $0xFA0  }
0xb4: {  	[sflag:s12] =	ssyncset.done $0x0  }
0xb5: {  	[sflag:s12] =	ssyncadd.s32 $0xFFFFF060  }
0xb6: {  	_ =	swait.ge [sflag:s14], $0xFA0  }
0xb7: {  	[sflag:s14] =	ssyncset.done $0x0  }
0xb8: {  	[sflag:s14] =	ssyncadd.s32 $0xFFFFF060  }
0xb9: {  	_ =	swait.ge [sflag:s15], $0xFA0  }
0xba: {  	[sflag:s15] =	ssyncset.done $0x0  }
0xbb: {  	[sflag:s15] =	ssyncadd.s32 $0xFFFFF060  }
0xbc: {  	_ =	swait.ge [sflag:s16], $0xFA0  }
0xbd: {  	[sflag:s16] =	ssyncset.done $0x0  }
0xbe: {  	[sflag:s16] =	ssyncadd.s32 $0xFFFFF060  }
0xbf: {  	_ =	swait.ge [sflag:s17], $0xFA0  }
0xc0: {  	[sflag:s17] =	ssyncset.done $0x0  }
0xc1: {  	[sflag:s17] =	ssyncadd.s32 $0xFFFFF060  }
0xc2: {  	_ =	swait.ge [sflag:s19], $0xFA0  }
0xc3: {  	[sflag:s19] =	ssyncset.done $0x0  }
0xc4: {  	[sflag:s19] =	ssyncadd.s32 $0xFFFFF060  }
.Ltmp2:
0xc5: {  	_ =	swait.ge [sflag:s20], $0xFA0;
	(pc) =	sbr.rel @p0 .LBB2_6-.Ltmp2, $4  }
0xc6: {  	[sflag:s20] =	ssyncset.done $0x0  }
0xc7: {  	[sflag:s20] =	ssyncadd.s32 $0xFFFFF060  }
0xc8: {  	_ =	swait.ge [sflag:s6], $0xFA0  }
0xc9: {  	s22 =	smov.u32 s24;
	[sflag:s6] =	ssyncset.done $0x0  }
0xca: {  	s18 =	sshra.s32 s18, $0x2;
	[sflag:s6] =	ssyncadd.s32 $0xFFFFF060;
	s25 =	simm.s32 $0xA000  }
0xcb: {  	[tilespmem:s25], [sflag:$0x1] =	stream.indirect.gather [hbm4b:s7+s21], $0x10, s18, s21, $0xb8;
	[tilespmem:$0x17CA0] =	vst v63  }
0xcc: {  	s26 =	simm.s32 $0xAFA0;
	s22 =	sadd.s32 $0x100, s18  }
0xcd: {  	[tilespmem:s26], [sflag:$0x2] =	stream.indirect.gather [hbm4b:s7+s21], $0x10, s22, s21, $0xb8;
	[tilespmem:$0x17CA0] =	vst v63  }
0xce: {  	s28 =	simm.s32 $0xBF40;
	s29 =	sadd.s32 $0x200, s18  }
0xcf: {  	[tilespmem:s28], [sflag:$0x3] =	stream.indirect.gather [hbm4b:s7+s21], $0x10, s29, s21, $0xb8;
	[tilespmem:$0x17CA0] =	vst v63  }
0xd0: {  	s30 =	sadd.s32 $0x300, s18;
	s29 =	simm.s32 $0xCEE0  }
0xd1: {  	[tilespmem:s29], [sflag:$0x4] =	stream.indirect.gather [hbm4b:s7+s21], $0x10, s30, s21, $0xb8;
	[tilespmem:$0x17CA0] =	vst v63  }
0xd2: {  	s23 =	sadd.s32 $0x400, s18;
	s30 =	simm.s32 $0xDE80  }
0xd3: {  	[tilespmem:s30], [sflag:$0x5] =	stream.indirect.gather [hbm4b:s7+s21], $0x10, s23, s21, $0xb8;
	[tilespmem:$0x17CA0] =	vst v63  }
0xd4: {  	s24 =	sadd.s32 $0x500, s18;
	s23 =	simm.s32 $0xEE20  }
0xd5: {  	[tilespmem:s23], [sflag:$0x6] =	stream.indirect.gather [hbm4b:s7+s21], $0x10, s24, s21, $0xb8;
	[tilespmem:$0x17CA0] =	vst v63  }
0xd6: {  	s22 =	sadd.s32 $0x600, s18;
	s23 =	simm.s32 $0xFDC0  }
0xd7: {  	[tilespmem:s23], [sflag:$0x7] =	stream.indirect.gather [hbm4b:s7+s21], $0x10, s22, s21, $0xb8;
	[tilespmem:$0x17CA0] =	vst v63  }
0xd8: {  	s22 =	sadd.s32 $0x700, s18;
	s23 =	simm.s32 $0x10D60  }
0xd9: {  	[tilespmem:s23], [sflag:$0x8] =	stream.indirect.gather [hbm4b:s7+s21], $0x10, s22, s21, $0xb8;
	[tilespmem:$0x17CA0] =	vst v63  }
0xda: {  	_ =	swait.ge [sflag:s0], $0xFA0  }
0xdb: {  	[sflag:s0] =	ssyncset.done $0x0  }
0xdc: {  	s22 =	sadd.s32 $0x5000, s18;
	[sflag:s0] =	ssyncadd.s32 $0xFFFFF060  }
0xdd: {  	[spmem:s2] =	stream.indirect.scatter.add.f32 [tilespmem:s25], [sflag:$0x9], $0x10, s22, s21, $0xb8;
	[tilespmem:$0x17CA0] =	vst v63  }
0xde: {  	_ =	swait.ge [sflag:s3], $0xFA0  }
0xdf: {  	[sflag:s3] =	ssyncset.done $0x0  }
0xe0: {  	s22 =	sadd.s32 $0x5100, s18;
	[sflag:s3] =	ssyncadd.s32 $0xFFFFF060  }
0xe1: {  	[spmem:s2] =	stream.indirect.scatter.add.f32 [tilespmem:s26], [sflag:$0xA], $0x10, s22, s21, $0xb8;
	[tilespmem:$0x17CA0] =	vst v63  }
0xe2: {  	_ =	swait.ge [sflag:s1], $0xFA0  }
0xe3: {  	[sflag:s1] =	ssyncset.done $0x0  }
0xe4: {  	s22 =	sadd.s32 $0x5200, s18;
	[sflag:s1] =	ssyncadd.s32 $0xFFFFF060  }
0xe5: {  	[spmem:s2] =	stream.indirect.scatter.add.f32 [tilespmem:s28], [sflag:$0xB], $0x10, s22, s21, $0xb8;
	[tilespmem:$0x17CA0] =	vst v63  }
0xe6: {  	_ =	swait.ge [sflag:s31], $0xFA0  }
0xe7: {  	[sflag:s31] =	ssyncset.done $0x0  }
0xe8: {  	s22 =	sadd.s32 $0x5300, s18;
	[sflag:s31] =	ssyncadd.s32 $0xFFFFF060  }
0xe9: {  	[spmem:s2] =	stream.indirect.scatter.add.f32 [tilespmem:s29], [sflag:$0xC], $0x10, s22, s21, $0xb8;
	[tilespmem:$0x17CA0] =	vst v63  }
0xea: {  	_ =	swait.ge [sflag:s4], $0xFA0  }
0xeb: {  	[sflag:s4] =	ssyncset.done $0x0  }
0xec: {  	s22 =	sadd.s32 $0x5400, s18;
	[sflag:s4] =	ssyncadd.s32 $0xFFFFF060  }
0xed: {  	[spmem:s2] =	stream.indirect.scatter.add.f32 [tilespmem:s30], [sflag:$0xD], $0x10, s22, s21, $0xb8;
	[tilespmem:$0x17CA0] =	vst v63  }
0xee: {  	_ =	swait.ge [sflag:s5], $0xFA0  }
0xef: {  	[sflag:s5] =	ssyncset.done $0x0  }
0xf0: {  	s24 =	simm.s32 $0xEE20;
	s22 =	sadd.s32 $0x5500, s18;
	[sflag:s5] =	ssyncadd.s32 $0xFFFFF060  }
0xf1: {  	[spmem:s2] =	stream.indirect.scatter.add.f32 [tilespmem:s24], [sflag:$0xE], $0x10, s22, s21, $0xb8;
	[tilespmem:$0x17CA0] =	vst v63  }
0xf2: {  	_ =	swait.ge [sflag:s8], $0xFA0  }
0xf3: {  	[sflag:s8] =	ssyncset.done $0x0  }
0xf4: {  	s22 =	sadd.s32 $0x5600, s18;
	s24 =	simm.s32 $0xFDC0;
	[sflag:s8] =	ssyncadd.s32 $0xFFFFF060  }
0xf5: {  	[spmem:s2] =	stream.indirect.scatter.add.f32 [tilespmem:s24], [sflag:$0xF], $0x10, s22, s21, $0xb8;
	[tilespmem:$0x17CA0] =	vst v63  }
0xf6: {  	_ =	swait.ge [sflag:s10], $0xFA0  }
0xf7: {  	[sflag:s10] =	ssyncset.done $0x0  }
0xf8: {  	s23 =	simm.s32 $0x10D60;
	s18 =	sadd.s32 $0x5700, s18;
	[sflag:s10] =	ssyncadd.s32 $0xFFFFF060  }
0xf9: {  	[spmem:s2] =	stream.indirect.scatter.add.f32 [tilespmem:s23], [sflag:$0x10], $0x10, s18, s21, $0xb8;
	[tilespmem:$0x17CA0] =	vst v63  }
0xfa: {  	_ =	swait.ge [sflag:s12], $0xFA0  }
0xfb: {  	[sflag:s12] =	ssyncset.done $0x0  }
0xfc: {  	[sflag:s12] =	ssyncadd.s32 $0xFFFFF060  }
0xfd: {  	_ =	swait.ge [sflag:s14], $0xFA0  }
0xfe: {  	[sflag:s14] =	ssyncset.done $0x0  }
0xff: {  	[sflag:s14] =	ssyncadd.s32 $0xFFFFF060  }
0x100: {  	_ =	swait.ge [sflag:s15], $0xFA0  }
0x101: {  	[sflag:s15] =	ssyncset.done $0x0  }
0x102: {  	[sflag:s15] =	ssyncadd.s32 $0xFFFFF060  }
0x103: {  	_ =	swait.ge [sflag:s16], $0xFA0  }
0x104: {  	[sflag:s16] =	ssyncset.done $0x0  }
0x105: {  	[sflag:s16] =	ssyncadd.s32 $0xFFFFF060  }
0x106: {  	_ =	swait.ge [sflag:s17], $0xFA0  }
0x107: {  	[sflag:s17] =	ssyncset.done $0x0  }
0x108: {  	[sflag:s17] =	ssyncadd.s32 $0xFFFFF060  }
0x109: {  	_ =	swait.ge [sflag:s19], $0xFA0  }
0x10a: {  	[sflag:s19] =	ssyncset.done $0x0  }
0x10b: {  	[sflag:s19] =	ssyncadd.s32 $0xFFFFF060  }
0x10c: {  	_ =	swait.ge [sflag:s20], $0xFA0  }
0x10d: {  	[sflag:s20] =	ssyncset.done $0x0  }
0x10e: {  	[sflag:s20] =	ssyncadd.s32 $0xFFFFF060  }
0x10f: {  	_ =	swait.ge [sflag:s6], $0xFA0  }
0x110: {  	[sflag:s6] =	ssyncset.done $0x0  }
0x111: {  	[sflag:s6] =	ssyncadd.s32 $0xFFFFF060  }
0x112: {  	s24 =	stileid.u32;
	[bflag:$0x0] =	sbarrier.arrive $0xFFFF  }
0x113: {  	s18 =	sshll.u32 s24, $0x6;
	s24 =	rddreg [dreg:$0x6]  }
0x114: {  	s23 =	sor.u32 $0x1C11, s18;
	s22 =	rddreg [dreg:$0x7]  }
0x115: {  	[dreg:$0xf] =	wrdreg s23;
	s18 =	sshrl.u32 s24, $0x3  }
0x116: {  	[dreg:$0x10] =	wrdreg s18  }
0x117: {  	[hbm:s22], [sflag:s23] =	dma.local [spmem:s18], $0x500  }
0x118: {  	s22 =	simm.s32 $0x11  }
0x119: {  	_ =	swait.ge [sflag:s22], $0x500  }
0x11a: {  	[sflag:s22] =	ssyncset.done $0x0  }
0x11b: {  	s18 =	simm.s32 $0x12CA0;
	[sflag:s22] =	ssyncadd.s32 $0xFFFFFB00  }
0x11c: {  	[spmem:s24] =	stream.linear.scatter [tilespmem:s18], [sflag:$0x11], $0x2800, $0x38;
	[tilespmem:$0x17CA0] =	vst v63  }
0x11d: {  	_ =	swait.ge [sflag:s22], $0x2800  }
0x11e: {  	[sflag:s22] =	ssyncset.done $0x0  }
0x11f: {  	[sflag:s22] =	ssyncadd.s32 $0xFFFFD800  }
0x120: {  	s24 =	simm.s32 $0x0;
	[bflag:$0x0] =	sbarrier.arrive $0xFFFF  }
0x121: {  	[tilespmem:s25], [sflag:$0x1] =	stream.indirect.gather [hbm4b:s9+s21], $0x10, s24, s21, $0xb8;
	[tilespmem:$0x17CA0] =	vst v63  }
0x122: {  	s22 =	simm.s32 $0x100  }
0x123: {  	[tilespmem:s26], [sflag:$0x2] =	stream.indirect.gather [hbm4b:s9+s21], $0x10, s22, s21, $0xb8;
	[tilespmem:$0x17CA0] =	vst v63  }
0x124: {  	s23 =	simm.s32 $0x200  }
0x125: {  	[tilespmem:s28], [sflag:$0x3] =	stream.indirect.gather [hbm4b:s9+s21], $0x10, s23, s21, $0xb8;
	[tilespmem:$0x17CA0] =	vst v63  }
0x126: {  	s24 =	simm.s32 $0x300  }
0x127: {  	[tilespmem:s29], [sflag:$0x4] =	stream.indirect.gather [hbm4b:s9+s21], $0x10, s24, s21, $0xb8;
	[tilespmem:$0x17CA0] =	vst v63  }
0x128: {  	s22 =	simm.s32 $0x400  }
0x129: {  	[tilespmem:s30], [sflag:$0x5] =	stream.indirect.gather [hbm4b:s9+s21], $0x10, s22, s21, $0xb8;
	[tilespmem:$0x17CA0] =	vst v63  }
0x12a: {  	s23 =	simm.s32 $0x500;
	s24 =	simm.s32 $0xEE20  }
0x12b: {  	[tilespmem:s24], [sflag:$0x6] =	stream.indirect.gather [hbm4b:s9+s21], $0x10, s23, s21, $0xb8;
	[tilespmem:$0x17CA0] =	vst v63  }
0x12c: {  	s22 =	simm.s32 $0x600;
	s23 =	simm.s32 $0xFDC0  }
0x12d: {  	[tilespmem:s23], [sflag:$0x7] =	stream.indirect.gather [hbm4b:s9+s21], $0x10, s22, s21, $0xb8;
	[tilespmem:$0x17CA0] =	vst v63  }
0x12e: {  	s18 =	simm.s32 $0x700;
	s22 =	simm.s32 $0x10D60  }
0x12f: {  	[tilespmem:s22], [sflag:$0x8] =	stream.indirect.gather [hbm4b:s9+s21], $0x10, s18, s21, $0xb8;
	[tilespmem:$0x17CA0] =	vst v63  }
0x130: {  	_ =	swait.ge [sflag:s0], $0xFA0  }
0x131: {  	[sflag:s0] =	ssyncset.done $0x0  }
0x132: {  	s18 =	simm.s32 $0x5000;
	[sflag:s0] =	ssyncadd.s32 $0xFFFFF060  }
0x133: {  	[spmem:s2] =	stream.indirect.scatter.add.f32 [tilespmem:s25], [sflag:$0x9], $0x10, s18, s21, $0xb8;
	[tilespmem:$0x17CA0] =	vst v63  }
0x134: {  	_ =	swait.ge [sflag:s3], $0xFA0  }
0x135: {  	[sflag:s3] =	ssyncset.done $0x0  }
0x136: {  	s25 =	simm.s32 $0x5100;
	[sflag:s3] =	ssyncadd.s32 $0xFFFFF060  }
0x137: {  	[spmem:s2] =	stream.indirect.scatter.add.f32 [tilespmem:s26], [sflag:$0xA], $0x10, s25, s21, $0xb8;
	[tilespmem:$0x17CA0] =	vst v63  }
0x138: {  	_ =	swait.ge [sflag:s1], $0xFA0  }
0x139: {  	[sflag:s1] =	ssyncset.done $0x0  }
0x13a: {  	s25 =	simm.s32 $0x5200;
	[sflag:s1] =	ssyncadd.s32 $0xFFFFF060  }
0x13b: {  	[spmem:s2] =	stream.indirect.scatter.add.f32 [tilespmem:s28], [sflag:$0xB], $0x10, s25, s21, $0xb8;
	[tilespmem:$0x17CA0] =	vst v63  }
0x13c: {  	_ =	swait.ge [sflag:s31], $0xFA0  }
0x13d: {  	[sflag:s31] =	ssyncset.done $0x0  }
0x13e: {  	s26 =	simm.s32 $0x5300;
	[sflag:s31] =	ssyncadd.s32 $0xFFFFF060  }
0x13f: {  	[spmem:s2] =	stream.indirect.scatter.add.f32 [tilespmem:s29], [sflag:$0xC], $0x10, s26, s21, $0xb8;
	[tilespmem:$0x17CA0] =	vst v63  }
0x140: {  	_ =	swait.ge [sflag:s4], $0xFA0  }
0x141: {  	[sflag:s4] =	ssyncset.done $0x0  }
0x142: {  	s28 =	simm.s32 $0x5400;
	[sflag:s4] =	ssyncadd.s32 $0xFFFFF060  }
0x143: {  	[spmem:s2] =	stream.indirect.scatter.add.f32 [tilespmem:s30], [sflag:$0xD], $0x10, s28, s21, $0xb8;
	[tilespmem:$0x17CA0] =	vst v63  }
0x144: {  	_ =	swait.ge [sflag:s5], $0xFA0  }
0x145: {  	[sflag:s5] =	ssyncset.done $0x0  }
0x146: {  	s29 =	simm.s32 $0x5500;
	[sflag:s5] =	ssyncadd.s32 $0xFFFFF060  }
0x147: {  	[spmem:s2] =	stream.indirect.scatter.add.f32 [tilespmem:s24], [sflag:$0xE], $0x10, s29, s21, $0xb8;
	[tilespmem:$0x17CA0] =	vst v63  }
0x148: {  	_ =	swait.ge [sflag:s8], $0xFA0  }
0x149: {  	[sflag:s8] =	ssyncset.done $0x0  }
0x14a: {  	s30 =	simm.s32 $0x5600;
	[sflag:s8] =	ssyncadd.s32 $0xFFFFF060  }
0x14b: {  	[spmem:s2] =	stream.indirect.scatter.add.f32 [tilespmem:s23], [sflag:$0xF], $0x10, s30, s21, $0xb8;
	[tilespmem:$0x17CA0] =	vst v63  }
0x14c: {  	_ =	swait.ge [sflag:s10], $0xFA0  }
0x14d: {  	[sflag:s10] =	ssyncset.done $0x0  }
0x14e: {  	s31 =	simm.s32 $0x5700;
	[sflag:s10] =	ssyncadd.s32 $0xFFFFF060  }
0x14f: {  	[spmem:s2] =	stream.indirect.scatter.add.f32 [tilespmem:s22], [sflag:$0x10], $0x10, s31, s21, $0xb8;
	[tilespmem:$0x17CA0] =	vst v63  }
0x150: {  	_ =	swait.ge [sflag:s12], $0xFA0  }
0x151: {  	[sflag:s12] =	ssyncset.done $0x0  }
0x152: {  	[sflag:s12] =	ssyncadd.s32 $0xFFFFF060  }
0x153: {  	_ =	swait.ge [sflag:s14], $0xFA0  }
0x154: {  	[sflag:s14] =	ssyncset.done $0x0  }
0x155: {  	[sflag:s14] =	ssyncadd.s32 $0xFFFFF060  }
0x156: {  	_ =	swait.ge [sflag:s15], $0xFA0  }
0x157: {  	[sflag:s15] =	ssyncset.done $0x0  }
0x158: {  	[sflag:s15] =	ssyncadd.s32 $0xFFFFF060  }
0x159: {  	_ =	swait.ge [sflag:s16], $0xFA0  }
0x15a: {  	[sflag:s16] =	ssyncset.done $0x0  }
0x15b: {  	[sflag:s16] =	ssyncadd.s32 $0xFFFFF060  }
0x15c: {  	_ =	swait.ge [sflag:s17], $0xFA0  }
0x15d: {  	[sflag:s17] =	ssyncset.done $0x0  }
0x15e: {  	[sflag:s17] =	ssyncadd.s32 $0xFFFFF060  }
0x15f: {  	_ =	swait.ge [sflag:s19], $0xFA0  }
0x160: {  	[sflag:s19] =	ssyncset.done $0x0  }
0x161: {  	[sflag:s19] =	ssyncadd.s32 $0xFFFFF060  }
0x162: {  	_ =	swait.ge [sflag:s20], $0xFA0  }
0x163: {  	[sflag:s20] =	ssyncset.done $0x0  }
0x164: {  	[sflag:s20] =	ssyncadd.s32 $0xFFFFF060  }
0x165: {  	_ =	swait.ge [sflag:s6], $0xFA0  }
0x166: {  	s18 =	simm.s32 $0x2000;
	s24 =	simm.s32 $0x4000;
	[sflag:s6] =	ssyncset.done $0x0  }
.LBB2_8:
0x167: {  	s23 =	sshra.s32 s18, $0x2;
	[sflag:s6] =	ssyncadd.s32 $0xFFFFF060  }
0x168: {  	s18 =	smov.u32 s24;
	s22 =	sadd.s32 $0x2000, s24;
	s14 =	simm.s32 $0xA000  }
0x169: {  	[tilespmem:s14], [sflag:$0x1] =	stream.indirect.gather [hbm4b:s9+s21], $0x10, s23, s21, $0xb8;
	[tilespmem:$0x17CA0] =	vst v63  }
0x16a: {  	p0 =	sne.s32 s24, $0x12000;
	s4 =	simm.s32 $0xAFA0;
	s24 =	sadd.s32 $0x100, s23  }
0x16b: {  	[tilespmem:s4], [sflag:$0x2] =	stream.indirect.gather [hbm4b:s9+s21], $0x10, s24, s21, $0xb8;
	[tilespmem:$0x17CA0] =	vst v63  }
0x16c: {  	s31 =	simm.s32 $0xBF40;
	s24 =	sadd.s32 $0x200, s23  }
0x16d: {  	[tilespmem:s31], [sflag:$0x3] =	stream.indirect.gather [hbm4b:s9+s21], $0x10, s24, s21, $0xb8;
	[tilespmem:$0x17CA0] =	vst v63  }
0x16e: {  	s25 =	simm.s32 $0xCEE0;
	s24 =	sadd.s32 $0x300, s23  }
0x16f: {  	[tilespmem:s25], [sflag:$0x4] =	stream.indirect.gather [hbm4b:s9+s21], $0x10, s24, s21, $0xb8;
	[tilespmem:$0x17CA0] =	vst v63  }
0x170: {  	s26 =	simm.s32 $0xDE80;
	s24 =	sadd.s32 $0x400, s23  }
0x171: {  	[tilespmem:s26], [sflag:$0x5] =	stream.indirect.gather [hbm4b:s9+s21], $0x10, s24, s21, $0xb8;
	[tilespmem:$0x17CA0] =	vst v63  }
0x172: {  	s28 =	simm.s32 $0xEE20;
	s24 =	sadd.s32 $0x500, s23  }
0x173: {  	[tilespmem:s28], [sflag:$0x6] =	stream.indirect.gather [hbm4b:s9+s21], $0x10, s24, s21, $0xb8;
	[tilespmem:$0x17CA0] =	vst v63  }
0x174: {  	s29 =	simm.s32 $0xFDC0;
	s24 =	sadd.s32 $0x600, s23  }
0x175: {  	[tilespmem:s29], [sflag:$0x7] =	stream.indirect.gather [hbm4b:s9+s21], $0x10, s24, s21, $0xb8;
	[tilespmem:$0x17CA0] =	vst v63  }
0x176: {  	s30 =	simm.s32 $0x10D60;
	s24 =	sadd.s32 $0x700, s23  }
0x177: {  	[tilespmem:s30], [sflag:$0x8] =	stream.indirect.gather [hbm4b:s9+s21], $0x10, s24, s21, $0xb8;
	[tilespmem:$0x17CA0] =	vst v63  }
0x178: {  	_ =	swait.ge [sflag:s0], $0xFA0  }
0x179: {  	[sflag:s0] =	ssyncset.done $0x0  }
0x17a: {  	s24 =	sadd.s32 $0x5000, s23;
	[sflag:s0] =	ssyncadd.s32 $0xFFFFF060  }
0x17b: {  	[spmem:s2] =	stream.indirect.scatter.add.f32 [tilespmem:s14], [sflag:$0x9], $0x10, s24, s21, $0xb8;
	[tilespmem:$0x17CA0] =	vst v63  }
0x17c: {  	s14 =	simm.s32 $0xA  }
0x17d: {  	_ =	swait.ge [sflag:s3], $0xFA0  }
0x17e: {  	[sflag:s3] =	ssyncset.done $0x0  }
0x17f: {  	s24 =	sadd.s32 $0x5100, s23;
	[sflag:s3] =	ssyncadd.s32 $0xFFFFF060  }
0x180: {  	[spmem:s2] =	stream.indirect.scatter.add.f32 [tilespmem:s4], [sflag:$0xA], $0x10, s24, s21, $0xb8;
	[tilespmem:$0x17CA0] =	vst v63  }
0x181: {  	s4 =	simm.s32 $0x5  }
0x182: {  	_ =	swait.ge [sflag:s1], $0xFA0  }
0x183: {  	[sflag:s1] =	ssyncset.done $0x0  }
0x184: {  	s24 =	sadd.s32 $0x5200, s23;
	[sflag:s1] =	ssyncadd.s32 $0xFFFFF060  }
0x185: {  	[spmem:s2] =	stream.indirect.scatter.add.f32 [tilespmem:s31], [sflag:$0xB], $0x10, s24, s21, $0xb8;
	[tilespmem:$0x17CA0] =	vst v63  }
0x186: {  	s31 =	simm.s32 $0x4  }
0x187: {  	_ =	swait.ge [sflag:s31], $0xFA0  }
0x188: {  	[sflag:s31] =	ssyncset.done $0x0  }
0x189: {  	s24 =	sadd.s32 $0x5300, s23;
	[sflag:s31] =	ssyncadd.s32 $0xFFFFF060  }
0x18a: {  	[spmem:s2] =	stream.indirect.scatter.add.f32 [tilespmem:s25], [sflag:$0xC], $0x10, s24, s21, $0xb8;
	[tilespmem:$0x17CA0] =	vst v63  }
0x18b: {  	_ =	swait.ge [sflag:s4], $0xFA0  }
0x18c: {  	[sflag:s4] =	ssyncset.done $0x0  }
0x18d: {  	s24 =	sadd.s32 $0x5400, s23;
	[sflag:s4] =	ssyncadd.s32 $0xFFFFF060  }
0x18e: {  	[spmem:s2] =	stream.indirect.scatter.add.f32 [tilespmem:s26], [sflag:$0xD], $0x10, s24, s21, $0xb8;
	[tilespmem:$0x17CA0] =	vst v63  }
0x18f: {  	_ =	swait.ge [sflag:s5], $0xFA0  }
0x190: {  	[sflag:s5] =	ssyncset.done $0x0  }
0x191: {  	s24 =	sadd.s32 $0x5500, s23;
	[sflag:s5] =	ssyncadd.s32 $0xFFFFF060  }
0x192: {  	[spmem:s2] =	stream.indirect.scatter.add.f32 [tilespmem:s28], [sflag:$0xE], $0x10, s24, s21, $0xb8;
	[tilespmem:$0x17CA0] =	vst v63  }
0x193: {  	_ =	swait.ge [sflag:s8], $0xFA0  }
0x194: {  	[sflag:s8] =	ssyncset.done $0x0  }
0x195: {  	s24 =	sadd.s32 $0x5600, s23;
	[sflag:s8] =	ssyncadd.s32 $0xFFFFF060  }
0x196: {  	[spmem:s2] =	stream.indirect.scatter.add.f32 [tilespmem:s29], [sflag:$0xF], $0x10, s24, s21, $0xb8;
	[tilespmem:$0x17CA0] =	vst v63  }
0x197: {  	_ =	swait.ge [sflag:s10], $0xFA0  }
0x198: {  	[sflag:s10] =	ssyncset.done $0x0  }
0x199: {  	s23 =	sadd.s32 $0x5700, s23;
	[sflag:s10] =	ssyncadd.s32 $0xFFFFF060  }
0x19a: {  	[spmem:s2] =	stream.indirect.scatter.add.f32 [tilespmem:s30], [sflag:$0x10], $0x10, s23, s21, $0xb8;
	[tilespmem:$0x17CA0] =	vst v63  }
0x19b: {  	_ =	swait.ge [sflag:s12], $0xFA0  }
0x19c: {  	[sflag:s12] =	ssyncset.done $0x0  }
0x19d: {  	[sflag:s12] =	ssyncadd.s32 $0xFFFFF060  }
0x19e: {  	_ =	swait.ge [sflag:s14], $0xFA0  }
0x19f: {  	[sflag:s14] =	ssyncset.done $0x0  }
0x1a0: {  	[sflag:s14] =	ssyncadd.s32 $0xFFFFF060  }
0x1a1: {  	_ =	swait.ge [sflag:s15], $0xFA0  }
0x1a2: {  	[sflag:s15] =	ssyncset.done $0x0  }
0x1a3: {  	[sflag:s15] =	ssyncadd.s32 $0xFFFFF060  }
0x1a4: {  	_ =	swait.ge [sflag:s16], $0xFA0  }
0x1a5: {  	[sflag:s16] =	ssyncset.done $0x0  }
0x1a6: {  	[sflag:s16] =	ssyncadd.s32 $0xFFFFF060  }
0x1a7: {  	_ =	swait.ge [sflag:s17], $0xFA0  }
0x1a8: {  	[sflag:s17] =	ssyncset.done $0x0  }
0x1a9: {  	[sflag:s17] =	ssyncadd.s32 $0xFFFFF060  }
0x1aa: {  	_ =	swait.ge [sflag:s19], $0xFA0  }
0x1ab: {  	[sflag:s19] =	ssyncset.done $0x0  }
0x1ac: {  	[sflag:s19] =	ssyncadd.s32 $0xFFFFF060  }
.Ltmp3:
0x1ad: {  	_ =	swait.ge [sflag:s20], $0xFA0;
	(pc) =	sbr.rel @p0 .LBB2_8-.Ltmp3, $4  }
0x1ae: {  	[sflag:s20] =	ssyncset.done $0x0  }
0x1af: {  	[sflag:s20] =	ssyncadd.s32 $0xFFFFF060  }
0x1b0: {  	_ =	swait.ge [sflag:s6], $0xFA0  }
0x1b1: {  	s24 =	smov.u32 s22;
	[sflag:s6] =	ssyncset.done $0x0  }
0x1b2: {  	s18 =	sshra.s32 s18, $0x2;
	[sflag:s6] =	ssyncadd.s32 $0xFFFFF060;
	s24 =	simm.s32 $0xA000  }
0x1b3: {  	[tilespmem:s24], [sflag:$0x1] =	stream.indirect.gather [hbm4b:s9+s21], $0x10, s18, s21, $0xb8;
	[tilespmem:$0x17CA0] =	vst v63  }
0x1b4: {  	s25 =	simm.s32 $0xAFA0;
	s22 =	sadd.s32 $0x100, s18  }
0x1b5: {  	[tilespmem:s25], [sflag:$0x2] =	stream.indirect.gather [hbm4b:s9+s21], $0x10, s22, s21, $0xb8;
	[tilespmem:$0x17CA0] =	vst v63  }
0x1b6: {  	s26 =	simm.s32 $0xBF40;
	s28 =	sadd.s32 $0x200, s18  }
0x1b7: {  	[tilespmem:s26], [sflag:$0x3] =	stream.indirect.gather [hbm4b:s9+s21], $0x10, s28, s21, $0xb8;
	[tilespmem:$0x17CA0] =	vst v63  }
0x1b8: {  	s29 =	sadd.s32 $0x300, s18;
	s28 =	simm.s32 $0xCEE0  }
0x1b9: {  	[tilespmem:s28], [sflag:$0x4] =	stream.indirect.gather [hbm4b:s9+s21], $0x10, s29, s21, $0xb8;
	[tilespmem:$0x17CA0] =	vst v63  }
0x1ba: {  	s30 =	sadd.s32 $0x400, s18;
	s29 =	simm.s32 $0xDE80  }
0x1bb: {  	[tilespmem:s29], [sflag:$0x5] =	stream.indirect.gather [hbm4b:s9+s21], $0x10, s30, s21, $0xb8;
	[tilespmem:$0x17CA0] =	vst v63  }
0x1bc: {  	s23 =	sadd.s32 $0x500, s18;
	s30 =	simm.s32 $0xEE20  }
0x1bd: {  	[tilespmem:s30], [sflag:$0x6] =	stream.indirect.gather [hbm4b:s9+s21], $0x10, s23, s21, $0xb8;
	[tilespmem:$0x17CA0] =	vst v63  }
0x1be: {  	s22 =	sadd.s32 $0x600, s18;
	s23 =	simm.s32 $0xFDC0  }
0x1bf: {  	[tilespmem:s23], [sflag:$0x7] =	stream.indirect.gather [hbm4b:s9+s21], $0x10, s22, s21, $0xb8;
	[tilespmem:$0x17CA0] =	vst v63  }
0x1c0: {  	s22 =	sadd.s32 $0x700, s18;
	s23 =	simm.s32 $0x10D60  }
0x1c1: {  	[tilespmem:s23], [sflag:$0x8] =	stream.indirect.gather [hbm4b:s9+s21], $0x10, s22, s21, $0xb8;
	[tilespmem:$0x17CA0] =	vst v63  }
0x1c2: {  	_ =	swait.ge [sflag:s0], $0xFA0  }
0x1c3: {  	[sflag:s0] =	ssyncset.done $0x0  }
0x1c4: {  	s23 =	sadd.s32 $0x5000, s18;
	[sflag:s0] =	ssyncadd.s32 $0xFFFFF060  }
0x1c5: {  	[spmem:s2] =	stream.indirect.scatter.add.f32 [tilespmem:s24], [sflag:$0x9], $0x10, s23, s21, $0xb8;
	[tilespmem:$0x17CA0] =	vst v63  }
0x1c6: {  	_ =	swait.ge [sflag:s3], $0xFA0  }
0x1c7: {  	[sflag:s3] =	ssyncset.done $0x0  }
0x1c8: {  	s23 =	sadd.s32 $0x5100, s18;
	[sflag:s3] =	ssyncadd.s32 $0xFFFFF060  }
0x1c9: {  	[spmem:s2] =	stream.indirect.scatter.add.f32 [tilespmem:s25], [sflag:$0xA], $0x10, s23, s21, $0xb8;
	[tilespmem:$0x17CA0] =	vst v63  }
0x1ca: {  	_ =	swait.ge [sflag:s1], $0xFA0  }
0x1cb: {  	[sflag:s1] =	ssyncset.done $0x0  }
0x1cc: {  	s23 =	sadd.s32 $0x5200, s18;
	[sflag:s1] =	ssyncadd.s32 $0xFFFFF060  }
0x1cd: {  	[spmem:s2] =	stream.indirect.scatter.add.f32 [tilespmem:s26], [sflag:$0xB], $0x10, s23, s21, $0xb8;
	[tilespmem:$0x17CA0] =	vst v63  }
0x1ce: {  	_ =	swait.ge [sflag:s31], $0xFA0  }
0x1cf: {  	[sflag:s31] =	ssyncset.done $0x0  }
0x1d0: {  	s23 =	sadd.s32 $0x5300, s18;
	[sflag:s31] =	ssyncadd.s32 $0xFFFFF060  }
0x1d1: {  	[spmem:s2] =	stream.indirect.scatter.add.f32 [tilespmem:s28], [sflag:$0xC], $0x10, s23, s21, $0xb8;
	[tilespmem:$0x17CA0] =	vst v63  }
0x1d2: {  	_ =	swait.ge [sflag:s4], $0xFA0  }
0x1d3: {  	[sflag:s4] =	ssyncset.done $0x0  }
0x1d4: {  	s23 =	sadd.s32 $0x5400, s18;
	[sflag:s4] =	ssyncadd.s32 $0xFFFFF060  }
0x1d5: {  	[spmem:s2] =	stream.indirect.scatter.add.f32 [tilespmem:s29], [sflag:$0xD], $0x10, s23, s21, $0xb8;
	[tilespmem:$0x17CA0] =	vst v63  }
0x1d6: {  	_ =	swait.ge [sflag:s5], $0xFA0  }
0x1d7: {  	[sflag:s5] =	ssyncset.done $0x0  }
0x1d8: {  	s23 =	sadd.s32 $0x5500, s18;
	[sflag:s5] =	ssyncadd.s32 $0xFFFFF060  }
0x1d9: {  	[spmem:s2] =	stream.indirect.scatter.add.f32 [tilespmem:s30], [sflag:$0xE], $0x10, s23, s21, $0xb8;
	[tilespmem:$0x17CA0] =	vst v63  }
0x1da: {  	_ =	swait.ge [sflag:s8], $0xFA0  }
0x1db: {  	[sflag:s8] =	ssyncset.done $0x0  }
0x1dc: {  	s22 =	sadd.s32 $0x5600, s18;
	s23 =	simm.s32 $0xFDC0;
	[sflag:s8] =	ssyncadd.s32 $0xFFFFF060  }
0x1dd: {  	[spmem:s2] =	stream.indirect.scatter.add.f32 [tilespmem:s23], [sflag:$0xF], $0x10, s22, s21, $0xb8;
	[tilespmem:$0x17CA0] =	vst v63  }
0x1de: {  	_ =	swait.ge [sflag:s10], $0xFA0  }
0x1df: {  	[sflag:s10] =	ssyncset.done $0x0  }
0x1e0: {  	s18 =	sadd.s32 $0x5700, s18;
	s23 =	simm.s32 $0x10D60;
	[sflag:s10] =	ssyncadd.s32 $0xFFFFF060  }
0x1e1: {  	[spmem:s2] =	stream.indirect.scatter.add.f32 [tilespmem:s23], [sflag:$0x10], $0x10, s18, s21, $0xb8;
	[tilespmem:$0x17CA0] =	vst v63  }
0x1e2: {  	_ =	swait.ge [sflag:s12], $0xFA0  }
0x1e3: {  	[sflag:s12] =	ssyncset.done $0x0  }
0x1e4: {  	[sflag:s12] =	ssyncadd.s32 $0xFFFFF060  }
0x1e5: {  	_ =	swait.ge [sflag:s14], $0xFA0  }
0x1e6: {  	[sflag:s14] =	ssyncset.done $0x0  }
0x1e7: {  	[sflag:s14] =	ssyncadd.s32 $0xFFFFF060  }
0x1e8: {  	_ =	swait.ge [sflag:s15], $0xFA0  }
0x1e9: {  	[sflag:s15] =	ssyncset.done $0x0  }
0x1ea: {  	[sflag:s15] =	ssyncadd.s32 $0xFFFFF060  }
0x1eb: {  	_ =	swait.ge [sflag:s16], $0xFA0  }
0x1ec: {  	[sflag:s16] =	ssyncset.done $0x0  }
0x1ed: {  	[sflag:s16] =	ssyncadd.s32 $0xFFFFF060  }
0x1ee: {  	_ =	swait.ge [sflag:s17], $0xFA0  }
0x1ef: {  	[sflag:s17] =	ssyncset.done $0x0  }
0x1f0: {  	[sflag:s17] =	ssyncadd.s32 $0xFFFFF060  }
0x1f1: {  	_ =	swait.ge [sflag:s19], $0xFA0  }
0x1f2: {  	[sflag:s19] =	ssyncset.done $0x0  }
0x1f3: {  	[sflag:s19] =	ssyncadd.s32 $0xFFFFF060  }
0x1f4: {  	_ =	swait.ge [sflag:s20], $0xFA0  }
0x1f5: {  	[sflag:s20] =	ssyncset.done $0x0  }
0x1f6: {  	[sflag:s20] =	ssyncadd.s32 $0xFFFFF060  }
0x1f7: {  	_ =	swait.ge [sflag:s6], $0xFA0  }
0x1f8: {  	[sflag:s6] =	ssyncset.done $0x0  }
0x1f9: {  	[sflag:s6] =	ssyncadd.s32 $0xFFFFF060  }
0x1fa: {  	[bflag:$0x0] =	sbarrier.arrive $0xFFFF  }
0x1fb: {  	s18 =	rddreg [dreg:$0x8]  }
0x1fc: {  	s22 =	rddreg [dreg:$0xf]  }
0x1fd: {  	s23 =	rddreg [dreg:$0x10]  }
0x1fe: {  	[hbm:s18], [sflag:s22] =	dma.local [spmem:s23], $0x500  }
0x1ff: {  	s22 =	simm.s32 $0x11  }
0x200: {  	_ =	swait.ge [sflag:s22], $0x500  }
0x201: {  	[sflag:s22] =	ssyncset.done $0x0  }
0x202: {  	s23 =	simm.s32 $0x12CA0;
	s18 =	rddreg [dreg:$0x6];
	[sflag:s22] =	ssyncadd.s32 $0xFFFFFB00  }
0x203: {  	[spmem:s18] =	stream.linear.scatter [tilespmem:s23], [sflag:$0x11], $0x2800, $0x38;
	[tilespmem:$0x17CA0] =	vst v63  }
0x204: {  	_ =	swait.ge [sflag:s22], $0x2800  }
0x205: {  	[sflag:s22] =	ssyncset.done $0x0  }
0x206: {  	[sflag:s22] =	ssyncadd.s32 $0xFFFFD800  }
0x207: {  	s22 =	simm.s32 $0x0;
	[bflag:$0x0] =	sbarrier.arrive $0xFFFF  }
0x208: {  	[tilespmem:s24], [sflag:$0x1] =	stream.indirect.gather [hbm4b:s11+s21], $0x10, s22, s21, $0xb8;
	[tilespmem:$0x17CA0] =	vst v63  }
0x209: {  	s23 =	simm.s32 $0x100  }
0x20a: {  	[tilespmem:s25], [sflag:$0x2] =	stream.indirect.gather [hbm4b:s11+s21], $0x10, s23, s21, $0xb8;
	[tilespmem:$0x17CA0] =	vst v63  }
0x20b: {  	s22 =	simm.s32 $0x200  }
0x20c: {  	[tilespmem:s26], [sflag:$0x3] =	stream.indirect.gather [hbm4b:s11+s21], $0x10, s22, s21, $0xb8;
	[tilespmem:$0x17CA0] =	vst v63  }
0x20d: {  	s23 =	simm.s32 $0x300  }
0x20e: {  	[tilespmem:s28], [sflag:$0x4] =	stream.indirect.gather [hbm4b:s11+s21], $0x10, s23, s21, $0xb8;
	[tilespmem:$0x17CA0] =	vst v63  }
0x20f: {  	s22 =	simm.s32 $0x400  }
0x210: {  	[tilespmem:s29], [sflag:$0x5] =	stream.indirect.gather [hbm4b:s11+s21], $0x10, s22, s21, $0xb8;
	[tilespmem:$0x17CA0] =	vst v63  }
0x211: {  	s23 =	simm.s32 $0x500  }
0x212: {  	[tilespmem:s30], [sflag:$0x6] =	stream.indirect.gather [hbm4b:s11+s21], $0x10, s23, s21, $0xb8;
	[tilespmem:$0x17CA0] =	vst v63  }
0x213: {  	s22 =	simm.s32 $0x600;
	s23 =	simm.s32 $0xFDC0  }
0x214: {  	[tilespmem:s23], [sflag:$0x7] =	stream.indirect.gather [hbm4b:s11+s21], $0x10, s22, s21, $0xb8;
	[tilespmem:$0x17CA0] =	vst v63  }
0x215: {  	s18 =	simm.s32 $0x700;
	s22 =	simm.s32 $0x10D60  }
0x216: {  	[tilespmem:s22], [sflag:$0x8] =	stream.indirect.gather [hbm4b:s11+s21], $0x10, s18, s21, $0xb8;
	[tilespmem:$0x17CA0] =	vst v63  }
0x217: {  	_ =	swait.ge [sflag:s0], $0xFA0  }
0x218: {  	[sflag:s0] =	ssyncset.done $0x0  }
0x219: {  	s18 =	simm.s32 $0x5000;
	[sflag:s0] =	ssyncadd.s32 $0xFFFFF060  }
0x21a: {  	[spmem:s2] =	stream.indirect.scatter.add.f32 [tilespmem:s24], [sflag:$0x9], $0x10, s18, s21, $0xb8;
	[tilespmem:$0x17CA0] =	vst v63  }
0x21b: {  	_ =	swait.ge [sflag:s3], $0xFA0  }
0x21c: {  	[sflag:s3] =	ssyncset.done $0x0  }
0x21d: {  	s24 =	simm.s32 $0x5100;
	[sflag:s3] =	ssyncadd.s32 $0xFFFFF060  }
0x21e: {  	[spmem:s2] =	stream.indirect.scatter.add.f32 [tilespmem:s25], [sflag:$0xA], $0x10, s24, s21, $0xb8;
	[tilespmem:$0x17CA0] =	vst v63  }
0x21f: {  	_ =	swait.ge [sflag:s1], $0xFA0  }
0x220: {  	[sflag:s1] =	ssyncset.done $0x0  }
0x221: {  	s25 =	simm.s32 $0x5200;
	[sflag:s1] =	ssyncadd.s32 $0xFFFFF060  }
0x222: {  	[spmem:s2] =	stream.indirect.scatter.add.f32 [tilespmem:s26], [sflag:$0xB], $0x10, s25, s21, $0xb8;
	[tilespmem:$0x17CA0] =	vst v63  }
0x223: {  	_ =	swait.ge [sflag:s31], $0xFA0  }
0x224: {  	[sflag:s31] =	ssyncset.done $0x0  }
0x225: {  	s26 =	simm.s32 $0x5300;
	[sflag:s31] =	ssyncadd.s32 $0xFFFFF060  }
0x226: {  	[spmem:s2] =	stream.indirect.scatter.add.f32 [tilespmem:s28], [sflag:$0xC], $0x10, s26, s21, $0xb8;
	[tilespmem:$0x17CA0] =	vst v63  }
0x227: {  	_ =	swait.ge [sflag:s4], $0xFA0  }
0x228: {  	[sflag:s4] =	ssyncset.done $0x0  }
0x229: {  	s28 =	simm.s32 $0x5400;
	[sflag:s4] =	ssyncadd.s32 $0xFFFFF060  }
0x22a: {  	[spmem:s2] =	stream.indirect.scatter.add.f32 [tilespmem:s29], [sflag:$0xD], $0x10, s28, s21, $0xb8;
	[tilespmem:$0x17CA0] =	vst v63  }
0x22b: {  	_ =	swait.ge [sflag:s5], $0xFA0  }
0x22c: {  	[sflag:s5] =	ssyncset.done $0x0  }
0x22d: {  	s29 =	simm.s32 $0x5500;
	[sflag:s5] =	ssyncadd.s32 $0xFFFFF060  }
0x22e: {  	[spmem:s2] =	stream.indirect.scatter.add.f32 [tilespmem:s30], [sflag:$0xE], $0x10, s29, s21, $0xb8;
	[tilespmem:$0x17CA0] =	vst v63  }
0x22f: {  	_ =	swait.ge [sflag:s8], $0xFA0  }
0x230: {  	[sflag:s8] =	ssyncset.done $0x0  }
0x231: {  	s30 =	simm.s32 $0x5600;
	[sflag:s8] =	ssyncadd.s32 $0xFFFFF060  }
0x232: {  	[spmem:s2] =	stream.indirect.scatter.add.f32 [tilespmem:s23], [sflag:$0xF], $0x10, s30, s21, $0xb8;
	[tilespmem:$0x17CA0] =	vst v63  }
0x233: {  	_ =	swait.ge [sflag:s10], $0xFA0  }
0x234: {  	[sflag:s10] =	ssyncset.done $0x0  }
0x235: {  	s31 =	simm.s32 $0x5700;
	[sflag:s10] =	ssyncadd.s32 $0xFFFFF060  }
0x236: {  	[spmem:s2] =	stream.indirect.scatter.add.f32 [tilespmem:s22], [sflag:$0x10], $0x10, s31, s21, $0xb8;
	[tilespmem:$0x17CA0] =	vst v63  }
0x237: {  	_ =	swait.ge [sflag:s12], $0xFA0  }
0x238: {  	[sflag:s12] =	ssyncset.done $0x0  }
0x239: {  	[sflag:s12] =	ssyncadd.s32 $0xFFFFF060  }
0x23a: {  	_ =	swait.ge [sflag:s14], $0xFA0  }
0x23b: {  	[sflag:s14] =	ssyncset.done $0x0  }
0x23c: {  	[sflag:s14] =	ssyncadd.s32 $0xFFFFF060  }
0x23d: {  	_ =	swait.ge [sflag:s15], $0xFA0  }
0x23e: {  	[sflag:s15] =	ssyncset.done $0x0  }
0x23f: {  	[sflag:s15] =	ssyncadd.s32 $0xFFFFF060  }
0x240: {  	_ =	swait.ge [sflag:s16], $0xFA0  }
0x241: {  	[sflag:s16] =	ssyncset.done $0x0  }
0x242: {  	[sflag:s16] =	ssyncadd.s32 $0xFFFFF060  }
0x243: {  	_ =	swait.ge [sflag:s17], $0xFA0  }
0x244: {  	[sflag:s17] =	ssyncset.done $0x0  }
0x245: {  	[sflag:s17] =	ssyncadd.s32 $0xFFFFF060  }
0x246: {  	_ =	swait.ge [sflag:s19], $0xFA0  }
0x247: {  	[sflag:s19] =	ssyncset.done $0x0  }
0x248: {  	[sflag:s19] =	ssyncadd.s32 $0xFFFFF060  }
0x249: {  	_ =	swait.ge [sflag:s20], $0xFA0  }
0x24a: {  	[sflag:s20] =	ssyncset.done $0x0  }
0x24b: {  	[sflag:s20] =	ssyncadd.s32 $0xFFFFF060  }
0x24c: {  	_ =	swait.ge [sflag:s6], $0xFA0  }
0x24d: {  	s18 =	simm.s32 $0x2000;
	s24 =	simm.s32 $0x4000;
	[sflag:s6] =	ssyncset.done $0x0  }
.LBB2_10:
0x24e: {  	s23 =	sshra.s32 s18, $0x2;
	[sflag:s6] =	ssyncadd.s32 $0xFFFFF060  }
0x24f: {  	s18 =	smov.u32 s24;
	s22 =	sadd.s32 $0x2000, s24;
	s14 =	simm.s32 $0xA000  }
0x250: {  	[tilespmem:s14], [sflag:$0x1] =	stream.indirect.gather [hbm4b:s11+s21], $0x10, s23, s21, $0xb8;
	[tilespmem:$0x17CA0] =	vst v63  }
0x251: {  	p0 =	sne.s32 s24, $0x12000;
	s4 =	simm.s32 $0xAFA0;
	s24 =	sadd.s32 $0x100, s23  }
0x252: {  	[tilespmem:s4], [sflag:$0x2] =	stream.indirect.gather [hbm4b:s11+s21], $0x10, s24, s21, $0xb8;
	[tilespmem:$0x17CA0] =	vst v63  }
0x253: {  	s31 =	simm.s32 $0xBF40;
	s24 =	sadd.s32 $0x200, s23  }
0x254: {  	[tilespmem:s31], [sflag:$0x3] =	stream.indirect.gather [hbm4b:s11+s21], $0x10, s24, s21, $0xb8;
	[tilespmem:$0x17CA0] =	vst v63  }
0x255: {  	s25 =	simm.s32 $0xCEE0;
	s24 =	sadd.s32 $0x300, s23  }
0x256: {  	[tilespmem:s25], [sflag:$0x4] =	stream.indirect.gather [hbm4b:s11+s21], $0x10, s24, s21, $0xb8;
	[tilespmem:$0x17CA0] =	vst v63  }
0x257: {  	s26 =	simm.s32 $0xDE80;
	s24 =	sadd.s32 $0x400, s23  }
0x258: {  	[tilespmem:s26], [sflag:$0x5] =	stream.indirect.gather [hbm4b:s11+s21], $0x10, s24, s21, $0xb8;
	[tilespmem:$0x17CA0] =	vst v63  }
0x259: {  	s28 =	simm.s32 $0xEE20;
	s24 =	sadd.s32 $0x500, s23  }
0x25a: {  	[tilespmem:s28], [sflag:$0x6] =	stream.indirect.gather [hbm4b:s11+s21], $0x10, s24, s21, $0xb8;
	[tilespmem:$0x17CA0] =	vst v63  }
0x25b: {  	s29 =	simm.s32 $0xFDC0;
	s24 =	sadd.s32 $0x600, s23  }
0x25c: {  	[tilespmem:s29], [sflag:$0x7] =	stream.indirect.gather [hbm4b:s11+s21], $0x10, s24, s21, $0xb8;
	[tilespmem:$0x17CA0] =	vst v63  }
0x25d: {  	s30 =	simm.s32 $0x10D60;
	s24 =	sadd.s32 $0x700, s23  }
0x25e: {  	[tilespmem:s30], [sflag:$0x8] =	stream.indirect.gather [hbm4b:s11+s21], $0x10, s24, s21, $0xb8;
	[tilespmem:$0x17CA0] =	vst v63  }
0x25f: {  	_ =	swait.ge [sflag:s0], $0xFA0  }
0x260: {  	[sflag:s0] =	ssyncset.done $0x0  }
0x261: {  	s24 =	sadd.s32 $0x5000, s23;
	[sflag:s0] =	ssyncadd.s32 $0xFFFFF060  }
0x262: {  	[spmem:s2] =	stream.indirect.scatter.add.f32 [tilespmem:s14], [sflag:$0x9], $0x10, s24, s21, $0xb8;
	[tilespmem:$0x17CA0] =	vst v63  }
0x263: {  	s14 =	simm.s32 $0xA  }
0x264: {  	_ =	swait.ge [sflag:s3], $0xFA0  }
0x265: {  	[sflag:s3] =	ssyncset.done $0x0  }
0x266: {  	s24 =	sadd.s32 $0x5100, s23;
	[sflag:s3] =	ssyncadd.s32 $0xFFFFF060  }
0x267: {  	[spmem:s2] =	stream.indirect.scatter.add.f32 [tilespmem:s4], [sflag:$0xA], $0x10, s24, s21, $0xb8;
	[tilespmem:$0x17CA0] =	vst v63  }
0x268: {  	s4 =	simm.s32 $0x5  }
0x269: {  	_ =	swait.ge [sflag:s1], $0xFA0  }
0x26a: {  	[sflag:s1] =	ssyncset.done $0x0  }
0x26b: {  	s24 =	sadd.s32 $0x5200, s23;
	[sflag:s1] =	ssyncadd.s32 $0xFFFFF060  }
0x26c: {  	[spmem:s2] =	stream.indirect.scatter.add.f32 [tilespmem:s31], [sflag:$0xB], $0x10, s24, s21, $0xb8;
	[tilespmem:$0x17CA0] =	vst v63  }
0x26d: {  	s31 =	simm.s32 $0x4  }
0x26e: {  	_ =	swait.ge [sflag:s31], $0xFA0  }
0x26f: {  	[sflag:s31] =	ssyncset.done $0x0  }
0x270: {  	s24 =	sadd.s32 $0x5300, s23;
	[sflag:s31] =	ssyncadd.s32 $0xFFFFF060  }
0x271: {  	[spmem:s2] =	stream.indirect.scatter.add.f32 [tilespmem:s25], [sflag:$0xC], $0x10, s24, s21, $0xb8;
	[tilespmem:$0x17CA0] =	vst v63  }
0x272: {  	_ =	swait.ge [sflag:s4], $0xFA0  }
0x273: {  	[sflag:s4] =	ssyncset.done $0x0  }
0x274: {  	s24 =	sadd.s32 $0x5400, s23;
	[sflag:s4] =	ssyncadd.s32 $0xFFFFF060  }
0x275: {  	[spmem:s2] =	stream.indirect.scatter.add.f32 [tilespmem:s26], [sflag:$0xD], $0x10, s24, s21, $0xb8;
	[tilespmem:$0x17CA0] =	vst v63  }
0x276: {  	_ =	swait.ge [sflag:s5], $0xFA0  }
0x277: {  	[sflag:s5] =	ssyncset.done $0x0  }
0x278: {  	s24 =	sadd.s32 $0x5500, s23;
	[sflag:s5] =	ssyncadd.s32 $0xFFFFF060  }
0x279: {  	[spmem:s2] =	stream.indirect.scatter.add.f32 [tilespmem:s28], [sflag:$0xE], $0x10, s24, s21, $0xb8;
	[tilespmem:$0x17CA0] =	vst v63  }
0x27a: {  	_ =	swait.ge [sflag:s8], $0xFA0  }
0x27b: {  	[sflag:s8] =	ssyncset.done $0x0  }
0x27c: {  	s24 =	sadd.s32 $0x5600, s23;
	[sflag:s8] =	ssyncadd.s32 $0xFFFFF060  }
0x27d: {  	[spmem:s2] =	stream.indirect.scatter.add.f32 [tilespmem:s29], [sflag:$0xF], $0x10, s24, s21, $0xb8;
	[tilespmem:$0x17CA0] =	vst v63  }
0x27e: {  	_ =	swait.ge [sflag:s10], $0xFA0  }
0x27f: {  	[sflag:s10] =	ssyncset.done $0x0  }
0x280: {  	s23 =	sadd.s32 $0x5700, s23;
	[sflag:s10] =	ssyncadd.s32 $0xFFFFF060  }
0x281: {  	[spmem:s2] =	stream.indirect.scatter.add.f32 [tilespmem:s30], [sflag:$0x10], $0x10, s23, s21, $0xb8;
	[tilespmem:$0x17CA0] =	vst v63  }
0x282: {  	_ =	swait.ge [sflag:s12], $0xFA0  }
0x283: {  	[sflag:s12] =	ssyncset.done $0x0  }
0x284: {  	[sflag:s12] =	ssyncadd.s32 $0xFFFFF060  }
0x285: {  	_ =	swait.ge [sflag:s14], $0xFA0  }
0x286: {  	[sflag:s14] =	ssyncset.done $0x0  }
0x287: {  	[sflag:s14] =	ssyncadd.s32 $0xFFFFF060  }
0x288: {  	_ =	swait.ge [sflag:s15], $0xFA0  }
0x289: {  	[sflag:s15] =	ssyncset.done $0x0  }
0x28a: {  	[sflag:s15] =	ssyncadd.s32 $0xFFFFF060  }
0x28b: {  	_ =	swait.ge [sflag:s16], $0xFA0  }
0x28c: {  	[sflag:s16] =	ssyncset.done $0x0  }
0x28d: {  	[sflag:s16] =	ssyncadd.s32 $0xFFFFF060  }
0x28e: {  	_ =	swait.ge [sflag:s17], $0xFA0  }
0x28f: {  	[sflag:s17] =	ssyncset.done $0x0  }
0x290: {  	[sflag:s17] =	ssyncadd.s32 $0xFFFFF060  }
0x291: {  	_ =	swait.ge [sflag:s19], $0xFA0  }
0x292: {  	[sflag:s19] =	ssyncset.done $0x0  }
0x293: {  	[sflag:s19] =	ssyncadd.s32 $0xFFFFF060  }
.Ltmp4:
0x294: {  	_ =	swait.ge [sflag:s20], $0xFA0;
	(pc) =	sbr.rel @p0 .LBB2_10-.Ltmp4, $4  }
0x295: {  	[sflag:s20] =	ssyncset.done $0x0  }
0x296: {  	[sflag:s20] =	ssyncadd.s32 $0xFFFFF060  }
0x297: {  	_ =	swait.ge [sflag:s6], $0xFA0  }
0x298: {  	s24 =	smov.u32 s22;
	[sflag:s6] =	ssyncset.done $0x0  }
0x299: {  	s18 =	sshra.s32 s18, $0x2;
	[sflag:s6] =	ssyncadd.s32 $0xFFFFF060;
	s24 =	simm.s32 $0xA000  }
0x29a: {  	[tilespmem:s24], [sflag:$0x1] =	stream.indirect.gather [hbm4b:s11+s21], $0x10, s18, s21, $0xb8;
	[tilespmem:$0x17CA0] =	vst v63  }
0x29b: {  	s25 =	simm.s32 $0xAFA0;
	s22 =	sadd.s32 $0x100, s18  }
0x29c: {  	[tilespmem:s25], [sflag:$0x2] =	stream.indirect.gather [hbm4b:s11+s21], $0x10, s22, s21, $0xb8;
	[tilespmem:$0x17CA0] =	vst v63  }
0x29d: {  	s26 =	simm.s32 $0xBF40;
	s28 =	sadd.s32 $0x200, s18  }
0x29e: {  	[tilespmem:s26], [sflag:$0x3] =	stream.indirect.gather [hbm4b:s11+s21], $0x10, s28, s21, $0xb8;
	[tilespmem:$0x17CA0] =	vst v63  }
0x29f: {  	s29 =	sadd.s32 $0x300, s18;
	s28 =	simm.s32 $0xCEE0  }
0x2a0: {  	[tilespmem:s28], [sflag:$0x4] =	stream.indirect.gather [hbm4b:s11+s21], $0x10, s29, s21, $0xb8;
	[tilespmem:$0x17CA0] =	vst v63  }
0x2a1: {  	s30 =	sadd.s32 $0x400, s18;
	s29 =	simm.s32 $0xDE80  }
0x2a2: {  	[tilespmem:s29], [sflag:$0x5] =	stream.indirect.gather [hbm4b:s11+s21], $0x10, s30, s21, $0xb8;
	[tilespmem:$0x17CA0] =	vst v63  }
0x2a3: {  	s23 =	sadd.s32 $0x500, s18;
	s30 =	simm.s32 $0xEE20  }
0x2a4: {  	[tilespmem:s30], [sflag:$0x6] =	stream.indirect.gather [hbm4b:s11+s21], $0x10, s23, s21, $0xb8;
	[tilespmem:$0x17CA0] =	vst v63  }
0x2a5: {  	s22 =	sadd.s32 $0x600, s18;
	s23 =	simm.s32 $0xFDC0  }
0x2a6: {  	[tilespmem:s23], [sflag:$0x7] =	stream.indirect.gather [hbm4b:s11+s21], $0x10, s22, s21, $0xb8;
	[tilespmem:$0x17CA0] =	vst v63  }
0x2a7: {  	s22 =	sadd.s32 $0x700, s18;
	s23 =	simm.s32 $0x10D60  }
0x2a8: {  	[tilespmem:s23], [sflag:$0x8] =	stream.indirect.gather [hbm4b:s11+s21], $0x10, s22, s21, $0xb8;
	[tilespmem:$0x17CA0] =	vst v63  }
0x2a9: {  	_ =	swait.ge [sflag:s0], $0xFA0  }
0x2aa: {  	[sflag:s0] =	ssyncset.done $0x0  }
0x2ab: {  	s23 =	sadd.s32 $0x5000, s18;
	[sflag:s0] =	ssyncadd.s32 $0xFFFFF060  }
0x2ac: {  	[spmem:s2] =	stream.indirect.scatter.add.f32 [tilespmem:s24], [sflag:$0x9], $0x10, s23, s21, $0xb8;
	[tilespmem:$0x17CA0] =	vst v63  }
0x2ad: {  	_ =	swait.ge [sflag:s3], $0xFA0  }
0x2ae: {  	[sflag:s3] =	ssyncset.done $0x0  }
0x2af: {  	s23 =	sadd.s32 $0x5100, s18;
	[sflag:s3] =	ssyncadd.s32 $0xFFFFF060  }
0x2b0: {  	[spmem:s2] =	stream.indirect.scatter.add.f32 [tilespmem:s25], [sflag:$0xA], $0x10, s23, s21, $0xb8;
	[tilespmem:$0x17CA0] =	vst v63  }
0x2b1: {  	_ =	swait.ge [sflag:s1], $0xFA0  }
0x2b2: {  	[sflag:s1] =	ssyncset.done $0x0  }
0x2b3: {  	s23 =	sadd.s32 $0x5200, s18;
	[sflag:s1] =	ssyncadd.s32 $0xFFFFF060  }
0x2b4: {  	[spmem:s2] =	stream.indirect.scatter.add.f32 [tilespmem:s26], [sflag:$0xB], $0x10, s23, s21, $0xb8;
	[tilespmem:$0x17CA0] =	vst v63  }
0x2b5: {  	_ =	swait.ge [sflag:s31], $0xFA0  }
0x2b6: {  	[sflag:s31] =	ssyncset.done $0x0  }
0x2b7: {  	s23 =	sadd.s32 $0x5300, s18;
	[sflag:s31] =	ssyncadd.s32 $0xFFFFF060  }
0x2b8: {  	[spmem:s2] =	stream.indirect.scatter.add.f32 [tilespmem:s28], [sflag:$0xC], $0x10, s23, s21, $0xb8;
	[tilespmem:$0x17CA0] =	vst v63  }
0x2b9: {  	_ =	swait.ge [sflag:s4], $0xFA0  }
0x2ba: {  	[sflag:s4] =	ssyncset.done $0x0  }
0x2bb: {  	s23 =	sadd.s32 $0x5400, s18;
	[sflag:s4] =	ssyncadd.s32 $0xFFFFF060  }
0x2bc: {  	[spmem:s2] =	stream.indirect.scatter.add.f32 [tilespmem:s29], [sflag:$0xD], $0x10, s23, s21, $0xb8;
	[tilespmem:$0x17CA0] =	vst v63  }
0x2bd: {  	_ =	swait.ge [sflag:s5], $0xFA0  }
0x2be: {  	[sflag:s5] =	ssyncset.done $0x0  }
0x2bf: {  	s23 =	sadd.s32 $0x5500, s18;
	[sflag:s5] =	ssyncadd.s32 $0xFFFFF060  }
0x2c0: {  	[spmem:s2] =	stream.indirect.scatter.add.f32 [tilespmem:s30], [sflag:$0xE], $0x10, s23, s21, $0xb8;
	[tilespmem:$0x17CA0] =	vst v63  }
0x2c1: {  	_ =	swait.ge [sflag:s8], $0xFA0  }
0x2c2: {  	[sflag:s8] =	ssyncset.done $0x0  }
0x2c3: {  	s22 =	sadd.s32 $0x5600, s18;
	s23 =	simm.s32 $0xFDC0;
	[sflag:s8] =	ssyncadd.s32 $0xFFFFF060  }
0x2c4: {  	[spmem:s2] =	stream.indirect.scatter.add.f32 [tilespmem:s23], [sflag:$0xF], $0x10, s22, s21, $0xb8;
	[tilespmem:$0x17CA0] =	vst v63  }
0x2c5: {  	_ =	swait.ge [sflag:s10], $0xFA0  }
0x2c6: {  	[sflag:s10] =	ssyncset.done $0x0  }
0x2c7: {  	s18 =	sadd.s32 $0x5700, s18;
	s23 =	simm.s32 $0x10D60;
	[sflag:s10] =	ssyncadd.s32 $0xFFFFF060  }
0x2c8: {  	[spmem:s2] =	stream.indirect.scatter.add.f32 [tilespmem:s23], [sflag:$0x10], $0x10, s18, s21, $0xb8;
	[tilespmem:$0x17CA0] =	vst v63  }
0x2c9: {  	_ =	swait.ge [sflag:s12], $0xFA0  }
0x2ca: {  	[sflag:s12] =	ssyncset.done $0x0  }
0x2cb: {  	[sflag:s12] =	ssyncadd.s32 $0xFFFFF060  }
0x2cc: {  	_ =	swait.ge [sflag:s14], $0xFA0  }
0x2cd: {  	[sflag:s14] =	ssyncset.done $0x0  }
0x2ce: {  	[sflag:s14] =	ssyncadd.s32 $0xFFFFF060  }
0x2cf: {  	_ =	swait.ge [sflag:s15], $0xFA0  }
0x2d0: {  	[sflag:s15] =	ssyncset.done $0x0  }
0x2d1: {  	[sflag:s15] =	ssyncadd.s32 $0xFFFFF060  }
0x2d2: {  	_ =	swait.ge [sflag:s16], $0xFA0  }
0x2d3: {  	[sflag:s16] =	ssyncset.done $0x0  }
0x2d4: {  	[sflag:s16] =	ssyncadd.s32 $0xFFFFF060  }
0x2d5: {  	_ =	swait.ge [sflag:s17], $0xFA0  }
0x2d6: {  	[sflag:s17] =	ssyncset.done $0x0  }
0x2d7: {  	[sflag:s17] =	ssyncadd.s32 $0xFFFFF060  }
0x2d8: {  	_ =	swait.ge [sflag:s19], $0xFA0  }
0x2d9: {  	[sflag:s19] =	ssyncset.done $0x0  }
0x2da: {  	[sflag:s19] =	ssyncadd.s32 $0xFFFFF060  }
0x2db: {  	_ =	swait.ge [sflag:s20], $0xFA0  }
0x2dc: {  	[sflag:s20] =	ssyncset.done $0x0  }
0x2dd: {  	[sflag:s20] =	ssyncadd.s32 $0xFFFFF060  }
0x2de: {  	_ =	swait.ge [sflag:s6], $0xFA0  }
0x2df: {  	[sflag:s6] =	ssyncset.done $0x0  }
0x2e0: {  	[sflag:s6] =	ssyncadd.s32 $0xFFFFF060  }
0x2e1: {  	[bflag:$0x0] =	sbarrier.arrive $0xFFFF  }
0x2e2: {  	s18 =	rddreg [dreg:$0x9]  }
0x2e3: {  	s22 =	rddreg [dreg:$0xf]  }
0x2e4: {  	s23 =	rddreg [dreg:$0x10]  }
0x2e5: {  	[hbm:s18], [sflag:s22] =	dma.local [spmem:s23], $0x500  }
0x2e6: {  	s22 =	simm.s32 $0x11  }
0x2e7: {  	_ =	swait.ge [sflag:s22], $0x500  }
0x2e8: {  	[sflag:s22] =	ssyncset.done $0x0  }
0x2e9: {  	s23 =	simm.s32 $0x12CA0;
	s18 =	rddreg [dreg:$0x6];
	[sflag:s22] =	ssyncadd.s32 $0xFFFFFB00  }
0x2ea: {  	[spmem:s18] =	stream.linear.scatter [tilespmem:s23], [sflag:$0x11], $0x2800, $0x38;
	[tilespmem:$0x17CA0] =	vst v63  }
0x2eb: {  	_ =	swait.ge [sflag:s22], $0x2800  }
0x2ec: {  	[sflag:s22] =	ssyncset.done $0x0  }
0x2ed: {  	[sflag:s22] =	ssyncadd.s32 $0xFFFFD800  }
0x2ee: {  	s22 =	simm.s32 $0x0;
	[bflag:$0x0] =	sbarrier.arrive $0xFFFF  }
0x2ef: {  	[tilespmem:s24], [sflag:$0x1] =	stream.indirect.gather [hbm4b:s13+s21], $0x10, s22, s21, $0xb8;
	[tilespmem:$0x17CA0] =	vst v63  }
0x2f0: {  	s23 =	simm.s32 $0x100  }
0x2f1: {  	[tilespmem:s25], [sflag:$0x2] =	stream.indirect.gather [hbm4b:s13+s21], $0x10, s23, s21, $0xb8;
	[tilespmem:$0x17CA0] =	vst v63  }
0x2f2: {  	s22 =	simm.s32 $0x200  }
0x2f3: {  	[tilespmem:s26], [sflag:$0x3] =	stream.indirect.gather [hbm4b:s13+s21], $0x10, s22, s21, $0xb8;
	[tilespmem:$0x17CA0] =	vst v63  }
0x2f4: {  	s23 =	simm.s32 $0x300  }
0x2f5: {  	[tilespmem:s28], [sflag:$0x4] =	stream.indirect.gather [hbm4b:s13+s21], $0x10, s23, s21, $0xb8;
	[tilespmem:$0x17CA0] =	vst v63  }
0x2f6: {  	s22 =	simm.s32 $0x400  }
0x2f7: {  	[tilespmem:s29], [sflag:$0x5] =	stream.indirect.gather [hbm4b:s13+s21], $0x10, s22, s21, $0xb8;
	[tilespmem:$0x17CA0] =	vst v63  }
0x2f8: {  	s23 =	simm.s32 $0x500  }
0x2f9: {  	[tilespmem:s30], [sflag:$0x6] =	stream.indirect.gather [hbm4b:s13+s21], $0x10, s23, s21, $0xb8;
	[tilespmem:$0x17CA0] =	vst v63  }
0x2fa: {  	s22 =	simm.s32 $0x600;
	s23 =	simm.s32 $0xFDC0  }
0x2fb: {  	[tilespmem:s23], [sflag:$0x7] =	stream.indirect.gather [hbm4b:s13+s21], $0x10, s22, s21, $0xb8;
	[tilespmem:$0x17CA0] =	vst v63  }
0x2fc: {  	s18 =	simm.s32 $0x700;
	s22 =	simm.s32 $0x10D60  }
0x2fd: {  	[tilespmem:s22], [sflag:$0x8] =	stream.indirect.gather [hbm4b:s13+s21], $0x10, s18, s21, $0xb8;
	[tilespmem:$0x17CA0] =	vst v63  }
0x2fe: {  	_ =	swait.ge [sflag:s0], $0xFA0  }
0x2ff: {  	[sflag:s0] =	ssyncset.done $0x0  }
0x300: {  	s18 =	simm.s32 $0x5000;
	[sflag:s0] =	ssyncadd.s32 $0xFFFFF060  }
0x301: {  	[spmem:s2] =	stream.indirect.scatter.add.f32 [tilespmem:s24], [sflag:$0x9], $0x10, s18, s21, $0xb8;
	[tilespmem:$0x17CA0] =	vst v63  }
0x302: {  	_ =	swait.ge [sflag:s3], $0xFA0  }
0x303: {  	[sflag:s3] =	ssyncset.done $0x0  }
0x304: {  	s24 =	simm.s32 $0x5100;
	[sflag:s3] =	ssyncadd.s32 $0xFFFFF060  }
0x305: {  	[spmem:s2] =	stream.indirect.scatter.add.f32 [tilespmem:s25], [sflag:$0xA], $0x10, s24, s21, $0xb8;
	[tilespmem:$0x17CA0] =	vst v63  }
0x306: {  	_ =	swait.ge [sflag:s1], $0xFA0  }
0x307: {  	[sflag:s1] =	ssyncset.done $0x0  }
0x308: {  	s25 =	simm.s32 $0x5200;
	[sflag:s1] =	ssyncadd.s32 $0xFFFFF060  }
0x309: {  	[spmem:s2] =	stream.indirect.scatter.add.f32 [tilespmem:s26], [sflag:$0xB], $0x10, s25, s21, $0xb8;
	[tilespmem:$0x17CA0] =	vst v63  }
0x30a: {  	_ =	swait.ge [sflag:s31], $0xFA0  }
0x30b: {  	[sflag:s31] =	ssyncset.done $0x0  }
0x30c: {  	s26 =	simm.s32 $0x5300;
	[sflag:s31] =	ssyncadd.s32 $0xFFFFF060  }
0x30d: {  	[spmem:s2] =	stream.indirect.scatter.add.f32 [tilespmem:s28], [sflag:$0xC], $0x10, s26, s21, $0xb8;
	[tilespmem:$0x17CA0] =	vst v63  }
0x30e: {  	_ =	swait.ge [sflag:s4], $0xFA0  }
0x30f: {  	[sflag:s4] =	ssyncset.done $0x0  }
0x310: {  	s28 =	simm.s32 $0x5400;
	[sflag:s4] =	ssyncadd.s32 $0xFFFFF060  }
0x311: {  	[spmem:s2] =	stream.indirect.scatter.add.f32 [tilespmem:s29], [sflag:$0xD], $0x10, s28, s21, $0xb8;
	[tilespmem:$0x17CA0] =	vst v63  }
0x312: {  	_ =	swait.ge [sflag:s5], $0xFA0  }
0x313: {  	[sflag:s5] =	ssyncset.done $0x0  }
0x314: {  	s29 =	simm.s32 $0x5500;
	[sflag:s5] =	ssyncadd.s32 $0xFFFFF060  }
0x315: {  	[spmem:s2] =	stream.indirect.scatter.add.f32 [tilespmem:s30], [sflag:$0xE], $0x10, s29, s21, $0xb8;
	[tilespmem:$0x17CA0] =	vst v63  }
0x316: {  	_ =	swait.ge [sflag:s8], $0xFA0  }
0x317: {  	[sflag:s8] =	ssyncset.done $0x0  }
0x318: {  	s30 =	simm.s32 $0x5600;
	[sflag:s8] =	ssyncadd.s32 $0xFFFFF060  }
0x319: {  	[spmem:s2] =	stream.indirect.scatter.add.f32 [tilespmem:s23], [sflag:$0xF], $0x10, s30, s21, $0xb8;
	[tilespmem:$0x17CA0] =	vst v63  }
0x31a: {  	_ =	swait.ge [sflag:s10], $0xFA0  }
0x31b: {  	[sflag:s10] =	ssyncset.done $0x0  }
0x31c: {  	s31 =	simm.s32 $0x5700;
	[sflag:s10] =	ssyncadd.s32 $0xFFFFF060  }
0x31d: {  	[spmem:s2] =	stream.indirect.scatter.add.f32 [tilespmem:s22], [sflag:$0x10], $0x10, s31, s21, $0xb8;
	[tilespmem:$0x17CA0] =	vst v63  }
0x31e: {  	_ =	swait.ge [sflag:s12], $0xFA0  }
0x31f: {  	[sflag:s12] =	ssyncset.done $0x0  }
0x320: {  	[sflag:s12] =	ssyncadd.s32 $0xFFFFF060  }
0x321: {  	_ =	swait.ge [sflag:s14], $0xFA0  }
0x322: {  	[sflag:s14] =	ssyncset.done $0x0  }
0x323: {  	[sflag:s14] =	ssyncadd.s32 $0xFFFFF060  }
0x324: {  	_ =	swait.ge [sflag:s15], $0xFA0  }
0x325: {  	[sflag:s15] =	ssyncset.done $0x0  }
0x326: {  	[sflag:s15] =	ssyncadd.s32 $0xFFFFF060  }
0x327: {  	_ =	swait.ge [sflag:s16], $0xFA0  }
0x328: {  	[sflag:s16] =	ssyncset.done $0x0  }
0x329: {  	[sflag:s16] =	ssyncadd.s32 $0xFFFFF060  }
0x32a: {  	_ =	swait.ge [sflag:s17], $0xFA0  }
0x32b: {  	[sflag:s17] =	ssyncset.done $0x0  }
0x32c: {  	[sflag:s17] =	ssyncadd.s32 $0xFFFFF060  }
0x32d: {  	_ =	swait.ge [sflag:s19], $0xFA0  }
0x32e: {  	[sflag:s19] =	ssyncset.done $0x0  }
0x32f: {  	[sflag:s19] =	ssyncadd.s32 $0xFFFFF060  }
0x330: {  	_ =	swait.ge [sflag:s20], $0xFA0  }
0x331: {  	[sflag:s20] =	ssyncset.done $0x0  }
0x332: {  	s18 =	simm.s32 $0x2000;
	s24 =	simm.s32 $0x4000;
	[sflag:s20] =	ssyncadd.s32 $0xFFFFF060  }
0x333: {  	s5 =	simm.s32 $0x5;
	s8 =	simm.s32 $0x6;
	_ =	swait.ge [sflag:s6], $0xFA0  }
0x334: {  	s10 =	simm.s32 $0x7;
	s12 =	simm.s32 $0x8;
	[sflag:s6] =	ssyncset.done $0x0  }
.LBB2_12:
0x335: {  	s23 =	sshra.s32 s18, $0x2;
	[sflag:s6] =	ssyncadd.s32 $0xFFFFF060  }
0x336: {  	s18 =	smov.u32 s24;
	s22 =	sadd.s32 $0x2000, s24;
	s14 =	simm.s32 $0xA000  }
0x337: {  	[tilespmem:s14], [sflag:$0x1] =	stream.indirect.gather [hbm4b:s13+s21], $0x10, s23, s21, $0xb8;
	[tilespmem:$0x17CA0] =	vst v63  }
0x338: {  	p0 =	sne.s32 s24, $0x12000;
	s4 =	simm.s32 $0xAFA0;
	s24 =	sadd.s32 $0x100, s23  }
0x339: {  	[tilespmem:s4], [sflag:$0x2] =	stream.indirect.gather [hbm4b:s13+s21], $0x10, s24, s21, $0xb8;
	[tilespmem:$0x17CA0] =	vst v63  }
0x33a: {  	s31 =	simm.s32 $0xBF40;
	s24 =	sadd.s32 $0x200, s23  }
0x33b: {  	[tilespmem:s31], [sflag:$0x3] =	stream.indirect.gather [hbm4b:s13+s21], $0x10, s24, s21, $0xb8;
	[tilespmem:$0x17CA0] =	vst v63  }
0x33c: {  	s25 =	simm.s32 $0xCEE0;
	s24 =	sadd.s32 $0x300, s23  }
0x33d: {  	[tilespmem:s25], [sflag:$0x4] =	stream.indirect.gather [hbm4b:s13+s21], $0x10, s24, s21, $0xb8;
	[tilespmem:$0x17CA0] =	vst v63  }
0x33e: {  	s26 =	simm.s32 $0xDE80;
	s24 =	sadd.s32 $0x400, s23  }
0x33f: {  	[tilespmem:s26], [sflag:$0x5] =	stream.indirect.gather [hbm4b:s13+s21], $0x10, s24, s21, $0xb8;
	[tilespmem:$0x17CA0] =	vst v63  }
0x340: {  	s28 =	simm.s32 $0xEE20;
	s24 =	sadd.s32 $0x500, s23  }
0x341: {  	[tilespmem:s28], [sflag:$0x6] =	stream.indirect.gather [hbm4b:s13+s21], $0x10, s24, s21, $0xb8;
	[tilespmem:$0x17CA0] =	vst v63  }
0x342: {  	s29 =	simm.s32 $0xFDC0;
	s24 =	sadd.s32 $0x600, s23  }
0x343: {  	[tilespmem:s29], [sflag:$0x7] =	stream.indirect.gather [hbm4b:s13+s21], $0x10, s24, s21, $0xb8;
	[tilespmem:$0x17CA0] =	vst v63  }
0x344: {  	s30 =	simm.s32 $0x10D60;
	s24 =	sadd.s32 $0x700, s23  }
0x345: {  	[tilespmem:s30], [sflag:$0x8] =	stream.indirect.gather [hbm4b:s13+s21], $0x10, s24, s21, $0xb8;
	[tilespmem:$0x17CA0] =	vst v63  }
0x346: {  	_ =	swait.ge [sflag:s0], $0xFA0  }
0x347: {  	[sflag:s0] =	ssyncset.done $0x0  }
0x348: {  	s24 =	sadd.s32 $0x5000, s23;
	[sflag:s0] =	ssyncadd.s32 $0xFFFFF060  }
0x349: {  	[spmem:s2] =	stream.indirect.scatter.add.f32 [tilespmem:s14], [sflag:$0x9], $0x10, s24, s21, $0xb8;
	[tilespmem:$0x17CA0] =	vst v63  }
0x34a: {  	_ =	swait.ge [sflag:s3], $0xFA0  }
0x34b: {  	[sflag:s3] =	ssyncset.done $0x0  }
0x34c: {  	s24 =	sadd.s32 $0x5100, s23;
	[sflag:s3] =	ssyncadd.s32 $0xFFFFF060  }
0x34d: {  	[spmem:s2] =	stream.indirect.scatter.add.f32 [tilespmem:s4], [sflag:$0xA], $0x10, s24, s21, $0xb8;
	[tilespmem:$0x17CA0] =	vst v63  }
0x34e: {  	_ =	swait.ge [sflag:s1], $0xFA0  }
0x34f: {  	[sflag:s1] =	ssyncset.done $0x0  }
0x350: {  	s24 =	sadd.s32 $0x5200, s23;
	[sflag:s1] =	ssyncadd.s32 $0xFFFFF060  }
0x351: {  	[spmem:s2] =	stream.indirect.scatter.add.f32 [tilespmem:s31], [sflag:$0xB], $0x10, s24, s21, $0xb8;
	[tilespmem:$0x17CA0] =	vst v63  }
0x352: {  	s31 =	simm.s32 $0x4  }
0x353: {  	_ =	swait.ge [sflag:s31], $0xFA0  }
0x354: {  	[sflag:s31] =	ssyncset.done $0x0  }
0x355: {  	s24 =	sadd.s32 $0x5300, s23;
	[sflag:s31] =	ssyncadd.s32 $0xFFFFF060  }
0x356: {  	[spmem:s2] =	stream.indirect.scatter.add.f32 [tilespmem:s25], [sflag:$0xC], $0x10, s24, s21, $0xb8;
	[tilespmem:$0x17CA0] =	vst v63  }
0x357: {  	_ =	swait.ge [sflag:s5], $0xFA0  }
0x358: {  	[sflag:s5] =	ssyncset.done $0x0  }
0x359: {  	s24 =	sadd.s32 $0x5400, s23;
	[sflag:s5] =	ssyncadd.s32 $0xFFFFF060  }
0x35a: {  	[spmem:s2] =	stream.indirect.scatter.add.f32 [tilespmem:s26], [sflag:$0xD], $0x10, s24, s21, $0xb8;
	[tilespmem:$0x17CA0] =	vst v63  }
0x35b: {  	_ =	swait.ge [sflag:s8], $0xFA0  }
0x35c: {  	[sflag:s8] =	ssyncset.done $0x0  }
0x35d: {  	s24 =	sadd.s32 $0x5500, s23;
	[sflag:s8] =	ssyncadd.s32 $0xFFFFF060  }
0x35e: {  	[spmem:s2] =	stream.indirect.scatter.add.f32 [tilespmem:s28], [sflag:$0xE], $0x10, s24, s21, $0xb8;
	[tilespmem:$0x17CA0] =	vst v63  }
0x35f: {  	_ =	swait.ge [sflag:s10], $0xFA0  }
0x360: {  	[sflag:s10] =	ssyncset.done $0x0  }
0x361: {  	s24 =	sadd.s32 $0x5600, s23;
	[sflag:s10] =	ssyncadd.s32 $0xFFFFF060  }
0x362: {  	[spmem:s2] =	stream.indirect.scatter.add.f32 [tilespmem:s29], [sflag:$0xF], $0x10, s24, s21, $0xb8;
	[tilespmem:$0x17CA0] =	vst v63  }
0x363: {  	_ =	swait.ge [sflag:s12], $0xFA0  }
0x364: {  	[sflag:s12] =	ssyncset.done $0x0  }
0x365: {  	s4 =	simm.s32 $0x9;
	s23 =	sadd.s32 $0x5700, s23;
	[sflag:s12] =	ssyncadd.s32 $0xFFFFF060  }
0x366: {  	[spmem:s2] =	stream.indirect.scatter.add.f32 [tilespmem:s30], [sflag:$0x10], $0x10, s23, s21, $0xb8;
	[tilespmem:$0x17CA0] =	vst v63  }
0x367: {  	_ =	swait.ge [sflag:s4], $0xFA0  }
0x368: {  	[sflag:s4] =	ssyncset.done $0x0  }
0x369: {  	[sflag:s4] =	ssyncadd.s32 $0xFFFFF060;
	s4 =	simm.s32 $0xA  }
0x36a: {  	_ =	swait.ge [sflag:s4], $0xFA0  }
0x36b: {  	[sflag:s4] =	ssyncset.done $0x0  }
0x36c: {  	[sflag:s4] =	ssyncadd.s32 $0xFFFFF060  }
0x36d: {  	_ =	swait.ge [sflag:s15], $0xFA0  }
0x36e: {  	[sflag:s15] =	ssyncset.done $0x0  }
0x36f: {  	[sflag:s15] =	ssyncadd.s32 $0xFFFFF060  }
0x370: {  	_ =	swait.ge [sflag:s16], $0xFA0  }
0x371: {  	[sflag:s16] =	ssyncset.done $0x0  }
0x372: {  	[sflag:s16] =	ssyncadd.s32 $0xFFFFF060  }
0x373: {  	_ =	swait.ge [sflag:s17], $0xFA0  }
0x374: {  	[sflag:s17] =	ssyncset.done $0x0  }
0x375: {  	[sflag:s17] =	ssyncadd.s32 $0xFFFFF060  }
0x376: {  	_ =	swait.ge [sflag:s19], $0xFA0  }
0x377: {  	[sflag:s19] =	ssyncset.done $0x0  }
0x378: {  	[sflag:s19] =	ssyncadd.s32 $0xFFFFF060  }
.Ltmp5:
0x379: {  	_ =	swait.ge [sflag:s20], $0xFA0;
	(pc) =	sbr.rel @p0 .LBB2_12-.Ltmp5, $4  }
0x37a: {  	[sflag:s20] =	ssyncset.done $0x0  }
0x37b: {  	[sflag:s20] =	ssyncadd.s32 $0xFFFFF060  }
0x37c: {  	_ =	swait.ge [sflag:s6], $0xFA0  }
0x37d: {  	s24 =	smov.u32 s22;
	[sflag:s6] =	ssyncset.done $0x0  }
0x37e: {  	s18 =	sshra.s32 s18, $0x2;
	[sflag:s6] =	ssyncadd.s32 $0xFFFFF060;
	s14 =	simm.s32 $0xA000  }
0x37f: {  	[tilespmem:s14], [sflag:$0x1] =	stream.indirect.gather [hbm4b:s13+s21], $0x10, s18, s21, $0xb8;
	[tilespmem:$0x17CA0] =	vst v63  }
0x380: {  	s4 =	simm.s32 $0xAFA0;
	s22 =	sadd.s32 $0x100, s18  }
0x381: {  	[tilespmem:s4], [sflag:$0x2] =	stream.indirect.gather [hbm4b:s13+s21], $0x10, s22, s21, $0xb8;
	[tilespmem:$0x17CA0] =	vst v63  }
0x382: {  	s29 =	simm.s32 $0xBF40;
	s25 =	sadd.s32 $0x200, s18  }
0x383: {  	[tilespmem:s29], [sflag:$0x3] =	stream.indirect.gather [hbm4b:s13+s21], $0x10, s25, s21, $0xb8;
	[tilespmem:$0x17CA0] =	vst v63  }
0x384: {  	s26 =	sadd.s32 $0x300, s18;
	s25 =	simm.s32 $0xCEE0  }
0x385: {  	[tilespmem:s25], [sflag:$0x4] =	stream.indirect.gather [hbm4b:s13+s21], $0x10, s26, s21, $0xb8;
	[tilespmem:$0x17CA0] =	vst v63  }
0x386: {  	s28 =	sadd.s32 $0x400, s18;
	s26 =	simm.s32 $0xDE80  }
0x387: {  	[tilespmem:s26], [sflag:$0x5] =	stream.indirect.gather [hbm4b:s13+s21], $0x10, s28, s21, $0xb8;
	[tilespmem:$0x17CA0] =	vst v63  }
0x388: {  	s30 =	sadd.s32 $0x500, s18;
	s28 =	simm.s32 $0xEE20  }
0x389: {  	[tilespmem:s28], [sflag:$0x6] =	stream.indirect.gather [hbm4b:s13+s21], $0x10, s30, s21, $0xb8;
	[tilespmem:$0x17CA0] =	vst v63  }
0x38a: {  	s24 =	simm.s32 $0xFDC0;
	s23 =	sadd.s32 $0x600, s18  }
0x38b: {  	[tilespmem:s24], [sflag:$0x7] =	stream.indirect.gather [hbm4b:s13+s21], $0x10, s23, s21, $0xb8;
	[tilespmem:$0x17CA0] =	vst v63  }
0x38c: {  	s30 =	sadd.s32 $0x700, s18;
	s23 =	simm.s32 $0x10D60  }
0x38d: {  	[tilespmem:s23], [sflag:$0x8] =	stream.indirect.gather [hbm4b:s13+s21], $0x10, s30, s21, $0xb8;
	[tilespmem:$0x17CA0] =	vst v63  }
0x38e: {  	_ =	swait.ge [sflag:s0], $0xFA0  }
0x38f: {  	[sflag:s0] =	ssyncset.done $0x0  }
0x390: {  	s30 =	sadd.s32 $0x5000, s18;
	[sflag:s0] =	ssyncadd.s32 $0xFFFFF060  }
0x391: {  	[spmem:s2] =	stream.indirect.scatter.add.f32 [tilespmem:s14], [sflag:$0x9], $0x10, s30, s21, $0xb8;
	[tilespmem:$0x17CA0] =	vst v63  }
0x392: {  	_ =	swait.ge [sflag:s3], $0xFA0  }
0x393: {  	[sflag:s3] =	ssyncset.done $0x0  }
0x394: {  	s0 =	sadd.s32 $0x5100, s18;
	[sflag:s3] =	ssyncadd.s32 $0xFFFFF060  }
0x395: {  	[spmem:s2] =	stream.indirect.scatter.add.f32 [tilespmem:s4], [sflag:$0xA], $0x10, s0, s21, $0xb8;
	[tilespmem:$0x17CA0] =	vst v63  }
0x396: {  	_ =	swait.ge [sflag:s1], $0xFA0  }
0x397: {  	[sflag:s1] =	ssyncset.done $0x0  }
0x398: {  	s3 =	sadd.s32 $0x5200, s18;
	[sflag:s1] =	ssyncadd.s32 $0xFFFFF060  }
0x399: {  	[spmem:s2] =	stream.indirect.scatter.add.f32 [tilespmem:s29], [sflag:$0xB], $0x10, s3, s21, $0xb8;
	[tilespmem:$0x17CA0] =	vst v63  }
0x39a: {  	_ =	swait.ge [sflag:s31], $0xFA0  }
0x39b: {  	[sflag:s31] =	ssyncset.done $0x0  }
0x39c: {  	s4 =	sadd.s32 $0x5300, s18;
	[sflag:s31] =	ssyncadd.s32 $0xFFFFF060  }
0x39d: {  	[spmem:s2] =	stream.indirect.scatter.add.f32 [tilespmem:s25], [sflag:$0xC], $0x10, s4, s21, $0xb8;
	[tilespmem:$0x17CA0] =	vst v63  }
0x39e: {  	_ =	swait.ge [sflag:s5], $0xFA0  }
0x39f: {  	[sflag:s5] =	ssyncset.done $0x0  }
0x3a0: {  	[sflag:s5] =	ssyncadd.s32 $0xFFFFF060;
	s5 =	sadd.s32 $0x5400, s18  }
0x3a1: {  	[spmem:s2] =	stream.indirect.scatter.add.f32 [tilespmem:s26], [sflag:$0xD], $0x10, s5, s21, $0xb8;
	[tilespmem:$0x17CA0] =	vst v63  }
0x3a2: {  	_ =	swait.ge [sflag:s8], $0xFA0  }
0x3a3: {  	[sflag:s8] =	ssyncset.done $0x0  }
0x3a4: {  	[sflag:s8] =	ssyncadd.s32 $0xFFFFF060;
	s8 =	sadd.s32 $0x5500, s18  }
0x3a5: {  	[spmem:s2] =	stream.indirect.scatter.add.f32 [tilespmem:s28], [sflag:$0xE], $0x10, s8, s21, $0xb8;
	[tilespmem:$0x17CA0] =	vst v63  }
0x3a6: {  	_ =	swait.ge [sflag:s10], $0xFA0  }
0x3a7: {  	[sflag:s10] =	ssyncset.done $0x0  }
0x3a8: {  	s14 =	sadd.s32 $0x5600, s18;
	[sflag:s10] =	ssyncadd.s32 $0xFFFFF060  }
0x3a9: {  	[spmem:s2] =	stream.indirect.scatter.add.f32 [tilespmem:s24], [sflag:$0xF], $0x10, s14, s21, $0xb8;
	[tilespmem:$0x17CA0] =	vst v63  }
0x3aa: {  	_ =	swait.ge [sflag:s12], $0xFA0  }
0x3ab: {  	[sflag:s12] =	ssyncset.done $0x0  }
0x3ac: {  	s4 =	simm.s32 $0x9;
	s18 =	sadd.s32 $0x5700, s18;
	[sflag:s12] =	ssyncadd.s32 $0xFFFFF060  }
0x3ad: {  	[spmem:s2] =	stream.indirect.scatter.add.f32 [tilespmem:s23], [sflag:$0x10], $0x10, s18, s21, $0xb8;
	[tilespmem:$0x17CA0] =	vst v63  }
0x3ae: {  	_ =	swait.ge [sflag:s4], $0xFA0  }
0x3af: {  	[sflag:s4] =	ssyncset.done $0x0  }
0x3b0: {  	s3 =	simm.s32 $0xA;
	[sflag:s4] =	ssyncadd.s32 $0xFFFFF060  }
0x3b1: {  	_ =	swait.ge [sflag:s3], $0xFA0  }
0x3b2: {  	[sflag:s3] =	ssyncset.done $0x0  }
0x3b3: {  	[sflag:s3] =	ssyncadd.s32 $0xFFFFF060  }
0x3b4: {  	_ =	swait.ge [sflag:s15], $0xFA0  }
0x3b5: {  	[sflag:s15] =	ssyncset.done $0x0  }
0x3b6: {  	[sflag:s15] =	ssyncadd.s32 $0xFFFFF060  }
0x3b7: {  	_ =	swait.ge [sflag:s16], $0xFA0  }
0x3b8: {  	[sflag:s16] =	ssyncset.done $0x0  }
0x3b9: {  	[sflag:s16] =	ssyncadd.s32 $0xFFFFF060  }
0x3ba: {  	_ =	swait.ge [sflag:s17], $0xFA0  }
0x3bb: {  	[sflag:s17] =	ssyncset.done $0x0  }
0x3bc: {  	[sflag:s17] =	ssyncadd.s32 $0xFFFFF060  }
0x3bd: {  	_ =	swait.ge [sflag:s19], $0xFA0  }
0x3be: {  	[sflag:s19] =	ssyncset.done $0x0  }
0x3bf: {  	[sflag:s19] =	ssyncadd.s32 $0xFFFFF060  }
0x3c0: {  	_ =	swait.ge [sflag:s20], $0xFA0  }
0x3c1: {  	[sflag:s20] =	ssyncset.done $0x0  }
0x3c2: {  	[sflag:s20] =	ssyncadd.s32 $0xFFFFF060  }
0x3c3: {  	_ =	swait.ge [sflag:s6], $0xFA0  }
0x3c4: {  	[sflag:s6] =	ssyncset.done $0x0  }
0x3c5: {  	[sflag:s6] =	ssyncadd.s32 $0xFFFFF060  }
0x3c6: {  	[bflag:$0x0] =	sbarrier.arrive $0xFFFF  }
0x3c7: {  	s23 =	rddreg [dreg:$0xa]  }
0x3c8: {  	s0 =	rddreg [dreg:$0xf]  }
0x3c9: {  	s1 =	rddreg [dreg:$0x10]  }
0x3ca: {  	[hbm:s23], [sflag:s0] =	dma.local [spmem:s1], $0x500  }
0x3cb: {  	s23 =	simm.s32 $0x11  }
0x3cc: {  	_ =	swait.ge [sflag:s23], $0x500  }
0x3cd: {  	[sflag:s23] =	ssyncset.done $0x0  }
0x3ce: {  	s25 =	simm.s32 $0x12CA0;
	s24 =	rddreg [dreg:$0x6];
	[sflag:s23] =	ssyncadd.s32 $0xFFFFFB00  }
0x3cf: {  	[spmem:s24] =	stream.linear.scatter [tilespmem:s25], [sflag:$0x11], $0x2800, $0x38;
	[tilespmem:$0x17CA0] =	vst v63  }
0x3d0: {  	_ =	swait.ge [sflag:s23], $0x2800  }
0x3d1: {  	s26 =	simm.s32 $0x0;
	[sflag:s23] =	ssyncset.done $0x0  }
0x3d2: {  	s24 =	simm.s32 $0x5000;
	s28 =	rddreg [dreg:$0xb];
	[sflag:s23] =	ssyncadd.s32 $0xFFFFD800  }
0x3d3: {  	[tilespmem:s24], [sflag:$0x11] =	stream.linear.gather [hbm4b:s28+s26], $0x2800, $0x38;
	[tilespmem:$0x17CA0] =	vst v63  }
0x3d4: {  	_ =	swait.ge [sflag:s23], $0x2800  }
0x3d5: {  	[sflag:s23] =	ssyncset.done $0x0  }
0x3d6: {  	[sflag:s23] =	ssyncadd.s32 $0xFFFFD800  }
0x3d7: {  	s18 =	simm.s32 $0x11D00;
	[bflag:$0x0] =	sbarrier.arrive $0xFFFF  }
0x3d8: {  	[spmem:s2] =	stream.indirect.scatter.add.f32 [tilespmem:s18], [sflag:$0x9], $0x10, s24, s21, $0xb8;
	[tilespmem:$0x17CA0] =	vst v63  }
0x3d9: {  	s29 =	simm.s32 $0x5100  }
0x3da: {  	[spmem:s2] =	stream.indirect.scatter.add.f32 [tilespmem:s18], [sflag:$0xA], $0x10, s29, s21, $0xb8;
	[tilespmem:$0x17CA0] =	vst v63  }
0x3db: {  	s30 =	simm.s32 $0x5200  }
0x3dc: {  	[spmem:s2] =	stream.indirect.scatter.add.f32 [tilespmem:s18], [sflag:$0xB], $0x10, s30, s21, $0xb8;
	[tilespmem:$0x17CA0] =	vst v63  }
0x3dd: {  	s5 =	simm.s32 $0x5300  }
0x3de: {  	[spmem:s2] =	stream.indirect.scatter.add.f32 [tilespmem:s18], [sflag:$0xC], $0x10, s5, s21, $0xb8;
	[tilespmem:$0x17CA0] =	vst v63  }
0x3df: {  	s8 =	simm.s32 $0x5400  }
0x3e0: {  	[spmem:s2] =	stream.indirect.scatter.add.f32 [tilespmem:s18], [sflag:$0xD], $0x10, s8, s21, $0xb8;
	[tilespmem:$0x17CA0] =	vst v63  }
0x3e1: {  	s10 =	simm.s32 $0x5500  }
0x3e2: {  	[spmem:s2] =	stream.indirect.scatter.add.f32 [tilespmem:s18], [sflag:$0xE], $0x10, s10, s21, $0xb8;
	[tilespmem:$0x17CA0] =	vst v63  }
0x3e3: {  	s12 =	simm.s32 $0x5600  }
0x3e4: {  	[spmem:s2] =	stream.indirect.scatter.add.f32 [tilespmem:s18], [sflag:$0xF], $0x10, s12, s21, $0xb8;
	[tilespmem:$0x17CA0] =	vst v63  }
0x3e5: {  	s14 =	simm.s32 $0x5700  }
0x3e6: {  	[spmem:s2] =	stream.indirect.scatter.add.f32 [tilespmem:s18], [sflag:$0x10], $0x10, s14, s21, $0xb8;
	[tilespmem:$0x17CA0] =	vst v63  }
0x3e7: {  	_ =	swait.ge [sflag:s4], $0xFA0  }
0x3e8: {  	[sflag:s4] =	ssyncset.done $0x0  }
0x3e9: {  	[sflag:s4] =	ssyncadd.s32 $0xFFFFF060  }
0x3ea: {  	_ =	swait.ge [sflag:s3], $0xFA0  }
0x3eb: {  	[sflag:s3] =	ssyncset.done $0x0  }
0x3ec: {  	[sflag:s3] =	ssyncadd.s32 $0xFFFFF060  }
0x3ed: {  	_ =	swait.ge [sflag:s15], $0xFA0  }
0x3ee: {  	[sflag:s15] =	ssyncset.done $0x0  }
0x3ef: {  	[sflag:s15] =	ssyncadd.s32 $0xFFFFF060  }
0x3f0: {  	_ =	swait.ge [sflag:s16], $0xFA0  }
0x3f1: {  	[sflag:s16] =	ssyncset.done $0x0  }
0x3f2: {  	[sflag:s16] =	ssyncadd.s32 $0xFFFFF060  }
0x3f3: {  	_ =	swait.ge [sflag:s17], $0xFA0  }
0x3f4: {  	[sflag:s17] =	ssyncset.done $0x0  }
0x3f5: {  	[sflag:s17] =	ssyncadd.s32 $0xFFFFF060  }
0x3f6: {  	_ =	swait.ge [sflag:s19], $0xFA0  }
0x3f7: {  	[sflag:s19] =	ssyncset.done $0x0  }
0x3f8: {  	[sflag:s19] =	ssyncadd.s32 $0xFFFFF060  }
0x3f9: {  	_ =	swait.ge [sflag:s20], $0xFA0  }
0x3fa: {  	[sflag:s20] =	ssyncset.done $0x0  }
0x3fb: {  	[sflag:s20] =	ssyncadd.s32 $0xFFFFF060  }
0x3fc: {  	_ =	swait.ge [sflag:s6], $0xFA0  }
0x3fd: {  	[sflag:s6] =	ssyncset.done $0x0  }
0x3fe: {  	s25 =	simm.s32 $0x5800;
	[sflag:s6] =	ssyncadd.s32 $0xFFFFF060  }
0x3ff: {  	[spmem:s2] =	stream.indirect.scatter.add.f32 [tilespmem:s18], [sflag:$0x9], $0x10, s25, s21, $0xb8;
	[tilespmem:$0x17CA0] =	vst v63  }
0x400: {  	s26 =	simm.s32 $0x5900  }
0x401: {  	[spmem:s2] =	stream.indirect.scatter.add.f32 [tilespmem:s18], [sflag:$0xA], $0x10, s26, s21, $0xb8;
	[tilespmem:$0x17CA0] =	vst v63  }
0x402: {  	s28 =	simm.s32 $0x5A00  }
0x403: {  	[spmem:s2] =	stream.indirect.scatter.add.f32 [tilespmem:s18], [sflag:$0xB], $0x10, s28, s21, $0xb8;
	[tilespmem:$0x17CA0] =	vst v63  }
0x404: {  	s29 =	simm.s32 $0x5B00  }
0x405: {  	[spmem:s2] =	stream.indirect.scatter.add.f32 [tilespmem:s18], [sflag:$0xC], $0x10, s29, s21, $0xb8;
	[tilespmem:$0x17CA0] =	vst v63  }
0x406: {  	s30 =	simm.s32 $0x5C00  }
0x407: {  	[spmem:s2] =	stream.indirect.scatter.add.f32 [tilespmem:s18], [sflag:$0xD], $0x10, s30, s21, $0xb8;
	[tilespmem:$0x17CA0] =	vst v63  }
0x408: {  	s5 =	simm.s32 $0x5D00  }
0x409: {  	[spmem:s2] =	stream.indirect.scatter.add.f32 [tilespmem:s18], [sflag:$0xE], $0x10, s5, s21, $0xb8;
	[tilespmem:$0x17CA0] =	vst v63  }
0x40a: {  	s8 =	simm.s32 $0x5E00  }
0x40b: {  	[spmem:s2] =	stream.indirect.scatter.add.f32 [tilespmem:s18], [sflag:$0xF], $0x10, s8, s21, $0xb8;
	[tilespmem:$0x17CA0] =	vst v63  }
0x40c: {  	s10 =	simm.s32 $0x5F00  }
0x40d: {  	[spmem:s2] =	stream.indirect.scatter.add.f32 [tilespmem:s18], [sflag:$0x10], $0x10, s10, s21, $0xb8;
	[tilespmem:$0x17CA0] =	vst v63  }
0x40e: {  	_ =	swait.ge [sflag:s4], $0xFA0  }
0x40f: {  	[sflag:s4] =	ssyncset.done $0x0  }
0x410: {  	[sflag:s4] =	ssyncadd.s32 $0xFFFFF060  }
0x411: {  	_ =	swait.ge [sflag:s3], $0xFA0  }
0x412: {  	[sflag:s3] =	ssyncset.done $0x0  }
0x413: {  	[sflag:s3] =	ssyncadd.s32 $0xFFFFF060  }
0x414: {  	_ =	swait.ge [sflag:s15], $0xFA0  }
0x415: {  	[sflag:s15] =	ssyncset.done $0x0  }
0x416: {  	[sflag:s15] =	ssyncadd.s32 $0xFFFFF060  }
0x417: {  	_ =	swait.ge [sflag:s16], $0xFA0  }
0x418: {  	[sflag:s16] =	ssyncset.done $0x0  }
0x419: {  	[sflag:s16] =	ssyncadd.s32 $0xFFFFF060  }
0x41a: {  	_ =	swait.ge [sflag:s17], $0xFA0  }
0x41b: {  	[sflag:s17] =	ssyncset.done $0x0  }
0x41c: {  	[sflag:s17] =	ssyncadd.s32 $0xFFFFF060  }
0x41d: {  	_ =	swait.ge [sflag:s19], $0xFA0  }
0x41e: {  	[sflag:s19] =	ssyncset.done $0x0  }
0x41f: {  	[sflag:s19] =	ssyncadd.s32 $0xFFFFF060  }
0x420: {  	_ =	swait.ge [sflag:s20], $0xFA0  }
0x421: {  	[sflag:s20] =	ssyncset.done $0x0  }
0x422: {  	[sflag:s20] =	ssyncadd.s32 $0xFFFFF060  }
0x423: {  	_ =	swait.ge [sflag:s6], $0xFA0  }
0x424: {  	[sflag:s6] =	ssyncset.done $0x0  }
0x425: {  	s12 =	simm.s32 $0x6000;
	[sflag:s6] =	ssyncadd.s32 $0xFFFFF060  }
0x426: {  	[spmem:s2] =	stream.indirect.scatter.add.f32 [tilespmem:s18], [sflag:$0x9], $0x10, s12, s21, $0xb8;
	[tilespmem:$0x17CA0] =	vst v63  }
0x427: {  	s14 =	simm.s32 $0x6100  }
0x428: {  	[spmem:s2] =	stream.indirect.scatter.add.f32 [tilespmem:s18], [sflag:$0xA], $0x10, s14, s21, $0xb8;
	[tilespmem:$0x17CA0] =	vst v63  }
0x429: {  	s25 =	simm.s32 $0x6200  }
0x42a: {  	[spmem:s2] =	stream.indirect.scatter.add.f32 [tilespmem:s18], [sflag:$0xB], $0x10, s25, s21, $0xb8;
	[tilespmem:$0x17CA0] =	vst v63  }
0x42b: {  	s26 =	simm.s32 $0x6300  }
0x42c: {  	[spmem:s2] =	stream.indirect.scatter.add.f32 [tilespmem:s18], [sflag:$0xC], $0x10, s26, s21, $0xb8;
	[tilespmem:$0x17CA0] =	vst v63  }
0x42d: {  	s28 =	simm.s32 $0x6400  }
0x42e: {  	[spmem:s2] =	stream.indirect.scatter.add.f32 [tilespmem:s18], [sflag:$0xD], $0x10, s28, s21, $0xb8;
	[tilespmem:$0x17CA0] =	vst v63  }
0x42f: {  	s29 =	simm.s32 $0x6500  }
0x430: {  	[spmem:s2] =	stream.indirect.scatter.add.f32 [tilespmem:s18], [sflag:$0xE], $0x10, s29, s21, $0xb8;
	[tilespmem:$0x17CA0] =	vst v63  }
0x431: {  	s30 =	simm.s32 $0x6600  }
0x432: {  	[spmem:s2] =	stream.indirect.scatter.add.f32 [tilespmem:s18], [sflag:$0xF], $0x10, s30, s21, $0xb8;
	[tilespmem:$0x17CA0] =	vst v63  }
0x433: {  	s5 =	simm.s32 $0x6700  }
0x434: {  	[spmem:s2] =	stream.indirect.scatter.add.f32 [tilespmem:s18], [sflag:$0x10], $0x10, s5, s21, $0xb8;
	[tilespmem:$0x17CA0] =	vst v63  }
0x435: {  	_ =	swait.ge [sflag:s4], $0xFA0  }
0x436: {  	[sflag:s4] =	ssyncset.done $0x0  }
0x437: {  	[sflag:s4] =	ssyncadd.s32 $0xFFFFF060  }
0x438: {  	_ =	swait.ge [sflag:s3], $0xFA0  }
0x439: {  	[sflag:s3] =	ssyncset.done $0x0  }
0x43a: {  	[sflag:s3] =	ssyncadd.s32 $0xFFFFF060  }
0x43b: {  	_ =	swait.ge [sflag:s15], $0xFA0  }
0x43c: {  	[sflag:s15] =	ssyncset.done $0x0  }
0x43d: {  	[sflag:s15] =	ssyncadd.s32 $0xFFFFF060  }
0x43e: {  	_ =	swait.ge [sflag:s16], $0xFA0  }
0x43f: {  	[sflag:s16] =	ssyncset.done $0x0  }
0x440: {  	[sflag:s16] =	ssyncadd.s32 $0xFFFFF060  }
0x441: {  	_ =	swait.ge [sflag:s17], $0xFA0  }
0x442: {  	[sflag:s17] =	ssyncset.done $0x0  }
0x443: {  	[sflag:s17] =	ssyncadd.s32 $0xFFFFF060  }
0x444: {  	_ =	swait.ge [sflag:s19], $0xFA0  }
0x445: {  	[sflag:s19] =	ssyncset.done $0x0  }
0x446: {  	[sflag:s19] =	ssyncadd.s32 $0xFFFFF060  }
0x447: {  	_ =	swait.ge [sflag:s20], $0xFA0  }
0x448: {  	[sflag:s20] =	ssyncset.done $0x0  }
0x449: {  	[sflag:s20] =	ssyncadd.s32 $0xFFFFF060  }
0x44a: {  	_ =	swait.ge [sflag:s6], $0xFA0  }
0x44b: {  	[sflag:s6] =	ssyncset.done $0x0  }
0x44c: {  	s8 =	simm.s32 $0x6800;
	[sflag:s6] =	ssyncadd.s32 $0xFFFFF060  }
0x44d: {  	[spmem:s2] =	stream.indirect.scatter.add.f32 [tilespmem:s18], [sflag:$0x9], $0x10, s8, s21, $0xb8;
	[tilespmem:$0x17CA0] =	vst v63  }
0x44e: {  	s10 =	simm.s32 $0x6900  }
0x44f: {  	[spmem:s2] =	stream.indirect.scatter.add.f32 [tilespmem:s18], [sflag:$0xA], $0x10, s10, s21, $0xb8;
	[tilespmem:$0x17CA0] =	vst v63  }
0x450: {  	s12 =	simm.s32 $0x6A00  }
0x451: {  	[spmem:s2] =	stream.indirect.scatter.add.f32 [tilespmem:s18], [sflag:$0xB], $0x10, s12, s21, $0xb8;
	[tilespmem:$0x17CA0] =	vst v63  }
0x452: {  	s14 =	simm.s32 $0x6B00  }
0x453: {  	[spmem:s2] =	stream.indirect.scatter.add.f32 [tilespmem:s18], [sflag:$0xC], $0x10, s14, s21, $0xb8;
	[tilespmem:$0x17CA0] =	vst v63  }
0x454: {  	s25 =	simm.s32 $0x6C00  }
0x455: {  	[spmem:s2] =	stream.indirect.scatter.add.f32 [tilespmem:s18], [sflag:$0xD], $0x10, s25, s21, $0xb8;
	[tilespmem:$0x17CA0] =	vst v63  }
0x456: {  	s26 =	simm.s32 $0x6D00  }
0x457: {  	[spmem:s2] =	stream.indirect.scatter.add.f32 [tilespmem:s18], [sflag:$0xE], $0x10, s26, s21, $0xb8;
	[tilespmem:$0x17CA0] =	vst v63  }
0x458: {  	s28 =	simm.s32 $0x6E00  }
0x459: {  	[spmem:s2] =	stream.indirect.scatter.add.f32 [tilespmem:s18], [sflag:$0xF], $0x10, s28, s21, $0xb8;
	[tilespmem:$0x17CA0] =	vst v63  }
0x45a: {  	s29 =	simm.s32 $0x6F00  }
0x45b: {  	[spmem:s2] =	stream.indirect.scatter.add.f32 [tilespmem:s18], [sflag:$0x10], $0x10, s29, s21, $0xb8;
	[tilespmem:$0x17CA0] =	vst v63  }
0x45c: {  	_ =	swait.ge [sflag:s4], $0xFA0  }
0x45d: {  	[sflag:s4] =	ssyncset.done $0x0  }
0x45e: {  	[sflag:s4] =	ssyncadd.s32 $0xFFFFF060  }
0x45f: {  	_ =	swait.ge [sflag:s3], $0xFA0  }
0x460: {  	[sflag:s3] =	ssyncset.done $0x0  }
0x461: {  	[sflag:s3] =	ssyncadd.s32 $0xFFFFF060  }
0x462: {  	_ =	swait.ge [sflag:s15], $0xFA0  }
0x463: {  	[sflag:s15] =	ssyncset.done $0x0  }
0x464: {  	[sflag:s15] =	ssyncadd.s32 $0xFFFFF060  }
0x465: {  	_ =	swait.ge [sflag:s16], $0xFA0  }
0x466: {  	[sflag:s16] =	ssyncset.done $0x0  }
0x467: {  	[sflag:s16] =	ssyncadd.s32 $0xFFFFF060  }
0x468: {  	_ =	swait.ge [sflag:s17], $0xFA0  }
0x469: {  	[sflag:s17] =	ssyncset.done $0x0  }
0x46a: {  	[sflag:s17] =	ssyncadd.s32 $0xFFFFF060  }
0x46b: {  	_ =	swait.ge [sflag:s19], $0xFA0  }
0x46c: {  	[sflag:s19] =	ssyncset.done $0x0  }
0x46d: {  	[sflag:s19] =	ssyncadd.s32 $0xFFFFF060  }
0x46e: {  	_ =	swait.ge [sflag:s20], $0xFA0  }
0x46f: {  	[sflag:s20] =	ssyncset.done $0x0  }
0x470: {  	[sflag:s20] =	ssyncadd.s32 $0xFFFFF060  }
0x471: {  	_ =	swait.ge [sflag:s6], $0xFA0  }
0x472: {  	[sflag:s6] =	ssyncset.done $0x0  }
0x473: {  	s30 =	simm.s32 $0x7000;
	[sflag:s6] =	ssyncadd.s32 $0xFFFFF060  }
0x474: {  	[spmem:s2] =	stream.indirect.scatter.add.f32 [tilespmem:s18], [sflag:$0x9], $0x10, s30, s21, $0xb8;
	[tilespmem:$0x17CA0] =	vst v63  }
0x475: {  	s5 =	simm.s32 $0x7100  }
0x476: {  	[spmem:s2] =	stream.indirect.scatter.add.f32 [tilespmem:s18], [sflag:$0xA], $0x10, s5, s21, $0xb8;
	[tilespmem:$0x17CA0] =	vst v63  }
0x477: {  	s8 =	simm.s32 $0x7200  }
0x478: {  	[spmem:s2] =	stream.indirect.scatter.add.f32 [tilespmem:s18], [sflag:$0xB], $0x10, s8, s21, $0xb8;
	[tilespmem:$0x17CA0] =	vst v63  }
0x479: {  	s10 =	simm.s32 $0x7300  }
0x47a: {  	[spmem:s2] =	stream.indirect.scatter.add.f32 [tilespmem:s18], [sflag:$0xC], $0x10, s10, s21, $0xb8;
	[tilespmem:$0x17CA0] =	vst v63  }
0x47b: {  	s12 =	simm.s32 $0x7400  }
0x47c: {  	[spmem:s2] =	stream.indirect.scatter.add.f32 [tilespmem:s18], [sflag:$0xD], $0x10, s12, s21, $0xb8;
	[tilespmem:$0x17CA0] =	vst v63  }
0x47d: {  	s14 =	simm.s32 $0x7500  }
0x47e: {  	[spmem:s2] =	stream.indirect.scatter.add.f32 [tilespmem:s18], [sflag:$0xE], $0x10, s14, s21, $0xb8;
	[tilespmem:$0x17CA0] =	vst v63  }
0x47f: {  	s25 =	simm.s32 $0x7600  }
0x480: {  	[spmem:s2] =	stream.indirect.scatter.add.f32 [tilespmem:s18], [sflag:$0xF], $0x10, s25, s21, $0xb8;
	[tilespmem:$0x17CA0] =	vst v63  }
0x481: {  	s26 =	simm.s32 $0x7700  }
0x482: {  	[spmem:s2] =	stream.indirect.scatter.add.f32 [tilespmem:s18], [sflag:$0x10], $0x10, s26, s21, $0xb8;
	[tilespmem:$0x17CA0] =	vst v63  }
0x483: {  	_ =	swait.ge [sflag:s4], $0xFA0  }
0x484: {  	[sflag:s4] =	ssyncset.done $0x0  }
0x485: {  	[sflag:s4] =	ssyncadd.s32 $0xFFFFF060  }
0x486: {  	_ =	swait.ge [sflag:s3], $0xFA0  }
0x487: {  	[sflag:s3] =	ssyncset.done $0x0  }
0x488: {  	[sflag:s3] =	ssyncadd.s32 $0xFFFFF060  }
0x489: {  	_ =	swait.ge [sflag:s15], $0xFA0  }
0x48a: {  	[sflag:s15] =	ssyncset.done $0x0  }
0x48b: {  	[sflag:s15] =	ssyncadd.s32 $0xFFFFF060  }
0x48c: {  	_ =	swait.ge [sflag:s16], $0xFA0  }
0x48d: {  	[sflag:s16] =	ssyncset.done $0x0  }
0x48e: {  	[sflag:s16] =	ssyncadd.s32 $0xFFFFF060  }
0x48f: {  	_ =	swait.ge [sflag:s17], $0xFA0  }
0x490: {  	[sflag:s17] =	ssyncset.done $0x0  }
0x491: {  	[sflag:s17] =	ssyncadd.s32 $0xFFFFF060  }
0x492: {  	_ =	swait.ge [sflag:s19], $0xFA0  }
0x493: {  	[sflag:s19] =	ssyncset.done $0x0  }
0x494: {  	[sflag:s19] =	ssyncadd.s32 $0xFFFFF060  }
0x495: {  	_ =	swait.ge [sflag:s20], $0xFA0  }
0x496: {  	[sflag:s20] =	ssyncset.done $0x0  }
0x497: {  	[sflag:s20] =	ssyncadd.s32 $0xFFFFF060  }
0x498: {  	_ =	swait.ge [sflag:s6], $0xFA0  }
0x499: {  	[sflag:s6] =	ssyncset.done $0x0  }
0x49a: {  	[sflag:s6] =	ssyncadd.s32 $0xFFFFF060  }
0x49b: {  	[bflag:$0x0] =	sbarrier.arrive $0xFFFF  }
0x49c: {  	s28 =	rddreg [dreg:$0xc]  }
0x49d: {  	[hbm:s28], [sflag:s0] =	dma.local [spmem:s1], $0x500  }
0x49e: {  	_ =	swait.ge [sflag:s23], $0x500  }
0x49f: {  	s29 =	rddreg [dreg:$0xe]  }
0x4a0: {  	s30 =	rddreg [dreg:$0xd];
	s22 =	sadd.s32 $0x1, s29  }
0x4a1: {  	p0 =	sne.s32 s22, s30  }
.Ltmp6:
0x4a2: {  	_ = 	snop;
	(pc) =	sbr.rel @p0 .LBB2_1-.Ltmp6, $4  }
0x4a3: {  	s5 =	simm.s32 $0x6;
	s8 =	simm.s32 $0x7  }
0x4a4: {  	s10 =	simm.s32 $0x8;
	s12 =	simm.s32 $0x9;
	s14 =	simm.s32 $0xA  }
0x4a5: {  	s4 =	simm.s32 $0x5;
	s3 =	simm.s32 $0x2;
	[sflag:s23] =	ssyncset.done $0x0  }
0x4a6: {  	s0 =	simm.s32 $0x1;
	s1 =	simm.s32 $0x3;
	[sflag:s23] =	ssyncadd.s32 $0xFFFFFB00  }
0x4a7: {  	_ =	sfence.sel $0x180000  }
0x4a8: {  	[bflag:$0x0] =	sbarrier.arrive $0xFFFF  }
0x4a9: {  	_ =	strace $0x90000047  }
0x4aa: {  	s0 =	stileid.u32;
	[bflag:$0x2] =	sbarrier.arrive $0xFFFF  }
0x4ab: {  	p0 =	sne.s32 s0, $0x0;
	s0 =	rddreg [dreg:$0x3]  }
0x4ac: {  	s0 =	sadd.s32 @!p0 $0x100000, s0  }
0x4ad: {  	[sflag:s0] =	ssyncadd.tile.s32 @!p0 $0x1;
	_ =	shalt  }
.Lfunc_end2:
_tile_overlayer_lowered:
.L_overlay_start_2:
0x4ae: {  	(tag) =	ssettag $0x2  }
0x4af: {  	s0 =	rddreg [dreg:$0x0];
	s2 =	stileid.u32  }
0x4b0: {  	s1 =	rddreg [dreg:$0x1];
	p0 =	sne.s32 s2, $0x0  }
0x4b1: {  	s3 =	rddreg [dreg:$0x2];
	[bflag:$0x3] =	sbarrier.arrive $0xFFFF;
	s2 =	simm.s32 @!p0 $0x1C11  }
0x4b2: {  	[timem:s3], [sflag:s2] =	dma.local @!p0 [hbm:s0], s1  }
0x4b3: {  	s0 =	simm.s32 @!p0 $0x11  }
0x4b4: {  	_ =	swait.ge @!p0 [sflag:s0], s1  }
0x4b5: {  	s1 =	ssub.s32 @!p0 $0x0, s1;
	[sflag:s0] =	ssyncset.done @!p0 $0x0  }
0x4b6: {  	[sflag:s0] =	ssyncadd.s32 @!p0 s1  }
0x4b7: {  	[bflag:$0x3] =	sbarrier.arrive $0xFFFF  }
0x4b8: {  	_ =	shalt  }

</sc_bundles>
